<compile_context>
chip_gen: v7x
topology: tpu7x:2x2x1
jax: 0.10.2.dev20260603
libtpu: 0.0.44.dev20260713+nightly
codegen_flags: <defaults>
</compile_context>

<pallas_src>
import functools
import math

import jax
import jax.numpy as jnp
from jax import lax
from jax.experimental import pallas as pl
from jax.experimental.pallas import tpu as pltpu
from jax.experimental.pallas import tpu_sc as plsc

B, S, D = 1, 2048, 768
H = 12
HD = D // H
E = 8
FF = 2048
EPS = 1e-05
THETA = 500000.0

BT = 128
NBP = S // BT + E
SP = NBP * BT
NBP_PAD = 32
SB = 512
FB = 512
NF = FF // FB

_INV_SQRT_HD = 1.0 / math.sqrt(HD)


def _rms(x, w):
    v = jnp.mean(x * x, axis=-1, keepdims=True)
    return x * lax.rsqrt(v + EPS) * w


def _rot_half(x):
    return jnp.concatenate([-x[:, HD // 2:], x[:, :HD // 2]], axis=1)


def _cos_sin_block(pos_f32):
    i = lax.broadcasted_iota(jnp.int32, (1, HD // 2), 1).astype(jnp.float32)
    inv_freq = jnp.exp(i * (-2.0 * math.log(THETA) / HD))
    f = pos_f32 * inv_freq
    c, s = jnp.cos(f), jnp.sin(f)
    return (jnp.concatenate([c, c], axis=1), jnp.concatenate([s, s], axis=1))



def _router_body(x_ref, gw1_ref, gw2_ref, logits_ref, logitsT_ref):
    l1 = lax.dot_general(x_ref[...], gw1_ref[...], (((1,), (1,)), ((), ())),
                         preferred_element_type=jnp.float32)
    logits_ref[...] = lax.dot_general(l1, gw2_ref[...],
                                      (((1,), (1,)), ((), ())),
                                      preferred_element_type=jnp.float32)
    logitsT_ref[...] = lax.dot_general(gw2_ref[...], l1,
                                       (((1,), (1,)), ((), ())),
                                       preferred_element_type=jnp.float32)


def _router(x2d, gate_w1, gate_w2):
    return pl.pallas_call(
        _router_body,
        grid=(S // SB,),
        in_specs=[
            pl.BlockSpec((SB, D), lambda s: (s, 0)),
            pl.BlockSpec((D, D), lambda s: (0, 0)),
            pl.BlockSpec((E, D), lambda s: (0, 0)),
        ],
        out_specs=[
            pl.BlockSpec((SB, E), lambda s: (s, 0)),
            pl.BlockSpec((E, SB), lambda s: (0, s)),
        ],
        out_shape=[
            jax.ShapeDtypeStruct((S, E), jnp.float32),
            jax.ShapeDtypeStruct((E, S), jnp.float32),
        ],
    )(x2d, gate_w1, gate_w2)



def _kv_body(x_ref, wk_ref, wv_ref, kn_ref, pos_ref, k_out, v_out):
    sblk = pl.program_id(1)
    xb = x_ref[pl.ds(sblk * SB, SB), :].astype(jnp.bfloat16)
    k = lax.dot_general(xb, wk_ref[0].astype(jnp.bfloat16),
                        (((1,), (1,)), ((), ())),
                        preferred_element_type=jnp.float32)
    k = _rms(k, kn_ref[0])
    v = lax.dot_general(xb, wv_ref[0].astype(jnp.bfloat16),
                        (((1,), (1,)), ((), ())),
                        preferred_element_type=jnp.float32)
    p = pos_ref[:, :1].astype(jnp.float32)
    c64, s64 = _cos_sin_block(p)
    for h in range(H):
        kh = k[:, h * HD:(h + 1) * HD]
        k_out[0, h] = (kh * c64 + _rot_half(kh) * s64).astype(jnp.bfloat16)
        v_out[0, h] = v[:, h * HD:(h + 1) * HD].astype(jnp.bfloat16)


def _kv(x2d, wk, wv, kn3, pos_rep):
    return pl.pallas_call(
        _kv_body,
        grid=(E, S // SB),
        in_specs=[
            pl.BlockSpec((S, D), lambda e, s: (0, 0)),
            pl.BlockSpec((1, D, D), lambda e, s: (e, 0, 0)),
            pl.BlockSpec((1, D, D), lambda e, s: (e, 0, 0)),
            pl.BlockSpec((1, 1, D), lambda e, s: (e, 0, 0)),
            pl.BlockSpec((SB, 128), lambda e, s: (s, 0)),
        ],
        out_specs=[
            pl.BlockSpec((1, H, SB, HD), lambda e, s: (e, 0, s, 0)),
            pl.BlockSpec((1, H, SB, HD), lambda e, s: (e, 0, s, 0)),
        ],
        out_shape=[
            jax.ShapeDtypeStruct((E, H, S, HD), jnp.bfloat16),
            jax.ShapeDtypeStruct((E, H, S, HD), jnp.bfloat16),
        ],
    )(x2d, wk, wv, kn3, pos_rep)



def _q_body(e_of_ref, xs_ref, wq_ref, qn_ref, pos_ref, q_out):
    del e_of_ref
    q = lax.dot_general(xs_ref[...].astype(jnp.bfloat16),
                        wq_ref[0].astype(jnp.bfloat16),
                        (((1,), (1,)), ((), ())),
                        preferred_element_type=jnp.float32)
    q = _rms(q, qn_ref[0]) * _INV_SQRT_HD
    c64, s64 = _cos_sin_block(pos_ref[:, :1].astype(jnp.float32))
    for h in range(H):
        qh = q[:, h * HD:(h + 1) * HD]
        q_out[:, h * HD:(h + 1) * HD] = (
            qh * c64 + _rot_half(qh) * s64).astype(jnp.bfloat16)


def _qproj(e_of, xs, wq, qn3, pos_s_rep):
    grid_spec = pltpu.PrefetchScalarGridSpec(
        num_scalar_prefetch=1,
        grid=(NBP,),
        in_specs=[
            pl.BlockSpec((BT, D), lambda g, eref: (g, 0)),
            pl.BlockSpec((1, D, D), lambda g, eref: (eref[g], 0, 0)),
            pl.BlockSpec((1, 1, D), lambda g, eref: (eref[g], 0, 0)),
            pl.BlockSpec((BT, 128), lambda g, eref: (g, 0)),
        ],
        out_specs=pl.BlockSpec((BT, D), lambda g, eref: (g, 0)),
    )
    return pl.pallas_call(
        _q_body,
        grid_spec=grid_spec,
        out_shape=jax.ShapeDtypeStruct((SP, D), jnp.bfloat16),
    )(e_of, xs, wq, qn3, pos_s_rep)



HG = 3
HPG = H // HG


def _attn_body(e_of_ref, q_ref, k_ref, v_ref, pos_ref, a_out):
    del e_of_ref
    pcol = pos_ref[:, :1]
    jrow = lax.broadcasted_iota(jnp.int32, (BT, S), 1)
    keep = jrow <= pcol
    for h in range(HPG):
        sc = lax.dot_general(q_ref[:, h * HD:(h + 1) * HD], k_ref[0, h],
                             (((1,), (1,)), ((), ())),
                             preferred_element_type=jnp.float32)
        sc = jnp.where(keep, sc, -1e9)
        m = jnp.max(sc, axis=1, keepdims=True)
        ex = jnp.exp(sc - m)
        aw = (ex * (1.0 / jnp.sum(ex, axis=1, keepdims=True))
              ).astype(jnp.bfloat16)
        a_out[:, h * HD:(h + 1) * HD] = lax.dot_general(
            aw, v_ref[0, h], (((1,), (0,)), ((), ())),
            preferred_element_type=jnp.float32)


def _attn(e_of, q_s, K, V, pos_s_rep):
    grid_spec = pltpu.PrefetchScalarGridSpec(
        num_scalar_prefetch=1,
        grid=(HG, NBP),
        in_specs=[
            pl.BlockSpec((BT, HPG * HD), lambda hg, g, eref: (g, hg)),
            pl.BlockSpec((1, HPG, S, HD),
                         lambda hg, g, eref: (eref[g], hg, 0, 0)),
            pl.BlockSpec((1, HPG, S, HD),
                         lambda hg, g, eref: (eref[g], hg, 0, 0)),
            pl.BlockSpec((BT, 128), lambda hg, g, eref: (g, 0)),
        ],
        out_specs=pl.BlockSpec((BT, HPG * HD), lambda hg, g, eref: (g, hg)),
    )
    return pl.pallas_call(
        _attn_body,
        grid_spec=grid_spec,
        out_shape=jax.ShapeDtypeStruct((SP, D), jnp.float32),
    )(e_of, q_s, K, V, pos_s_rep)



def _mlp_body(e_of_ref, attn_ref, wo_ref, pan_ref, xs_ref,
              wg_ref, wu_ref, wd_ref, pfn_ref, w_ref,
              out_ref, h_scr, acc_ref):
    del e_of_ref
    f = pl.program_id(1)

    @pl.when(f == 0)
    def _():
        ao = lax.dot_general(attn_ref[...].astype(jnp.bfloat16),
                             wo_ref[0].astype(jnp.bfloat16),
                             (((1,), (1,)), ((), ())),
                             preferred_element_type=jnp.float32)
        h_scr[...] = xs_ref[...] + _rms(ao, pan_ref[0])

    hb = h_scr[...].astype(jnp.bfloat16)
    gb = lax.dot_general(hb, wg_ref[0].astype(jnp.bfloat16),
                         (((1,), (1,)), ((), ())),
                         preferred_element_type=jnp.float32)
    act = gb * jax.nn.sigmoid(gb)
    ub = lax.dot_general(hb, wu_ref[0].astype(jnp.bfloat16),
                         (((1,), (1,)), ((), ())),
                         preferred_element_type=jnp.float32)
    contrib = lax.dot_general((act * ub).astype(jnp.bfloat16),
                              wd_ref[0].astype(jnp.bfloat16),
                              (((1,), (1,)), ((), ())),
                              preferred_element_type=jnp.float32)

    @pl.when(f == 0)
    def _():
        acc_ref[...] = contrib

    @pl.when(f > 0)
    def _():
        acc_ref[...] = acc_ref[...] + contrib

    @pl.when(f == NF - 1)
    def _():
        out = hb + _rms(acc_ref[...], pfn_ref[0])
        out_ref[...] = out * w_ref[:, :1]


def _mlp(e_of, attn_s2d, wo, pan3, xs, wg, wu, wd, pfn3, w_rep):
    grid_spec = pltpu.PrefetchScalarGridSpec(
        num_scalar_prefetch=1,
        grid=(NBP, NF),
        in_specs=[
            pl.BlockSpec((BT, D), lambda g, f, eref: (g, 0)),
            pl.BlockSpec((1, D, D), lambda g, f, eref: (eref[g], 0, 0)),
            pl.BlockSpec((1, 1, D), lambda g, f, eref: (eref[g], 0, 0)),
            pl.BlockSpec((BT, D), lambda g, f, eref: (g, 0)),
            pl.BlockSpec((1, FB, D), lambda g, f, eref: (eref[g], f, 0)),
            pl.BlockSpec((1, FB, D), lambda g, f, eref: (eref[g], f, 0)),
            pl.BlockSpec((1, D, FB), lambda g, f, eref: (eref[g], 0, f)),
            pl.BlockSpec((1, 1, D), lambda g, f, eref: (eref[g], 0, 0)),
            pl.BlockSpec((BT, 128), lambda g, f, eref: (g, 0)),
        ],
        out_specs=pl.BlockSpec((BT, D), lambda g, f, eref: (g, 0)),
        scratch_shapes=[pltpu.VMEM((BT, D), jnp.float32),
                        pltpu.VMEM((BT, D), jnp.float32)],
    )
    return pl.pallas_call(
        _mlp_body,
        grid_spec=grid_spec,
        out_shape=jax.ShapeDtypeStruct((SP, D), jnp.float32),
    )(e_of, attn_s2d, wo, pan3, xs, wg, wu, wd, pfn3, w_rep)



SC_NC, SC_NS, SC_L = 2, 16, 16
SC_NW = SC_NC * SC_NS


def _sc_route_body(lt_hbm,
                   perm_hbm, inv_hbm, ws_hbm, eof_hbm,
                   lg_v, sel_v, zeros_v, slot2_v, toks2_v, w2_v, inv_v,
                   eof_v, cv_v, sm, sem):
    wid = lax.axis_index("s") * SC_NC + lax.axis_index("c")
    nchunk = S // SC_L
    cpr = 128 // SC_L

    @pl.when(wid == 0)
    def _():
        pltpu.sync_copy(lt_hbm, lg_v)
        lanes = lax.iota(jnp.int32, SC_L)

        def pz(j, _):
            zeros_v[pl.ds(j * SC_L, SC_L)] = jnp.zeros((SC_L,), jnp.int32)
            return 0

        lax.fori_loop(0, SP // SC_L, pz, 0)
        pltpu.sync_copy(zeros_v, perm_hbm)

        for e in range(E):
            cv_v[pl.ds(e * SC_L, SC_L)] = jnp.zeros((SC_L,), jnp.int32)

        def p1(i, _):
            le = [lg_v[pl.ds(e * S + i * SC_L, SC_L)] for e in range(E)]
            m = le[0]
            for e in range(1, E):
                m = jnp.maximum(m, le[e])
            sel = jnp.full((SC_L,), E - 1, jnp.int32)
            for e in range(E - 2, -1, -1):
                sel = jnp.where(le[e] == m, e, sel)
            sumexp = jnp.exp(le[0] - m)
            for e in range(1, E):
                sumexp = sumexp + jnp.exp(le[e] - m)
            w = 1.0 / (1.0 + 1e-9 * sumexp)
            sel_v[pl.ds(i * SC_L, SC_L)] = sel
            w2_v[i // cpr, pl.ds((i % cpr) * SC_L, SC_L)] = w
            for e in range(E):
                c = cv_v[pl.ds(e * SC_L, SC_L)]
                cv_v[pl.ds(e * SC_L, SC_L)] = c + jnp.where(sel == e, 1, 0)
            return 0

        lax.fori_loop(0, nchunk, p1, 0)

        for e in range(E):
            cvec = cv_v[pl.ds(e * SC_L, SC_L)]
            tot = cvec[0]
            for j in range(1, SC_L):
                tot = tot + cvec[j]
            sm[e] = tot

        run = jnp.int32(0)
        for e in range(E):
            sm[8 + e] = run
            sm[16 + e] = run // BT
            run = run + ((sm[e] + (BT - 1)) // BT) * BT

        for c in range(NBP_PAD // SC_L):
            gv = lanes + c * SC_L
            acc = jnp.zeros((SC_L,), jnp.int32)
            for e in range(1, E):
                acc = jnp.where(gv >= jnp.full((SC_L,), sm[16 + e]),
                                jnp.int32(e), acc)
            eof_v[pl.ds(c * SC_L, SC_L)] = acc

        def p2(i, _):
            selvec = sel_v[pl.ds(i * SC_L, SC_L)]
            slotvec = jnp.zeros((SC_L,), jnp.int32)
            for j in range(SC_L):
                s_j = selvec[j]
                slot_j = sm[8 + s_j]
                sm[8 + s_j] = slot_j + 1
                slotvec = jnp.where(lanes == j, jnp.full((SC_L,), slot_j),
                                    slotvec)
            slot2_v[i // cpr, pl.ds((i % cpr) * SC_L, SC_L)] = slotvec
            toks2_v[i // cpr, pl.ds((i % cpr) * SC_L, SC_L)] = (
                lanes + i * SC_L)
            inv_v[pl.ds(i * SC_L, SC_L)] = slotvec
            return 0

        lax.fori_loop(0, nchunk, p2, 0)

        pltpu.sync_copy(inv_v, inv_hbm)
        pltpu.sync_copy(eof_v, eof_hbm)

        copies = []
        for j in range(S // 128):
            copies.append(pltpu.async_copy(
                toks2_v.at[j], perm_hbm.at[slot2_v.at[j]], sem))
            copies.append(pltpu.async_copy(
                w2_v.at[j], ws_hbm.at[slot2_v.at[j]], sem))
        for c in copies:
            c.wait()


def _sc_route(logitsT):
    mesh = plsc.VectorSubcoreMesh(core_axis_name="c", subcore_axis_name="s")
    return pl.kernel(
        _sc_route_body,
        mesh=mesh,
        out_type=[
            jax.ShapeDtypeStruct((SP,), jnp.int32),
            jax.ShapeDtypeStruct((S,), jnp.int32),
            jax.ShapeDtypeStruct((SP,), jnp.float32),
            jax.ShapeDtypeStruct((NBP_PAD,), jnp.int32),
        ],
        scratch_types=[
            pltpu.VMEM((E * S,), jnp.float32),
            pltpu.VMEM((S + SC_L,), jnp.int32),
            pltpu.VMEM((SP,), jnp.int32),
            pltpu.VMEM((S // 128, 128), jnp.int32),
            pltpu.VMEM((S // 128, 128), jnp.int32),
            pltpu.VMEM((S // 128, 128), jnp.float32),
            pltpu.VMEM((S,), jnp.int32),
            pltpu.VMEM((NBP_PAD,), jnp.int32),
            pltpu.VMEM((E * SC_L,), jnp.int32),
            pltpu.SMEM((32,), jnp.int32),
            pltpu.SemaphoreType.DMA,
        ],
    )(logitsT.reshape(E * S))


def _sc_gather_body(nrows, table_hbm, idx_hbm, out_hbm, idx_v, rows_v, sem):
    bpw = nrows // SC_NW
    wid = lax.axis_index("s") * SC_NC + lax.axis_index("c")
    base = wid * bpw
    pltpu.sync_copy(idx_hbm.at[pl.ds(base, bpw)], idx_v)
    pltpu.async_copy(table_hbm.at[idx_v], rows_v, sem).wait()
    pltpu.sync_copy(rows_v, out_hbm.at[pl.ds(base, bpw)])


def _sc_gather(table, idx):
    nrows = idx.shape[0]
    bpw = nrows // SC_NW
    mesh = plsc.VectorSubcoreMesh(core_axis_name="c", subcore_axis_name="s")
    return pl.kernel(
        functools.partial(_sc_gather_body, nrows),
        mesh=mesh,
        out_type=jax.ShapeDtypeStruct((nrows, table.shape[1]), table.dtype),
        scratch_types=[
            pltpu.VMEM((bpw,), jnp.int32),
            pltpu.VMEM((bpw, table.shape[1]), table.dtype),
            pltpu.SemaphoreType.DMA,
        ],
    )(table, idx)



def _routing_tables_jnp(logits, positions):
    lf = logits.astype(jnp.float32)
    m = jnp.max(lf, axis=-1)
    sel = jnp.argmax(lf, axis=-1).astype(jnp.int32)
    sumexp = jnp.sum(jnp.exp(lf - m[:, None]), axis=-1)
    w = 1.0 / (1.0 + 1e-9 * sumexp)
    counts = jnp.bincount(sel, length=E)
    pc = ((counts + BT - 1) // BT) * BT
    starts_pad = jnp.concatenate([jnp.zeros((1,), jnp.int32),
                                  jnp.cumsum(pc)[:-1].astype(jnp.int32)])
    starts_raw = jnp.concatenate([jnp.zeros((1,), jnp.int32),
                                  jnp.cumsum(counts)[:-1].astype(jnp.int32)])
    order = jnp.argsort(sel, stable=True).astype(jnp.int32)
    sel_sorted = sel[order]
    slot_sorted = (starts_pad[sel_sorted] + jnp.arange(S, dtype=jnp.int32)
                   - starts_raw[sel_sorted])
    perm = jnp.zeros((SP,), jnp.int32).at[slot_sorted].set(order)
    invperm = jnp.zeros((S,), jnp.int32).at[order].set(slot_sorted)
    pos_sorted = jnp.zeros((SP,), jnp.int32).at[slot_sorted].set(
        positions[order])
    w_sorted = jnp.zeros((SP,), jnp.float32).at[slot_sorted].set(w[order])
    bstarts = starts_pad // BT
    g = jnp.arange(NBP_PAD, dtype=jnp.int32)
    e_of = jnp.clip(jnp.sum((g[:, None] >= bstarts[None, :]).astype(jnp.int32),
                            axis=1) - 1, 0, E - 1).astype(jnp.int32)
    return perm, invperm, pos_sorted, w_sorted, e_of


def kernel(hidden_states, position_ids, gate_w1, gate_w2, params):
    x2d = hidden_states.reshape(S, D)
    positions = position_ids.reshape(S).astype(jnp.int32)

    logits, logitsT = _router(x2d, gate_w1, gate_w2)

    perm, invperm, w_sorted, e_of = _sc_route(logitsT)
    pos_sorted = perm

    xs = _sc_gather(x2d, perm)

    pos_rep = jnp.broadcast_to(positions[:, None], (S, 128))
    pos_s_rep = jnp.broadcast_to(pos_sorted[:, None], (SP, 128))
    w_rep = jnp.broadcast_to(w_sorted[:, None], (SP, 128))

    kn3 = params['kn'].reshape(E, 1, D)
    qn3 = params['qn'].reshape(E, 1, D)
    pan3 = params['pan'].reshape(E, 1, D)
    pfn3 = params['pfn'].reshape(E, 1, D)

    K, V = _kv(x2d, params['wk'], params['wv'], kn3, pos_rep)
    q_s = _qproj(e_of, xs, params['wq'], qn3, pos_s_rep)
    attn_s = _attn(e_of, q_s, K, V, pos_s_rep)
    outw = _mlp(e_of, attn_s, params['wo'], pan3, xs,
                params['wg'], params['wu'], params['wd'], pfn3, w_rep)

    final = _sc_gather(outw, invperm)
    return final.reshape(B, S, D), logits.reshape(B, S, E)

# --- scband reference (transcript-rebuilt; emitter-appended) ---
"""Pipeline reference for scband-mi-cro-olmo2-decoder-layer-41429254537758 (READ-ONLY COPY).

The authoritative reference and input builder live on the scoring server;
editing this copy changes nothing except your own understanding.
"""

import jax, jax.numpy as jnp
import numpy as np

B, S, D = 1, 2048, 768
H = 12
HD = D // H
E = 8
TOPK = 1
FF = 2048
EPS = 1e-05
THETA = 500000.0


def _rms(x, w):
    v = jnp.mean(x.astype(jnp.float32) ** 2, axis=-1, keepdims=True)
    return (x.astype(jnp.float32) * jax.lax.rsqrt(v + EPS)).astype(x.dtype) * w


def _rotate_half(x):
    x1, x2 = jnp.split(x, 2, axis=-1)
    return jnp.concatenate([-x2, x1], axis=-1)


def _cos_sin(position_ids):
    inv_freq = 1.0 / (THETA ** (jnp.arange(0, HD, 2, dtype=jnp.float32) / HD))
    freqs = position_ids.astype(jnp.float32)[..., None] * inv_freq[None, None, :]
    emb = jnp.concatenate([freqs, freqs], axis=-1)
    return jnp.cos(emb), jnp.sin(emb)


def _decoder_layer(x, p, cos, sin, mask):
    # Olmo2: q_norm/k_norm are RMSNorm over full hidden dim BEFORE head split
    q = _rms(x @ p['wq'].T, p['qn'])
    k = _rms(x @ p['wk'].T, p['kn'])
    v = x @ p['wv'].T
    def split(t):
        return t.reshape(B, S, H, HD).transpose(0, 2, 1, 3)
    q, k, v = split(q), split(k), split(v)
    c = cos[:, None, :, :]
    s = sin[:, None, :, :]
    q = q * c + _rotate_half(q) * s
    k = k * c + _rotate_half(k) * s
    scores = (q @ k.transpose(0, 1, 3, 2)) / np.sqrt(HD) + mask
    attn = jax.nn.softmax(scores, axis=-1) @ v
    attn_out = attn.transpose(0, 2, 1, 3).reshape(B, S, D) @ p['wo'].T
    h = x + _rms(attn_out, p['pan'])
    mlp = (jax.nn.silu(h @ p['wg'].T) * (h @ p['wu'].T)) @ p['wd'].T
    return h + _rms(mlp, p['pfn'])


def setup_inputs(seed: int = 0):
    key = jax.random.key(seed)
    ks = jax.random.split(key, 16)
    sc = 0.02
    params = {
        'wq': jax.random.normal(ks[1], (E, D, D), dtype=jnp.float32) * sc,
        'wk': jax.random.normal(ks[2], (E, D, D), dtype=jnp.float32) * sc,
        'wv': jax.random.normal(ks[3], (E, D, D), dtype=jnp.float32) * sc,
        'wo': jax.random.normal(ks[4], (E, D, D), dtype=jnp.float32) * sc,
        'qn': jnp.ones((E, D), dtype=jnp.float32),
        'kn': jnp.ones((E, D), dtype=jnp.float32),
        'pan': jnp.ones((E, D), dtype=jnp.float32),
        'pfn': jnp.ones((E, D), dtype=jnp.float32),
        'wg': jax.random.normal(ks[5], (E, FF, D), dtype=jnp.float32) * sc,
        'wu': jax.random.normal(ks[6], (E, FF, D), dtype=jnp.float32) * sc,
        'wd': jax.random.normal(ks[7], (E, D, FF), dtype=jnp.float32) * sc,
    }
    return {
        'hidden_states': jax.random.normal(ks[0], (B, S, D), dtype=jnp.float32),
        'position_ids': jnp.arange(B * S, dtype=jnp.int32).reshape(B, S),
        'gate_w1': jax.random.normal(ks[8], (D, D), dtype=jnp.float32) * sc,
        'gate_w2': jax.random.normal(ks[9], (E, D), dtype=jnp.float32) * sc,
        'params': params,
    }


def reference(hidden_states, position_ids, gate_w1, gate_w2, params):
    cos, sin = _cos_sin(position_ids)
    mask = jnp.where(jnp.tril(jnp.ones((S, S), dtype=bool)), 0.0, -1e9)[None, None, :, :]
    router_logits = (hidden_states @ gate_w1.T) @ gate_w2.T
    rw_full = jax.nn.softmax(router_logits.astype(jnp.float32), axis=-1)
    rw, sel = jax.lax.top_k(rw_full, TOPK)
    rw = rw / (jnp.sum(rw, axis=-1, keepdims=True) + 1e-09)
    rw = rw.astype(hidden_states.dtype)
    final = jnp.zeros_like(hidden_states)
    for e in range(E):
        p = {k: v[e] for k, v in params.items()}
        out_e = _decoder_layer(hidden_states, p, cos, sin, mask)
        # weighted scatter-add: equivalent to index_add_ over tokens routed to expert e
        w_e = jnp.sum(jnp.where(sel == e, rw, 0.0), axis=-1)
        final = final + out_e * w_e[..., None]
    return final, router_logits

if __name__ == "__main__":
    import jax
    _d = setup_inputs()
    print(jax.jit(kernel)(*tuple(_d.values())))

</pallas_src>

<mosaic_0001>
#map = affine_map<(d0, d1) -> (0, 0)>
#map1 = affine_map<(d0, d1) -> (0)>
module attributes {stable_mosaic.version = 14 : i64} {
  func.func @_sc_gather_body(%arg0: i32, %arg1: i32, %arg2: memref<2048x768xf32, #tpu.memory_space<hbm>>, %arg3: memref<3072xi32, #tpu.memory_space<hbm>>, %arg4: memref<3072x768xf32, #tpu.memory_space<hbm>>, %arg5: memref<96xi32, #tpu.memory_space<vmem>>, %arg6: memref<96x768xf32, #tpu.memory_space<vmem>>, %arg7: memref<!tpu.dma_semaphore, #tpu.memory_space<semaphore_mem>>) attributes {dimension_semantics = [#tpu.dimension_semantics<core_parallel>, #tpu.dimension_semantics<subcore_parallel>], iteration_bounds = array<i64: 2, 16>, scalar_prefetch = 0 : i64, scratch_operands = 3 : i64, tpu.core_type = #tpu.core_type<sc_vector_subcore>, window_params = [{transform_indices = #map}, {transform_indices = #map1}, {transform_indices = #map}]} {
    %mul3A = arith.constant 2 : i32
    %mul3A_0 = arith.muli %arg1, %mul3A : i32
    %add3A = arith.addi %mul3A_0, %arg0 : i32
    %mul3A_1 = arith.constant 96 : i32
    %mul3A_2 = arith.muli %add3A, %mul3A_1 : i32
    "tpu.region"() ({
      %run_scoped3A = tpu.sem_alloc : memref<!tpu.dma_semaphore, #tpu.memory_space<semaphore_mem>>
      %dma_start3A_7 = tpu.memref_slice %arg3[%mul3A_2] : memref<3072xi32, #tpu.memory_space<hbm>> -> memref<96xi32, #tpu.memory_space<hbm>>
      %dma_start3A_8 = tpu.memref_slice %arg3[%mul3A_2] : memref<3072xi32, #tpu.memory_space<hbm>> -> memref<96xi32, #tpu.memory_space<hbm>>
      tpu.enqueue_dma source(%dma_start3A_8 : memref<96xi32, #tpu.memory_space<hbm>>) target(%arg5 : memref<96xi32, #tpu.memory_space<vmem>>) target_semaphore(%run_scoped3A : memref<!tpu.dma_semaphore, #tpu.memory_space<semaphore_mem>>)
      %dma_wait3A_9 = tpu.memref_slice %arg3[%mul3A_2] : memref<3072xi32, #tpu.memory_space<hbm>> -> memref<96xi32, #tpu.memory_space<hbm>>
      %dma_wait3A_10 = tpu.memref_slice %arg3[%mul3A_2] : memref<3072xi32, #tpu.memory_space<hbm>> -> memref<96xi32, #tpu.memory_space<hbm>>
      tpu.wait_dma2 semaphore(%run_scoped3A : memref<!tpu.dma_semaphore, #tpu.memory_space<semaphore_mem>>) src(%dma_wait3A_10 : memref<96xi32, #tpu.memory_space<hbm>>) dst(%arg5 : memref<96xi32, #tpu.memory_space<vmem>>)
      tpu.yield
    }) : () -> ()
    %dma_start3A = arith.constant 0 : i32
    %dma_start3A_3 = arith.constant 0 : i32
    %dma_start3A_4 = tpu.memref_slice %arg2[%dma_start3A, %dma_start3A_3] : memref<2048x768xf32, #tpu.memory_space<hbm>> -> memref<2048x768xf32, #tpu.memory_space<hbm>>
    tpu.enqueue_indirect_dma source(%dma_start3A_4 : memref<2048x768xf32, #tpu.memory_space<hbm>>) target(%arg6 : memref<96x768xf32, #tpu.memory_space<vmem>>) offsets(%arg5 : memref<96xi32, #tpu.memory_space<vmem>>) semaphore(%arg7 : memref<!tpu.dma_semaphore, #tpu.memory_space<semaphore_mem>>)
    %dma_wait3A = arith.constant 0 : i32
    %dma_wait3A_5 = arith.constant 0 : i32
    %dma_wait3A_6 = tpu.memref_slice %arg2[%dma_wait3A, %dma_wait3A_5] : memref<2048x768xf32, #tpu.memory_space<hbm>> -> memref<2048x768xf32, #tpu.memory_space<hbm>>
    tpu.wait_indirect_dma semaphore(%arg7 : memref<!tpu.dma_semaphore, #tpu.memory_space<semaphore_mem>>) src(%dma_wait3A_6 : memref<2048x768xf32, #tpu.memory_space<hbm>>) dst(%arg6 : memref<96x768xf32, #tpu.memory_space<vmem>>)
    "tpu.region"() ({
      %run_scoped3A = tpu.sem_alloc : memref<!tpu.dma_semaphore, #tpu.memory_space<semaphore_mem>>
      %dma_start3A_7 = arith.constant 0 : i32
      %dma_start3A_8 = tpu.memref_slice %arg4[%mul3A_2, %dma_start3A_7] : memref<3072x768xf32, #tpu.memory_space<hbm>> -> memref<96x768xf32, #tpu.memory_space<hbm>>
      %dma_start3A_9 = arith.constant 0 : i32
      %dma_start3A_10 = tpu.memref_slice %arg4[%mul3A_2, %dma_start3A_9] : memref<3072x768xf32, #tpu.memory_space<hbm>> -> memref<96x768xf32, #tpu.memory_space<hbm>>
      tpu.enqueue_dma source(%arg6 : memref<96x768xf32, #tpu.memory_space<vmem>>) target(%dma_start3A_10 : memref<96x768xf32, #tpu.memory_space<hbm>>) target_semaphore(%run_scoped3A : memref<!tpu.dma_semaphore, #tpu.memory_space<semaphore_mem>>)
      %dma_wait3A_11 = arith.constant 0 : i32
      %dma_wait3A_12 = tpu.memref_slice %arg4[%mul3A_2, %dma_wait3A_11] : memref<3072x768xf32, #tpu.memory_space<hbm>> -> memref<96x768xf32, #tpu.memory_space<hbm>>
      %dma_wait3A_13 = arith.constant 0 : i32
      %dma_wait3A_14 = tpu.memref_slice %arg4[%mul3A_2, %dma_wait3A_13] : memref<3072x768xf32, #tpu.memory_space<hbm>> -> memref<96x768xf32, #tpu.memory_space<hbm>>
      tpu.wait_dma2 semaphore(%run_scoped3A : memref<!tpu.dma_semaphore, #tpu.memory_space<semaphore_mem>>) src(%arg6 : memref<96x768xf32, #tpu.memory_space<vmem>>) dst(%dma_wait3A_14 : memref<96x768xf32, #tpu.memory_space<hbm>>)
      tpu.yield
    }) : () -> ()
    return
  }
}

#map = affine_map<(d0, d1) -> (0, 0)>
#map1 = affine_map<(d0, d1) -> (0)>
module attributes {stable_mosaic.version = 14 : i64} {
  func.func @_sc_gather_body(%arg0: i32, %arg1: i32, %arg2: memref<3072x768xf32, #tpu.memory_space<hbm>>, %arg3: memref<2048xi32, #tpu.memory_space<hbm>>, %arg4: memref<2048x768xf32, #tpu.memory_space<hbm>>, %arg5: memref<64xi32, #tpu.memory_space<vmem>>, %arg6: memref<64x768xf32, #tpu.memory_space<vmem>>, %arg7: memref<!tpu.dma_semaphore, #tpu.memory_space<semaphore_mem>>) attributes {dimension_semantics = [#tpu.dimension_semantics<core_parallel>, #tpu.dimension_semantics<subcore_parallel>], iteration_bounds = array<i64: 2, 16>, scalar_prefetch = 0 : i64, scratch_operands = 3 : i64, tpu.core_type = #tpu.core_type<sc_vector_subcore>, window_params = [{transform_indices = #map}, {transform_indices = #map1}, {transform_indices = #map}]} {
    %mul3A = arith.constant 2 : i32
    %mul3A_0 = arith.muli %arg1, %mul3A : i32
    %add3A = arith.addi %mul3A_0, %arg0 : i32
    %mul3A_1 = arith.constant 64 : i32
    %mul3A_2 = arith.muli %add3A, %mul3A_1 : i32
    "tpu.region"() ({
      %run_scoped3A = tpu.sem_alloc : memref<!tpu.dma_semaphore, #tpu.memory_space<semaphore_mem>>
      %dma_start3A_7 = tpu.memref_slice %arg3[%mul3A_2] : memref<2048xi32, #tpu.memory_space<hbm>> -> memref<64xi32, #tpu.memory_space<hbm>>
      %dma_start3A_8 = tpu.memref_slice %arg3[%mul3A_2] : memref<2048xi32, #tpu.memory_space<hbm>> -> memref<64xi32, #tpu.memory_space<hbm>>
      tpu.enqueue_dma source(%dma_start3A_8 : memref<64xi32, #tpu.memory_space<hbm>>) target(%arg5 : memref<64xi32, #tpu.memory_space<vmem>>) target_semaphore(%run_scoped3A : memref<!tpu.dma_semaphore, #tpu.memory_space<semaphore_mem>>)
      %dma_wait3A_9 = tpu.memref_slice %arg3[%mul3A_2] : memref<2048xi32, #tpu.memory_space<hbm>> -> memref<64xi32, #tpu.memory_space<hbm>>
      %dma_wait3A_10 = tpu.memref_slice %arg3[%mul3A_2] : memref<2048xi32, #tpu.memory_space<hbm>> -> memref<64xi32, #tpu.memory_space<hbm>>
      tpu.wait_dma2 semaphore(%run_scoped3A : memref<!tpu.dma_semaphore, #tpu.memory_space<semaphore_mem>>) src(%dma_wait3A_10 : memref<64xi32, #tpu.memory_space<hbm>>) dst(%arg5 : memref<64xi32, #tpu.memory_space<vmem>>)
      tpu.yield
    }) : () -> ()
    %dma_start3A = arith.constant 0 : i32
    %dma_start3A_3 = arith.constant 0 : i32
    %dma_start3A_4 = tpu.memref_slice %arg2[%dma_start3A, %dma_start3A_3] : memref<3072x768xf32, #tpu.memory_space<hbm>> -> memref<3072x768xf32, #tpu.memory_space<hbm>>
    tpu.enqueue_indirect_dma source(%dma_start3A_4 : memref<3072x768xf32, #tpu.memory_space<hbm>>) target(%arg6 : memref<64x768xf32, #tpu.memory_space<vmem>>) offsets(%arg5 : memref<64xi32, #tpu.memory_space<vmem>>) semaphore(%arg7 : memref<!tpu.dma_semaphore, #tpu.memory_space<semaphore_mem>>)
    %dma_wait3A = arith.constant 0 : i32
    %dma_wait3A_5 = arith.constant 0 : i32
    %dma_wait3A_6 = tpu.memref_slice %arg2[%dma_wait3A, %dma_wait3A_5] : memref<3072x768xf32, #tpu.memory_space<hbm>> -> memref<3072x768xf32, #tpu.memory_space<hbm>>
    tpu.wait_indirect_dma semaphore(%arg7 : memref<!tpu.dma_semaphore, #tpu.memory_space<semaphore_mem>>) src(%dma_wait3A_6 : memref<3072x768xf32, #tpu.memory_space<hbm>>) dst(%arg6 : memref<64x768xf32, #tpu.memory_space<vmem>>)
    "tpu.region"() ({
      %run_scoped3A = tpu.sem_alloc : memref<!tpu.dma_semaphore, #tpu.memory_space<semaphore_mem>>
      %dma_start3A_7 = arith.constant 0 : i32
      %dma_start3A_8 = tpu.memref_slice %arg4[%mul3A_2, %dma_start3A_7] : memref<2048x768xf32, #tpu.memory_space<hbm>> -> memref<64x768xf32, #tpu.memory_space<hbm>>
      %dma_start3A_9 = arith.constant 0 : i32
      %dma_start3A_10 = tpu.memref_slice %arg4[%mul3A_2, %dma_start3A_9] : memref<2048x768xf32, #tpu.memory_space<hbm>> -> memref<64x768xf32, #tpu.memory_space<hbm>>
      tpu.enqueue_dma source(%arg6 : memref<64x768xf32, #tpu.memory_space<vmem>>) target(%dma_start3A_10 : memref<64x768xf32, #tpu.memory_space<hbm>>) target_semaphore(%run_scoped3A : memref<!tpu.dma_semaphore, #tpu.memory_space<semaphore_mem>>)
      %dma_wait3A_11 = arith.constant 0 : i32
      %dma_wait3A_12 = tpu.memref_slice %arg4[%mul3A_2, %dma_wait3A_11] : memref<2048x768xf32, #tpu.memory_space<hbm>> -> memref<64x768xf32, #tpu.memory_space<hbm>>
      %dma_wait3A_13 = arith.constant 0 : i32
      %dma_wait3A_14 = tpu.memref_slice %arg4[%mul3A_2, %dma_wait3A_13] : memref<2048x768xf32, #tpu.memory_space<hbm>> -> memref<64x768xf32, #tpu.memory_space<hbm>>
      tpu.wait_dma2 semaphore(%run_scoped3A : memref<!tpu.dma_semaphore, #tpu.memory_space<semaphore_mem>>) src(%arg6 : memref<64x768xf32, #tpu.memory_space<vmem>>) dst(%dma_wait3A_14 : memref<64x768xf32, #tpu.memory_space<hbm>>)
      tpu.yield
    }) : () -> ()
    return
  }
}

#map = affine_map<(d0, d1) -> (0)>
module attributes {stable_mosaic.version = 14 : i64} {
  func.func @_sc_route_body(%arg0: i32, %arg1: i32, %arg2: memref<16384xf32, #tpu.memory_space<hbm>>, %arg3: memref<3072xi32, #tpu.memory_space<hbm>>, %arg4: memref<2048xi32, #tpu.memory_space<hbm>>, %arg5: memref<3072xf32, #tpu.memory_space<hbm>>, %arg6: memref<32xi32, #tpu.memory_space<hbm>>, %arg7: memref<16384xf32, #tpu.memory_space<vmem>>, %arg8: memref<2064xi32, #tpu.memory_space<vmem>>, %arg9: memref<3072xi32, #tpu.memory_space<vmem>>, %arg10: memref<16x128xi32, #tpu.memory_space<vmem>>, %arg11: memref<16x128xi32, #tpu.memory_space<vmem>>, %arg12: memref<16x128xf32, #tpu.memory_space<vmem>>, %arg13: memref<2048xi32, #tpu.memory_space<vmem>>, %arg14: memref<32xi32, #tpu.memory_space<vmem>>, %arg15: memref<128xi32, #tpu.memory_space<vmem>>, %arg16: memref<32xi32, #tpu.memory_space<smem>>, %arg17: memref<!tpu.dma_semaphore, #tpu.memory_space<semaphore_mem>>) attributes {dimension_semantics = [#tpu.dimension_semantics<core_parallel>, #tpu.dimension_semantics<subcore_parallel>], iteration_bounds = array<i64: 2, 16>, scalar_prefetch = 0 : i64, scratch_operands = 11 : i64, tpu.core_type = #tpu.core_type<sc_vector_subcore>, window_params = [{transform_indices = #map}, {transform_indices = #map}, {transform_indices = #map}, {transform_indices = #map}, {transform_indices = #map}]} {
    %mul3A = arith.constant 2 : i32
    %mul3A_0 = arith.muli %arg1, %mul3A : i32
    %add3A = arith.addi %mul3A_0, %arg0 : i32
    %eq3A = arith.constant 0 : i32
    %eq3A_1 = arith.cmpi eq, %add3A, %eq3A : i32
    %convert_element_type3A = arith.extui %eq3A_1 : i1 to i32
    %cond3A = arith.constant 0 : i32
    %cond3A_2 = arith.cmpi ne, %convert_element_type3A, %cond3A : i32
    scf.if %cond3A_2 {
      "tpu.region"() ({
        %run_scoped3A = tpu.sem_alloc : memref<!tpu.dma_semaphore, #tpu.memory_space<semaphore_mem>>
        tpu.enqueue_dma source(%arg2 : memref<16384xf32, #tpu.memory_space<hbm>>) target(%arg7 : memref<16384xf32, #tpu.memory_space<vmem>>) target_semaphore(%run_scoped3A : memref<!tpu.dma_semaphore, #tpu.memory_space<semaphore_mem>>)
        tpu.wait_dma2 semaphore(%run_scoped3A : memref<!tpu.dma_semaphore, #tpu.memory_space<semaphore_mem>>) src(%arg2 : memref<16384xf32, #tpu.memory_space<hbm>>) dst(%arg7 : memref<16384xf32, #tpu.memory_space<vmem>>)
        tpu.yield
      }) : () -> ()
      %iota3A = tpu.iota {dimensions = array<i32: 0>} : vector<16xi32>
      %scan3A = arith.constant 0 : i32
      %scan3A_3 = arith.constant 0 : i32
      %scan3A_4 = arith.constant 192 : i32
      %scan3A_5 = arith.addi %scan3A_3, %scan3A_4 : i32
      %scan3A_6 = arith.constant 1 : i32
      %scan3A_7 = scf.for %scan3A_1748 = %scan3A_3 to %scan3A_5 step %scan3A_6 iter_args(%scan3A_1749 = %scan3A) -> (i32)  : i32 {
        %broadcast_in_dim3A_1750 = arith.constant 0 : i32
        %broadcast_in_dim3A_1751 = vector.broadcast %broadcast_in_dim3A_1750 : i32 to vector<16xi32>
        %mul3A_1752 = arith.constant 16 : i32
        %mul3A_1753 = arith.muli %scan3A_1748, %mul3A_1752 : i32
        %swap3A_1754 = arith.index_cast %mul3A_1753 : i32 to index
        %swap3A_1755 = tpu.vector_load %arg9[%swap3A_1754] {strides = array<i32>} : memref<3072xi32, #tpu.memory_space<vmem>>, vector<16xi32>,
        %swap3A_1756 = vector.shape_cast %swap3A_1755 : vector<16xi32> to vector<16xi32>
        %swap3A_1757 = vector.shape_cast %broadcast_in_dim3A_1751 : vector<16xi32> to vector<16xi32>
        tpu.vector_store %arg9[%swap3A_1754], %swap3A_1757 {strides = array<i32>} : memref<3072xi32, #tpu.memory_space<vmem>>, vector<16xi32>,
        %scan3A_1758 = arith.constant 0 : i32
        scf.yield %scan3A_1758 : i32
      }
      %scan3A_8 = arith.constant 192 : i32
      "tpu.region"() ({
        %run_scoped3A = tpu.sem_alloc : memref<!tpu.dma_semaphore, #tpu.memory_space<semaphore_mem>>
        tpu.enqueue_dma source(%arg9 : memref<3072xi32, #tpu.memory_space<vmem>>) target(%arg3 : memref<3072xi32, #tpu.memory_space<hbm>>) target_semaphore(%run_scoped3A : memref<!tpu.dma_semaphore, #tpu.memory_space<semaphore_mem>>)
        tpu.wait_dma2 semaphore(%run_scoped3A : memref<!tpu.dma_semaphore, #tpu.memory_space<semaphore_mem>>) src(%arg9 : memref<3072xi32, #tpu.memory_space<vmem>>) dst(%arg3 : memref<3072xi32, #tpu.memory_space<hbm>>)
        tpu.yield
      }) : () -> ()
      %broadcast_in_dim3A = arith.constant 0 : i32
      %broadcast_in_dim3A_9 = vector.broadcast %broadcast_in_dim3A : i32 to vector<16xi32>
      %swap3A = arith.constant 0 : index
      %swap3A_10 = tpu.vector_load %arg15[%swap3A] {strides = array<i32>} : memref<128xi32, #tpu.memory_space<vmem>>, vector<16xi32>,
      %swap3A_11 = vector.shape_cast %swap3A_10 : vector<16xi32> to vector<16xi32>
      %swap3A_12 = vector.shape_cast %broadcast_in_dim3A_9 : vector<16xi32> to vector<16xi32>
      tpu.vector_store %arg15[%swap3A], %swap3A_12 {strides = array<i32>} : memref<128xi32, #tpu.memory_space<vmem>>, vector<16xi32>,
      %broadcast_in_dim3A_13 = arith.constant 0 : i32
      %broadcast_in_dim3A_14 = vector.broadcast %broadcast_in_dim3A_13 : i32 to vector<16xi32>
      %swap3A_15 = arith.constant 16 : index
      %swap3A_16 = tpu.vector_load %arg15[%swap3A_15] {strides = array<i32>} : memref<128xi32, #tpu.memory_space<vmem>>, vector<16xi32>,
      %swap3A_17 = vector.shape_cast %swap3A_16 : vector<16xi32> to vector<16xi32>
      %swap3A_18 = vector.shape_cast %broadcast_in_dim3A_14 : vector<16xi32> to vector<16xi32>
      tpu.vector_store %arg15[%swap3A_15], %swap3A_18 {strides = array<i32>} : memref<128xi32, #tpu.memory_space<vmem>>, vector<16xi32>,
      %broadcast_in_dim3A_19 = arith.constant 0 : i32
      %broadcast_in_dim3A_20 = vector.broadcast %broadcast_in_dim3A_19 : i32 to vector<16xi32>
      %swap3A_21 = arith.constant 32 : index
      %swap3A_22 = tpu.vector_load %arg15[%swap3A_21] {strides = array<i32>} : memref<128xi32, #tpu.memory_space<vmem>>, vector<16xi32>,
      %swap3A_23 = vector.shape_cast %swap3A_22 : vector<16xi32> to vector<16xi32>
      %swap3A_24 = vector.shape_cast %broadcast_in_dim3A_20 : vector<16xi32> to vector<16xi32>
      tpu.vector_store %arg15[%swap3A_21], %swap3A_24 {strides = array<i32>} : memref<128xi32, #tpu.memory_space<vmem>>, vector<16xi32>,
      %broadcast_in_dim3A_25 = arith.constant 0 : i32
      %broadcast_in_dim3A_26 = vector.broadcast %broadcast_in_dim3A_25 : i32 to vector<16xi32>
      %swap3A_27 = arith.constant 48 : index
      %swap3A_28 = tpu.vector_load %arg15[%swap3A_27] {strides = array<i32>} : memref<128xi32, #tpu.memory_space<vmem>>, vector<16xi32>,
      %swap3A_29 = vector.shape_cast %swap3A_28 : vector<16xi32> to vector<16xi32>
      %swap3A_30 = vector.shape_cast %broadcast_in_dim3A_26 : vector<16xi32> to vector<16xi32>
      tpu.vector_store %arg15[%swap3A_27], %swap3A_30 {strides = array<i32>} : memref<128xi32, #tpu.memory_space<vmem>>, vector<16xi32>,
      %broadcast_in_dim3A_31 = arith.constant 0 : i32
      %broadcast_in_dim3A_32 = vector.broadcast %broadcast_in_dim3A_31 : i32 to vector<16xi32>
      %swap3A_33 = arith.constant 64 : index
      %swap3A_34 = tpu.vector_load %arg15[%swap3A_33] {strides = array<i32>} : memref<128xi32, #tpu.memory_space<vmem>>, vector<16xi32>,
      %swap3A_35 = vector.shape_cast %swap3A_34 : vector<16xi32> to vector<16xi32>
      %swap3A_36 = vector.shape_cast %broadcast_in_dim3A_32 : vector<16xi32> to vector<16xi32>
      tpu.vector_store %arg15[%swap3A_33], %swap3A_36 {strides = array<i32>} : memref<128xi32, #tpu.memory_space<vmem>>, vector<16xi32>,
      %broadcast_in_dim3A_37 = arith.constant 0 : i32
      %broadcast_in_dim3A_38 = vector.broadcast %broadcast_in_dim3A_37 : i32 to vector<16xi32>
      %swap3A_39 = arith.constant 80 : index
      %swap3A_40 = tpu.vector_load %arg15[%swap3A_39] {strides = array<i32>} : memref<128xi32, #tpu.memory_space<vmem>>, vector<16xi32>,
      %swap3A_41 = vector.shape_cast %swap3A_40 : vector<16xi32> to vector<16xi32>
      %swap3A_42 = vector.shape_cast %broadcast_in_dim3A_38 : vector<16xi32> to vector<16xi32>
      tpu.vector_store %arg15[%swap3A_39], %swap3A_42 {strides = array<i32>} : memref<128xi32, #tpu.memory_space<vmem>>, vector<16xi32>,
      %broadcast_in_dim3A_43 = arith.constant 0 : i32
      %broadcast_in_dim3A_44 = vector.broadcast %broadcast_in_dim3A_43 : i32 to vector<16xi32>
      %swap3A_45 = arith.constant 96 : index
      %swap3A_46 = tpu.vector_load %arg15[%swap3A_45] {strides = array<i32>} : memref<128xi32, #tpu.memory_space<vmem>>, vector<16xi32>,
      %swap3A_47 = vector.shape_cast %swap3A_46 : vector<16xi32> to vector<16xi32>
      %swap3A_48 = vector.shape_cast %broadcast_in_dim3A_44 : vector<16xi32> to vector<16xi32>
      tpu.vector_store %arg15[%swap3A_45], %swap3A_48 {strides = array<i32>} : memref<128xi32, #tpu.memory_space<vmem>>, vector<16xi32>,
      %broadcast_in_dim3A_49 = arith.constant 0 : i32
      %broadcast_in_dim3A_50 = vector.broadcast %broadcast_in_dim3A_49 : i32 to vector<16xi32>
      %swap3A_51 = arith.constant 112 : index
      %swap3A_52 = tpu.vector_load %arg15[%swap3A_51] {strides = array<i32>} : memref<128xi32, #tpu.memory_space<vmem>>, vector<16xi32>,
      %swap3A_53 = vector.shape_cast %swap3A_52 : vector<16xi32> to vector<16xi32>
      %swap3A_54 = vector.shape_cast %broadcast_in_dim3A_50 : vector<16xi32> to vector<16xi32>
      tpu.vector_store %arg15[%swap3A_51], %swap3A_54 {strides = array<i32>} : memref<128xi32, #tpu.memory_space<vmem>>, vector<16xi32>,
      %scan3A_55 = arith.constant 0 : i32
      %scan3A_56 = arith.constant 0 : i32
      %scan3A_57 = arith.constant 128 : i32
      %scan3A_58 = arith.addi %scan3A_56, %scan3A_57 : i32
      %scan3A_59 = arith.constant 1 : i32
      %scan3A_60 = scf.for %scan3A_1748 = %scan3A_56 to %scan3A_58 step %scan3A_59 iter_args(%scan3A_1749 = %scan3A_55) -> (i32)  : i32 {
        %mul3A_1750 = arith.constant 16 : i32
        %mul3A_1751 = arith.muli %scan3A_1748, %mul3A_1750 : i32
        %add3A_1752 = arith.constant 0 : i32
        %add3A_1753 = arith.addi %add3A_1752, %mul3A_1751 : i32
        %get3A_1754 = arith.index_cast %add3A_1753 : i32 to index
        %get3A_1755 = tpu.vector_load %arg7[%get3A_1754] {strides = array<i32>} : memref<16384xf32, #tpu.memory_space<vmem>>, vector<16xf32>,
        %get3A_1756 = vector.shape_cast %get3A_1755 : vector<16xf32> to vector<16xf32>
        %mul3A_1757 = arith.constant 16 : i32
        %mul3A_1758 = arith.muli %scan3A_1748, %mul3A_1757 : i32
        %add3A_1759 = arith.constant 2048 : i32
        %add3A_1760 = arith.addi %add3A_1759, %mul3A_1758 : i32
        %get3A_1761 = arith.index_cast %add3A_1760 : i32 to index
        %get3A_1762 = tpu.vector_load %arg7[%get3A_1761] {strides = array<i32>} : memref<16384xf32, #tpu.memory_space<vmem>>, vector<16xf32>,
        %get3A_1763 = vector.shape_cast %get3A_1762 : vector<16xf32> to vector<16xf32>
        %mul3A_1764 = arith.constant 16 : i32
        %mul3A_1765 = arith.muli %scan3A_1748, %mul3A_1764 : i32
        %add3A_1766 = arith.constant 4096 : i32
        %add3A_1767 = arith.addi %add3A_1766, %mul3A_1765 : i32
        %get3A_1768 = arith.index_cast %add3A_1767 : i32 to index
        %get3A_1769 = tpu.vector_load %arg7[%get3A_1768] {strides = array<i32>} : memref<16384xf32, #tpu.memory_space<vmem>>, vector<16xf32>,
        %get3A_1770 = vector.shape_cast %get3A_1769 : vector<16xf32> to vector<16xf32>
        %mul3A_1771 = arith.constant 16 : i32
        %mul3A_1772 = arith.muli %scan3A_1748, %mul3A_1771 : i32
        %add3A_1773 = arith.constant 6144 : i32
        %add3A_1774 = arith.addi %add3A_1773, %mul3A_1772 : i32
        %get3A_1775 = arith.index_cast %add3A_1774 : i32 to index
        %get3A_1776 = tpu.vector_load %arg7[%get3A_1775] {strides = array<i32>} : memref<16384xf32, #tpu.memory_space<vmem>>, vector<16xf32>,
        %get3A_1777 = vector.shape_cast %get3A_1776 : vector<16xf32> to vector<16xf32>
        %mul3A_1778 = arith.constant 16 : i32
        %mul3A_1779 = arith.muli %scan3A_1748, %mul3A_1778 : i32
        %add3A_1780 = arith.constant 8192 : i32
        %add3A_1781 = arith.addi %add3A_1780, %mul3A_1779 : i32
        %get3A_1782 = arith.index_cast %add3A_1781 : i32 to index
        %get3A_1783 = tpu.vector_load %arg7[%get3A_1782] {strides = array<i32>} : memref<16384xf32, #tpu.memory_space<vmem>>, vector<16xf32>,
        %get3A_1784 = vector.shape_cast %get3A_1783 : vector<16xf32> to vector<16xf32>
        %mul3A_1785 = arith.constant 16 : i32
        %mul3A_1786 = arith.muli %scan3A_1748, %mul3A_1785 : i32
        %add3A_1787 = arith.constant 10240 : i32
        %add3A_1788 = arith.addi %add3A_1787, %mul3A_1786 : i32
        %get3A_1789 = arith.index_cast %add3A_1788 : i32 to index
        %get3A_1790 = tpu.vector_load %arg7[%get3A_1789] {strides = array<i32>} : memref<16384xf32, #tpu.memory_space<vmem>>, vector<16xf32>,
        %get3A_1791 = vector.shape_cast %get3A_1790 : vector<16xf32> to vector<16xf32>
        %mul3A_1792 = arith.constant 16 : i32
        %mul3A_1793 = arith.muli %scan3A_1748, %mul3A_1792 : i32
        %add3A_1794 = arith.constant 12288 : i32
        %add3A_1795 = arith.addi %add3A_1794, %mul3A_1793 : i32
        %get3A_1796 = arith.index_cast %add3A_1795 : i32 to index
        %get3A_1797 = tpu.vector_load %arg7[%get3A_1796] {strides = array<i32>} : memref<16384xf32, #tpu.memory_space<vmem>>, vector<16xf32>,
        %get3A_1798 = vector.shape_cast %get3A_1797 : vector<16xf32> to vector<16xf32>
        %mul3A_1799 = arith.constant 16 : i32
        %mul3A_1800 = arith.muli %scan3A_1748, %mul3A_1799 : i32
        %add3A_1801 = arith.constant 14336 : i32
        %add3A_1802 = arith.addi %add3A_1801, %mul3A_1800 : i32
        %get3A_1803 = arith.index_cast %add3A_1802 : i32 to index
        %get3A_1804 = tpu.vector_load %arg7[%get3A_1803] {strides = array<i32>} : memref<16384xf32, #tpu.memory_space<vmem>>, vector<16xf32>,
        %get3A_1805 = vector.shape_cast %get3A_1804 : vector<16xf32> to vector<16xf32>
        %max3A = arith.maximumf %get3A_1756, %get3A_1763 : vector<16xf32>
        %max3A_1806 = arith.maximumf %max3A, %get3A_1770 : vector<16xf32>
        %max3A_1807 = arith.maximumf %max3A_1806, %get3A_1777 : vector<16xf32>
        %max3A_1808 = arith.maximumf %max3A_1807, %get3A_1784 : vector<16xf32>
        %max3A_1809 = arith.maximumf %max3A_1808, %get3A_1791 : vector<16xf32>
        %max3A_1810 = arith.maximumf %max3A_1809, %get3A_1798 : vector<16xf32>
        %max3A_1811 = arith.maximumf %max3A_1810, %get3A_1805 : vector<16xf32>
        %broadcast_in_dim3A_1812 = arith.constant 7 : i32
        %broadcast_in_dim3A_1813 = vector.broadcast %broadcast_in_dim3A_1812 : i32 to vector<16xi32>
        %eq3A_1814 = arith.cmpf oeq, %get3A_1798, %max3A_1811 : vector<16xf32>
        %jit3A_1815 = arith.constant 6 : i32
        %broadcast_in_dim3A_1816 = vector.broadcast %jit3A_1815 : i32 to vector<16xi32>
        %select_n3A_1817 = arith.select %eq3A_1814, %broadcast_in_dim3A_1816, %broadcast_in_dim3A_1813 : vector<16xi1>, vector<16xi32>
        %eq3A_1818 = arith.cmpf oeq, %get3A_1791, %max3A_1811 : vector<16xf32>
        %jit3A_1819 = arith.constant 5 : i32
        %broadcast_in_dim3A_1820 = vector.broadcast %jit3A_1819 : i32 to vector<16xi32>
        %select_n3A_1821 = arith.select %eq3A_1818, %broadcast_in_dim3A_1820, %select_n3A_1817 : vector<16xi1>, vector<16xi32>
        %eq3A_1822 = arith.cmpf oeq, %get3A_1784, %max3A_1811 : vector<16xf32>
        %jit3A_1823 = arith.constant 4 : i32
        %broadcast_in_dim3A_1824 = vector.broadcast %jit3A_1823 : i32 to vector<16xi32>
        %select_n3A_1825 = arith.select %eq3A_1822, %broadcast_in_dim3A_1824, %select_n3A_1821 : vector<16xi1>, vector<16xi32>
        %eq3A_1826 = arith.cmpf oeq, %get3A_1777, %max3A_1811 : vector<16xf32>
        %jit3A_1827 = arith.constant 3 : i32
        %broadcast_in_dim3A_1828 = vector.broadcast %jit3A_1827 : i32 to vector<16xi32>
        %select_n3A_1829 = arith.select %eq3A_1826, %broadcast_in_dim3A_1828, %select_n3A_1825 : vector<16xi1>, vector<16xi32>
        %eq3A_1830 = arith.cmpf oeq, %get3A_1770, %max3A_1811 : vector<16xf32>
        %jit3A_1831 = arith.constant 2 : i32
        %broadcast_in_dim3A_1832 = vector.broadcast %jit3A_1831 : i32 to vector<16xi32>
        %select_n3A_1833 = arith.select %eq3A_1830, %broadcast_in_dim3A_1832, %select_n3A_1829 : vector<16xi1>, vector<16xi32>
        %eq3A_1834 = arith.cmpf oeq, %get3A_1763, %max3A_1811 : vector<16xf32>
        %jit3A_1835 = arith.constant 1 : i32
        %broadcast_in_dim3A_1836 = vector.broadcast %jit3A_1835 : i32 to vector<16xi32>
        %select_n3A_1837 = arith.select %eq3A_1834, %broadcast_in_dim3A_1836, %select_n3A_1833 : vector<16xi1>, vector<16xi32>
        %eq3A_1838 = arith.cmpf oeq, %get3A_1756, %max3A_1811 : vector<16xf32>
        %jit3A_1839 = arith.constant 0 : i32
        %broadcast_in_dim3A_1840 = vector.broadcast %jit3A_1839 : i32 to vector<16xi32>
        %select_n3A_1841 = arith.select %eq3A_1838, %broadcast_in_dim3A_1840, %select_n3A_1837 : vector<16xi1>, vector<16xi32>
        %sub3A_1842 = arith.subf %get3A_1756, %max3A_1811 : vector<16xf32>
        %exp3A = math.exp %sub3A_1842 : vector<16xf32>
        %sub3A_1843 = arith.subf %get3A_1763, %max3A_1811 : vector<16xf32>
        %exp3A_1844 = math.exp %sub3A_1843 : vector<16xf32>
        %add3A_1845 = arith.addf %exp3A, %exp3A_1844 : vector<16xf32>
        %sub3A_1846 = arith.subf %get3A_1770, %max3A_1811 : vector<16xf32>
        %exp3A_1847 = math.exp %sub3A_1846 : vector<16xf32>
        %add3A_1848 = arith.addf %add3A_1845, %exp3A_1847 : vector<16xf32>
        %sub3A_1849 = arith.subf %get3A_1777, %max3A_1811 : vector<16xf32>
        %exp3A_1850 = math.exp %sub3A_1849 : vector<16xf32>
        %add3A_1851 = arith.addf %add3A_1848, %exp3A_1850 : vector<16xf32>
        %sub3A_1852 = arith.subf %get3A_1784, %max3A_1811 : vector<16xf32>
        %exp3A_1853 = math.exp %sub3A_1852 : vector<16xf32>
        %add3A_1854 = arith.addf %add3A_1851, %exp3A_1853 : vector<16xf32>
        %sub3A_1855 = arith.subf %get3A_1791, %max3A_1811 : vector<16xf32>
        %exp3A_1856 = math.exp %sub3A_1855 : vector<16xf32>
        %add3A_1857 = arith.addf %add3A_1854, %exp3A_1856 : vector<16xf32>
        %sub3A_1858 = arith.subf %get3A_1798, %max3A_1811 : vector<16xf32>
        %exp3A_1859 = math.exp %sub3A_1858 : vector<16xf32>
        %add3A_1860 = arith.addf %add3A_1857, %exp3A_1859 : vector<16xf32>
        %sub3A_1861 = arith.subf %get3A_1805, %max3A_1811 : vector<16xf32>
        %exp3A_1862 = math.exp %sub3A_1861 : vector<16xf32>
        %add3A_1863 = arith.addf %add3A_1860, %exp3A_1862 : vector<16xf32>
        %mul3A_1864 = arith.constant 9.99999971E-10 : f32
        %mul3A_1865 = vector.broadcast %mul3A_1864 : f32 to vector<16xf32>
        %mul3A_1866 = arith.mulf %mul3A_1865, %add3A_1863 : vector<16xf32>
        %add3A_1867 = arith.constant 1.000000e+00 : f32
        %add3A_1868 = vector.broadcast %add3A_1867 : f32 to vector<16xf32>
        %add3A_1869 = arith.addf %add3A_1868, %mul3A_1866 : vector<16xf32>
        %div3A_1870 = arith.constant 1.000000e+00 : f32
        %div3A_1871 = vector.broadcast %div3A_1870 : f32 to vector<16xf32>
        %div3A_1872 = arith.divf %div3A_1871, %add3A_1869 : vector<16xf32>
        %mul3A_1873 = arith.constant 16 : i32
        %mul3A_1874 = arith.muli %scan3A_1748, %mul3A_1873 : i32
        %swap3A_1875 = arith.index_cast %mul3A_1874 : i32 to index
        %swap3A_1876 = tpu.vector_load %arg8[%swap3A_1875] {strides = array<i32>} : memref<2064xi32, #tpu.memory_space<vmem>>, vector<16xi32>,
        %swap3A_1877 = vector.shape_cast %swap3A_1876 : vector<16xi32> to vector<16xi32>
        %swap3A_1878 = vector.shape_cast %select_n3A_1841 : vector<16xi32> to vector<16xi32>
        tpu.vector_store %arg8[%swap3A_1875], %swap3A_1878 {strides = array<i32>} : memref<2064xi32, #tpu.memory_space<vmem>>, vector<16xi32>,
        %jit3A_1879 = arith.constant 8 : i32
        %div3A_1880 = arith.divsi %scan3A_1748, %jit3A_1879 : i32
        %sign3A_1881 = arith.constant 0 : i32
        %sign3A_1882 = arith.cmpi sgt, %scan3A_1748, %sign3A_1881 : i32
        %sign3A_1883 = arith.extui %sign3A_1882 : i1 to i32
        %sign3A_1884 = arith.constant 0 : i32
        %sign3A_1885 = arith.cmpi slt, %scan3A_1748, %sign3A_1884 : i32
        %sign3A_1886 = arith.extui %sign3A_1885 : i1 to i32
        %sign3A_1887 = arith.subi %sign3A_1883, %sign3A_1886 : i32
        %sign3A_1888 = arith.constant 0 : i32
        %sign3A_1889 = arith.cmpi sgt, %jit3A_1879, %sign3A_1888 : i32
        %sign3A_1890 = arith.extui %sign3A_1889 : i1 to i32
        %sign3A_1891 = arith.constant 0 : i32
        %sign3A_1892 = arith.cmpi slt, %jit3A_1879, %sign3A_1891 : i32
        %sign3A_1893 = arith.extui %sign3A_1892 : i1 to i32
        %sign3A_1894 = arith.subi %sign3A_1890, %sign3A_1893 : i32
        %ne3A_1895 = arith.cmpi ne, %sign3A_1887, %sign3A_1894 : i32
        %rem3A_1896 = arith.remsi %scan3A_1748, %jit3A_1879 : i32
        %ne3A_1897 = arith.constant 0 : i32
        %ne3A_1898 = arith.cmpi ne, %rem3A_1896, %ne3A_1897 : i32
        %and3A_1899 = arith.andi %ne3A_1895, %ne3A_1898 : i1
        %sub3A_1900 = arith.constant 1 : i32
        %sub3A_1901 = arith.subi %div3A_1880, %sub3A_1900 : i32
        %select_n3A_1902 = arith.select %and3A_1899, %sub3A_1901, %div3A_1880 : i32
        %jit3A_1903 = arith.constant 8 : i32
        %eq3A_1904 = arith.constant 0 : i32
        %eq3A_1905 = arith.cmpi eq, %jit3A_1903, %eq3A_1904 : i32
        %jit3A_1906 = arith.constant 1 : i32
        %select_n3A_1907 = arith.select %eq3A_1905, %jit3A_1906, %jit3A_1903 : i32
        %rem3A_1908 = arith.remsi %scan3A_1748, %select_n3A_1907 : i32
        %ne3A_1909 = arith.constant 0 : i32
        %ne3A_1910 = arith.cmpi ne, %rem3A_1908, %ne3A_1909 : i32
        %lt3A = arith.constant 0 : i32
        %lt3A_1911 = arith.cmpi slt, %rem3A_1908, %lt3A : i32
        %lt3A_1912 = arith.constant 0 : i32
        %lt3A_1913 = arith.cmpi slt, %select_n3A_1907, %lt3A_1912 : i32
        %ne3A_1914 = arith.xori %lt3A_1911, %lt3A_1913 : i1
        %and3A_1915 = arith.andi %ne3A_1914, %ne3A_1910 : i1
        %add3A_1916 = arith.addi %rem3A_1908, %select_n3A_1907 : i32
        %select_n3A_1917 = arith.select %and3A_1915, %add3A_1916, %rem3A_1908 : i32
        %mul3A_1918 = arith.constant 16 : i32
        %mul3A_1919 = arith.muli %select_n3A_1917, %mul3A_1918 : i32
        %swap3A_1920 = arith.index_cast %select_n3A_1902 : i32 to index
        %swap3A_1921 = arith.index_cast %mul3A_1919 : i32 to index
        %swap3A_1922 = tpu.vector_load %arg12[%swap3A_1920, %swap3A_1921] {strides = array<i32>} : memref<16x128xf32, #tpu.memory_space<vmem>>, vector<1x16xf32>,
        %swap3A_1923 = vector.shape_cast %swap3A_1922 : vector<1x16xf32> to vector<16xf32>
        %swap3A_1924 = vector.shape_cast %div3A_1872 : vector<16xf32> to vector<1x16xf32>
        tpu.vector_store %arg12[%swap3A_1920, %swap3A_1921], %swap3A_1924 {strides = array<i32>} : memref<16x128xf32, #tpu.memory_space<vmem>>, vector<1x16xf32>,
        %get3A_1925 = arith.constant 0 : index
        %get3A_1926 = tpu.vector_load %arg15[%get3A_1925] {strides = array<i32>} : memref<128xi32, #tpu.memory_space<vmem>>, vector<16xi32>,
        %get3A_1927 = vector.shape_cast %get3A_1926 : vector<16xi32> to vector<16xi32>
        %eq3A_1928 = arith.constant 0 : i32
        %eq3A_1929 = vector.broadcast %eq3A_1928 : i32 to vector<16xi32>
        %eq3A_1930 = arith.cmpi eq, %select_n3A_1841, %eq3A_1929 : vector<16xi32>
        %jit3A_1931 = arith.constant 1 : i32
        %jit3A_1932 = arith.constant 0 : i32
        %broadcast_in_dim3A_1933 = vector.broadcast %jit3A_1931 : i32 to vector<16xi32>
        %broadcast_in_dim3A_1934 = vector.broadcast %jit3A_1932 : i32 to vector<16xi32>
        %select_n3A_1935 = arith.select %eq3A_1930, %broadcast_in_dim3A_1933, %broadcast_in_dim3A_1934 : vector<16xi1>, vector<16xi32>
        %add3A_1936 = arith.addi %get3A_1927, %select_n3A_1935 : vector<16xi32>
        %swap3A_1937 = arith.constant 0 : index
        %swap3A_1938 = tpu.vector_load %arg15[%swap3A_1937] {strides = array<i32>} : memref<128xi32, #tpu.memory_space<vmem>>, vector<16xi32>,
        %swap3A_1939 = vector.shape_cast %swap3A_1938 : vector<16xi32> to vector<16xi32>
        %swap3A_1940 = vector.shape_cast %add3A_1936 : vector<16xi32> to vector<16xi32>
        tpu.vector_store %arg15[%swap3A_1937], %swap3A_1940 {strides = array<i32>} : memref<128xi32, #tpu.memory_space<vmem>>, vector<16xi32>,
        %get3A_1941 = arith.constant 16 : index
        %get3A_1942 = tpu.vector_load %arg15[%get3A_1941] {strides = array<i32>} : memref<128xi32, #tpu.memory_space<vmem>>, vector<16xi32>,
        %get3A_1943 = vector.shape_cast %get3A_1942 : vector<16xi32> to vector<16xi32>
        %eq3A_1944 = arith.constant 1 : i32
        %eq3A_1945 = vector.broadcast %eq3A_1944 : i32 to vector<16xi32>
        %eq3A_1946 = arith.cmpi eq, %select_n3A_1841, %eq3A_1945 : vector<16xi32>
        %jit3A_1947 = arith.constant 1 : i32
        %jit3A_1948 = arith.constant 0 : i32
        %broadcast_in_dim3A_1949 = vector.broadcast %jit3A_1947 : i32 to vector<16xi32>
        %broadcast_in_dim3A_1950 = vector.broadcast %jit3A_1948 : i32 to vector<16xi32>
        %select_n3A_1951 = arith.select %eq3A_1946, %broadcast_in_dim3A_1949, %broadcast_in_dim3A_1950 : vector<16xi1>, vector<16xi32>
        %add3A_1952 = arith.addi %get3A_1943, %select_n3A_1951 : vector<16xi32>
        %swap3A_1953 = arith.constant 16 : index
        %swap3A_1954 = tpu.vector_load %arg15[%swap3A_1953] {strides = array<i32>} : memref<128xi32, #tpu.memory_space<vmem>>, vector<16xi32>,
        %swap3A_1955 = vector.shape_cast %swap3A_1954 : vector<16xi32> to vector<16xi32>
        %swap3A_1956 = vector.shape_cast %add3A_1952 : vector<16xi32> to vector<16xi32>
        tpu.vector_store %arg15[%swap3A_1953], %swap3A_1956 {strides = array<i32>} : memref<128xi32, #tpu.memory_space<vmem>>, vector<16xi32>,
        %get3A_1957 = arith.constant 32 : index
        %get3A_1958 = tpu.vector_load %arg15[%get3A_1957] {strides = array<i32>} : memref<128xi32, #tpu.memory_space<vmem>>, vector<16xi32>,
        %get3A_1959 = vector.shape_cast %get3A_1958 : vector<16xi32> to vector<16xi32>
        %eq3A_1960 = arith.constant 2 : i32
        %eq3A_1961 = vector.broadcast %eq3A_1960 : i32 to vector<16xi32>
        %eq3A_1962 = arith.cmpi eq, %select_n3A_1841, %eq3A_1961 : vector<16xi32>
        %jit3A_1963 = arith.constant 1 : i32
        %jit3A_1964 = arith.constant 0 : i32
        %broadcast_in_dim3A_1965 = vector.broadcast %jit3A_1963 : i32 to vector<16xi32>
        %broadcast_in_dim3A_1966 = vector.broadcast %jit3A_1964 : i32 to vector<16xi32>
        %select_n3A_1967 = arith.select %eq3A_1962, %broadcast_in_dim3A_1965, %broadcast_in_dim3A_1966 : vector<16xi1>, vector<16xi32>
        %add3A_1968 = arith.addi %get3A_1959, %select_n3A_1967 : vector<16xi32>
        %swap3A_1969 = arith.constant 32 : index
        %swap3A_1970 = tpu.vector_load %arg15[%swap3A_1969] {strides = array<i32>} : memref<128xi32, #tpu.memory_space<vmem>>, vector<16xi32>,
        %swap3A_1971 = vector.shape_cast %swap3A_1970 : vector<16xi32> to vector<16xi32>
        %swap3A_1972 = vector.shape_cast %add3A_1968 : vector<16xi32> to vector<16xi32>
        tpu.vector_store %arg15[%swap3A_1969], %swap3A_1972 {strides = array<i32>} : memref<128xi32, #tpu.memory_space<vmem>>, vector<16xi32>,
        %get3A_1973 = arith.constant 48 : index
        %get3A_1974 = tpu.vector_load %arg15[%get3A_1973] {strides = array<i32>} : memref<128xi32, #tpu.memory_space<vmem>>, vector<16xi32>,
        %get3A_1975 = vector.shape_cast %get3A_1974 : vector<16xi32> to vector<16xi32>
        %eq3A_1976 = arith.constant 3 : i32
        %eq3A_1977 = vector.broadcast %eq3A_1976 : i32 to vector<16xi32>
        %eq3A_1978 = arith.cmpi eq, %select_n3A_1841, %eq3A_1977 : vector<16xi32>
        %jit3A_1979 = arith.constant 1 : i32
        %jit3A_1980 = arith.constant 0 : i32
        %broadcast_in_dim3A_1981 = vector.broadcast %jit3A_1979 : i32 to vector<16xi32>
        %broadcast_in_dim3A_1982 = vector.broadcast %jit3A_1980 : i32 to vector<16xi32>
        %select_n3A_1983 = arith.select %eq3A_1978, %broadcast_in_dim3A_1981, %broadcast_in_dim3A_1982 : vector<16xi1>, vector<16xi32>
        %add3A_1984 = arith.addi %get3A_1975, %select_n3A_1983 : vector<16xi32>
        %swap3A_1985 = arith.constant 48 : index
        %swap3A_1986 = tpu.vector_load %arg15[%swap3A_1985] {strides = array<i32>} : memref<128xi32, #tpu.memory_space<vmem>>, vector<16xi32>,
        %swap3A_1987 = vector.shape_cast %swap3A_1986 : vector<16xi32> to vector<16xi32>
        %swap3A_1988 = vector.shape_cast %add3A_1984 : vector<16xi32> to vector<16xi32>
        tpu.vector_store %arg15[%swap3A_1985], %swap3A_1988 {strides = array<i32>} : memref<128xi32, #tpu.memory_space<vmem>>, vector<16xi32>,
        %get3A_1989 = arith.constant 64 : index
        %get3A_1990 = tpu.vector_load %arg15[%get3A_1989] {strides = array<i32>} : memref<128xi32, #tpu.memory_space<vmem>>, vector<16xi32>,
        %get3A_1991 = vector.shape_cast %get3A_1990 : vector<16xi32> to vector<16xi32>
        %eq3A_1992 = arith.constant 4 : i32
        %eq3A_1993 = vector.broadcast %eq3A_1992 : i32 to vector<16xi32>
        %eq3A_1994 = arith.cmpi eq, %select_n3A_1841, %eq3A_1993 : vector<16xi32>
        %jit3A_1995 = arith.constant 1 : i32
        %jit3A_1996 = arith.constant 0 : i32
        %broadcast_in_dim3A_1997 = vector.broadcast %jit3A_1995 : i32 to vector<16xi32>
        %broadcast_in_dim3A_1998 = vector.broadcast %jit3A_1996 : i32 to vector<16xi32>
        %select_n3A_1999 = arith.select %eq3A_1994, %broadcast_in_dim3A_1997, %broadcast_in_dim3A_1998 : vector<16xi1>, vector<16xi32>
        %add3A_2000 = arith.addi %get3A_1991, %select_n3A_1999 : vector<16xi32>
        %swap3A_2001 = arith.constant 64 : index
        %swap3A_2002 = tpu.vector_load %arg15[%swap3A_2001] {strides = array<i32>} : memref<128xi32, #tpu.memory_space<vmem>>, vector<16xi32>,
        %swap3A_2003 = vector.shape_cast %swap3A_2002 : vector<16xi32> to vector<16xi32>
        %swap3A_2004 = vector.shape_cast %add3A_2000 : vector<16xi32> to vector<16xi32>
        tpu.vector_store %arg15[%swap3A_2001], %swap3A_2004 {strides = array<i32>} : memref<128xi32, #tpu.memory_space<vmem>>, vector<16xi32>,
        %get3A_2005 = arith.constant 80 : index
        %get3A_2006 = tpu.vector_load %arg15[%get3A_2005] {strides = array<i32>} : memref<128xi32, #tpu.memory_space<vmem>>, vector<16xi32>,
        %get3A_2007 = vector.shape_cast %get3A_2006 : vector<16xi32> to vector<16xi32>
        %eq3A_2008 = arith.constant 5 : i32
        %eq3A_2009 = vector.broadcast %eq3A_2008 : i32 to vector<16xi32>
        %eq3A_2010 = arith.cmpi eq, %select_n3A_1841, %eq3A_2009 : vector<16xi32>
        %jit3A_2011 = arith.constant 1 : i32
        %jit3A_2012 = arith.constant 0 : i32
        %broadcast_in_dim3A_2013 = vector.broadcast %jit3A_2011 : i32 to vector<16xi32>
        %broadcast_in_dim3A_2014 = vector.broadcast %jit3A_2012 : i32 to vector<16xi32>
        %select_n3A_2015 = arith.select %eq3A_2010, %broadcast_in_dim3A_2013, %broadcast_in_dim3A_2014 : vector<16xi1>, vector<16xi32>
        %add3A_2016 = arith.addi %get3A_2007, %select_n3A_2015 : vector<16xi32>
        %swap3A_2017 = arith.constant 80 : index
        %swap3A_2018 = tpu.vector_load %arg15[%swap3A_2017] {strides = array<i32>} : memref<128xi32, #tpu.memory_space<vmem>>, vector<16xi32>,
        %swap3A_2019 = vector.shape_cast %swap3A_2018 : vector<16xi32> to vector<16xi32>
        %swap3A_2020 = vector.shape_cast %add3A_2016 : vector<16xi32> to vector<16xi32>
        tpu.vector_store %arg15[%swap3A_2017], %swap3A_2020 {strides = array<i32>} : memref<128xi32, #tpu.memory_space<vmem>>, vector<16xi32>,
        %get3A_2021 = arith.constant 96 : index
        %get3A_2022 = tpu.vector_load %arg15[%get3A_2021] {strides = array<i32>} : memref<128xi32, #tpu.memory_space<vmem>>, vector<16xi32>,
        %get3A_2023 = vector.shape_cast %get3A_2022 : vector<16xi32> to vector<16xi32>
        %eq3A_2024 = arith.constant 6 : i32
        %eq3A_2025 = vector.broadcast %eq3A_2024 : i32 to vector<16xi32>
        %eq3A_2026 = arith.cmpi eq, %select_n3A_1841, %eq3A_2025 : vector<16xi32>
        %jit3A_2027 = arith.constant 1 : i32
        %jit3A_2028 = arith.constant 0 : i32
        %broadcast_in_dim3A_2029 = vector.broadcast %jit3A_2027 : i32 to vector<16xi32>
        %broadcast_in_dim3A_2030 = vector.broadcast %jit3A_2028 : i32 to vector<16xi32>
        %select_n3A_2031 = arith.select %eq3A_2026, %broadcast_in_dim3A_2029, %broadcast_in_dim3A_2030 : vector<16xi1>, vector<16xi32>
        %add3A_2032 = arith.addi %get3A_2023, %select_n3A_2031 : vector<16xi32>
        %swap3A_2033 = arith.constant 96 : index
        %swap3A_2034 = tpu.vector_load %arg15[%swap3A_2033] {strides = array<i32>} : memref<128xi32, #tpu.memory_space<vmem>>, vector<16xi32>,
        %swap3A_2035 = vector.shape_cast %swap3A_2034 : vector<16xi32> to vector<16xi32>
        %swap3A_2036 = vector.shape_cast %add3A_2032 : vector<16xi32> to vector<16xi32>
        tpu.vector_store %arg15[%swap3A_2033], %swap3A_2036 {strides = array<i32>} : memref<128xi32, #tpu.memory_space<vmem>>, vector<16xi32>,
        %get3A_2037 = arith.constant 112 : index
        %get3A_2038 = tpu.vector_load %arg15[%get3A_2037] {strides = array<i32>} : memref<128xi32, #tpu.memory_space<vmem>>, vector<16xi32>,
        %get3A_2039 = vector.shape_cast %get3A_2038 : vector<16xi32> to vector<16xi32>
        %eq3A_2040 = arith.constant 7 : i32
        %eq3A_2041 = vector.broadcast %eq3A_2040 : i32 to vector<16xi32>
        %eq3A_2042 = arith.cmpi eq, %select_n3A_1841, %eq3A_2041 : vector<16xi32>
        %jit3A_2043 = arith.constant 1 : i32
        %jit3A_2044 = arith.constant 0 : i32
        %broadcast_in_dim3A_2045 = vector.broadcast %jit3A_2043 : i32 to vector<16xi32>
        %broadcast_in_dim3A_2046 = vector.broadcast %jit3A_2044 : i32 to vector<16xi32>
        %select_n3A_2047 = arith.select %eq3A_2042, %broadcast_in_dim3A_2045, %broadcast_in_dim3A_2046 : vector<16xi1>, vector<16xi32>
        %add3A_2048 = arith.addi %get3A_2039, %select_n3A_2047 : vector<16xi32>
        %swap3A_2049 = arith.constant 112 : index
        %swap3A_2050 = tpu.vector_load %arg15[%swap3A_2049] {strides = array<i32>} : memref<128xi32, #tpu.memory_space<vmem>>, vector<16xi32>,
        %swap3A_2051 = vector.shape_cast %swap3A_2050 : vector<16xi32> to vector<16xi32>
        %swap3A_2052 = vector.shape_cast %add3A_2048 : vector<16xi32> to vector<16xi32>
        tpu.vector_store %arg15[%swap3A_2049], %swap3A_2052 {strides = array<i32>} : memref<128xi32, #tpu.memory_space<vmem>>, vector<16xi32>,
        %scan3A_2053 = arith.constant 0 : i32
        scf.yield %scan3A_2053 : i32
      }
      %scan3A_61 = arith.constant 128 : i32
      %get3A = arith.constant 0 : index
      %get3A_62 = tpu.vector_load %arg15[%get3A] {strides = array<i32>} : memref<128xi32, #tpu.memory_space<vmem>>, vector<16xi32>,
      %get3A_63 = vector.shape_cast %get3A_62 : vector<16xi32> to vector<16xi32>
      %slice3A = vector.extract_strided_slice %get3A_63 {offsets = [0], sizes = [1], strides = [1]} : vector<16xi32> to vector<1xi32>
      %squeeze3A = vector.extract %slice3A[0] : i32 from vector<1xi32>
      %slice3A_64 = vector.extract_strided_slice %get3A_63 {offsets = [1], sizes = [1], strides = [1]} : vector<16xi32> to vector<1xi32>
      %squeeze3A_65 = vector.extract %slice3A_64[0] : i32 from vector<1xi32>
      %add3A_66 = arith.addi %squeeze3A, %squeeze3A_65 : i32
      %slice3A_67 = vector.extract_strided_slice %get3A_63 {offsets = [2], sizes = [1], strides = [1]} : vector<16xi32> to vector<1xi32>
      %squeeze3A_68 = vector.extract %slice3A_67[0] : i32 from vector<1xi32>
      %add3A_69 = arith.addi %add3A_66, %squeeze3A_68 : i32
      %slice3A_70 = vector.extract_strided_slice %get3A_63 {offsets = [3], sizes = [1], strides = [1]} : vector<16xi32> to vector<1xi32>
      %squeeze3A_71 = vector.extract %slice3A_70[0] : i32 from vector<1xi32>
      %add3A_72 = arith.addi %add3A_69, %squeeze3A_71 : i32
      %slice3A_73 = vector.extract_strided_slice %get3A_63 {offsets = [4], sizes = [1], strides = [1]} : vector<16xi32> to vector<1xi32>
      %squeeze3A_74 = vector.extract %slice3A_73[0] : i32 from vector<1xi32>
      %add3A_75 = arith.addi %add3A_72, %squeeze3A_74 : i32
      %slice3A_76 = vector.extract_strided_slice %get3A_63 {offsets = [5], sizes = [1], strides = [1]} : vector<16xi32> to vector<1xi32>
      %squeeze3A_77 = vector.extract %slice3A_76[0] : i32 from vector<1xi32>
      %add3A_78 = arith.addi %add3A_75, %squeeze3A_77 : i32
      %slice3A_79 = vector.extract_strided_slice %get3A_63 {offsets = [6], sizes = [1], strides = [1]} : vector<16xi32> to vector<1xi32>
      %squeeze3A_80 = vector.extract %slice3A_79[0] : i32 from vector<1xi32>
      %add3A_81 = arith.addi %add3A_78, %squeeze3A_80 : i32
      %slice3A_82 = vector.extract_strided_slice %get3A_63 {offsets = [7], sizes = [1], strides = [1]} : vector<16xi32> to vector<1xi32>
      %squeeze3A_83 = vector.extract %slice3A_82[0] : i32 from vector<1xi32>
      %add3A_84 = arith.addi %add3A_81, %squeeze3A_83 : i32
      %slice3A_85 = vector.extract_strided_slice %get3A_63 {offsets = [8], sizes = [1], strides = [1]} : vector<16xi32> to vector<1xi32>
      %squeeze3A_86 = vector.extract %slice3A_85[0] : i32 from vector<1xi32>
      %add3A_87 = arith.addi %add3A_84, %squeeze3A_86 : i32
      %slice3A_88 = vector.extract_strided_slice %get3A_63 {offsets = [9], sizes = [1], strides = [1]} : vector<16xi32> to vector<1xi32>
      %squeeze3A_89 = vector.extract %slice3A_88[0] : i32 from vector<1xi32>
      %add3A_90 = arith.addi %add3A_87, %squeeze3A_89 : i32
      %slice3A_91 = vector.extract_strided_slice %get3A_63 {offsets = [10], sizes = [1], strides = [1]} : vector<16xi32> to vector<1xi32>
      %squeeze3A_92 = vector.extract %slice3A_91[0] : i32 from vector<1xi32>
      %add3A_93 = arith.addi %add3A_90, %squeeze3A_92 : i32
      %slice3A_94 = vector.extract_strided_slice %get3A_63 {offsets = [11], sizes = [1], strides = [1]} : vector<16xi32> to vector<1xi32>
      %squeeze3A_95 = vector.extract %slice3A_94[0] : i32 from vector<1xi32>
      %add3A_96 = arith.addi %add3A_93, %squeeze3A_95 : i32
      %slice3A_97 = vector.extract_strided_slice %get3A_63 {offsets = [12], sizes = [1], strides = [1]} : vector<16xi32> to vector<1xi32>
      %squeeze3A_98 = vector.extract %slice3A_97[0] : i32 from vector<1xi32>
      %add3A_99 = arith.addi %add3A_96, %squeeze3A_98 : i32
      %slice3A_100 = vector.extract_strided_slice %get3A_63 {offsets = [13], sizes = [1], strides = [1]} : vector<16xi32> to vector<1xi32>
      %squeeze3A_101 = vector.extract %slice3A_100[0] : i32 from vector<1xi32>
      %add3A_102 = arith.addi %add3A_99, %squeeze3A_101 : i32
      %slice3A_103 = vector.extract_strided_slice %get3A_63 {offsets = [14], sizes = [1], strides = [1]} : vector<16xi32> to vector<1xi32>
      %squeeze3A_104 = vector.extract %slice3A_103[0] : i32 from vector<1xi32>
      %add3A_105 = arith.addi %add3A_102, %squeeze3A_104 : i32
      %slice3A_106 = vector.extract_strided_slice %get3A_63 {offsets = [15], sizes = [1], strides = [1]} : vector<16xi32> to vector<1xi32>
      %squeeze3A_107 = vector.extract %slice3A_106[0] : i32 from vector<1xi32>
      %add3A_108 = arith.addi %add3A_105, %squeeze3A_107 : i32
      %swap3A_109 = arith.constant 0 : i32
      %swap3A_110 = arith.index_cast %swap3A_109 : i32 to index
      %swap3A_111 = memref.load %arg16[%swap3A_110] : memref<32xi32, #tpu.memory_space<smem>>
      memref.store %add3A_108, %arg16[%swap3A_110] : memref<32xi32, #tpu.memory_space<smem>>
      %get3A_112 = arith.constant 16 : index
      %get3A_113 = tpu.vector_load %arg15[%get3A_112] {strides = array<i32>} : memref<128xi32, #tpu.memory_space<vmem>>, vector<16xi32>,
      %get3A_114 = vector.shape_cast %get3A_113 : vector<16xi32> to vector<16xi32>
      %slice3A_115 = vector.extract_strided_slice %get3A_114 {offsets = [0], sizes = [1], strides = [1]} : vector<16xi32> to vector<1xi32>
      %squeeze3A_116 = vector.extract %slice3A_115[0] : i32 from vector<1xi32>
      %slice3A_117 = vector.extract_strided_slice %get3A_114 {offsets = [1], sizes = [1], strides = [1]} : vector<16xi32> to vector<1xi32>
      %squeeze3A_118 = vector.extract %slice3A_117[0] : i32 from vector<1xi32>
      %add3A_119 = arith.addi %squeeze3A_116, %squeeze3A_118 : i32
      %slice3A_120 = vector.extract_strided_slice %get3A_114 {offsets = [2], sizes = [1], strides = [1]} : vector<16xi32> to vector<1xi32>
      %squeeze3A_121 = vector.extract %slice3A_120[0] : i32 from vector<1xi32>
      %add3A_122 = arith.addi %add3A_119, %squeeze3A_121 : i32
      %slice3A_123 = vector.extract_strided_slice %get3A_114 {offsets = [3], sizes = [1], strides = [1]} : vector<16xi32> to vector<1xi32>
      %squeeze3A_124 = vector.extract %slice3A_123[0] : i32 from vector<1xi32>
      %add3A_125 = arith.addi %add3A_122, %squeeze3A_124 : i32
      %slice3A_126 = vector.extract_strided_slice %get3A_114 {offsets = [4], sizes = [1], strides = [1]} : vector<16xi32> to vector<1xi32>
      %squeeze3A_127 = vector.extract %slice3A_126[0] : i32 from vector<1xi32>
      %add3A_128 = arith.addi %add3A_125, %squeeze3A_127 : i32
      %slice3A_129 = vector.extract_strided_slice %get3A_114 {offsets = [5], sizes = [1], strides = [1]} : vector<16xi32> to vector<1xi32>
      %squeeze3A_130 = vector.extract %slice3A_129[0] : i32 from vector<1xi32>
      %add3A_131 = arith.addi %add3A_128, %squeeze3A_130 : i32
      %slice3A_132 = vector.extract_strided_slice %get3A_114 {offsets = [6], sizes = [1], strides = [1]} : vector<16xi32> to vector<1xi32>
      %squeeze3A_133 = vector.extract %slice3A_132[0] : i32 from vector<1xi32>
      %add3A_134 = arith.addi %add3A_131, %squeeze3A_133 : i32
      %slice3A_135 = vector.extract_strided_slice %get3A_114 {offsets = [7], sizes = [1], strides = [1]} : vector<16xi32> to vector<1xi32>
      %squeeze3A_136 = vector.extract %slice3A_135[0] : i32 from vector<1xi32>
      %add3A_137 = arith.addi %add3A_134, %squeeze3A_136 : i32
      %slice3A_138 = vector.extract_strided_slice %get3A_114 {offsets = [8], sizes = [1], strides = [1]} : vector<16xi32> to vector<1xi32>
      %squeeze3A_139 = vector.extract %slice3A_138[0] : i32 from vector<1xi32>
      %add3A_140 = arith.addi %add3A_137, %squeeze3A_139 : i32
      %slice3A_141 = vector.extract_strided_slice %get3A_114 {offsets = [9], sizes = [1], strides = [1]} : vector<16xi32> to vector<1xi32>
      %squeeze3A_142 = vector.extract %slice3A_141[0] : i32 from vector<1xi32>
      %add3A_143 = arith.addi %add3A_140, %squeeze3A_142 : i32
      %slice3A_144 = vector.extract_strided_slice %get3A_114 {offsets = [10], sizes = [1], strides = [1]} : vector<16xi32> to vector<1xi32>
      %squeeze3A_145 = vector.extract %slice3A_144[0] : i32 from vector<1xi32>
      %add3A_146 = arith.addi %add3A_143, %squeeze3A_145 : i32
      %slice3A_147 = vector.extract_strided_slice %get3A_114 {offsets = [11], sizes = [1], strides = [1]} : vector<16xi32> to vector<1xi32>
      %squeeze3A_148 = vector.extract %slice3A_147[0] : i32 from vector<1xi32>
      %add3A_149 = arith.addi %add3A_146, %squeeze3A_148 : i32
      %slice3A_150 = vector.extract_strided_slice %get3A_114 {offsets = [12], sizes = [1], strides = [1]} : vector<16xi32> to vector<1xi32>
      %squeeze3A_151 = vector.extract %slice3A_150[0] : i32 from vector<1xi32>
      %add3A_152 = arith.addi %add3A_149, %squeeze3A_151 : i32
      %slice3A_153 = vector.extract_strided_slice %get3A_114 {offsets = [13], sizes = [1], strides = [1]} : vector<16xi32> to vector<1xi32>
      %squeeze3A_154 = vector.extract %slice3A_153[0] : i32 from vector<1xi32>
      %add3A_155 = arith.addi %add3A_152, %squeeze3A_154 : i32
      %slice3A_156 = vector.extract_strided_slice %get3A_114 {offsets = [14], sizes = [1], strides = [1]} : vector<16xi32> to vector<1xi32>
      %squeeze3A_157 = vector.extract %slice3A_156[0] : i32 from vector<1xi32>
      %add3A_158 = arith.addi %add3A_155, %squeeze3A_157 : i32
      %slice3A_159 = vector.extract_strided_slice %get3A_114 {offsets = [15], sizes = [1], strides = [1]} : vector<16xi32> to vector<1xi32>
      %squeeze3A_160 = vector.extract %slice3A_159[0] : i32 from vector<1xi32>
      %add3A_161 = arith.addi %add3A_158, %squeeze3A_160 : i32
      %swap3A_162 = arith.constant 1 : i32
      %swap3A_163 = arith.index_cast %swap3A_162 : i32 to index
      %swap3A_164 = memref.load %arg16[%swap3A_163] : memref<32xi32, #tpu.memory_space<smem>>
      memref.store %add3A_161, %arg16[%swap3A_163] : memref<32xi32, #tpu.memory_space<smem>>
      %get3A_165 = arith.constant 32 : index
      %get3A_166 = tpu.vector_load %arg15[%get3A_165] {strides = array<i32>} : memref<128xi32, #tpu.memory_space<vmem>>, vector<16xi32>,
      %get3A_167 = vector.shape_cast %get3A_166 : vector<16xi32> to vector<16xi32>
      %slice3A_168 = vector.extract_strided_slice %get3A_167 {offsets = [0], sizes = [1], strides = [1]} : vector<16xi32> to vector<1xi32>
      %squeeze3A_169 = vector.extract %slice3A_168[0] : i32 from vector<1xi32>
      %slice3A_170 = vector.extract_strided_slice %get3A_167 {offsets = [1], sizes = [1], strides = [1]} : vector<16xi32> to vector<1xi32>
      %squeeze3A_171 = vector.extract %slice3A_170[0] : i32 from vector<1xi32>
      %add3A_172 = arith.addi %squeeze3A_169, %squeeze3A_171 : i32
      %slice3A_173 = vector.extract_strided_slice %get3A_167 {offsets = [2], sizes = [1], strides = [1]} : vector<16xi32> to vector<1xi32>
      %squeeze3A_174 = vector.extract %slice3A_173[0] : i32 from vector<1xi32>
      %add3A_175 = arith.addi %add3A_172, %squeeze3A_174 : i32
      %slice3A_176 = vector.extract_strided_slice %get3A_167 {offsets = [3], sizes = [1], strides = [1]} : vector<16xi32> to vector<1xi32>
      %squeeze3A_177 = vector.extract %slice3A_176[0] : i32 from vector<1xi32>
      %add3A_178 = arith.addi %add3A_175, %squeeze3A_177 : i32
      %slice3A_179 = vector.extract_strided_slice %get3A_167 {offsets = [4], sizes = [1], strides = [1]} : vector<16xi32> to vector<1xi32>
      %squeeze3A_180 = vector.extract %slice3A_179[0] : i32 from vector<1xi32>
      %add3A_181 = arith.addi %add3A_178, %squeeze3A_180 : i32
      %slice3A_182 = vector.extract_strided_slice %get3A_167 {offsets = [5], sizes = [1], strides = [1]} : vector<16xi32> to vector<1xi32>
      %squeeze3A_183 = vector.extract %slice3A_182[0] : i32 from vector<1xi32>
      %add3A_184 = arith.addi %add3A_181, %squeeze3A_183 : i32
      %slice3A_185 = vector.extract_strided_slice %get3A_167 {offsets = [6], sizes = [1], strides = [1]} : vector<16xi32> to vector<1xi32>
      %squeeze3A_186 = vector.extract %slice3A_185[0] : i32 from vector<1xi32>
      %add3A_187 = arith.addi %add3A_184, %squeeze3A_186 : i32
      %slice3A_188 = vector.extract_strided_slice %get3A_167 {offsets = [7], sizes = [1], strides = [1]} : vector<16xi32> to vector<1xi32>
      %squeeze3A_189 = vector.extract %slice3A_188[0] : i32 from vector<1xi32>
      %add3A_190 = arith.addi %add3A_187, %squeeze3A_189 : i32
      %slice3A_191 = vector.extract_strided_slice %get3A_167 {offsets = [8], sizes = [1], strides = [1]} : vector<16xi32> to vector<1xi32>
      %squeeze3A_192 = vector.extract %slice3A_191[0] : i32 from vector<1xi32>
      %add3A_193 = arith.addi %add3A_190, %squeeze3A_192 : i32
      %slice3A_194 = vector.extract_strided_slice %get3A_167 {offsets = [9], sizes = [1], strides = [1]} : vector<16xi32> to vector<1xi32>
      %squeeze3A_195 = vector.extract %slice3A_194[0] : i32 from vector<1xi32>
      %add3A_196 = arith.addi %add3A_193, %squeeze3A_195 : i32
      %slice3A_197 = vector.extract_strided_slice %get3A_167 {offsets = [10], sizes = [1], strides = [1]} : vector<16xi32> to vector<1xi32>
      %squeeze3A_198 = vector.extract %slice3A_197[0] : i32 from vector<1xi32>
      %add3A_199 = arith.addi %add3A_196, %squeeze3A_198 : i32
      %slice3A_200 = vector.extract_strided_slice %get3A_167 {offsets = [11], sizes = [1], strides = [1]} : vector<16xi32> to vector<1xi32>
      %squeeze3A_201 = vector.extract %slice3A_200[0] : i32 from vector<1xi32>
      %add3A_202 = arith.addi %add3A_199, %squeeze3A_201 : i32
      %slice3A_203 = vector.extract_strided_slice %get3A_167 {offsets = [12], sizes = [1], strides = [1]} : vector<16xi32> to vector<1xi32>
      %squeeze3A_204 = vector.extract %slice3A_203[0] : i32 from vector<1xi32>
      %add3A_205 = arith.addi %add3A_202, %squeeze3A_204 : i32
      %slice3A_206 = vector.extract_strided_slice %get3A_167 {offsets = [13], sizes = [1], strides = [1]} : vector<16xi32> to vector<1xi32>
      %squeeze3A_207 = vector.extract %slice3A_206[0] : i32 from vector<1xi32>
      %add3A_208 = arith.addi %add3A_205, %squeeze3A_207 : i32
      %slice3A_209 = vector.extract_strided_slice %get3A_167 {offsets = [14], sizes = [1], strides = [1]} : vector<16xi32> to vector<1xi32>
      %squeeze3A_210 = vector.extract %slice3A_209[0] : i32 from vector<1xi32>
      %add3A_211 = arith.addi %add3A_208, %squeeze3A_210 : i32
      %slice3A_212 = vector.extract_strided_slice %get3A_167 {offsets = [15], sizes = [1], strides = [1]} : vector<16xi32> to vector<1xi32>
      %squeeze3A_213 = vector.extract %slice3A_212[0] : i32 from vector<1xi32>
      %add3A_214 = arith.addi %add3A_211, %squeeze3A_213 : i32
      %swap3A_215 = arith.constant 2 : i32
      %swap3A_216 = arith.index_cast %swap3A_215 : i32 to index
      %swap3A_217 = memref.load %arg16[%swap3A_216] : memref<32xi32, #tpu.memory_space<smem>>
      memref.store %add3A_214, %arg16[%swap3A_216] : memref<32xi32, #tpu.memory_space<smem>>
      %get3A_218 = arith.constant 48 : index
      %get3A_219 = tpu.vector_load %arg15[%get3A_218] {strides = array<i32>} : memref<128xi32, #tpu.memory_space<vmem>>, vector<16xi32>,
      %get3A_220 = vector.shape_cast %get3A_219 : vector<16xi32> to vector<16xi32>
      %slice3A_221 = vector.extract_strided_slice %get3A_220 {offsets = [0], sizes = [1], strides = [1]} : vector<16xi32> to vector<1xi32>
      %squeeze3A_222 = vector.extract %slice3A_221[0] : i32 from vector<1xi32>
      %slice3A_223 = vector.extract_strided_slice %get3A_220 {offsets = [1], sizes = [1], strides = [1]} : vector<16xi32> to vector<1xi32>
      %squeeze3A_224 = vector.extract %slice3A_223[0] : i32 from vector<1xi32>
      %add3A_225 = arith.addi %squeeze3A_222, %squeeze3A_224 : i32
      %slice3A_226 = vector.extract_strided_slice %get3A_220 {offsets = [2], sizes = [1], strides = [1]} : vector<16xi32> to vector<1xi32>
      %squeeze3A_227 = vector.extract %slice3A_226[0] : i32 from vector<1xi32>
      %add3A_228 = arith.addi %add3A_225, %squeeze3A_227 : i32
      %slice3A_229 = vector.extract_strided_slice %get3A_220 {offsets = [3], sizes = [1], strides = [1]} : vector<16xi32> to vector<1xi32>
      %squeeze3A_230 = vector.extract %slice3A_229[0] : i32 from vector<1xi32>
      %add3A_231 = arith.addi %add3A_228, %squeeze3A_230 : i32
      %slice3A_232 = vector.extract_strided_slice %get3A_220 {offsets = [4], sizes = [1], strides = [1]} : vector<16xi32> to vector<1xi32>
      %squeeze3A_233 = vector.extract %slice3A_232[0] : i32 from vector<1xi32>
      %add3A_234 = arith.addi %add3A_231, %squeeze3A_233 : i32
      %slice3A_235 = vector.extract_strided_slice %get3A_220 {offsets = [5], sizes = [1], strides = [1]} : vector<16xi32> to vector<1xi32>
      %squeeze3A_236 = vector.extract %slice3A_235[0] : i32 from vector<1xi32>
      %add3A_237 = arith.addi %add3A_234, %squeeze3A_236 : i32
      %slice3A_238 = vector.extract_strided_slice %get3A_220 {offsets = [6], sizes = [1], strides = [1]} : vector<16xi32> to vector<1xi32>
      %squeeze3A_239 = vector.extract %slice3A_238[0] : i32 from vector<1xi32>
      %add3A_240 = arith.addi %add3A_237, %squeeze3A_239 : i32
      %slice3A_241 = vector.extract_strided_slice %get3A_220 {offsets = [7], sizes = [1], strides = [1]} : vector<16xi32> to vector<1xi32>
      %squeeze3A_242 = vector.extract %slice3A_241[0] : i32 from vector<1xi32>
      %add3A_243 = arith.addi %add3A_240, %squeeze3A_242 : i32
      %slice3A_244 = vector.extract_strided_slice %get3A_220 {offsets = [8], sizes = [1], strides = [1]} : vector<16xi32> to vector<1xi32>
      %squeeze3A_245 = vector.extract %slice3A_244[0] : i32 from vector<1xi32>
      %add3A_246 = arith.addi %add3A_243, %squeeze3A_245 : i32
      %slice3A_247 = vector.extract_strided_slice %get3A_220 {offsets = [9], sizes = [1], strides = [1]} : vector<16xi32> to vector<1xi32>
      %squeeze3A_248 = vector.extract %slice3A_247[0] : i32 from vector<1xi32>
      %add3A_249 = arith.addi %add3A_246, %squeeze3A_248 : i32
      %slice3A_250 = vector.extract_strided_slice %get3A_220 {offsets = [10], sizes = [1], strides = [1]} : vector<16xi32> to vector<1xi32>
      %squeeze3A_251 = vector.extract %slice3A_250[0] : i32 from vector<1xi32>
      %add3A_252 = arith.addi %add3A_249, %squeeze3A_251 : i32
      %slice3A_253 = vector.extract_strided_slice %get3A_220 {offsets = [11], sizes = [1], strides = [1]} : vector<16xi32> to vector<1xi32>
      %squeeze3A_254 = vector.extract %slice3A_253[0] : i32 from vector<1xi32>
      %add3A_255 = arith.addi %add3A_252, %squeeze3A_254 : i32
      %slice3A_256 = vector.extract_strided_slice %get3A_220 {offsets = [12], sizes = [1], strides = [1]} : vector<16xi32> to vector<1xi32>
      %squeeze3A_257 = vector.extract %slice3A_256[0] : i32 from vector<1xi32>
      %add3A_258 = arith.addi %add3A_255, %squeeze3A_257 : i32
      %slice3A_259 = vector.extract_strided_slice %get3A_220 {offsets = [13], sizes = [1], strides = [1]} : vector<16xi32> to vector<1xi32>
      %squeeze3A_260 = vector.extract %slice3A_259[0] : i32 from vector<1xi32>
      %add3A_261 = arith.addi %add3A_258, %squeeze3A_260 : i32
      %slice3A_262 = vector.extract_strided_slice %get3A_220 {offsets = [14], sizes = [1], strides = [1]} : vector<16xi32> to vector<1xi32>
      %squeeze3A_263 = vector.extract %slice3A_262[0] : i32 from vector<1xi32>
      %add3A_264 = arith.addi %add3A_261, %squeeze3A_263 : i32
      %slice3A_265 = vector.extract_strided_slice %get3A_220 {offsets = [15], sizes = [1], strides = [1]} : vector<16xi32> to vector<1xi32>
      %squeeze3A_266 = vector.extract %slice3A_265[0] : i32 from vector<1xi32>
      %add3A_267 = arith.addi %add3A_264, %squeeze3A_266 : i32
      %swap3A_268 = arith.constant 3 : i32
      %swap3A_269 = arith.index_cast %swap3A_268 : i32 to index
      %swap3A_270 = memref.load %arg16[%swap3A_269] : memref<32xi32, #tpu.memory_space<smem>>
      memref.store %add3A_267, %arg16[%swap3A_269] : memref<32xi32, #tpu.memory_space<smem>>
      %get3A_271 = arith.constant 64 : index
      %get3A_272 = tpu.vector_load %arg15[%get3A_271] {strides = array<i32>} : memref<128xi32, #tpu.memory_space<vmem>>, vector<16xi32>,
      %get3A_273 = vector.shape_cast %get3A_272 : vector<16xi32> to vector<16xi32>
      %slice3A_274 = vector.extract_strided_slice %get3A_273 {offsets = [0], sizes = [1], strides = [1]} : vector<16xi32> to vector<1xi32>
      %squeeze3A_275 = vector.extract %slice3A_274[0] : i32 from vector<1xi32>
      %slice3A_276 = vector.extract_strided_slice %get3A_273 {offsets = [1], sizes = [1], strides = [1]} : vector<16xi32> to vector<1xi32>
      %squeeze3A_277 = vector.extract %slice3A_276[0] : i32 from vector<1xi32>
      %add3A_278 = arith.addi %squeeze3A_275, %squeeze3A_277 : i32
      %slice3A_279 = vector.extract_strided_slice %get3A_273 {offsets = [2], sizes = [1], strides = [1]} : vector<16xi32> to vector<1xi32>
      %squeeze3A_280 = vector.extract %slice3A_279[0] : i32 from vector<1xi32>
      %add3A_281 = arith.addi %add3A_278, %squeeze3A_280 : i32
      %slice3A_282 = vector.extract_strided_slice %get3A_273 {offsets = [3], sizes = [1], strides = [1]} : vector<16xi32> to vector<1xi32>
      %squeeze3A_283 = vector.extract %slice3A_282[0] : i32 from vector<1xi32>
      %add3A_284 = arith.addi %add3A_281, %squeeze3A_283 : i32
      %slice3A_285 = vector.extract_strided_slice %get3A_273 {offsets = [4], sizes = [1], strides = [1]} : vector<16xi32> to vector<1xi32>
      %squeeze3A_286 = vector.extract %slice3A_285[0] : i32 from vector<1xi32>
      %add3A_287 = arith.addi %add3A_284, %squeeze3A_286 : i32
      %slice3A_288 = vector.extract_strided_slice %get3A_273 {offsets = [5], sizes = [1], strides = [1]} : vector<16xi32> to vector<1xi32>
      %squeeze3A_289 = vector.extract %slice3A_288[0] : i32 from vector<1xi32>
      %add3A_290 = arith.addi %add3A_287, %squeeze3A_289 : i32
      %slice3A_291 = vector.extract_strided_slice %get3A_273 {offsets = [6], sizes = [1], strides = [1]} : vector<16xi32> to vector<1xi32>
      %squeeze3A_292 = vector.extract %slice3A_291[0] : i32 from vector<1xi32>
      %add3A_293 = arith.addi %add3A_290, %squeeze3A_292 : i32
      %slice3A_294 = vector.extract_strided_slice %get3A_273 {offsets = [7], sizes = [1], strides = [1]} : vector<16xi32> to vector<1xi32>
      %squeeze3A_295 = vector.extract %slice3A_294[0] : i32 from vector<1xi32>
      %add3A_296 = arith.addi %add3A_293, %squeeze3A_295 : i32
      %slice3A_297 = vector.extract_strided_slice %get3A_273 {offsets = [8], sizes = [1], strides = [1]} : vector<16xi32> to vector<1xi32>
      %squeeze3A_298 = vector.extract %slice3A_297[0] : i32 from vector<1xi32>
      %add3A_299 = arith.addi %add3A_296, %squeeze3A_298 : i32
      %slice3A_300 = vector.extract_strided_slice %get3A_273 {offsets = [9], sizes = [1], strides = [1]} : vector<16xi32> to vector<1xi32>
      %squeeze3A_301 = vector.extract %slice3A_300[0] : i32 from vector<1xi32>
      %add3A_302 = arith.addi %add3A_299, %squeeze3A_301 : i32
      %slice3A_303 = vector.extract_strided_slice %get3A_273 {offsets = [10], sizes = [1], strides = [1]} : vector<16xi32> to vector<1xi32>
      %squeeze3A_304 = vector.extract %slice3A_303[0] : i32 from vector<1xi32>
      %add3A_305 = arith.addi %add3A_302, %squeeze3A_304 : i32
      %slice3A_306 = vector.extract_strided_slice %get3A_273 {offsets = [11], sizes = [1], strides = [1]} : vector<16xi32> to vector<1xi32>
      %squeeze3A_307 = vector.extract %slice3A_306[0] : i32 from vector<1xi32>
      %add3A_308 = arith.addi %add3A_305, %squeeze3A_307 : i32
      %slice3A_309 = vector.extract_strided_slice %get3A_273 {offsets = [12], sizes = [1], strides = [1]} : vector<16xi32> to vector<1xi32>
      %squeeze3A_310 = vector.extract %slice3A_309[0] : i32 from vector<1xi32>
      %add3A_311 = arith.addi %add3A_308, %squeeze3A_310 : i32
      %slice3A_312 = vector.extract_strided_slice %get3A_273 {offsets = [13], sizes = [1], strides = [1]} : vector<16xi32> to vector<1xi32>
      %squeeze3A_313 = vector.extract %slice3A_312[0] : i32 from vector<1xi32>
      %add3A_314 = arith.addi %add3A_311, %squeeze3A_313 : i32
      %slice3A_315 = vector.extract_strided_slice %get3A_273 {offsets = [14], sizes = [1], strides = [1]} : vector<16xi32> to vector<1xi32>
      %squeeze3A_316 = vector.extract %slice3A_315[0] : i32 from vector<1xi32>
      %add3A_317 = arith.addi %add3A_314, %squeeze3A_316 : i32
      %slice3A_318 = vector.extract_strided_slice %get3A_273 {offsets = [15], sizes = [1], strides = [1]} : vector<16xi32> to vector<1xi32>
      %squeeze3A_319 = vector.extract %slice3A_318[0] : i32 from vector<1xi32>
      %add3A_320 = arith.addi %add3A_317, %squeeze3A_319 : i32
      %swap3A_321 = arith.constant 4 : i32
      %swap3A_322 = arith.index_cast %swap3A_321 : i32 to index
      %swap3A_323 = memref.load %arg16[%swap3A_322] : memref<32xi32, #tpu.memory_space<smem>>
      memref.store %add3A_320, %arg16[%swap3A_322] : memref<32xi32, #tpu.memory_space<smem>>
      %get3A_324 = arith.constant 80 : index
      %get3A_325 = tpu.vector_load %arg15[%get3A_324] {strides = array<i32>} : memref<128xi32, #tpu.memory_space<vmem>>, vector<16xi32>,
      %get3A_326 = vector.shape_cast %get3A_325 : vector<16xi32> to vector<16xi32>
      %slice3A_327 = vector.extract_strided_slice %get3A_326 {offsets = [0], sizes = [1], strides = [1]} : vector<16xi32> to vector<1xi32>
      %squeeze3A_328 = vector.extract %slice3A_327[0] : i32 from vector<1xi32>
      %slice3A_329 = vector.extract_strided_slice %get3A_326 {offsets = [1], sizes = [1], strides = [1]} : vector<16xi32> to vector<1xi32>
      %squeeze3A_330 = vector.extract %slice3A_329[0] : i32 from vector<1xi32>
      %add3A_331 = arith.addi %squeeze3A_328, %squeeze3A_330 : i32
      %slice3A_332 = vector.extract_strided_slice %get3A_326 {offsets = [2], sizes = [1], strides = [1]} : vector<16xi32> to vector<1xi32>
      %squeeze3A_333 = vector.extract %slice3A_332[0] : i32 from vector<1xi32>
      %add3A_334 = arith.addi %add3A_331, %squeeze3A_333 : i32
      %slice3A_335 = vector.extract_strided_slice %get3A_326 {offsets = [3], sizes = [1], strides = [1]} : vector<16xi32> to vector<1xi32>
      %squeeze3A_336 = vector.extract %slice3A_335[0] : i32 from vector<1xi32>
      %add3A_337 = arith.addi %add3A_334, %squeeze3A_336 : i32
      %slice3A_338 = vector.extract_strided_slice %get3A_326 {offsets = [4], sizes = [1], strides = [1]} : vector<16xi32> to vector<1xi32>
      %squeeze3A_339 = vector.extract %slice3A_338[0] : i32 from vector<1xi32>
      %add3A_340 = arith.addi %add3A_337, %squeeze3A_339 : i32
      %slice3A_341 = vector.extract_strided_slice %get3A_326 {offsets = [5], sizes = [1], strides = [1]} : vector<16xi32> to vector<1xi32>
      %squeeze3A_342 = vector.extract %slice3A_341[0] : i32 from vector<1xi32>
      %add3A_343 = arith.addi %add3A_340, %squeeze3A_342 : i32
      %slice3A_344 = vector.extract_strided_slice %get3A_326 {offsets = [6], sizes = [1], strides = [1]} : vector<16xi32> to vector<1xi32>
      %squeeze3A_345 = vector.extract %slice3A_344[0] : i32 from vector<1xi32>
      %add3A_346 = arith.addi %add3A_343, %squeeze3A_345 : i32
      %slice3A_347 = vector.extract_strided_slice %get3A_326 {offsets = [7], sizes = [1], strides = [1]} : vector<16xi32> to vector<1xi32>
      %squeeze3A_348 = vector.extract %slice3A_347[0] : i32 from vector<1xi32>
      %add3A_349 = arith.addi %add3A_346, %squeeze3A_348 : i32
      %slice3A_350 = vector.extract_strided_slice %get3A_326 {offsets = [8], sizes = [1], strides = [1]} : vector<16xi32> to vector<1xi32>
      %squeeze3A_351 = vector.extract %slice3A_350[0] : i32 from vector<1xi32>
      %add3A_352 = arith.addi %add3A_349, %squeeze3A_351 : i32
      %slice3A_353 = vector.extract_strided_slice %get3A_326 {offsets = [9], sizes = [1], strides = [1]} : vector<16xi32> to vector<1xi32>
      %squeeze3A_354 = vector.extract %slice3A_353[0] : i32 from vector<1xi32>
      %add3A_355 = arith.addi %add3A_352, %squeeze3A_354 : i32
      %slice3A_356 = vector.extract_strided_slice %get3A_326 {offsets = [10], sizes = [1], strides = [1]} : vector<16xi32> to vector<1xi32>
      %squeeze3A_357 = vector.extract %slice3A_356[0] : i32 from vector<1xi32>
      %add3A_358 = arith.addi %add3A_355, %squeeze3A_357 : i32
      %slice3A_359 = vector.extract_strided_slice %get3A_326 {offsets = [11], sizes = [1], strides = [1]} : vector<16xi32> to vector<1xi32>
      %squeeze3A_360 = vector.extract %slice3A_359[0] : i32 from vector<1xi32>
      %add3A_361 = arith.addi %add3A_358, %squeeze3A_360 : i32
      %slice3A_362 = vector.extract_strided_slice %get3A_326 {offsets = [12], sizes = [1], strides = [1]} : vector<16xi32> to vector<1xi32>
      %squeeze3A_363 = vector.extract %slice3A_362[0] : i32 from vector<1xi32>
      %add3A_364 = arith.addi %add3A_361, %squeeze3A_363 : i32
      %slice3A_365 = vector.extract_strided_slice %get3A_326 {offsets = [13], sizes = [1], strides = [1]} : vector<16xi32> to vector<1xi32>
      %squeeze3A_366 = vector.extract %slice3A_365[0] : i32 from vector<1xi32>
      %add3A_367 = arith.addi %add3A_364, %squeeze3A_366 : i32
      %slice3A_368 = vector.extract_strided_slice %get3A_326 {offsets = [14], sizes = [1], strides = [1]} : vector<16xi32> to vector<1xi32>
      %squeeze3A_369 = vector.extract %slice3A_368[0] : i32 from vector<1xi32>
      %add3A_370 = arith.addi %add3A_367, %squeeze3A_369 : i32
      %slice3A_371 = vector.extract_strided_slice %get3A_326 {offsets = [15], sizes = [1], strides = [1]} : vector<16xi32> to vector<1xi32>
      %squeeze3A_372 = vector.extract %slice3A_371[0] : i32 from vector<1xi32>
      %add3A_373 = arith.addi %add3A_370, %squeeze3A_372 : i32
      %swap3A_374 = arith.constant 5 : i32
      %swap3A_375 = arith.index_cast %swap3A_374 : i32 to index
      %swap3A_376 = memref.load %arg16[%swap3A_375] : memref<32xi32, #tpu.memory_space<smem>>
      memref.store %add3A_373, %arg16[%swap3A_375] : memref<32xi32, #tpu.memory_space<smem>>
      %get3A_377 = arith.constant 96 : index
      %get3A_378 = tpu.vector_load %arg15[%get3A_377] {strides = array<i32>} : memref<128xi32, #tpu.memory_space<vmem>>, vector<16xi32>,
      %get3A_379 = vector.shape_cast %get3A_378 : vector<16xi32> to vector<16xi32>
      %slice3A_380 = vector.extract_strided_slice %get3A_379 {offsets = [0], sizes = [1], strides = [1]} : vector<16xi32> to vector<1xi32>
      %squeeze3A_381 = vector.extract %slice3A_380[0] : i32 from vector<1xi32>
      %slice3A_382 = vector.extract_strided_slice %get3A_379 {offsets = [1], sizes = [1], strides = [1]} : vector<16xi32> to vector<1xi32>
      %squeeze3A_383 = vector.extract %slice3A_382[0] : i32 from vector<1xi32>
      %add3A_384 = arith.addi %squeeze3A_381, %squeeze3A_383 : i32
      %slice3A_385 = vector.extract_strided_slice %get3A_379 {offsets = [2], sizes = [1], strides = [1]} : vector<16xi32> to vector<1xi32>
      %squeeze3A_386 = vector.extract %slice3A_385[0] : i32 from vector<1xi32>
      %add3A_387 = arith.addi %add3A_384, %squeeze3A_386 : i32
      %slice3A_388 = vector.extract_strided_slice %get3A_379 {offsets = [3], sizes = [1], strides = [1]} : vector<16xi32> to vector<1xi32>
      %squeeze3A_389 = vector.extract %slice3A_388[0] : i32 from vector<1xi32>
      %add3A_390 = arith.addi %add3A_387, %squeeze3A_389 : i32
      %slice3A_391 = vector.extract_strided_slice %get3A_379 {offsets = [4], sizes = [1], strides = [1]} : vector<16xi32> to vector<1xi32>
      %squeeze3A_392 = vector.extract %slice3A_391[0] : i32 from vector<1xi32>
      %add3A_393 = arith.addi %add3A_390, %squeeze3A_392 : i32
      %slice3A_394 = vector.extract_strided_slice %get3A_379 {offsets = [5], sizes = [1], strides = [1]} : vector<16xi32> to vector<1xi32>
      %squeeze3A_395 = vector.extract %slice3A_394[0] : i32 from vector<1xi32>
      %add3A_396 = arith.addi %add3A_393, %squeeze3A_395 : i32
      %slice3A_397 = vector.extract_strided_slice %get3A_379 {offsets = [6], sizes = [1], strides = [1]} : vector<16xi32> to vector<1xi32>
      %squeeze3A_398 = vector.extract %slice3A_397[0] : i32 from vector<1xi32>
      %add3A_399 = arith.addi %add3A_396, %squeeze3A_398 : i32
      %slice3A_400 = vector.extract_strided_slice %get3A_379 {offsets = [7], sizes = [1], strides = [1]} : vector<16xi32> to vector<1xi32>
      %squeeze3A_401 = vector.extract %slice3A_400[0] : i32 from vector<1xi32>
      %add3A_402 = arith.addi %add3A_399, %squeeze3A_401 : i32
      %slice3A_403 = vector.extract_strided_slice %get3A_379 {offsets = [8], sizes = [1], strides = [1]} : vector<16xi32> to vector<1xi32>
      %squeeze3A_404 = vector.extract %slice3A_403[0] : i32 from vector<1xi32>
      %add3A_405 = arith.addi %add3A_402, %squeeze3A_404 : i32
      %slice3A_406 = vector.extract_strided_slice %get3A_379 {offsets = [9], sizes = [1], strides = [1]} : vector<16xi32> to vector<1xi32>
      %squeeze3A_407 = vector.extract %slice3A_406[0] : i32 from vector<1xi32>
      %add3A_408 = arith.addi %add3A_405, %squeeze3A_407 : i32
      %slice3A_409 = vector.extract_strided_slice %get3A_379 {offsets = [10], sizes = [1], strides = [1]} : vector<16xi32> to vector<1xi32>
      %squeeze3A_410 = vector.extract %slice3A_409[0] : i32 from vector<1xi32>
      %add3A_411 = arith.addi %add3A_408, %squeeze3A_410 : i32
      %slice3A_412 = vector.extract_strided_slice %get3A_379 {offsets = [11], sizes = [1], strides = [1]} : vector<16xi32> to vector<1xi32>
      %squeeze3A_413 = vector.extract %slice3A_412[0] : i32 from vector<1xi32>
      %add3A_414 = arith.addi %add3A_411, %squeeze3A_413 : i32
      %slice3A_415 = vector.extract_strided_slice %get3A_379 {offsets = [12], sizes = [1], strides = [1]} : vector<16xi32> to vector<1xi32>
      %squeeze3A_416 = vector.extract %slice3A_415[0] : i32 from vector<1xi32>
      %add3A_417 = arith.addi %add3A_414, %squeeze3A_416 : i32
      %slice3A_418 = vector.extract_strided_slice %get3A_379 {offsets = [13], sizes = [1], strides = [1]} : vector<16xi32> to vector<1xi32>
      %squeeze3A_419 = vector.extract %slice3A_418[0] : i32 from vector<1xi32>
      %add3A_420 = arith.addi %add3A_417, %squeeze3A_419 : i32
      %slice3A_421 = vector.extract_strided_slice %get3A_379 {offsets = [14], sizes = [1], strides = [1]} : vector<16xi32> to vector<1xi32>
      %squeeze3A_422 = vector.extract %slice3A_421[0] : i32 from vector<1xi32>
      %add3A_423 = arith.addi %add3A_420, %squeeze3A_422 : i32
      %slice3A_424 = vector.extract_strided_slice %get3A_379 {offsets = [15], sizes = [1], strides = [1]} : vector<16xi32> to vector<1xi32>
      %squeeze3A_425 = vector.extract %slice3A_424[0] : i32 from vector<1xi32>
      %add3A_426 = arith.addi %add3A_423, %squeeze3A_425 : i32
      %swap3A_427 = arith.constant 6 : i32
      %swap3A_428 = arith.index_cast %swap3A_427 : i32 to index
      %swap3A_429 = memref.load %arg16[%swap3A_428] : memref<32xi32, #tpu.memory_space<smem>>
      memref.store %add3A_426, %arg16[%swap3A_428] : memref<32xi32, #tpu.memory_space<smem>>
      %get3A_430 = arith.constant 112 : index
      %get3A_431 = tpu.vector_load %arg15[%get3A_430] {strides = array<i32>} : memref<128xi32, #tpu.memory_space<vmem>>, vector<16xi32>,
      %get3A_432 = vector.shape_cast %get3A_431 : vector<16xi32> to vector<16xi32>
      %slice3A_433 = vector.extract_strided_slice %get3A_432 {offsets = [0], sizes = [1], strides = [1]} : vector<16xi32> to vector<1xi32>
      %squeeze3A_434 = vector.extract %slice3A_433[0] : i32 from vector<1xi32>
      %slice3A_435 = vector.extract_strided_slice %get3A_432 {offsets = [1], sizes = [1], strides = [1]} : vector<16xi32> to vector<1xi32>
      %squeeze3A_436 = vector.extract %slice3A_435[0] : i32 from vector<1xi32>
      %add3A_437 = arith.addi %squeeze3A_434, %squeeze3A_436 : i32
      %slice3A_438 = vector.extract_strided_slice %get3A_432 {offsets = [2], sizes = [1], strides = [1]} : vector<16xi32> to vector<1xi32>
      %squeeze3A_439 = vector.extract %slice3A_438[0] : i32 from vector<1xi32>
      %add3A_440 = arith.addi %add3A_437, %squeeze3A_439 : i32
      %slice3A_441 = vector.extract_strided_slice %get3A_432 {offsets = [3], sizes = [1], strides = [1]} : vector<16xi32> to vector<1xi32>
      %squeeze3A_442 = vector.extract %slice3A_441[0] : i32 from vector<1xi32>
      %add3A_443 = arith.addi %add3A_440, %squeeze3A_442 : i32
      %slice3A_444 = vector.extract_strided_slice %get3A_432 {offsets = [4], sizes = [1], strides = [1]} : vector<16xi32> to vector<1xi32>
      %squeeze3A_445 = vector.extract %slice3A_444[0] : i32 from vector<1xi32>
      %add3A_446 = arith.addi %add3A_443, %squeeze3A_445 : i32
      %slice3A_447 = vector.extract_strided_slice %get3A_432 {offsets = [5], sizes = [1], strides = [1]} : vector<16xi32> to vector<1xi32>
      %squeeze3A_448 = vector.extract %slice3A_447[0] : i32 from vector<1xi32>
      %add3A_449 = arith.addi %add3A_446, %squeeze3A_448 : i32
      %slice3A_450 = vector.extract_strided_slice %get3A_432 {offsets = [6], sizes = [1], strides = [1]} : vector<16xi32> to vector<1xi32>
      %squeeze3A_451 = vector.extract %slice3A_450[0] : i32 from vector<1xi32>
      %add3A_452 = arith.addi %add3A_449, %squeeze3A_451 : i32
      %slice3A_453 = vector.extract_strided_slice %get3A_432 {offsets = [7], sizes = [1], strides = [1]} : vector<16xi32> to vector<1xi32>
      %squeeze3A_454 = vector.extract %slice3A_453[0] : i32 from vector<1xi32>
      %add3A_455 = arith.addi %add3A_452, %squeeze3A_454 : i32
      %slice3A_456 = vector.extract_strided_slice %get3A_432 {offsets = [8], sizes = [1], strides = [1]} : vector<16xi32> to vector<1xi32>
      %squeeze3A_457 = vector.extract %slice3A_456[0] : i32 from vector<1xi32>
      %add3A_458 = arith.addi %add3A_455, %squeeze3A_457 : i32
      %slice3A_459 = vector.extract_strided_slice %get3A_432 {offsets = [9], sizes = [1], strides = [1]} : vector<16xi32> to vector<1xi32>
      %squeeze3A_460 = vector.extract %slice3A_459[0] : i32 from vector<1xi32>
      %add3A_461 = arith.addi %add3A_458, %squeeze3A_460 : i32
      %slice3A_462 = vector.extract_strided_slice %get3A_432 {offsets = [10], sizes = [1], strides = [1]} : vector<16xi32> to vector<1xi32>
      %squeeze3A_463 = vector.extract %slice3A_462[0] : i32 from vector<1xi32>
      %add3A_464 = arith.addi %add3A_461, %squeeze3A_463 : i32
      %slice3A_465 = vector.extract_strided_slice %get3A_432 {offsets = [11], sizes = [1], strides = [1]} : vector<16xi32> to vector<1xi32>
      %squeeze3A_466 = vector.extract %slice3A_465[0] : i32 from vector<1xi32>
      %add3A_467 = arith.addi %add3A_464, %squeeze3A_466 : i32
      %slice3A_468 = vector.extract_strided_slice %get3A_432 {offsets = [12], sizes = [1], strides = [1]} : vector<16xi32> to vector<1xi32>
      %squeeze3A_469 = vector.extract %slice3A_468[0] : i32 from vector<1xi32>
      %add3A_470 = arith.addi %add3A_467, %squeeze3A_469 : i32
      %slice3A_471 = vector.extract_strided_slice %get3A_432 {offsets = [13], sizes = [1], strides = [1]} : vector<16xi32> to vector<1xi32>
      %squeeze3A_472 = vector.extract %slice3A_471[0] : i32 from vector<1xi32>
      %add3A_473 = arith.addi %add3A_470, %squeeze3A_472 : i32
      %slice3A_474 = vector.extract_strided_slice %get3A_432 {offsets = [14], sizes = [1], strides = [1]} : vector<16xi32> to vector<1xi32>
      %squeeze3A_475 = vector.extract %slice3A_474[0] : i32 from vector<1xi32>
      %add3A_476 = arith.addi %add3A_473, %squeeze3A_475 : i32
      %slice3A_477 = vector.extract_strided_slice %get3A_432 {offsets = [15], sizes = [1], strides = [1]} : vector<16xi32> to vector<1xi32>
      %squeeze3A_478 = vector.extract %slice3A_477[0] : i32 from vector<1xi32>
      %add3A_479 = arith.addi %add3A_476, %squeeze3A_478 : i32
      %swap3A_480 = arith.constant 7 : i32
      %swap3A_481 = arith.index_cast %swap3A_480 : i32 to index
      %swap3A_482 = memref.load %arg16[%swap3A_481] : memref<32xi32, #tpu.memory_space<smem>>
      memref.store %add3A_479, %arg16[%swap3A_481] : memref<32xi32, #tpu.memory_space<smem>>
      %swap3A_483 = arith.constant 0 : i32
      %swap3A_484 = arith.constant 8 : i32
      %swap3A_485 = arith.index_cast %swap3A_484 : i32 to index
      %swap3A_486 = memref.load %arg16[%swap3A_485] : memref<32xi32, #tpu.memory_space<smem>>
      memref.store %swap3A_483, %arg16[%swap3A_485] : memref<32xi32, #tpu.memory_space<smem>>
      %jit3A = arith.constant 0 : i32
      %jit3A_487 = arith.constant 128 : i32
      %div3A = arith.divsi %jit3A, %jit3A_487 : i32
      %sign3A = arith.constant 0 : i32
      %sign3A_488 = arith.cmpi sgt, %jit3A, %sign3A : i32
      %sign3A_489 = arith.extui %sign3A_488 : i1 to i32
      %sign3A_490 = arith.constant 0 : i32
      %sign3A_491 = arith.cmpi slt, %jit3A, %sign3A_490 : i32
      %sign3A_492 = arith.extui %sign3A_491 : i1 to i32
      %sign3A_493 = arith.subi %sign3A_489, %sign3A_492 : i32
      %sign3A_494 = arith.constant 0 : i32
      %sign3A_495 = arith.cmpi sgt, %jit3A_487, %sign3A_494 : i32
      %sign3A_496 = arith.extui %sign3A_495 : i1 to i32
      %sign3A_497 = arith.constant 0 : i32
      %sign3A_498 = arith.cmpi slt, %jit3A_487, %sign3A_497 : i32
      %sign3A_499 = arith.extui %sign3A_498 : i1 to i32
      %sign3A_500 = arith.subi %sign3A_496, %sign3A_499 : i32
      %ne3A = arith.cmpi ne, %sign3A_493, %sign3A_500 : i32
      %rem3A = arith.remsi %jit3A, %jit3A_487 : i32
      %ne3A_501 = arith.constant 0 : i32
      %ne3A_502 = arith.cmpi ne, %rem3A, %ne3A_501 : i32
      %and3A = arith.andi %ne3A, %ne3A_502 : i1
      %sub3A = arith.constant 1 : i32
      %sub3A_503 = arith.subi %div3A, %sub3A : i32
      %select_n3A = arith.select %and3A, %sub3A_503, %div3A : i32
      %swap3A_504 = arith.constant 16 : i32
      %swap3A_505 = arith.index_cast %swap3A_504 : i32 to index
      %swap3A_506 = memref.load %arg16[%swap3A_505] : memref<32xi32, #tpu.memory_space<smem>>
      memref.store %select_n3A, %arg16[%swap3A_505] : memref<32xi32, #tpu.memory_space<smem>>
      %get3A_507 = arith.constant 0 : i32
      %get3A_508 = arith.index_cast %get3A_507 : i32 to index
      %get3A_509 = memref.load %arg16[%get3A_508] : memref<32xi32, #tpu.memory_space<smem>>
      %add3A_510 = arith.constant 127 : i32
      %add3A_511 = arith.addi %get3A_509, %add3A_510 : i32
      %jit3A_512 = arith.constant 128 : i32
      %div3A_513 = arith.divsi %add3A_511, %jit3A_512 : i32
      %sign3A_514 = arith.constant 0 : i32
      %sign3A_515 = arith.cmpi sgt, %add3A_511, %sign3A_514 : i32
      %sign3A_516 = arith.extui %sign3A_515 : i1 to i32
      %sign3A_517 = arith.constant 0 : i32
      %sign3A_518 = arith.cmpi slt, %add3A_511, %sign3A_517 : i32
      %sign3A_519 = arith.extui %sign3A_518 : i1 to i32
      %sign3A_520 = arith.subi %sign3A_516, %sign3A_519 : i32
      %sign3A_521 = arith.constant 0 : i32
      %sign3A_522 = arith.cmpi sgt, %jit3A_512, %sign3A_521 : i32
      %sign3A_523 = arith.extui %sign3A_522 : i1 to i32
      %sign3A_524 = arith.constant 0 : i32
      %sign3A_525 = arith.cmpi slt, %jit3A_512, %sign3A_524 : i32
      %sign3A_526 = arith.extui %sign3A_525 : i1 to i32
      %sign3A_527 = arith.subi %sign3A_523, %sign3A_526 : i32
      %ne3A_528 = arith.cmpi ne, %sign3A_520, %sign3A_527 : i32
      %rem3A_529 = arith.remsi %add3A_511, %jit3A_512 : i32
      %ne3A_530 = arith.constant 0 : i32
      %ne3A_531 = arith.cmpi ne, %rem3A_529, %ne3A_530 : i32
      %and3A_532 = arith.andi %ne3A_528, %ne3A_531 : i1
      %sub3A_533 = arith.constant 1 : i32
      %sub3A_534 = arith.subi %div3A_513, %sub3A_533 : i32
      %select_n3A_535 = arith.select %and3A_532, %sub3A_534, %div3A_513 : i32
      %mul3A_536 = arith.constant 128 : i32
      %mul3A_537 = arith.muli %select_n3A_535, %mul3A_536 : i32
      %add3A_538 = arith.constant 0 : i32
      %add3A_539 = arith.addi %add3A_538, %mul3A_537 : i32
      %swap3A_540 = arith.constant 9 : i32
      %swap3A_541 = arith.index_cast %swap3A_540 : i32 to index
      %swap3A_542 = memref.load %arg16[%swap3A_541] : memref<32xi32, #tpu.memory_space<smem>>
      memref.store %add3A_539, %arg16[%swap3A_541] : memref<32xi32, #tpu.memory_space<smem>>
      %jit3A_543 = arith.constant 128 : i32
      %div3A_544 = arith.divsi %add3A_539, %jit3A_543 : i32
      %sign3A_545 = arith.constant 0 : i32
      %sign3A_546 = arith.cmpi sgt, %add3A_539, %sign3A_545 : i32
      %sign3A_547 = arith.extui %sign3A_546 : i1 to i32
      %sign3A_548 = arith.constant 0 : i32
      %sign3A_549 = arith.cmpi slt, %add3A_539, %sign3A_548 : i32
      %sign3A_550 = arith.extui %sign3A_549 : i1 to i32
      %sign3A_551 = arith.subi %sign3A_547, %sign3A_550 : i32
      %sign3A_552 = arith.constant 0 : i32
      %sign3A_553 = arith.cmpi sgt, %jit3A_543, %sign3A_552 : i32
      %sign3A_554 = arith.extui %sign3A_553 : i1 to i32
      %sign3A_555 = arith.constant 0 : i32
      %sign3A_556 = arith.cmpi slt, %jit3A_543, %sign3A_555 : i32
      %sign3A_557 = arith.extui %sign3A_556 : i1 to i32
      %sign3A_558 = arith.subi %sign3A_554, %sign3A_557 : i32
      %ne3A_559 = arith.cmpi ne, %sign3A_551, %sign3A_558 : i32
      %rem3A_560 = arith.remsi %add3A_539, %jit3A_543 : i32
      %ne3A_561 = arith.constant 0 : i32
      %ne3A_562 = arith.cmpi ne, %rem3A_560, %ne3A_561 : i32
      %and3A_563 = arith.andi %ne3A_559, %ne3A_562 : i1
      %sub3A_564 = arith.constant 1 : i32
      %sub3A_565 = arith.subi %div3A_544, %sub3A_564 : i32
      %select_n3A_566 = arith.select %and3A_563, %sub3A_565, %div3A_544 : i32
      %swap3A_567 = arith.constant 17 : i32
      %swap3A_568 = arith.index_cast %swap3A_567 : i32 to index
      %swap3A_569 = memref.load %arg16[%swap3A_568] : memref<32xi32, #tpu.memory_space<smem>>
      memref.store %select_n3A_566, %arg16[%swap3A_568] : memref<32xi32, #tpu.memory_space<smem>>
      %get3A_570 = arith.constant 1 : i32
      %get3A_571 = arith.index_cast %get3A_570 : i32 to index
      %get3A_572 = memref.load %arg16[%get3A_571] : memref<32xi32, #tpu.memory_space<smem>>
      %add3A_573 = arith.constant 127 : i32
      %add3A_574 = arith.addi %get3A_572, %add3A_573 : i32
      %jit3A_575 = arith.constant 128 : i32
      %div3A_576 = arith.divsi %add3A_574, %jit3A_575 : i32
      %sign3A_577 = arith.constant 0 : i32
      %sign3A_578 = arith.cmpi sgt, %add3A_574, %sign3A_577 : i32
      %sign3A_579 = arith.extui %sign3A_578 : i1 to i32
      %sign3A_580 = arith.constant 0 : i32
      %sign3A_581 = arith.cmpi slt, %add3A_574, %sign3A_580 : i32
      %sign3A_582 = arith.extui %sign3A_581 : i1 to i32
      %sign3A_583 = arith.subi %sign3A_579, %sign3A_582 : i32
      %sign3A_584 = arith.constant 0 : i32
      %sign3A_585 = arith.cmpi sgt, %jit3A_575, %sign3A_584 : i32
      %sign3A_586 = arith.extui %sign3A_585 : i1 to i32
      %sign3A_587 = arith.constant 0 : i32
      %sign3A_588 = arith.cmpi slt, %jit3A_575, %sign3A_587 : i32
      %sign3A_589 = arith.extui %sign3A_588 : i1 to i32
      %sign3A_590 = arith.subi %sign3A_586, %sign3A_589 : i32
      %ne3A_591 = arith.cmpi ne, %sign3A_583, %sign3A_590 : i32
      %rem3A_592 = arith.remsi %add3A_574, %jit3A_575 : i32
      %ne3A_593 = arith.constant 0 : i32
      %ne3A_594 = arith.cmpi ne, %rem3A_592, %ne3A_593 : i32
      %and3A_595 = arith.andi %ne3A_591, %ne3A_594 : i1
      %sub3A_596 = arith.constant 1 : i32
      %sub3A_597 = arith.subi %div3A_576, %sub3A_596 : i32
      %select_n3A_598 = arith.select %and3A_595, %sub3A_597, %div3A_576 : i32
      %mul3A_599 = arith.constant 128 : i32
      %mul3A_600 = arith.muli %select_n3A_598, %mul3A_599 : i32
      %add3A_601 = arith.addi %add3A_539, %mul3A_600 : i32
      %swap3A_602 = arith.constant 10 : i32
      %swap3A_603 = arith.index_cast %swap3A_602 : i32 to index
      %swap3A_604 = memref.load %arg16[%swap3A_603] : memref<32xi32, #tpu.memory_space<smem>>
      memref.store %add3A_601, %arg16[%swap3A_603] : memref<32xi32, #tpu.memory_space<smem>>
      %jit3A_605 = arith.constant 128 : i32
      %div3A_606 = arith.divsi %add3A_601, %jit3A_605 : i32
      %sign3A_607 = arith.constant 0 : i32
      %sign3A_608 = arith.cmpi sgt, %add3A_601, %sign3A_607 : i32
      %sign3A_609 = arith.extui %sign3A_608 : i1 to i32
      %sign3A_610 = arith.constant 0 : i32
      %sign3A_611 = arith.cmpi slt, %add3A_601, %sign3A_610 : i32
      %sign3A_612 = arith.extui %sign3A_611 : i1 to i32
      %sign3A_613 = arith.subi %sign3A_609, %sign3A_612 : i32
      %sign3A_614 = arith.constant 0 : i32
      %sign3A_615 = arith.cmpi sgt, %jit3A_605, %sign3A_614 : i32
      %sign3A_616 = arith.extui %sign3A_615 : i1 to i32
      %sign3A_617 = arith.constant 0 : i32
      %sign3A_618 = arith.cmpi slt, %jit3A_605, %sign3A_617 : i32
      %sign3A_619 = arith.extui %sign3A_618 : i1 to i32
      %sign3A_620 = arith.subi %sign3A_616, %sign3A_619 : i32
      %ne3A_621 = arith.cmpi ne, %sign3A_613, %sign3A_620 : i32
      %rem3A_622 = arith.remsi %add3A_601, %jit3A_605 : i32
      %ne3A_623 = arith.constant 0 : i32
      %ne3A_624 = arith.cmpi ne, %rem3A_622, %ne3A_623 : i32
      %and3A_625 = arith.andi %ne3A_621, %ne3A_624 : i1
      %sub3A_626 = arith.constant 1 : i32
      %sub3A_627 = arith.subi %div3A_606, %sub3A_626 : i32
      %select_n3A_628 = arith.select %and3A_625, %sub3A_627, %div3A_606 : i32
      %swap3A_629 = arith.constant 18 : i32
      %swap3A_630 = arith.index_cast %swap3A_629 : i32 to index
      %swap3A_631 = memref.load %arg16[%swap3A_630] : memref<32xi32, #tpu.memory_space<smem>>
      memref.store %select_n3A_628, %arg16[%swap3A_630] : memref<32xi32, #tpu.memory_space<smem>>
      %get3A_632 = arith.constant 2 : i32
      %get3A_633 = arith.index_cast %get3A_632 : i32 to index
      %get3A_634 = memref.load %arg16[%get3A_633] : memref<32xi32, #tpu.memory_space<smem>>
      %add3A_635 = arith.constant 127 : i32
      %add3A_636 = arith.addi %get3A_634, %add3A_635 : i32
      %jit3A_637 = arith.constant 128 : i32
      %div3A_638 = arith.divsi %add3A_636, %jit3A_637 : i32
      %sign3A_639 = arith.constant 0 : i32
      %sign3A_640 = arith.cmpi sgt, %add3A_636, %sign3A_639 : i32
      %sign3A_641 = arith.extui %sign3A_640 : i1 to i32
      %sign3A_642 = arith.constant 0 : i32
      %sign3A_643 = arith.cmpi slt, %add3A_636, %sign3A_642 : i32
      %sign3A_644 = arith.extui %sign3A_643 : i1 to i32
      %sign3A_645 = arith.subi %sign3A_641, %sign3A_644 : i32
      %sign3A_646 = arith.constant 0 : i32
      %sign3A_647 = arith.cmpi sgt, %jit3A_637, %sign3A_646 : i32
      %sign3A_648 = arith.extui %sign3A_647 : i1 to i32
      %sign3A_649 = arith.constant 0 : i32
      %sign3A_650 = arith.cmpi slt, %jit3A_637, %sign3A_649 : i32
      %sign3A_651 = arith.extui %sign3A_650 : i1 to i32
      %sign3A_652 = arith.subi %sign3A_648, %sign3A_651 : i32
      %ne3A_653 = arith.cmpi ne, %sign3A_645, %sign3A_652 : i32
      %rem3A_654 = arith.remsi %add3A_636, %jit3A_637 : i32
      %ne3A_655 = arith.constant 0 : i32
      %ne3A_656 = arith.cmpi ne, %rem3A_654, %ne3A_655 : i32
      %and3A_657 = arith.andi %ne3A_653, %ne3A_656 : i1
      %sub3A_658 = arith.constant 1 : i32
      %sub3A_659 = arith.subi %div3A_638, %sub3A_658 : i32
      %select_n3A_660 = arith.select %and3A_657, %sub3A_659, %div3A_638 : i32
      %mul3A_661 = arith.constant 128 : i32
      %mul3A_662 = arith.muli %select_n3A_660, %mul3A_661 : i32
      %add3A_663 = arith.addi %add3A_601, %mul3A_662 : i32
      %swap3A_664 = arith.constant 11 : i32
      %swap3A_665 = arith.index_cast %swap3A_664 : i32 to index
      %swap3A_666 = memref.load %arg16[%swap3A_665] : memref<32xi32, #tpu.memory_space<smem>>
      memref.store %add3A_663, %arg16[%swap3A_665] : memref<32xi32, #tpu.memory_space<smem>>
      %jit3A_667 = arith.constant 128 : i32
      %div3A_668 = arith.divsi %add3A_663, %jit3A_667 : i32
      %sign3A_669 = arith.constant 0 : i32
      %sign3A_670 = arith.cmpi sgt, %add3A_663, %sign3A_669 : i32
      %sign3A_671 = arith.extui %sign3A_670 : i1 to i32
      %sign3A_672 = arith.constant 0 : i32
      %sign3A_673 = arith.cmpi slt, %add3A_663, %sign3A_672 : i32
      %sign3A_674 = arith.extui %sign3A_673 : i1 to i32
      %sign3A_675 = arith.subi %sign3A_671, %sign3A_674 : i32
      %sign3A_676 = arith.constant 0 : i32
      %sign3A_677 = arith.cmpi sgt, %jit3A_667, %sign3A_676 : i32
      %sign3A_678 = arith.extui %sign3A_677 : i1 to i32
      %sign3A_679 = arith.constant 0 : i32
      %sign3A_680 = arith.cmpi slt, %jit3A_667, %sign3A_679 : i32
      %sign3A_681 = arith.extui %sign3A_680 : i1 to i32
      %sign3A_682 = arith.subi %sign3A_678, %sign3A_681 : i32
      %ne3A_683 = arith.cmpi ne, %sign3A_675, %sign3A_682 : i32
      %rem3A_684 = arith.remsi %add3A_663, %jit3A_667 : i32
      %ne3A_685 = arith.constant 0 : i32
      %ne3A_686 = arith.cmpi ne, %rem3A_684, %ne3A_685 : i32
      %and3A_687 = arith.andi %ne3A_683, %ne3A_686 : i1
      %sub3A_688 = arith.constant 1 : i32
      %sub3A_689 = arith.subi %div3A_668, %sub3A_688 : i32
      %select_n3A_690 = arith.select %and3A_687, %sub3A_689, %div3A_668 : i32
      %swap3A_691 = arith.constant 19 : i32
      %swap3A_692 = arith.index_cast %swap3A_691 : i32 to index
      %swap3A_693 = memref.load %arg16[%swap3A_692] : memref<32xi32, #tpu.memory_space<smem>>
      memref.store %select_n3A_690, %arg16[%swap3A_692] : memref<32xi32, #tpu.memory_space<smem>>
      %get3A_694 = arith.constant 3 : i32
      %get3A_695 = arith.index_cast %get3A_694 : i32 to index
      %get3A_696 = memref.load %arg16[%get3A_695] : memref<32xi32, #tpu.memory_space<smem>>
      %add3A_697 = arith.constant 127 : i32
      %add3A_698 = arith.addi %get3A_696, %add3A_697 : i32
      %jit3A_699 = arith.constant 128 : i32
      %div3A_700 = arith.divsi %add3A_698, %jit3A_699 : i32
      %sign3A_701 = arith.constant 0 : i32
      %sign3A_702 = arith.cmpi sgt, %add3A_698, %sign3A_701 : i32
      %sign3A_703 = arith.extui %sign3A_702 : i1 to i32
      %sign3A_704 = arith.constant 0 : i32
      %sign3A_705 = arith.cmpi slt, %add3A_698, %sign3A_704 : i32
      %sign3A_706 = arith.extui %sign3A_705 : i1 to i32
      %sign3A_707 = arith.subi %sign3A_703, %sign3A_706 : i32
      %sign3A_708 = arith.constant 0 : i32
      %sign3A_709 = arith.cmpi sgt, %jit3A_699, %sign3A_708 : i32
      %sign3A_710 = arith.extui %sign3A_709 : i1 to i32
      %sign3A_711 = arith.constant 0 : i32
      %sign3A_712 = arith.cmpi slt, %jit3A_699, %sign3A_711 : i32
      %sign3A_713 = arith.extui %sign3A_712 : i1 to i32
      %sign3A_714 = arith.subi %sign3A_710, %sign3A_713 : i32
      %ne3A_715 = arith.cmpi ne, %sign3A_707, %sign3A_714 : i32
      %rem3A_716 = arith.remsi %add3A_698, %jit3A_699 : i32
      %ne3A_717 = arith.constant 0 : i32
      %ne3A_718 = arith.cmpi ne, %rem3A_716, %ne3A_717 : i32
      %and3A_719 = arith.andi %ne3A_715, %ne3A_718 : i1
      %sub3A_720 = arith.constant 1 : i32
      %sub3A_721 = arith.subi %div3A_700, %sub3A_720 : i32
      %select_n3A_722 = arith.select %and3A_719, %sub3A_721, %div3A_700 : i32
      %mul3A_723 = arith.constant 128 : i32
      %mul3A_724 = arith.muli %select_n3A_722, %mul3A_723 : i32
      %add3A_725 = arith.addi %add3A_663, %mul3A_724 : i32
      %swap3A_726 = arith.constant 12 : i32
      %swap3A_727 = arith.index_cast %swap3A_726 : i32 to index
      %swap3A_728 = memref.load %arg16[%swap3A_727] : memref<32xi32, #tpu.memory_space<smem>>
      memref.store %add3A_725, %arg16[%swap3A_727] : memref<32xi32, #tpu.memory_space<smem>>
      %jit3A_729 = arith.constant 128 : i32
      %div3A_730 = arith.divsi %add3A_725, %jit3A_729 : i32
      %sign3A_731 = arith.constant 0 : i32
      %sign3A_732 = arith.cmpi sgt, %add3A_725, %sign3A_731 : i32
      %sign3A_733 = arith.extui %sign3A_732 : i1 to i32
      %sign3A_734 = arith.constant 0 : i32
      %sign3A_735 = arith.cmpi slt, %add3A_725, %sign3A_734 : i32
      %sign3A_736 = arith.extui %sign3A_735 : i1 to i32
      %sign3A_737 = arith.subi %sign3A_733, %sign3A_736 : i32
      %sign3A_738 = arith.constant 0 : i32
      %sign3A_739 = arith.cmpi sgt, %jit3A_729, %sign3A_738 : i32
      %sign3A_740 = arith.extui %sign3A_739 : i1 to i32
      %sign3A_741 = arith.constant 0 : i32
      %sign3A_742 = arith.cmpi slt, %jit3A_729, %sign3A_741 : i32
      %sign3A_743 = arith.extui %sign3A_742 : i1 to i32
      %sign3A_744 = arith.subi %sign3A_740, %sign3A_743 : i32
      %ne3A_745 = arith.cmpi ne, %sign3A_737, %sign3A_744 : i32
      %rem3A_746 = arith.remsi %add3A_725, %jit3A_729 : i32
      %ne3A_747 = arith.constant 0 : i32
      %ne3A_748 = arith.cmpi ne, %rem3A_746, %ne3A_747 : i32
      %and3A_749 = arith.andi %ne3A_745, %ne3A_748 : i1
      %sub3A_750 = arith.constant 1 : i32
      %sub3A_751 = arith.subi %div3A_730, %sub3A_750 : i32
      %select_n3A_752 = arith.select %and3A_749, %sub3A_751, %div3A_730 : i32
      %swap3A_753 = arith.constant 20 : i32
      %swap3A_754 = arith.index_cast %swap3A_753 : i32 to index
      %swap3A_755 = memref.load %arg16[%swap3A_754] : memref<32xi32, #tpu.memory_space<smem>>
      memref.store %select_n3A_752, %arg16[%swap3A_754] : memref<32xi32, #tpu.memory_space<smem>>
      %get3A_756 = arith.constant 4 : i32
      %get3A_757 = arith.index_cast %get3A_756 : i32 to index
      %get3A_758 = memref.load %arg16[%get3A_757] : memref<32xi32, #tpu.memory_space<smem>>
      %add3A_759 = arith.constant 127 : i32
      %add3A_760 = arith.addi %get3A_758, %add3A_759 : i32
      %jit3A_761 = arith.constant 128 : i32
      %div3A_762 = arith.divsi %add3A_760, %jit3A_761 : i32
      %sign3A_763 = arith.constant 0 : i32
      %sign3A_764 = arith.cmpi sgt, %add3A_760, %sign3A_763 : i32
      %sign3A_765 = arith.extui %sign3A_764 : i1 to i32
      %sign3A_766 = arith.constant 0 : i32
      %sign3A_767 = arith.cmpi slt, %add3A_760, %sign3A_766 : i32
      %sign3A_768 = arith.extui %sign3A_767 : i1 to i32
      %sign3A_769 = arith.subi %sign3A_765, %sign3A_768 : i32
      %sign3A_770 = arith.constant 0 : i32
      %sign3A_771 = arith.cmpi sgt, %jit3A_761, %sign3A_770 : i32
      %sign3A_772 = arith.extui %sign3A_771 : i1 to i32
      %sign3A_773 = arith.constant 0 : i32
      %sign3A_774 = arith.cmpi slt, %jit3A_761, %sign3A_773 : i32
      %sign3A_775 = arith.extui %sign3A_774 : i1 to i32
      %sign3A_776 = arith.subi %sign3A_772, %sign3A_775 : i32
      %ne3A_777 = arith.cmpi ne, %sign3A_769, %sign3A_776 : i32
      %rem3A_778 = arith.remsi %add3A_760, %jit3A_761 : i32
      %ne3A_779 = arith.constant 0 : i32
      %ne3A_780 = arith.cmpi ne, %rem3A_778, %ne3A_779 : i32
      %and3A_781 = arith.andi %ne3A_777, %ne3A_780 : i1
      %sub3A_782 = arith.constant 1 : i32
      %sub3A_783 = arith.subi %div3A_762, %sub3A_782 : i32
      %select_n3A_784 = arith.select %and3A_781, %sub3A_783, %div3A_762 : i32
      %mul3A_785 = arith.constant 128 : i32
      %mul3A_786 = arith.muli %select_n3A_784, %mul3A_785 : i32
      %add3A_787 = arith.addi %add3A_725, %mul3A_786 : i32
      %swap3A_788 = arith.constant 13 : i32
      %swap3A_789 = arith.index_cast %swap3A_788 : i32 to index
      %swap3A_790 = memref.load %arg16[%swap3A_789] : memref<32xi32, #tpu.memory_space<smem>>
      memref.store %add3A_787, %arg16[%swap3A_789] : memref<32xi32, #tpu.memory_space<smem>>
      %jit3A_791 = arith.constant 128 : i32
      %div3A_792 = arith.divsi %add3A_787, %jit3A_791 : i32
      %sign3A_793 = arith.constant 0 : i32
      %sign3A_794 = arith.cmpi sgt, %add3A_787, %sign3A_793 : i32
      %sign3A_795 = arith.extui %sign3A_794 : i1 to i32
      %sign3A_796 = arith.constant 0 : i32
      %sign3A_797 = arith.cmpi slt, %add3A_787, %sign3A_796 : i32
      %sign3A_798 = arith.extui %sign3A_797 : i1 to i32
      %sign3A_799 = arith.subi %sign3A_795, %sign3A_798 : i32
      %sign3A_800 = arith.constant 0 : i32
      %sign3A_801 = arith.cmpi sgt, %jit3A_791, %sign3A_800 : i32
      %sign3A_802 = arith.extui %sign3A_801 : i1 to i32
      %sign3A_803 = arith.constant 0 : i32
      %sign3A_804 = arith.cmpi slt, %jit3A_791, %sign3A_803 : i32
      %sign3A_805 = arith.extui %sign3A_804 : i1 to i32
      %sign3A_806 = arith.subi %sign3A_802, %sign3A_805 : i32
      %ne3A_807 = arith.cmpi ne, %sign3A_799, %sign3A_806 : i32
      %rem3A_808 = arith.remsi %add3A_787, %jit3A_791 : i32
      %ne3A_809 = arith.constant 0 : i32
      %ne3A_810 = arith.cmpi ne, %rem3A_808, %ne3A_809 : i32
      %and3A_811 = arith.andi %ne3A_807, %ne3A_810 : i1
      %sub3A_812 = arith.constant 1 : i32
      %sub3A_813 = arith.subi %div3A_792, %sub3A_812 : i32
      %select_n3A_814 = arith.select %and3A_811, %sub3A_813, %div3A_792 : i32
      %swap3A_815 = arith.constant 21 : i32
      %swap3A_816 = arith.index_cast %swap3A_815 : i32 to index
      %swap3A_817 = memref.load %arg16[%swap3A_816] : memref<32xi32, #tpu.memory_space<smem>>
      memref.store %select_n3A_814, %arg16[%swap3A_816] : memref<32xi32, #tpu.memory_space<smem>>
      %get3A_818 = arith.constant 5 : i32
      %get3A_819 = arith.index_cast %get3A_818 : i32 to index
      %get3A_820 = memref.load %arg16[%get3A_819] : memref<32xi32, #tpu.memory_space<smem>>
      %add3A_821 = arith.constant 127 : i32
      %add3A_822 = arith.addi %get3A_820, %add3A_821 : i32
      %jit3A_823 = arith.constant 128 : i32
      %div3A_824 = arith.divsi %add3A_822, %jit3A_823 : i32
      %sign3A_825 = arith.constant 0 : i32
      %sign3A_826 = arith.cmpi sgt, %add3A_822, %sign3A_825 : i32
      %sign3A_827 = arith.extui %sign3A_826 : i1 to i32
      %sign3A_828 = arith.constant 0 : i32
      %sign3A_829 = arith.cmpi slt, %add3A_822, %sign3A_828 : i32
      %sign3A_830 = arith.extui %sign3A_829 : i1 to i32
      %sign3A_831 = arith.subi %sign3A_827, %sign3A_830 : i32
      %sign3A_832 = arith.constant 0 : i32
      %sign3A_833 = arith.cmpi sgt, %jit3A_823, %sign3A_832 : i32
      %sign3A_834 = arith.extui %sign3A_833 : i1 to i32
      %sign3A_835 = arith.constant 0 : i32
      %sign3A_836 = arith.cmpi slt, %jit3A_823, %sign3A_835 : i32
      %sign3A_837 = arith.extui %sign3A_836 : i1 to i32
      %sign3A_838 = arith.subi %sign3A_834, %sign3A_837 : i32
      %ne3A_839 = arith.cmpi ne, %sign3A_831, %sign3A_838 : i32
      %rem3A_840 = arith.remsi %add3A_822, %jit3A_823 : i32
      %ne3A_841 = arith.constant 0 : i32
      %ne3A_842 = arith.cmpi ne, %rem3A_840, %ne3A_841 : i32
      %and3A_843 = arith.andi %ne3A_839, %ne3A_842 : i1
      %sub3A_844 = arith.constant 1 : i32
      %sub3A_845 = arith.subi %div3A_824, %sub3A_844 : i32
      %select_n3A_846 = arith.select %and3A_843, %sub3A_845, %div3A_824 : i32
      %mul3A_847 = arith.constant 128 : i32
      %mul3A_848 = arith.muli %select_n3A_846, %mul3A_847 : i32
      %add3A_849 = arith.addi %add3A_787, %mul3A_848 : i32
      %swap3A_850 = arith.constant 14 : i32
      %swap3A_851 = arith.index_cast %swap3A_850 : i32 to index
      %swap3A_852 = memref.load %arg16[%swap3A_851] : memref<32xi32, #tpu.memory_space<smem>>
      memref.store %add3A_849, %arg16[%swap3A_851] : memref<32xi32, #tpu.memory_space<smem>>
      %jit3A_853 = arith.constant 128 : i32
      %div3A_854 = arith.divsi %add3A_849, %jit3A_853 : i32
      %sign3A_855 = arith.constant 0 : i32
      %sign3A_856 = arith.cmpi sgt, %add3A_849, %sign3A_855 : i32
      %sign3A_857 = arith.extui %sign3A_856 : i1 to i32
      %sign3A_858 = arith.constant 0 : i32
      %sign3A_859 = arith.cmpi slt, %add3A_849, %sign3A_858 : i32
      %sign3A_860 = arith.extui %sign3A_859 : i1 to i32
      %sign3A_861 = arith.subi %sign3A_857, %sign3A_860 : i32
      %sign3A_862 = arith.constant 0 : i32
      %sign3A_863 = arith.cmpi sgt, %jit3A_853, %sign3A_862 : i32
      %sign3A_864 = arith.extui %sign3A_863 : i1 to i32
      %sign3A_865 = arith.constant 0 : i32
      %sign3A_866 = arith.cmpi slt, %jit3A_853, %sign3A_865 : i32
      %sign3A_867 = arith.extui %sign3A_866 : i1 to i32
      %sign3A_868 = arith.subi %sign3A_864, %sign3A_867 : i32
      %ne3A_869 = arith.cmpi ne, %sign3A_861, %sign3A_868 : i32
      %rem3A_870 = arith.remsi %add3A_849, %jit3A_853 : i32
      %ne3A_871 = arith.constant 0 : i32
      %ne3A_872 = arith.cmpi ne, %rem3A_870, %ne3A_871 : i32
      %and3A_873 = arith.andi %ne3A_869, %ne3A_872 : i1
      %sub3A_874 = arith.constant 1 : i32
      %sub3A_875 = arith.subi %div3A_854, %sub3A_874 : i32
      %select_n3A_876 = arith.select %and3A_873, %sub3A_875, %div3A_854 : i32
      %swap3A_877 = arith.constant 22 : i32
      %swap3A_878 = arith.index_cast %swap3A_877 : i32 to index
      %swap3A_879 = memref.load %arg16[%swap3A_878] : memref<32xi32, #tpu.memory_space<smem>>
      memref.store %select_n3A_876, %arg16[%swap3A_878] : memref<32xi32, #tpu.memory_space<smem>>
      %get3A_880 = arith.constant 6 : i32
      %get3A_881 = arith.index_cast %get3A_880 : i32 to index
      %get3A_882 = memref.load %arg16[%get3A_881] : memref<32xi32, #tpu.memory_space<smem>>
      %add3A_883 = arith.constant 127 : i32
      %add3A_884 = arith.addi %get3A_882, %add3A_883 : i32
      %jit3A_885 = arith.constant 128 : i32
      %div3A_886 = arith.divsi %add3A_884, %jit3A_885 : i32
      %sign3A_887 = arith.constant 0 : i32
      %sign3A_888 = arith.cmpi sgt, %add3A_884, %sign3A_887 : i32
      %sign3A_889 = arith.extui %sign3A_888 : i1 to i32
      %sign3A_890 = arith.constant 0 : i32
      %sign3A_891 = arith.cmpi slt, %add3A_884, %sign3A_890 : i32
      %sign3A_892 = arith.extui %sign3A_891 : i1 to i32
      %sign3A_893 = arith.subi %sign3A_889, %sign3A_892 : i32
      %sign3A_894 = arith.constant 0 : i32
      %sign3A_895 = arith.cmpi sgt, %jit3A_885, %sign3A_894 : i32
      %sign3A_896 = arith.extui %sign3A_895 : i1 to i32
      %sign3A_897 = arith.constant 0 : i32
      %sign3A_898 = arith.cmpi slt, %jit3A_885, %sign3A_897 : i32
      %sign3A_899 = arith.extui %sign3A_898 : i1 to i32
      %sign3A_900 = arith.subi %sign3A_896, %sign3A_899 : i32
      %ne3A_901 = arith.cmpi ne, %sign3A_893, %sign3A_900 : i32
      %rem3A_902 = arith.remsi %add3A_884, %jit3A_885 : i32
      %ne3A_903 = arith.constant 0 : i32
      %ne3A_904 = arith.cmpi ne, %rem3A_902, %ne3A_903 : i32
      %and3A_905 = arith.andi %ne3A_901, %ne3A_904 : i1
      %sub3A_906 = arith.constant 1 : i32
      %sub3A_907 = arith.subi %div3A_886, %sub3A_906 : i32
      %select_n3A_908 = arith.select %and3A_905, %sub3A_907, %div3A_886 : i32
      %mul3A_909 = arith.constant 128 : i32
      %mul3A_910 = arith.muli %select_n3A_908, %mul3A_909 : i32
      %add3A_911 = arith.addi %add3A_849, %mul3A_910 : i32
      %swap3A_912 = arith.constant 15 : i32
      %swap3A_913 = arith.index_cast %swap3A_912 : i32 to index
      %swap3A_914 = memref.load %arg16[%swap3A_913] : memref<32xi32, #tpu.memory_space<smem>>
      memref.store %add3A_911, %arg16[%swap3A_913] : memref<32xi32, #tpu.memory_space<smem>>
      %jit3A_915 = arith.constant 128 : i32
      %div3A_916 = arith.divsi %add3A_911, %jit3A_915 : i32
      %sign3A_917 = arith.constant 0 : i32
      %sign3A_918 = arith.cmpi sgt, %add3A_911, %sign3A_917 : i32
      %sign3A_919 = arith.extui %sign3A_918 : i1 to i32
      %sign3A_920 = arith.constant 0 : i32
      %sign3A_921 = arith.cmpi slt, %add3A_911, %sign3A_920 : i32
      %sign3A_922 = arith.extui %sign3A_921 : i1 to i32
      %sign3A_923 = arith.subi %sign3A_919, %sign3A_922 : i32
      %sign3A_924 = arith.constant 0 : i32
      %sign3A_925 = arith.cmpi sgt, %jit3A_915, %sign3A_924 : i32
      %sign3A_926 = arith.extui %sign3A_925 : i1 to i32
      %sign3A_927 = arith.constant 0 : i32
      %sign3A_928 = arith.cmpi slt, %jit3A_915, %sign3A_927 : i32
      %sign3A_929 = arith.extui %sign3A_928 : i1 to i32
      %sign3A_930 = arith.subi %sign3A_926, %sign3A_929 : i32
      %ne3A_931 = arith.cmpi ne, %sign3A_923, %sign3A_930 : i32
      %rem3A_932 = arith.remsi %add3A_911, %jit3A_915 : i32
      %ne3A_933 = arith.constant 0 : i32
      %ne3A_934 = arith.cmpi ne, %rem3A_932, %ne3A_933 : i32
      %and3A_935 = arith.andi %ne3A_931, %ne3A_934 : i1
      %sub3A_936 = arith.constant 1 : i32
      %sub3A_937 = arith.subi %div3A_916, %sub3A_936 : i32
      %select_n3A_938 = arith.select %and3A_935, %sub3A_937, %div3A_916 : i32
      %swap3A_939 = arith.constant 23 : i32
      %swap3A_940 = arith.index_cast %swap3A_939 : i32 to index
      %swap3A_941 = memref.load %arg16[%swap3A_940] : memref<32xi32, #tpu.memory_space<smem>>
      memref.store %select_n3A_938, %arg16[%swap3A_940] : memref<32xi32, #tpu.memory_space<smem>>
      %get3A_942 = arith.constant 7 : i32
      %get3A_943 = arith.index_cast %get3A_942 : i32 to index
      %get3A_944 = memref.load %arg16[%get3A_943] : memref<32xi32, #tpu.memory_space<smem>>
      %add3A_945 = arith.constant 127 : i32
      %add3A_946 = arith.addi %get3A_944, %add3A_945 : i32
      %jit3A_947 = arith.constant 128 : i32
      %div3A_948 = arith.divsi %add3A_946, %jit3A_947 : i32
      %sign3A_949 = arith.constant 0 : i32
      %sign3A_950 = arith.cmpi sgt, %add3A_946, %sign3A_949 : i32
      %sign3A_951 = arith.extui %sign3A_950 : i1 to i32
      %sign3A_952 = arith.constant 0 : i32
      %sign3A_953 = arith.cmpi slt, %add3A_946, %sign3A_952 : i32
      %sign3A_954 = arith.extui %sign3A_953 : i1 to i32
      %sign3A_955 = arith.subi %sign3A_951, %sign3A_954 : i32
      %sign3A_956 = arith.constant 0 : i32
      %sign3A_957 = arith.cmpi sgt, %jit3A_947, %sign3A_956 : i32
      %sign3A_958 = arith.extui %sign3A_957 : i1 to i32
      %sign3A_959 = arith.constant 0 : i32
      %sign3A_960 = arith.cmpi slt, %jit3A_947, %sign3A_959 : i32
      %sign3A_961 = arith.extui %sign3A_960 : i1 to i32
      %sign3A_962 = arith.subi %sign3A_958, %sign3A_961 : i32
      %ne3A_963 = arith.cmpi ne, %sign3A_955, %sign3A_962 : i32
      %rem3A_964 = arith.remsi %add3A_946, %jit3A_947 : i32
      %ne3A_965 = arith.constant 0 : i32
      %ne3A_966 = arith.cmpi ne, %rem3A_964, %ne3A_965 : i32
      %and3A_967 = arith.andi %ne3A_963, %ne3A_966 : i1
      %sub3A_968 = arith.constant 1 : i32
      %sub3A_969 = arith.subi %div3A_948, %sub3A_968 : i32
      %select_n3A_970 = arith.select %and3A_967, %sub3A_969, %div3A_948 : i32
      %mul3A_971 = arith.constant 128 : i32
      %mul3A_972 = arith.muli %select_n3A_970, %mul3A_971 : i32
      %add3A_973 = arith.addi %add3A_911, %mul3A_972 : i32
      %add3A_974 = arith.constant 0 : i32
      %add3A_975 = vector.broadcast %add3A_974 : i32 to vector<16xi32>
      %add3A_976 = arith.addi %iota3A, %add3A_975 : vector<16xi32>
      %broadcast_in_dim3A_977 = arith.constant 0 : i32
      %broadcast_in_dim3A_978 = vector.broadcast %broadcast_in_dim3A_977 : i32 to vector<16xi32>
      %get3A_979 = arith.constant 17 : i32
      %get3A_980 = arith.index_cast %get3A_979 : i32 to index
      %get3A_981 = memref.load %arg16[%get3A_980] : memref<32xi32, #tpu.memory_space<smem>>
      %broadcast_in_dim3A_982 = vector.broadcast %get3A_981 : i32 to vector<16xi32>
      %ge3A = arith.cmpi sge, %add3A_976, %broadcast_in_dim3A_982 : vector<16xi32>
      %jit3A_983 = arith.constant 1 : i32
      %broadcast_in_dim3A_984 = vector.broadcast %jit3A_983 : i32 to vector<16xi32>
      %select_n3A_985 = arith.select %ge3A, %broadcast_in_dim3A_984, %broadcast_in_dim3A_978 : vector<16xi1>, vector<16xi32>
      %get3A_986 = arith.constant 18 : i32
      %get3A_987 = arith.index_cast %get3A_986 : i32 to index
      %get3A_988 = memref.load %arg16[%get3A_987] : memref<32xi32, #tpu.memory_space<smem>>
      %broadcast_in_dim3A_989 = vector.broadcast %get3A_988 : i32 to vector<16xi32>
      %ge3A_990 = arith.cmpi sge, %add3A_976, %broadcast_in_dim3A_989 : vector<16xi32>
      %jit3A_991 = arith.constant 2 : i32
      %broadcast_in_dim3A_992 = vector.broadcast %jit3A_991 : i32 to vector<16xi32>
      %select_n3A_993 = arith.select %ge3A_990, %broadcast_in_dim3A_992, %select_n3A_985 : vector<16xi1>, vector<16xi32>
      %get3A_994 = arith.constant 19 : i32
      %get3A_995 = arith.index_cast %get3A_994 : i32 to index
      %get3A_996 = memref.load %arg16[%get3A_995] : memref<32xi32, #tpu.memory_space<smem>>
      %broadcast_in_dim3A_997 = vector.broadcast %get3A_996 : i32 to vector<16xi32>
      %ge3A_998 = arith.cmpi sge, %add3A_976, %broadcast_in_dim3A_997 : vector<16xi32>
      %jit3A_999 = arith.constant 3 : i32
      %broadcast_in_dim3A_1000 = vector.broadcast %jit3A_999 : i32 to vector<16xi32>
      %select_n3A_1001 = arith.select %ge3A_998, %broadcast_in_dim3A_1000, %select_n3A_993 : vector<16xi1>, vector<16xi32>
      %get3A_1002 = arith.constant 20 : i32
      %get3A_1003 = arith.index_cast %get3A_1002 : i32 to index
      %get3A_1004 = memref.load %arg16[%get3A_1003] : memref<32xi32, #tpu.memory_space<smem>>
      %broadcast_in_dim3A_1005 = vector.broadcast %get3A_1004 : i32 to vector<16xi32>
      %ge3A_1006 = arith.cmpi sge, %add3A_976, %broadcast_in_dim3A_1005 : vector<16xi32>
      %jit3A_1007 = arith.constant 4 : i32
      %broadcast_in_dim3A_1008 = vector.broadcast %jit3A_1007 : i32 to vector<16xi32>
      %select_n3A_1009 = arith.select %ge3A_1006, %broadcast_in_dim3A_1008, %select_n3A_1001 : vector<16xi1>, vector<16xi32>
      %get3A_1010 = arith.constant 21 : i32
      %get3A_1011 = arith.index_cast %get3A_1010 : i32 to index
      %get3A_1012 = memref.load %arg16[%get3A_1011] : memref<32xi32, #tpu.memory_space<smem>>
      %broadcast_in_dim3A_1013 = vector.broadcast %get3A_1012 : i32 to vector<16xi32>
      %ge3A_1014 = arith.cmpi sge, %add3A_976, %broadcast_in_dim3A_1013 : vector<16xi32>
      %jit3A_1015 = arith.constant 5 : i32
      %broadcast_in_dim3A_1016 = vector.broadcast %jit3A_1015 : i32 to vector<16xi32>
      %select_n3A_1017 = arith.select %ge3A_1014, %broadcast_in_dim3A_1016, %select_n3A_1009 : vector<16xi1>, vector<16xi32>
      %get3A_1018 = arith.constant 22 : i32
      %get3A_1019 = arith.index_cast %get3A_1018 : i32 to index
      %get3A_1020 = memref.load %arg16[%get3A_1019] : memref<32xi32, #tpu.memory_space<smem>>
      %broadcast_in_dim3A_1021 = vector.broadcast %get3A_1020 : i32 to vector<16xi32>
      %ge3A_1022 = arith.cmpi sge, %add3A_976, %broadcast_in_dim3A_1021 : vector<16xi32>
      %jit3A_1023 = arith.constant 6 : i32
      %broadcast_in_dim3A_1024 = vector.broadcast %jit3A_1023 : i32 to vector<16xi32>
      %select_n3A_1025 = arith.select %ge3A_1022, %broadcast_in_dim3A_1024, %select_n3A_1017 : vector<16xi1>, vector<16xi32>
      %get3A_1026 = arith.constant 23 : i32
      %get3A_1027 = arith.index_cast %get3A_1026 : i32 to index
      %get3A_1028 = memref.load %arg16[%get3A_1027] : memref<32xi32, #tpu.memory_space<smem>>
      %broadcast_in_dim3A_1029 = vector.broadcast %get3A_1028 : i32 to vector<16xi32>
      %ge3A_1030 = arith.cmpi sge, %add3A_976, %broadcast_in_dim3A_1029 : vector<16xi32>
      %jit3A_1031 = arith.constant 7 : i32
      %broadcast_in_dim3A_1032 = vector.broadcast %jit3A_1031 : i32 to vector<16xi32>
      %select_n3A_1033 = arith.select %ge3A_1030, %broadcast_in_dim3A_1032, %select_n3A_1025 : vector<16xi1>, vector<16xi32>
      %swap3A_1034 = arith.constant 0 : index
      %swap3A_1035 = tpu.vector_load %arg14[%swap3A_1034] {strides = array<i32>} : memref<32xi32, #tpu.memory_space<vmem>>, vector<16xi32>,
      %swap3A_1036 = vector.shape_cast %swap3A_1035 : vector<16xi32> to vector<16xi32>
      %swap3A_1037 = vector.shape_cast %select_n3A_1033 : vector<16xi32> to vector<16xi32>
      tpu.vector_store %arg14[%swap3A_1034], %swap3A_1037 {strides = array<i32>} : memref<32xi32, #tpu.memory_space<vmem>>, vector<16xi32>,
      %add3A_1038 = arith.constant 16 : i32
      %add3A_1039 = vector.broadcast %add3A_1038 : i32 to vector<16xi32>
      %add3A_1040 = arith.addi %iota3A, %add3A_1039 : vector<16xi32>
      %broadcast_in_dim3A_1041 = arith.constant 0 : i32
      %broadcast_in_dim3A_1042 = vector.broadcast %broadcast_in_dim3A_1041 : i32 to vector<16xi32>
      %get3A_1043 = arith.constant 17 : i32
      %get3A_1044 = arith.index_cast %get3A_1043 : i32 to index
      %get3A_1045 = memref.load %arg16[%get3A_1044] : memref<32xi32, #tpu.memory_space<smem>>
      %broadcast_in_dim3A_1046 = vector.broadcast %get3A_1045 : i32 to vector<16xi32>
      %ge3A_1047 = arith.cmpi sge, %add3A_1040, %broadcast_in_dim3A_1046 : vector<16xi32>
      %jit3A_1048 = arith.constant 1 : i32
      %broadcast_in_dim3A_1049 = vector.broadcast %jit3A_1048 : i32 to vector<16xi32>
      %select_n3A_1050 = arith.select %ge3A_1047, %broadcast_in_dim3A_1049, %broadcast_in_dim3A_1042 : vector<16xi1>, vector<16xi32>
      %get3A_1051 = arith.constant 18 : i32
      %get3A_1052 = arith.index_cast %get3A_1051 : i32 to index
      %get3A_1053 = memref.load %arg16[%get3A_1052] : memref<32xi32, #tpu.memory_space<smem>>
      %broadcast_in_dim3A_1054 = vector.broadcast %get3A_1053 : i32 to vector<16xi32>
      %ge3A_1055 = arith.cmpi sge, %add3A_1040, %broadcast_in_dim3A_1054 : vector<16xi32>
      %jit3A_1056 = arith.constant 2 : i32
      %broadcast_in_dim3A_1057 = vector.broadcast %jit3A_1056 : i32 to vector<16xi32>
      %select_n3A_1058 = arith.select %ge3A_1055, %broadcast_in_dim3A_1057, %select_n3A_1050 : vector<16xi1>, vector<16xi32>
      %get3A_1059 = arith.constant 19 : i32
      %get3A_1060 = arith.index_cast %get3A_1059 : i32 to index
      %get3A_1061 = memref.load %arg16[%get3A_1060] : memref<32xi32, #tpu.memory_space<smem>>
      %broadcast_in_dim3A_1062 = vector.broadcast %get3A_1061 : i32 to vector<16xi32>
      %ge3A_1063 = arith.cmpi sge, %add3A_1040, %broadcast_in_dim3A_1062 : vector<16xi32>
      %jit3A_1064 = arith.constant 3 : i32
      %broadcast_in_dim3A_1065 = vector.broadcast %jit3A_1064 : i32 to vector<16xi32>
      %select_n3A_1066 = arith.select %ge3A_1063, %broadcast_in_dim3A_1065, %select_n3A_1058 : vector<16xi1>, vector<16xi32>
      %get3A_1067 = arith.constant 20 : i32
      %get3A_1068 = arith.index_cast %get3A_1067 : i32 to index
      %get3A_1069 = memref.load %arg16[%get3A_1068] : memref<32xi32, #tpu.memory_space<smem>>
      %broadcast_in_dim3A_1070 = vector.broadcast %get3A_1069 : i32 to vector<16xi32>
      %ge3A_1071 = arith.cmpi sge, %add3A_1040, %broadcast_in_dim3A_1070 : vector<16xi32>
      %jit3A_1072 = arith.constant 4 : i32
      %broadcast_in_dim3A_1073 = vector.broadcast %jit3A_1072 : i32 to vector<16xi32>
      %select_n3A_1074 = arith.select %ge3A_1071, %broadcast_in_dim3A_1073, %select_n3A_1066 : vector<16xi1>, vector<16xi32>
      %get3A_1075 = arith.constant 21 : i32
      %get3A_1076 = arith.index_cast %get3A_1075 : i32 to index
      %get3A_1077 = memref.load %arg16[%get3A_1076] : memref<32xi32, #tpu.memory_space<smem>>
      %broadcast_in_dim3A_1078 = vector.broadcast %get3A_1077 : i32 to vector<16xi32>
      %ge3A_1079 = arith.cmpi sge, %add3A_1040, %broadcast_in_dim3A_1078 : vector<16xi32>
      %jit3A_1080 = arith.constant 5 : i32
      %broadcast_in_dim3A_1081 = vector.broadcast %jit3A_1080 : i32 to vector<16xi32>
      %select_n3A_1082 = arith.select %ge3A_1079, %broadcast_in_dim3A_1081, %select_n3A_1074 : vector<16xi1>, vector<16xi32>
      %get3A_1083 = arith.constant 22 : i32
      %get3A_1084 = arith.index_cast %get3A_1083 : i32 to index
      %get3A_1085 = memref.load %arg16[%get3A_1084] : memref<32xi32, #tpu.memory_space<smem>>
      %broadcast_in_dim3A_1086 = vector.broadcast %get3A_1085 : i32 to vector<16xi32>
      %ge3A_1087 = arith.cmpi sge, %add3A_1040, %broadcast_in_dim3A_1086 : vector<16xi32>
      %jit3A_1088 = arith.constant 6 : i32
      %broadcast_in_dim3A_1089 = vector.broadcast %jit3A_1088 : i32 to vector<16xi32>
      %select_n3A_1090 = arith.select %ge3A_1087, %broadcast_in_dim3A_1089, %select_n3A_1082 : vector<16xi1>, vector<16xi32>
      %get3A_1091 = arith.constant 23 : i32
      %get3A_1092 = arith.index_cast %get3A_1091 : i32 to index
      %get3A_1093 = memref.load %arg16[%get3A_1092] : memref<32xi32, #tpu.memory_space<smem>>
      %broadcast_in_dim3A_1094 = vector.broadcast %get3A_1093 : i32 to vector<16xi32>
      %ge3A_1095 = arith.cmpi sge, %add3A_1040, %broadcast_in_dim3A_1094 : vector<16xi32>
      %jit3A_1096 = arith.constant 7 : i32
      %broadcast_in_dim3A_1097 = vector.broadcast %jit3A_1096 : i32 to vector<16xi32>
      %select_n3A_1098 = arith.select %ge3A_1095, %broadcast_in_dim3A_1097, %select_n3A_1090 : vector<16xi1>, vector<16xi32>
      %swap3A_1099 = arith.constant 16 : index
      %swap3A_1100 = tpu.vector_load %arg14[%swap3A_1099] {strides = array<i32>} : memref<32xi32, #tpu.memory_space<vmem>>, vector<16xi32>,
      %swap3A_1101 = vector.shape_cast %swap3A_1100 : vector<16xi32> to vector<16xi32>
      %swap3A_1102 = vector.shape_cast %select_n3A_1098 : vector<16xi32> to vector<16xi32>
      tpu.vector_store %arg14[%swap3A_1099], %swap3A_1102 {strides = array<i32>} : memref<32xi32, #tpu.memory_space<vmem>>, vector<16xi32>,
      %scan3A_1103 = arith.constant 0 : i32
      %scan3A_1104 = arith.constant 0 : i32
      %scan3A_1105 = arith.constant 128 : i32
      %scan3A_1106 = arith.addi %scan3A_1104, %scan3A_1105 : i32
      %scan3A_1107 = arith.constant 1 : i32
      %scan3A_1108 = scf.for %scan3A_1748 = %scan3A_1104 to %scan3A_1106 step %scan3A_1107 iter_args(%scan3A_1749 = %scan3A_1103) -> (i32)  : i32 {
        %mul3A_1750 = arith.constant 16 : i32
        %mul3A_1751 = arith.muli %scan3A_1748, %mul3A_1750 : i32
        %get3A_1752 = arith.index_cast %mul3A_1751 : i32 to index
        %get3A_1753 = tpu.vector_load %arg8[%get3A_1752] {strides = array<i32>} : memref<2064xi32, #tpu.memory_space<vmem>>, vector<16xi32>,
        %get3A_1754 = vector.shape_cast %get3A_1753 : vector<16xi32> to vector<16xi32>
        %broadcast_in_dim3A_1755 = arith.constant 0 : i32
        %broadcast_in_dim3A_1756 = vector.broadcast %broadcast_in_dim3A_1755 : i32 to vector<16xi32>
        %slice3A_1757 = vector.extract_strided_slice %get3A_1754 {offsets = [0], sizes = [1], strides = [1]} : vector<16xi32> to vector<1xi32>
        %squeeze3A_1758 = vector.extract %slice3A_1757[0] : i32 from vector<1xi32>
        %add3A_1759 = arith.constant 8 : i32
        %add3A_1760 = arith.addi %add3A_1759, %squeeze3A_1758 : i32
        %get3A_1761 = arith.index_cast %add3A_1760 : i32 to index
        %get3A_1762 = memref.load %arg16[%get3A_1761] : memref<32xi32, #tpu.memory_space<smem>>
        %add3A_1763 = arith.constant 1 : i32
        %add3A_1764 = arith.addi %get3A_1762, %add3A_1763 : i32
        %add3A_1765 = arith.constant 8 : i32
        %add3A_1766 = arith.addi %add3A_1765, %squeeze3A_1758 : i32
        %swap3A_1767 = arith.index_cast %add3A_1766 : i32 to index
        %swap3A_1768 = memref.load %arg16[%swap3A_1767] : memref<32xi32, #tpu.memory_space<smem>>
        memref.store %add3A_1764, %arg16[%swap3A_1767] : memref<32xi32, #tpu.memory_space<smem>>
        %eq3A_1769 = arith.constant 0 : i32
        %eq3A_1770 = vector.broadcast %eq3A_1769 : i32 to vector<16xi32>
        %eq3A_1771 = arith.cmpi eq, %iota3A, %eq3A_1770 : vector<16xi32>
        %broadcast_in_dim3A_1772 = vector.broadcast %get3A_1762 : i32 to vector<16xi32>
        %select_n3A_1773 = arith.select %eq3A_1771, %broadcast_in_dim3A_1772, %broadcast_in_dim3A_1756 : vector<16xi1>, vector<16xi32>
        %slice3A_1774 = vector.extract_strided_slice %get3A_1754 {offsets = [1], sizes = [1], strides = [1]} : vector<16xi32> to vector<1xi32>
        %squeeze3A_1775 = vector.extract %slice3A_1774[0] : i32 from vector<1xi32>
        %add3A_1776 = arith.constant 8 : i32
        %add3A_1777 = arith.addi %add3A_1776, %squeeze3A_1775 : i32
        %get3A_1778 = arith.index_cast %add3A_1777 : i32 to index
        %get3A_1779 = memref.load %arg16[%get3A_1778] : memref<32xi32, #tpu.memory_space<smem>>
        %add3A_1780 = arith.constant 1 : i32
        %add3A_1781 = arith.addi %get3A_1779, %add3A_1780 : i32
        %add3A_1782 = arith.constant 8 : i32
        %add3A_1783 = arith.addi %add3A_1782, %squeeze3A_1775 : i32
        %swap3A_1784 = arith.index_cast %add3A_1783 : i32 to index
        %swap3A_1785 = memref.load %arg16[%swap3A_1784] : memref<32xi32, #tpu.memory_space<smem>>
        memref.store %add3A_1781, %arg16[%swap3A_1784] : memref<32xi32, #tpu.memory_space<smem>>
        %eq3A_1786 = arith.constant 1 : i32
        %eq3A_1787 = vector.broadcast %eq3A_1786 : i32 to vector<16xi32>
        %eq3A_1788 = arith.cmpi eq, %iota3A, %eq3A_1787 : vector<16xi32>
        %broadcast_in_dim3A_1789 = vector.broadcast %get3A_1779 : i32 to vector<16xi32>
        %select_n3A_1790 = arith.select %eq3A_1788, %broadcast_in_dim3A_1789, %select_n3A_1773 : vector<16xi1>, vector<16xi32>
        %slice3A_1791 = vector.extract_strided_slice %get3A_1754 {offsets = [2], sizes = [1], strides = [1]} : vector<16xi32> to vector<1xi32>
        %squeeze3A_1792 = vector.extract %slice3A_1791[0] : i32 from vector<1xi32>
        %add3A_1793 = arith.constant 8 : i32
        %add3A_1794 = arith.addi %add3A_1793, %squeeze3A_1792 : i32
        %get3A_1795 = arith.index_cast %add3A_1794 : i32 to index
        %get3A_1796 = memref.load %arg16[%get3A_1795] : memref<32xi32, #tpu.memory_space<smem>>
        %add3A_1797 = arith.constant 1 : i32
        %add3A_1798 = arith.addi %get3A_1796, %add3A_1797 : i32
        %add3A_1799 = arith.constant 8 : i32
        %add3A_1800 = arith.addi %add3A_1799, %squeeze3A_1792 : i32
        %swap3A_1801 = arith.index_cast %add3A_1800 : i32 to index
        %swap3A_1802 = memref.load %arg16[%swap3A_1801] : memref<32xi32, #tpu.memory_space<smem>>
        memref.store %add3A_1798, %arg16[%swap3A_1801] : memref<32xi32, #tpu.memory_space<smem>>
        %eq3A_1803 = arith.constant 2 : i32
        %eq3A_1804 = vector.broadcast %eq3A_1803 : i32 to vector<16xi32>
        %eq3A_1805 = arith.cmpi eq, %iota3A, %eq3A_1804 : vector<16xi32>
        %broadcast_in_dim3A_1806 = vector.broadcast %get3A_1796 : i32 to vector<16xi32>
        %select_n3A_1807 = arith.select %eq3A_1805, %broadcast_in_dim3A_1806, %select_n3A_1790 : vector<16xi1>, vector<16xi32>
        %slice3A_1808 = vector.extract_strided_slice %get3A_1754 {offsets = [3], sizes = [1], strides = [1]} : vector<16xi32> to vector<1xi32>
        %squeeze3A_1809 = vector.extract %slice3A_1808[0] : i32 from vector<1xi32>
        %add3A_1810 = arith.constant 8 : i32
        %add3A_1811 = arith.addi %add3A_1810, %squeeze3A_1809 : i32
        %get3A_1812 = arith.index_cast %add3A_1811 : i32 to index
        %get3A_1813 = memref.load %arg16[%get3A_1812] : memref<32xi32, #tpu.memory_space<smem>>
        %add3A_1814 = arith.constant 1 : i32
        %add3A_1815 = arith.addi %get3A_1813, %add3A_1814 : i32
        %add3A_1816 = arith.constant 8 : i32
        %add3A_1817 = arith.addi %add3A_1816, %squeeze3A_1809 : i32
        %swap3A_1818 = arith.index_cast %add3A_1817 : i32 to index
        %swap3A_1819 = memref.load %arg16[%swap3A_1818] : memref<32xi32, #tpu.memory_space<smem>>
        memref.store %add3A_1815, %arg16[%swap3A_1818] : memref<32xi32, #tpu.memory_space<smem>>
        %eq3A_1820 = arith.constant 3 : i32
        %eq3A_1821 = vector.broadcast %eq3A_1820 : i32 to vector<16xi32>
        %eq3A_1822 = arith.cmpi eq, %iota3A, %eq3A_1821 : vector<16xi32>
        %broadcast_in_dim3A_1823 = vector.broadcast %get3A_1813 : i32 to vector<16xi32>
        %select_n3A_1824 = arith.select %eq3A_1822, %broadcast_in_dim3A_1823, %select_n3A_1807 : vector<16xi1>, vector<16xi32>
        %slice3A_1825 = vector.extract_strided_slice %get3A_1754 {offsets = [4], sizes = [1], strides = [1]} : vector<16xi32> to vector<1xi32>
        %squeeze3A_1826 = vector.extract %slice3A_1825[0] : i32 from vector<1xi32>
        %add3A_1827 = arith.constant 8 : i32
        %add3A_1828 = arith.addi %add3A_1827, %squeeze3A_1826 : i32
        %get3A_1829 = arith.index_cast %add3A_1828 : i32 to index
        %get3A_1830 = memref.load %arg16[%get3A_1829] : memref<32xi32, #tpu.memory_space<smem>>
        %add3A_1831 = arith.constant 1 : i32
        %add3A_1832 = arith.addi %get3A_1830, %add3A_1831 : i32
        %add3A_1833 = arith.constant 8 : i32
        %add3A_1834 = arith.addi %add3A_1833, %squeeze3A_1826 : i32
        %swap3A_1835 = arith.index_cast %add3A_1834 : i32 to index
        %swap3A_1836 = memref.load %arg16[%swap3A_1835] : memref<32xi32, #tpu.memory_space<smem>>
        memref.store %add3A_1832, %arg16[%swap3A_1835] : memref<32xi32, #tpu.memory_space<smem>>
        %eq3A_1837 = arith.constant 4 : i32
        %eq3A_1838 = vector.broadcast %eq3A_1837 : i32 to vector<16xi32>
        %eq3A_1839 = arith.cmpi eq, %iota3A, %eq3A_1838 : vector<16xi32>
        %broadcast_in_dim3A_1840 = vector.broadcast %get3A_1830 : i32 to vector<16xi32>
        %select_n3A_1841 = arith.select %eq3A_1839, %broadcast_in_dim3A_1840, %select_n3A_1824 : vector<16xi1>, vector<16xi32>
        %slice3A_1842 = vector.extract_strided_slice %get3A_1754 {offsets = [5], sizes = [1], strides = [1]} : vector<16xi32> to vector<1xi32>
        %squeeze3A_1843 = vector.extract %slice3A_1842[0] : i32 from vector<1xi32>
        %add3A_1844 = arith.constant 8 : i32
        %add3A_1845 = arith.addi %add3A_1844, %squeeze3A_1843 : i32
        %get3A_1846 = arith.index_cast %add3A_1845 : i32 to index
        %get3A_1847 = memref.load %arg16[%get3A_1846] : memref<32xi32, #tpu.memory_space<smem>>
        %add3A_1848 = arith.constant 1 : i32
        %add3A_1849 = arith.addi %get3A_1847, %add3A_1848 : i32
        %add3A_1850 = arith.constant 8 : i32
        %add3A_1851 = arith.addi %add3A_1850, %squeeze3A_1843 : i32
        %swap3A_1852 = arith.index_cast %add3A_1851 : i32 to index
        %swap3A_1853 = memref.load %arg16[%swap3A_1852] : memref<32xi32, #tpu.memory_space<smem>>
        memref.store %add3A_1849, %arg16[%swap3A_1852] : memref<32xi32, #tpu.memory_space<smem>>
        %eq3A_1854 = arith.constant 5 : i32
        %eq3A_1855 = vector.broadcast %eq3A_1854 : i32 to vector<16xi32>
        %eq3A_1856 = arith.cmpi eq, %iota3A, %eq3A_1855 : vector<16xi32>
        %broadcast_in_dim3A_1857 = vector.broadcast %get3A_1847 : i32 to vector<16xi32>
        %select_n3A_1858 = arith.select %eq3A_1856, %broadcast_in_dim3A_1857, %select_n3A_1841 : vector<16xi1>, vector<16xi32>
        %slice3A_1859 = vector.extract_strided_slice %get3A_1754 {offsets = [6], sizes = [1], strides = [1]} : vector<16xi32> to vector<1xi32>
        %squeeze3A_1860 = vector.extract %slice3A_1859[0] : i32 from vector<1xi32>
        %add3A_1861 = arith.constant 8 : i32
        %add3A_1862 = arith.addi %add3A_1861, %squeeze3A_1860 : i32
        %get3A_1863 = arith.index_cast %add3A_1862 : i32 to index
        %get3A_1864 = memref.load %arg16[%get3A_1863] : memref<32xi32, #tpu.memory_space<smem>>
        %add3A_1865 = arith.constant 1 : i32
        %add3A_1866 = arith.addi %get3A_1864, %add3A_1865 : i32
        %add3A_1867 = arith.constant 8 : i32
        %add3A_1868 = arith.addi %add3A_1867, %squeeze3A_1860 : i32
        %swap3A_1869 = arith.index_cast %add3A_1868 : i32 to index
        %swap3A_1870 = memref.load %arg16[%swap3A_1869] : memref<32xi32, #tpu.memory_space<smem>>
        memref.store %add3A_1866, %arg16[%swap3A_1869] : memref<32xi32, #tpu.memory_space<smem>>
        %eq3A_1871 = arith.constant 6 : i32
        %eq3A_1872 = vector.broadcast %eq3A_1871 : i32 to vector<16xi32>
        %eq3A_1873 = arith.cmpi eq, %iota3A, %eq3A_1872 : vector<16xi32>
        %broadcast_in_dim3A_1874 = vector.broadcast %get3A_1864 : i32 to vector<16xi32>
        %select_n3A_1875 = arith.select %eq3A_1873, %broadcast_in_dim3A_1874, %select_n3A_1858 : vector<16xi1>, vector<16xi32>
        %slice3A_1876 = vector.extract_strided_slice %get3A_1754 {offsets = [7], sizes = [1], strides = [1]} : vector<16xi32> to vector<1xi32>
        %squeeze3A_1877 = vector.extract %slice3A_1876[0] : i32 from vector<1xi32>
        %add3A_1878 = arith.constant 8 : i32
        %add3A_1879 = arith.addi %add3A_1878, %squeeze3A_1877 : i32
        %get3A_1880 = arith.index_cast %add3A_1879 : i32 to index
        %get3A_1881 = memref.load %arg16[%get3A_1880] : memref<32xi32, #tpu.memory_space<smem>>
        %add3A_1882 = arith.constant 1 : i32
        %add3A_1883 = arith.addi %get3A_1881, %add3A_1882 : i32
        %add3A_1884 = arith.constant 8 : i32
        %add3A_1885 = arith.addi %add3A_1884, %squeeze3A_1877 : i32
        %swap3A_1886 = arith.index_cast %add3A_1885 : i32 to index
        %swap3A_1887 = memref.load %arg16[%swap3A_1886] : memref<32xi32, #tpu.memory_space<smem>>
        memref.store %add3A_1883, %arg16[%swap3A_1886] : memref<32xi32, #tpu.memory_space<smem>>
        %eq3A_1888 = arith.constant 7 : i32
        %eq3A_1889 = vector.broadcast %eq3A_1888 : i32 to vector<16xi32>
        %eq3A_1890 = arith.cmpi eq, %iota3A, %eq3A_1889 : vector<16xi32>
        %broadcast_in_dim3A_1891 = vector.broadcast %get3A_1881 : i32 to vector<16xi32>
        %select_n3A_1892 = arith.select %eq3A_1890, %broadcast_in_dim3A_1891, %select_n3A_1875 : vector<16xi1>, vector<16xi32>
        %slice3A_1893 = vector.extract_strided_slice %get3A_1754 {offsets = [8], sizes = [1], strides = [1]} : vector<16xi32> to vector<1xi32>
        %squeeze3A_1894 = vector.extract %slice3A_1893[0] : i32 from vector<1xi32>
        %add3A_1895 = arith.constant 8 : i32
        %add3A_1896 = arith.addi %add3A_1895, %squeeze3A_1894 : i32
        %get3A_1897 = arith.index_cast %add3A_1896 : i32 to index
        %get3A_1898 = memref.load %arg16[%get3A_1897] : memref<32xi32, #tpu.memory_space<smem>>
        %add3A_1899 = arith.constant 1 : i32
        %add3A_1900 = arith.addi %get3A_1898, %add3A_1899 : i32
        %add3A_1901 = arith.constant 8 : i32
        %add3A_1902 = arith.addi %add3A_1901, %squeeze3A_1894 : i32
        %swap3A_1903 = arith.index_cast %add3A_1902 : i32 to index
        %swap3A_1904 = memref.load %arg16[%swap3A_1903] : memref<32xi32, #tpu.memory_space<smem>>
        memref.store %add3A_1900, %arg16[%swap3A_1903] : memref<32xi32, #tpu.memory_space<smem>>
        %eq3A_1905 = arith.constant 8 : i32
        %eq3A_1906 = vector.broadcast %eq3A_1905 : i32 to vector<16xi32>
        %eq3A_1907 = arith.cmpi eq, %iota3A, %eq3A_1906 : vector<16xi32>
        %broadcast_in_dim3A_1908 = vector.broadcast %get3A_1898 : i32 to vector<16xi32>
        %select_n3A_1909 = arith.select %eq3A_1907, %broadcast_in_dim3A_1908, %select_n3A_1892 : vector<16xi1>, vector<16xi32>
        %slice3A_1910 = vector.extract_strided_slice %get3A_1754 {offsets = [9], sizes = [1], strides = [1]} : vector<16xi32> to vector<1xi32>
        %squeeze3A_1911 = vector.extract %slice3A_1910[0] : i32 from vector<1xi32>
        %add3A_1912 = arith.constant 8 : i32
        %add3A_1913 = arith.addi %add3A_1912, %squeeze3A_1911 : i32
        %get3A_1914 = arith.index_cast %add3A_1913 : i32 to index
        %get3A_1915 = memref.load %arg16[%get3A_1914] : memref<32xi32, #tpu.memory_space<smem>>
        %add3A_1916 = arith.constant 1 : i32
        %add3A_1917 = arith.addi %get3A_1915, %add3A_1916 : i32
        %add3A_1918 = arith.constant 8 : i32
        %add3A_1919 = arith.addi %add3A_1918, %squeeze3A_1911 : i32
        %swap3A_1920 = arith.index_cast %add3A_1919 : i32 to index
        %swap3A_1921 = memref.load %arg16[%swap3A_1920] : memref<32xi32, #tpu.memory_space<smem>>
        memref.store %add3A_1917, %arg16[%swap3A_1920] : memref<32xi32, #tpu.memory_space<smem>>
        %eq3A_1922 = arith.constant 9 : i32
        %eq3A_1923 = vector.broadcast %eq3A_1922 : i32 to vector<16xi32>
        %eq3A_1924 = arith.cmpi eq, %iota3A, %eq3A_1923 : vector<16xi32>
        %broadcast_in_dim3A_1925 = vector.broadcast %get3A_1915 : i32 to vector<16xi32>
        %select_n3A_1926 = arith.select %eq3A_1924, %broadcast_in_dim3A_1925, %select_n3A_1909 : vector<16xi1>, vector<16xi32>
        %slice3A_1927 = vector.extract_strided_slice %get3A_1754 {offsets = [10], sizes = [1], strides = [1]} : vector<16xi32> to vector<1xi32>
        %squeeze3A_1928 = vector.extract %slice3A_1927[0] : i32 from vector<1xi32>
        %add3A_1929 = arith.constant 8 : i32
        %add3A_1930 = arith.addi %add3A_1929, %squeeze3A_1928 : i32
        %get3A_1931 = arith.index_cast %add3A_1930 : i32 to index
        %get3A_1932 = memref.load %arg16[%get3A_1931] : memref<32xi32, #tpu.memory_space<smem>>
        %add3A_1933 = arith.constant 1 : i32
        %add3A_1934 = arith.addi %get3A_1932, %add3A_1933 : i32
        %add3A_1935 = arith.constant 8 : i32
        %add3A_1936 = arith.addi %add3A_1935, %squeeze3A_1928 : i32
        %swap3A_1937 = arith.index_cast %add3A_1936 : i32 to index
        %swap3A_1938 = memref.load %arg16[%swap3A_1937] : memref<32xi32, #tpu.memory_space<smem>>
        memref.store %add3A_1934, %arg16[%swap3A_1937] : memref<32xi32, #tpu.memory_space<smem>>
        %eq3A_1939 = arith.constant 10 : i32
        %eq3A_1940 = vector.broadcast %eq3A_1939 : i32 to vector<16xi32>
        %eq3A_1941 = arith.cmpi eq, %iota3A, %eq3A_1940 : vector<16xi32>
        %broadcast_in_dim3A_1942 = vector.broadcast %get3A_1932 : i32 to vector<16xi32>
        %select_n3A_1943 = arith.select %eq3A_1941, %broadcast_in_dim3A_1942, %select_n3A_1926 : vector<16xi1>, vector<16xi32>
        %slice3A_1944 = vector.extract_strided_slice %get3A_1754 {offsets = [11], sizes = [1], strides = [1]} : vector<16xi32> to vector<1xi32>
        %squeeze3A_1945 = vector.extract %slice3A_1944[0] : i32 from vector<1xi32>
        %add3A_1946 = arith.constant 8 : i32
        %add3A_1947 = arith.addi %add3A_1946, %squeeze3A_1945 : i32
        %get3A_1948 = arith.index_cast %add3A_1947 : i32 to index
        %get3A_1949 = memref.load %arg16[%get3A_1948] : memref<32xi32, #tpu.memory_space<smem>>
        %add3A_1950 = arith.constant 1 : i32
        %add3A_1951 = arith.addi %get3A_1949, %add3A_1950 : i32
        %add3A_1952 = arith.constant 8 : i32
        %add3A_1953 = arith.addi %add3A_1952, %squeeze3A_1945 : i32
        %swap3A_1954 = arith.index_cast %add3A_1953 : i32 to index
        %swap3A_1955 = memref.load %arg16[%swap3A_1954] : memref<32xi32, #tpu.memory_space<smem>>
        memref.store %add3A_1951, %arg16[%swap3A_1954] : memref<32xi32, #tpu.memory_space<smem>>
        %eq3A_1956 = arith.constant 11 : i32
        %eq3A_1957 = vector.broadcast %eq3A_1956 : i32 to vector<16xi32>
        %eq3A_1958 = arith.cmpi eq, %iota3A, %eq3A_1957 : vector<16xi32>
        %broadcast_in_dim3A_1959 = vector.broadcast %get3A_1949 : i32 to vector<16xi32>
        %select_n3A_1960 = arith.select %eq3A_1958, %broadcast_in_dim3A_1959, %select_n3A_1943 : vector<16xi1>, vector<16xi32>
        %slice3A_1961 = vector.extract_strided_slice %get3A_1754 {offsets = [12], sizes = [1], strides = [1]} : vector<16xi32> to vector<1xi32>
        %squeeze3A_1962 = vector.extract %slice3A_1961[0] : i32 from vector<1xi32>
        %add3A_1963 = arith.constant 8 : i32
        %add3A_1964 = arith.addi %add3A_1963, %squeeze3A_1962 : i32
        %get3A_1965 = arith.index_cast %add3A_1964 : i32 to index
        %get3A_1966 = memref.load %arg16[%get3A_1965] : memref<32xi32, #tpu.memory_space<smem>>
        %add3A_1967 = arith.constant 1 : i32
        %add3A_1968 = arith.addi %get3A_1966, %add3A_1967 : i32
        %add3A_1969 = arith.constant 8 : i32
        %add3A_1970 = arith.addi %add3A_1969, %squeeze3A_1962 : i32
        %swap3A_1971 = arith.index_cast %add3A_1970 : i32 to index
        %swap3A_1972 = memref.load %arg16[%swap3A_1971] : memref<32xi32, #tpu.memory_space<smem>>
        memref.store %add3A_1968, %arg16[%swap3A_1971] : memref<32xi32, #tpu.memory_space<smem>>
        %eq3A_1973 = arith.constant 12 : i32
        %eq3A_1974 = vector.broadcast %eq3A_1973 : i32 to vector<16xi32>
        %eq3A_1975 = arith.cmpi eq, %iota3A, %eq3A_1974 : vector<16xi32>
        %broadcast_in_dim3A_1976 = vector.broadcast %get3A_1966 : i32 to vector<16xi32>
        %select_n3A_1977 = arith.select %eq3A_1975, %broadcast_in_dim3A_1976, %select_n3A_1960 : vector<16xi1>, vector<16xi32>
        %slice3A_1978 = vector.extract_strided_slice %get3A_1754 {offsets = [13], sizes = [1], strides = [1]} : vector<16xi32> to vector<1xi32>
        %squeeze3A_1979 = vector.extract %slice3A_1978[0] : i32 from vector<1xi32>
        %add3A_1980 = arith.constant 8 : i32
        %add3A_1981 = arith.addi %add3A_1980, %squeeze3A_1979 : i32
        %get3A_1982 = arith.index_cast %add3A_1981 : i32 to index
        %get3A_1983 = memref.load %arg16[%get3A_1982] : memref<32xi32, #tpu.memory_space<smem>>
        %add3A_1984 = arith.constant 1 : i32
        %add3A_1985 = arith.addi %get3A_1983, %add3A_1984 : i32
        %add3A_1986 = arith.constant 8 : i32
        %add3A_1987 = arith.addi %add3A_1986, %squeeze3A_1979 : i32
        %swap3A_1988 = arith.index_cast %add3A_1987 : i32 to index
        %swap3A_1989 = memref.load %arg16[%swap3A_1988] : memref<32xi32, #tpu.memory_space<smem>>
        memref.store %add3A_1985, %arg16[%swap3A_1988] : memref<32xi32, #tpu.memory_space<smem>>
        %eq3A_1990 = arith.constant 13 : i32
        %eq3A_1991 = vector.broadcast %eq3A_1990 : i32 to vector<16xi32>
        %eq3A_1992 = arith.cmpi eq, %iota3A, %eq3A_1991 : vector<16xi32>
        %broadcast_in_dim3A_1993 = vector.broadcast %get3A_1983 : i32 to vector<16xi32>
        %select_n3A_1994 = arith.select %eq3A_1992, %broadcast_in_dim3A_1993, %select_n3A_1977 : vector<16xi1>, vector<16xi32>
        %slice3A_1995 = vector.extract_strided_slice %get3A_1754 {offsets = [14], sizes = [1], strides = [1]} : vector<16xi32> to vector<1xi32>
        %squeeze3A_1996 = vector.extract %slice3A_1995[0] : i32 from vector<1xi32>
        %add3A_1997 = arith.constant 8 : i32
        %add3A_1998 = arith.addi %add3A_1997, %squeeze3A_1996 : i32
        %get3A_1999 = arith.index_cast %add3A_1998 : i32 to index
        %get3A_2000 = memref.load %arg16[%get3A_1999] : memref<32xi32, #tpu.memory_space<smem>>
        %add3A_2001 = arith.constant 1 : i32
        %add3A_2002 = arith.addi %get3A_2000, %add3A_2001 : i32
        %add3A_2003 = arith.constant 8 : i32
        %add3A_2004 = arith.addi %add3A_2003, %squeeze3A_1996 : i32
        %swap3A_2005 = arith.index_cast %add3A_2004 : i32 to index
        %swap3A_2006 = memref.load %arg16[%swap3A_2005] : memref<32xi32, #tpu.memory_space<smem>>
        memref.store %add3A_2002, %arg16[%swap3A_2005] : memref<32xi32, #tpu.memory_space<smem>>
        %eq3A_2007 = arith.constant 14 : i32
        %eq3A_2008 = vector.broadcast %eq3A_2007 : i32 to vector<16xi32>
        %eq3A_2009 = arith.cmpi eq, %iota3A, %eq3A_2008 : vector<16xi32>
        %broadcast_in_dim3A_2010 = vector.broadcast %get3A_2000 : i32 to vector<16xi32>
        %select_n3A_2011 = arith.select %eq3A_2009, %broadcast_in_dim3A_2010, %select_n3A_1994 : vector<16xi1>, vector<16xi32>
        %slice3A_2012 = vector.extract_strided_slice %get3A_1754 {offsets = [15], sizes = [1], strides = [1]} : vector<16xi32> to vector<1xi32>
        %squeeze3A_2013 = vector.extract %slice3A_2012[0] : i32 from vector<1xi32>
        %add3A_2014 = arith.constant 8 : i32
        %add3A_2015 = arith.addi %add3A_2014, %squeeze3A_2013 : i32
        %get3A_2016 = arith.index_cast %add3A_2015 : i32 to index
        %get3A_2017 = memref.load %arg16[%get3A_2016] : memref<32xi32, #tpu.memory_space<smem>>
        %add3A_2018 = arith.constant 1 : i32
        %add3A_2019 = arith.addi %get3A_2017, %add3A_2018 : i32
        %add3A_2020 = arith.constant 8 : i32
        %add3A_2021 = arith.addi %add3A_2020, %squeeze3A_2013 : i32
        %swap3A_2022 = arith.index_cast %add3A_2021 : i32 to index
        %swap3A_2023 = memref.load %arg16[%swap3A_2022] : memref<32xi32, #tpu.memory_space<smem>>
        memref.store %add3A_2019, %arg16[%swap3A_2022] : memref<32xi32, #tpu.memory_space<smem>>
        %eq3A_2024 = arith.constant 15 : i32
        %eq3A_2025 = vector.broadcast %eq3A_2024 : i32 to vector<16xi32>
        %eq3A_2026 = arith.cmpi eq, %iota3A, %eq3A_2025 : vector<16xi32>
        %broadcast_in_dim3A_2027 = vector.broadcast %get3A_2017 : i32 to vector<16xi32>
        %select_n3A_2028 = arith.select %eq3A_2026, %broadcast_in_dim3A_2027, %select_n3A_2011 : vector<16xi1>, vector<16xi32>
        %jit3A_2029 = arith.constant 8 : i32
        %div3A_2030 = arith.divsi %scan3A_1748, %jit3A_2029 : i32
        %sign3A_2031 = arith.constant 0 : i32
        %sign3A_2032 = arith.cmpi sgt, %scan3A_1748, %sign3A_2031 : i32
        %sign3A_2033 = arith.extui %sign3A_2032 : i1 to i32
        %sign3A_2034 = arith.constant 0 : i32
        %sign3A_2035 = arith.cmpi slt, %scan3A_1748, %sign3A_2034 : i32
        %sign3A_2036 = arith.extui %sign3A_2035 : i1 to i32
        %sign3A_2037 = arith.subi %sign3A_2033, %sign3A_2036 : i32
        %sign3A_2038 = arith.constant 0 : i32
        %sign3A_2039 = arith.cmpi sgt, %jit3A_2029, %sign3A_2038 : i32
        %sign3A_2040 = arith.extui %sign3A_2039 : i1 to i32
        %sign3A_2041 = arith.constant 0 : i32
        %sign3A_2042 = arith.cmpi slt, %jit3A_2029, %sign3A_2041 : i32
        %sign3A_2043 = arith.extui %sign3A_2042 : i1 to i32
        %sign3A_2044 = arith.subi %sign3A_2040, %sign3A_2043 : i32
        %ne3A_2045 = arith.cmpi ne, %sign3A_2037, %sign3A_2044 : i32
        %rem3A_2046 = arith.remsi %scan3A_1748, %jit3A_2029 : i32
        %ne3A_2047 = arith.constant 0 : i32
        %ne3A_2048 = arith.cmpi ne, %rem3A_2046, %ne3A_2047 : i32
        %and3A_2049 = arith.andi %ne3A_2045, %ne3A_2048 : i1
        %sub3A_2050 = arith.constant 1 : i32
        %sub3A_2051 = arith.subi %div3A_2030, %sub3A_2050 : i32
        %select_n3A_2052 = arith.select %and3A_2049, %sub3A_2051, %div3A_2030 : i32
        %jit3A_2053 = arith.constant 8 : i32
        %eq3A_2054 = arith.constant 0 : i32
        %eq3A_2055 = arith.cmpi eq, %jit3A_2053, %eq3A_2054 : i32
        %jit3A_2056 = arith.constant 1 : i32
        %select_n3A_2057 = arith.select %eq3A_2055, %jit3A_2056, %jit3A_2053 : i32
        %rem3A_2058 = arith.remsi %scan3A_1748, %select_n3A_2057 : i32
        %ne3A_2059 = arith.constant 0 : i32
        %ne3A_2060 = arith.cmpi ne, %rem3A_2058, %ne3A_2059 : i32
        %lt3A = arith.constant 0 : i32
        %lt3A_2061 = arith.cmpi slt, %rem3A_2058, %lt3A : i32
        %lt3A_2062 = arith.constant 0 : i32
        %lt3A_2063 = arith.cmpi slt, %select_n3A_2057, %lt3A_2062 : i32
        %ne3A_2064 = arith.xori %lt3A_2061, %lt3A_2063 : i1
        %and3A_2065 = arith.andi %ne3A_2064, %ne3A_2060 : i1
        %add3A_2066 = arith.addi %rem3A_2058, %select_n3A_2057 : i32
        %select_n3A_2067 = arith.select %and3A_2065, %add3A_2066, %rem3A_2058 : i32
        %mul3A_2068 = arith.constant 16 : i32
        %mul3A_2069 = arith.muli %select_n3A_2067, %mul3A_2068 : i32
        %swap3A_2070 = arith.index_cast %select_n3A_2052 : i32 to index
        %swap3A_2071 = arith.index_cast %mul3A_2069 : i32 to index
        %swap3A_2072 = tpu.vector_load %arg10[%swap3A_2070, %swap3A_2071] {strides = array<i32>} : memref<16x128xi32, #tpu.memory_space<vmem>>, vector<1x16xi32>,
        %swap3A_2073 = vector.shape_cast %swap3A_2072 : vector<1x16xi32> to vector<16xi32>
        %swap3A_2074 = vector.shape_cast %select_n3A_2028 : vector<16xi32> to vector<1x16xi32>
        tpu.vector_store %arg10[%swap3A_2070, %swap3A_2071], %swap3A_2074 {strides = array<i32>} : memref<16x128xi32, #tpu.memory_space<vmem>>, vector<1x16xi32>,
        %mul3A_2075 = arith.constant 16 : i32
        %mul3A_2076 = arith.muli %scan3A_1748, %mul3A_2075 : i32
        %add3A_2077 = vector.broadcast %mul3A_2076 : i32 to vector<16xi32>
        %add3A_2078 = arith.addi %iota3A, %add3A_2077 : vector<16xi32>
        %jit3A_2079 = arith.constant 8 : i32
        %div3A_2080 = arith.divsi %scan3A_1748, %jit3A_2079 : i32
        %sign3A_2081 = arith.constant 0 : i32
        %sign3A_2082 = arith.cmpi sgt, %scan3A_1748, %sign3A_2081 : i32
        %sign3A_2083 = arith.extui %sign3A_2082 : i1 to i32
        %sign3A_2084 = arith.constant 0 : i32
        %sign3A_2085 = arith.cmpi slt, %scan3A_1748, %sign3A_2084 : i32
        %sign3A_2086 = arith.extui %sign3A_2085 : i1 to i32
        %sign3A_2087 = arith.subi %sign3A_2083, %sign3A_2086 : i32
        %sign3A_2088 = arith.constant 0 : i32
        %sign3A_2089 = arith.cmpi sgt, %jit3A_2079, %sign3A_2088 : i32
        %sign3A_2090 = arith.extui %sign3A_2089 : i1 to i32
        %sign3A_2091 = arith.constant 0 : i32
        %sign3A_2092 = arith.cmpi slt, %jit3A_2079, %sign3A_2091 : i32
        %sign3A_2093 = arith.extui %sign3A_2092 : i1 to i32
        %sign3A_2094 = arith.subi %sign3A_2090, %sign3A_2093 : i32
        %ne3A_2095 = arith.cmpi ne, %sign3A_2087, %sign3A_2094 : i32
        %rem3A_2096 = arith.remsi %scan3A_1748, %jit3A_2079 : i32
        %ne3A_2097 = arith.constant 0 : i32
        %ne3A_2098 = arith.cmpi ne, %rem3A_2096, %ne3A_2097 : i32
        %and3A_2099 = arith.andi %ne3A_2095, %ne3A_2098 : i1
        %sub3A_2100 = arith.constant 1 : i32
        %sub3A_2101 = arith.subi %div3A_2080, %sub3A_2100 : i32
        %select_n3A_2102 = arith.select %and3A_2099, %sub3A_2101, %div3A_2080 : i32
        %jit3A_2103 = arith.constant 8 : i32
        %eq3A_2104 = arith.constant 0 : i32
        %eq3A_2105 = arith.cmpi eq, %jit3A_2103, %eq3A_2104 : i32
        %jit3A_2106 = arith.constant 1 : i32
        %select_n3A_2107 = arith.select %eq3A_2105, %jit3A_2106, %jit3A_2103 : i32
        %rem3A_2108 = arith.remsi %scan3A_1748, %select_n3A_2107 : i32
        %ne3A_2109 = arith.constant 0 : i32
        %ne3A_2110 = arith.cmpi ne, %rem3A_2108, %ne3A_2109 : i32
        %lt3A_2111 = arith.constant 0 : i32
        %lt3A_2112 = arith.cmpi slt, %rem3A_2108, %lt3A_2111 : i32
        %lt3A_2113 = arith.constant 0 : i32
        %lt3A_2114 = arith.cmpi slt, %select_n3A_2107, %lt3A_2113 : i32
        %ne3A_2115 = arith.xori %lt3A_2112, %lt3A_2114 : i1
        %and3A_2116 = arith.andi %ne3A_2115, %ne3A_2110 : i1
        %add3A_2117 = arith.addi %rem3A_2108, %select_n3A_2107 : i32
        %select_n3A_2118 = arith.select %and3A_2116, %add3A_2117, %rem3A_2108 : i32
        %mul3A_2119 = arith.constant 16 : i32
        %mul3A_2120 = arith.muli %select_n3A_2118, %mul3A_2119 : i32
        %swap3A_2121 = arith.index_cast %select_n3A_2102 : i32 to index
        %swap3A_2122 = arith.index_cast %mul3A_2120 : i32 to index
        %swap3A_2123 = tpu.vector_load %arg11[%swap3A_2121, %swap3A_2122] {strides = array<i32>} : memref<16x128xi32, #tpu.memory_space<vmem>>, vector<1x16xi32>,
        %swap3A_2124 = vector.shape_cast %swap3A_2123 : vector<1x16xi32> to vector<16xi32>
        %swap3A_2125 = vector.shape_cast %add3A_2078 : vector<16xi32> to vector<1x16xi32>
        tpu.vector_store %arg11[%swap3A_2121, %swap3A_2122], %swap3A_2125 {strides = array<i32>} : memref<16x128xi32, #tpu.memory_space<vmem>>, vector<1x16xi32>,
        %mul3A_2126 = arith.constant 16 : i32
        %mul3A_2127 = arith.muli %scan3A_1748, %mul3A_2126 : i32
        %swap3A_2128 = arith.index_cast %mul3A_2127 : i32 to index
        %swap3A_2129 = tpu.vector_load %arg13[%swap3A_2128] {strides = array<i32>} : memref<2048xi32, #tpu.memory_space<vmem>>, vector<16xi32>,
        %swap3A_2130 = vector.shape_cast %swap3A_2129 : vector<16xi32> to vector<16xi32>
        %swap3A_2131 = vector.shape_cast %select_n3A_2028 : vector<16xi32> to vector<16xi32>
        tpu.vector_store %arg13[%swap3A_2128], %swap3A_2131 {strides = array<i32>} : memref<2048xi32, #tpu.memory_space<vmem>>, vector<16xi32>,
        %scan3A_2132 = arith.constant 0 : i32
        scf.yield %scan3A_2132 : i32
      }
      %scan3A_1109 = arith.constant 128 : i32
      "tpu.region"() ({
        %run_scoped3A = tpu.sem_alloc : memref<!tpu.dma_semaphore, #tpu.memory_space<semaphore_mem>>
        tpu.enqueue_dma source(%arg13 : memref<2048xi32, #tpu.memory_space<vmem>>) target(%arg4 : memref<2048xi32, #tpu.memory_space<hbm>>) target_semaphore(%run_scoped3A : memref<!tpu.dma_semaphore, #tpu.memory_space<semaphore_mem>>)
        tpu.wait_dma2 semaphore(%run_scoped3A : memref<!tpu.dma_semaphore, #tpu.memory_space<semaphore_mem>>) src(%arg13 : memref<2048xi32, #tpu.memory_space<vmem>>) dst(%arg4 : memref<2048xi32, #tpu.memory_space<hbm>>)
        tpu.yield
      }) : () -> ()
      "tpu.region"() ({
        %run_scoped3A = tpu.sem_alloc : memref<!tpu.dma_semaphore, #tpu.memory_space<semaphore_mem>>
        tpu.enqueue_dma source(%arg14 : memref<32xi32, #tpu.memory_space<vmem>>) target(%arg6 : memref<32xi32, #tpu.memory_space<hbm>>) target_semaphore(%run_scoped3A : memref<!tpu.dma_semaphore, #tpu.memory_space<semaphore_mem>>)
        tpu.wait_dma2 semaphore(%run_scoped3A : memref<!tpu.dma_semaphore, #tpu.memory_space<semaphore_mem>>) src(%arg14 : memref<32xi32, #tpu.memory_space<vmem>>) dst(%arg6 : memref<32xi32, #tpu.memory_space<hbm>>)
        tpu.yield
      }) : () -> ()
      %dma_start3A = arith.constant 0 : i32
      %dma_start3A_1110 = arith.constant 0 : i32
      %dma_start3A_1111 = arith.constant 0 : i32
      %dma_start3A_1112 = tpu.memref_slice %arg11[%dma_start3A, %dma_start3A_1111] : memref<16x128xi32, #tpu.memory_space<vmem>> -> memref<1x128xi32, #tpu.memory_space<vmem>>
      %dma_start3A_1113 = tpu.memref_squeeze %dma_start3A_1112 : memref<1x128xi32, #tpu.memory_space<vmem>> -> memref<128xi32, #tpu.memory_space<vmem>>
      %dma_start3A_1114 = arith.constant 0 : i32
      %dma_start3A_1115 = tpu.memref_slice %arg10[%dma_start3A_1110, %dma_start3A_1114] : memref<16x128xi32, #tpu.memory_space<vmem>> -> memref<1x128xi32, #tpu.memory_space<vmem>>
      %dma_start3A_1116 = tpu.memref_squeeze %dma_start3A_1115 : memref<1x128xi32, #tpu.memory_space<vmem>> -> memref<128xi32, #tpu.memory_space<vmem>>
      %dma_start3A_1117 = arith.constant 0 : i32
      %dma_start3A_1118 = tpu.memref_slice %arg3[%dma_start3A_1117] : memref<3072xi32, #tpu.memory_space<hbm>> -> memref<3072xi32, #tpu.memory_space<hbm>>
      tpu.enqueue_indirect_dma source(%dma_start3A_1113 : memref<128xi32, #tpu.memory_space<vmem>>) target(%dma_start3A_1118 : memref<3072xi32, #tpu.memory_space<hbm>>) offsets(%dma_start3A_1116 : memref<128xi32, #tpu.memory_space<vmem>>) semaphore(%arg17 : memref<!tpu.dma_semaphore, #tpu.memory_space<semaphore_mem>>)
      %dma_start3A_1119 = arith.constant 0 : i32
      %dma_start3A_1120 = arith.constant 0 : i32
      %dma_start3A_1121 = arith.constant 0 : i32
      %dma_start3A_1122 = tpu.memref_slice %arg12[%dma_start3A_1119, %dma_start3A_1121] : memref<16x128xf32, #tpu.memory_space<vmem>> -> memref<1x128xf32, #tpu.memory_space<vmem>>
      %dma_start3A_1123 = tpu.memref_squeeze %dma_start3A_1122 : memref<1x128xf32, #tpu.memory_space<vmem>> -> memref<128xf32, #tpu.memory_space<vmem>>
      %dma_start3A_1124 = arith.constant 0 : i32
      %dma_start3A_1125 = tpu.memref_slice %arg10[%dma_start3A_1120, %dma_start3A_1124] : memref<16x128xi32, #tpu.memory_space<vmem>> -> memref<1x128xi32, #tpu.memory_space<vmem>>
      %dma_start3A_1126 = tpu.memref_squeeze %dma_start3A_1125 : memref<1x128xi32, #tpu.memory_space<vmem>> -> memref<128xi32, #tpu.memory_space<vmem>>
      %dma_start3A_1127 = arith.constant 0 : i32
      %dma_start3A_1128 = tpu.memref_slice %arg5[%dma_start3A_1127] : memref<3072xf32, #tpu.memory_space<hbm>> -> memref<3072xf32, #tpu.memory_space<hbm>>
      tpu.enqueue_indirect_dma source(%dma_start3A_1123 : memref<128xf32, #tpu.memory_space<vmem>>) target(%dma_start3A_1128 : memref<3072xf32, #tpu.memory_space<hbm>>) offsets(%dma_start3A_1126 : memref<128xi32, #tpu.memory_space<vmem>>) semaphore(%arg17 : memref<!tpu.dma_semaphore, #tpu.memory_space<semaphore_mem>>)
      %dma_start3A_1129 = arith.constant 1 : i32
      %dma_start3A_1130 = arith.constant 1 : i32
      %dma_start3A_1131 = arith.constant 0 : i32
      %dma_start3A_1132 = tpu.memref_slice %arg11[%dma_start3A_1129, %dma_start3A_1131] : memref<16x128xi32, #tpu.memory_space<vmem>> -> memref<1x128xi32, #tpu.memory_space<vmem>>
      %dma_start3A_1133 = tpu.memref_squeeze %dma_start3A_1132 : memref<1x128xi32, #tpu.memory_space<vmem>> -> memref<128xi32, #tpu.memory_space<vmem>>
      %dma_start3A_1134 = arith.constant 0 : i32
      %dma_start3A_1135 = tpu.memref_slice %arg10[%dma_start3A_1130, %dma_start3A_1134] : memref<16x128xi32, #tpu.memory_space<vmem>> -> memref<1x128xi32, #tpu.memory_space<vmem>>
      %dma_start3A_1136 = tpu.memref_squeeze %dma_start3A_1135 : memref<1x128xi32, #tpu.memory_space<vmem>> -> memref<128xi32, #tpu.memory_space<vmem>>
      %dma_start3A_1137 = arith.constant 0 : i32
      %dma_start3A_1138 = tpu.memref_slice %arg3[%dma_start3A_1137] : memref<3072xi32, #tpu.memory_space<hbm>> -> memref<3072xi32, #tpu.memory_space<hbm>>
      tpu.enqueue_indirect_dma source(%dma_start3A_1133 : memref<128xi32, #tpu.memory_space<vmem>>) target(%dma_start3A_1138 : memref<3072xi32, #tpu.memory_space<hbm>>) offsets(%dma_start3A_1136 : memref<128xi32, #tpu.memory_space<vmem>>) semaphore(%arg17 : memref<!tpu.dma_semaphore, #tpu.memory_space<semaphore_mem>>)
      %dma_start3A_1139 = arith.constant 1 : i32
      %dma_start3A_1140 = arith.constant 1 : i32
      %dma_start3A_1141 = arith.constant 0 : i32
      %dma_start3A_1142 = tpu.memref_slice %arg12[%dma_start3A_1139, %dma_start3A_1141] : memref<16x128xf32, #tpu.memory_space<vmem>> -> memref<1x128xf32, #tpu.memory_space<vmem>>
      %dma_start3A_1143 = tpu.memref_squeeze %dma_start3A_1142 : memref<1x128xf32, #tpu.memory_space<vmem>> -> memref<128xf32, #tpu.memory_space<vmem>>
      %dma_start3A_1144 = arith.constant 0 : i32
      %dma_start3A_1145 = tpu.memref_slice %arg10[%dma_start3A_1140, %dma_start3A_1144] : memref<16x128xi32, #tpu.memory_space<vmem>> -> memref<1x128xi32, #tpu.memory_space<vmem>>
      %dma_start3A_1146 = tpu.memref_squeeze %dma_start3A_1145 : memref<1x128xi32, #tpu.memory_space<vmem>> -> memref<128xi32, #tpu.memory_space<vmem>>
      %dma_start3A_1147 = arith.constant 0 : i32
      %dma_start3A_1148 = tpu.memref_slice %arg5[%dma_start3A_1147] : memref<3072xf32, #tpu.memory_space<hbm>> -> memref<3072xf32, #tpu.memory_space<hbm>>
      tpu.enqueue_indirect_dma source(%dma_start3A_1143 : memref<128xf32, #tpu.memory_space<vmem>>) target(%dma_start3A_1148 : memref<3072xf32, #tpu.memory_space<hbm>>) offsets(%dma_start3A_1146 : memref<128xi32, #tpu.memory_space<vmem>>) semaphore(%arg17 : memref<!tpu.dma_semaphore, #tpu.memory_space<semaphore_mem>>)
      %dma_start3A_1149 = arith.constant 2 : i32
      %dma_start3A_1150 = arith.constant 2 : i32
      %dma_start3A_1151 = arith.constant 0 : i32
      %dma_start3A_1152 = tpu.memref_slice %arg11[%dma_start3A_1149, %dma_start3A_1151] : memref<16x128xi32, #tpu.memory_space<vmem>> -> memref<1x128xi32, #tpu.memory_space<vmem>>
      %dma_start3A_1153 = tpu.memref_squeeze %dma_start3A_1152 : memref<1x128xi32, #tpu.memory_space<vmem>> -> memref<128xi32, #tpu.memory_space<vmem>>
      %dma_start3A_1154 = arith.constant 0 : i32
      %dma_start3A_1155 = tpu.memref_slice %arg10[%dma_start3A_1150, %dma_start3A_1154] : memref<16x128xi32, #tpu.memory_space<vmem>> -> memref<1x128xi32, #tpu.memory_space<vmem>>
      %dma_start3A_1156 = tpu.memref_squeeze %dma_start3A_1155 : memref<1x128xi32, #tpu.memory_space<vmem>> -> memref<128xi32, #tpu.memory_space<vmem>>
      %dma_start3A_1157 = arith.constant 0 : i32
      %dma_start3A_1158 = tpu.memref_slice %arg3[%dma_start3A_1157] : memref<3072xi32, #tpu.memory_space<hbm>> -> memref<3072xi32, #tpu.memory_space<hbm>>
      tpu.enqueue_indirect_dma source(%dma_start3A_1153 : memref<128xi32, #tpu.memory_space<vmem>>) target(%dma_start3A_1158 : memref<3072xi32, #tpu.memory_space<hbm>>) offsets(%dma_start3A_1156 : memref<128xi32, #tpu.memory_space<vmem>>) semaphore(%arg17 : memref<!tpu.dma_semaphore, #tpu.memory_space<semaphore_mem>>)
      %dma_start3A_1159 = arith.constant 2 : i32
      %dma_start3A_1160 = arith.constant 2 : i32
      %dma_start3A_1161 = arith.constant 0 : i32
      %dma_start3A_1162 = tpu.memref_slice %arg12[%dma_start3A_1159, %dma_start3A_1161] : memref<16x128xf32, #tpu.memory_space<vmem>> -> memref<1x128xf32, #tpu.memory_space<vmem>>
      %dma_start3A_1163 = tpu.memref_squeeze %dma_start3A_1162 : memref<1x128xf32, #tpu.memory_space<vmem>> -> memref<128xf32, #tpu.memory_space<vmem>>
      %dma_start3A_1164 = arith.constant 0 : i32
      %dma_start3A_1165 = tpu.memref_slice %arg10[%dma_start3A_1160, %dma_start3A_1164] : memref<16x128xi32, #tpu.memory_space<vmem>> -> memref<1x128xi32, #tpu.memory_space<vmem>>
      %dma_start3A_1166 = tpu.memref_squeeze %dma_start3A_1165 : memref<1x128xi32, #tpu.memory_space<vmem>> -> memref<128xi32, #tpu.memory_space<vmem>>
      %dma_start3A_1167 = arith.constant 0 : i32
      %dma_start3A_1168 = tpu.memref_slice %arg5[%dma_start3A_1167] : memref<3072xf32, #tpu.memory_space<hbm>> -> memref<3072xf32, #tpu.memory_space<hbm>>
      tpu.enqueue_indirect_dma source(%dma_start3A_1163 : memref<128xf32, #tpu.memory_space<vmem>>) target(%dma_start3A_1168 : memref<3072xf32, #tpu.memory_space<hbm>>) offsets(%dma_start3A_1166 : memref<128xi32, #tpu.memory_space<vmem>>) semaphore(%arg17 : memref<!tpu.dma_semaphore, #tpu.memory_space<semaphore_mem>>)
      %dma_start3A_1169 = arith.constant 3 : i32
      %dma_start3A_1170 = arith.constant 3 : i32
      %dma_start3A_1171 = arith.constant 0 : i32
      %dma_start3A_1172 = tpu.memref_slice %arg11[%dma_start3A_1169, %dma_start3A_1171] : memref<16x128xi32, #tpu.memory_space<vmem>> -> memref<1x128xi32, #tpu.memory_space<vmem>>
      %dma_start3A_1173 = tpu.memref_squeeze %dma_start3A_1172 : memref<1x128xi32, #tpu.memory_space<vmem>> -> memref<128xi32, #tpu.memory_space<vmem>>
      %dma_start3A_1174 = arith.constant 0 : i32
      %dma_start3A_1175 = tpu.memref_slice %arg10[%dma_start3A_1170, %dma_start3A_1174] : memref<16x128xi32, #tpu.memory_space<vmem>> -> memref<1x128xi32, #tpu.memory_space<vmem>>
      %dma_start3A_1176 = tpu.memref_squeeze %dma_start3A_1175 : memref<1x128xi32, #tpu.memory_space<vmem>> -> memref<128xi32, #tpu.memory_space<vmem>>
      %dma_start3A_1177 = arith.constant 0 : i32
      %dma_start3A_1178 = tpu.memref_slice %arg3[%dma_start3A_1177] : memref<3072xi32, #tpu.memory_space<hbm>> -> memref<3072xi32, #tpu.memory_space<hbm>>
      tpu.enqueue_indirect_dma source(%dma_start3A_1173 : memref<128xi32, #tpu.memory_space<vmem>>) target(%dma_start3A_1178 : memref<3072xi32, #tpu.memory_space<hbm>>) offsets(%dma_start3A_1176 : memref<128xi32, #tpu.memory_space<vmem>>) semaphore(%arg17 : memref<!tpu.dma_semaphore, #tpu.memory_space<semaphore_mem>>)
      %dma_start3A_1179 = arith.constant 3 : i32
      %dma_start3A_1180 = arith.constant 3 : i32
      %dma_start3A_1181 = arith.constant 0 : i32
      %dma_start3A_1182 = tpu.memref_slice %arg12[%dma_start3A_1179, %dma_start3A_1181] : memref<16x128xf32, #tpu.memory_space<vmem>> -> memref<1x128xf32, #tpu.memory_space<vmem>>
      %dma_start3A_1183 = tpu.memref_squeeze %dma_start3A_1182 : memref<1x128xf32, #tpu.memory_space<vmem>> -> memref<128xf32, #tpu.memory_space<vmem>>
      %dma_start3A_1184 = arith.constant 0 : i32
      %dma_start3A_1185 = tpu.memref_slice %arg10[%dma_start3A_1180, %dma_start3A_1184] : memref<16x128xi32, #tpu.memory_space<vmem>> -> memref<1x128xi32, #tpu.memory_space<vmem>>
      %dma_start3A_1186 = tpu.memref_squeeze %dma_start3A_1185 : memref<1x128xi32, #tpu.memory_space<vmem>> -> memref<128xi32, #tpu.memory_space<vmem>>
      %dma_start3A_1187 = arith.constant 0 : i32
      %dma_start3A_1188 = tpu.memref_slice %arg5[%dma_start3A_1187] : memref<3072xf32, #tpu.memory_space<hbm>> -> memref<3072xf32, #tpu.memory_space<hbm>>
      tpu.enqueue_indirect_dma source(%dma_start3A_1183 : memref<128xf32, #tpu.memory_space<vmem>>) target(%dma_start3A_1188 : memref<3072xf32, #tpu.memory_space<hbm>>) offsets(%dma_start3A_1186 : memref<128xi32, #tpu.memory_space<vmem>>) semaphore(%arg17 : memref<!tpu.dma_semaphore, #tpu.memory_space<semaphore_mem>>)
      %dma_start3A_1189 = arith.constant 4 : i32
      %dma_start3A_1190 = arith.constant 4 : i32
      %dma_start3A_1191 = arith.constant 0 : i32
      %dma_start3A_1192 = tpu.memref_slice %arg11[%dma_start3A_1189, %dma_start3A_1191] : memref<16x128xi32, #tpu.memory_space<vmem>> -> memref<1x128xi32, #tpu.memory_space<vmem>>
      %dma_start3A_1193 = tpu.memref_squeeze %dma_start3A_1192 : memref<1x128xi32, #tpu.memory_space<vmem>> -> memref<128xi32, #tpu.memory_space<vmem>>
      %dma_start3A_1194 = arith.constant 0 : i32
      %dma_start3A_1195 = tpu.memref_slice %arg10[%dma_start3A_1190, %dma_start3A_1194] : memref<16x128xi32, #tpu.memory_space<vmem>> -> memref<1x128xi32, #tpu.memory_space<vmem>>
      %dma_start3A_1196 = tpu.memref_squeeze %dma_start3A_1195 : memref<1x128xi32, #tpu.memory_space<vmem>> -> memref<128xi32, #tpu.memory_space<vmem>>
      %dma_start3A_1197 = arith.constant 0 : i32
      %dma_start3A_1198 = tpu.memref_slice %arg3[%dma_start3A_1197] : memref<3072xi32, #tpu.memory_space<hbm>> -> memref<3072xi32, #tpu.memory_space<hbm>>
      tpu.enqueue_indirect_dma source(%dma_start3A_1193 : memref<128xi32, #tpu.memory_space<vmem>>) target(%dma_start3A_1198 : memref<3072xi32, #tpu.memory_space<hbm>>) offsets(%dma_start3A_1196 : memref<128xi32, #tpu.memory_space<vmem>>) semaphore(%arg17 : memref<!tpu.dma_semaphore, #tpu.memory_space<semaphore_mem>>)
      %dma_start3A_1199 = arith.constant 4 : i32
      %dma_start3A_1200 = arith.constant 4 : i32
      %dma_start3A_1201 = arith.constant 0 : i32
      %dma_start3A_1202 = tpu.memref_slice %arg12[%dma_start3A_1199, %dma_start3A_1201] : memref<16x128xf32, #tpu.memory_space<vmem>> -> memref<1x128xf32, #tpu.memory_space<vmem>>
      %dma_start3A_1203 = tpu.memref_squeeze %dma_start3A_1202 : memref<1x128xf32, #tpu.memory_space<vmem>> -> memref<128xf32, #tpu.memory_space<vmem>>
      %dma_start3A_1204 = arith.constant 0 : i32
      %dma_start3A_1205 = tpu.memref_slice %arg10[%dma_start3A_1200, %dma_start3A_1204] : memref<16x128xi32, #tpu.memory_space<vmem>> -> memref<1x128xi32, #tpu.memory_space<vmem>>
      %dma_start3A_1206 = tpu.memref_squeeze %dma_start3A_1205 : memref<1x128xi32, #tpu.memory_space<vmem>> -> memref<128xi32, #tpu.memory_space<vmem>>
      %dma_start3A_1207 = arith.constant 0 : i32
      %dma_start3A_1208 = tpu.memref_slice %arg5[%dma_start3A_1207] : memref<3072xf32, #tpu.memory_space<hbm>> -> memref<3072xf32, #tpu.memory_space<hbm>>
      tpu.enqueue_indirect_dma source(%dma_start3A_1203 : memref<128xf32, #tpu.memory_space<vmem>>) target(%dma_start3A_1208 : memref<3072xf32, #tpu.memory_space<hbm>>) offsets(%dma_start3A_1206 : memref<128xi32, #tpu.memory_space<vmem>>) semaphore(%arg17 : memref<!tpu.dma_semaphore, #tpu.memory_space<semaphore_mem>>)
      %dma_start3A_1209 = arith.constant 5 : i32
      %dma_start3A_1210 = arith.constant 5 : i32
      %dma_start3A_1211 = arith.constant 0 : i32
      %dma_start3A_1212 = tpu.memref_slice %arg11[%dma_start3A_1209, %dma_start3A_1211] : memref<16x128xi32, #tpu.memory_space<vmem>> -> memref<1x128xi32, #tpu.memory_space<vmem>>
      %dma_start3A_1213 = tpu.memref_squeeze %dma_start3A_1212 : memref<1x128xi32, #tpu.memory_space<vmem>> -> memref<128xi32, #tpu.memory_space<vmem>>
      %dma_start3A_1214 = arith.constant 0 : i32
      %dma_start3A_1215 = tpu.memref_slice %arg10[%dma_start3A_1210, %dma_start3A_1214] : memref<16x128xi32, #tpu.memory_space<vmem>> -> memref<1x128xi32, #tpu.memory_space<vmem>>
      %dma_start3A_1216 = tpu.memref_squeeze %dma_start3A_1215 : memref<1x128xi32, #tpu.memory_space<vmem>> -> memref<128xi32, #tpu.memory_space<vmem>>
      %dma_start3A_1217 = arith.constant 0 : i32
      %dma_start3A_1218 = tpu.memref_slice %arg3[%dma_start3A_1217] : memref<3072xi32, #tpu.memory_space<hbm>> -> memref<3072xi32, #tpu.memory_space<hbm>>
      tpu.enqueue_indirect_dma source(%dma_start3A_1213 : memref<128xi32, #tpu.memory_space<vmem>>) target(%dma_start3A_1218 : memref<3072xi32, #tpu.memory_space<hbm>>) offsets(%dma_start3A_1216 : memref<128xi32, #tpu.memory_space<vmem>>) semaphore(%arg17 : memref<!tpu.dma_semaphore, #tpu.memory_space<semaphore_mem>>)
      %dma_start3A_1219 = arith.constant 5 : i32
      %dma_start3A_1220 = arith.constant 5 : i32
      %dma_start3A_1221 = arith.constant 0 : i32
      %dma_start3A_1222 = tpu.memref_slice %arg12[%dma_start3A_1219, %dma_start3A_1221] : memref<16x128xf32, #tpu.memory_space<vmem>> -> memref<1x128xf32, #tpu.memory_space<vmem>>
      %dma_start3A_1223 = tpu.memref_squeeze %dma_start3A_1222 : memref<1x128xf32, #tpu.memory_space<vmem>> -> memref<128xf32, #tpu.memory_space<vmem>>
      %dma_start3A_1224 = arith.constant 0 : i32
      %dma_start3A_1225 = tpu.memref_slice %arg10[%dma_start3A_1220, %dma_start3A_1224] : memref<16x128xi32, #tpu.memory_space<vmem>> -> memref<1x128xi32, #tpu.memory_space<vmem>>
      %dma_start3A_1226 = tpu.memref_squeeze %dma_start3A_1225 : memref<1x128xi32, #tpu.memory_space<vmem>> -> memref<128xi32, #tpu.memory_space<vmem>>
      %dma_start3A_1227 = arith.constant 0 : i32
      %dma_start3A_1228 = tpu.memref_slice %arg5[%dma_start3A_1227] : memref<3072xf32, #tpu.memory_space<hbm>> -> memref<3072xf32, #tpu.memory_space<hbm>>
      tpu.enqueue_indirect_dma source(%dma_start3A_1223 : memref<128xf32, #tpu.memory_space<vmem>>) target(%dma_start3A_1228 : memref<3072xf32, #tpu.memory_space<hbm>>) offsets(%dma_start3A_1226 : memref<128xi32, #tpu.memory_space<vmem>>) semaphore(%arg17 : memref<!tpu.dma_semaphore, #tpu.memory_space<semaphore_mem>>)
      %dma_start3A_1229 = arith.constant 6 : i32
      %dma_start3A_1230 = arith.constant 6 : i32
      %dma_start3A_1231 = arith.constant 0 : i32
      %dma_start3A_1232 = tpu.memref_slice %arg11[%dma_start3A_1229, %dma_start3A_1231] : memref<16x128xi32, #tpu.memory_space<vmem>> -> memref<1x128xi32, #tpu.memory_space<vmem>>
      %dma_start3A_1233 = tpu.memref_squeeze %dma_start3A_1232 : memref<1x128xi32, #tpu.memory_space<vmem>> -> memref<128xi32, #tpu.memory_space<vmem>>
      %dma_start3A_1234 = arith.constant 0 : i32
      %dma_start3A_1235 = tpu.memref_slice %arg10[%dma_start3A_1230, %dma_start3A_1234] : memref<16x128xi32, #tpu.memory_space<vmem>> -> memref<1x128xi32, #tpu.memory_space<vmem>>
      %dma_start3A_1236 = tpu.memref_squeeze %dma_start3A_1235 : memref<1x128xi32, #tpu.memory_space<vmem>> -> memref<128xi32, #tpu.memory_space<vmem>>
      %dma_start3A_1237 = arith.constant 0 : i32
      %dma_start3A_1238 = tpu.memref_slice %arg3[%dma_start3A_1237] : memref<3072xi32, #tpu.memory_space<hbm>> -> memref<3072xi32, #tpu.memory_space<hbm>>
      tpu.enqueue_indirect_dma source(%dma_start3A_1233 : memref<128xi32, #tpu.memory_space<vmem>>) target(%dma_start3A_1238 : memref<3072xi32, #tpu.memory_space<hbm>>) offsets(%dma_start3A_1236 : memref<128xi32, #tpu.memory_space<vmem>>) semaphore(%arg17 : memref<!tpu.dma_semaphore, #tpu.memory_space<semaphore_mem>>)
      %dma_start3A_1239 = arith.constant 6 : i32
      %dma_start3A_1240 = arith.constant 6 : i32
      %dma_start3A_1241 = arith.constant 0 : i32
      %dma_start3A_1242 = tpu.memref_slice %arg12[%dma_start3A_1239, %dma_start3A_1241] : memref<16x128xf32, #tpu.memory_space<vmem>> -> memref<1x128xf32, #tpu.memory_space<vmem>>
      %dma_start3A_1243 = tpu.memref_squeeze %dma_start3A_1242 : memref<1x128xf32, #tpu.memory_space<vmem>> -> memref<128xf32, #tpu.memory_space<vmem>>
      %dma_start3A_1244 = arith.constant 0 : i32
      %dma_start3A_1245 = tpu.memref_slice %arg10[%dma_start3A_1240, %dma_start3A_1244] : memref<16x128xi32, #tpu.memory_space<vmem>> -> memref<1x128xi32, #tpu.memory_space<vmem>>
      %dma_start3A_1246 = tpu.memref_squeeze %dma_start3A_1245 : memref<1x128xi32, #tpu.memory_space<vmem>> -> memref<128xi32, #tpu.memory_space<vmem>>
      %dma_start3A_1247 = arith.constant 0 : i32
      %dma_start3A_1248 = tpu.memref_slice %arg5[%dma_start3A_1247] : memref<3072xf32, #tpu.memory_space<hbm>> -> memref<3072xf32, #tpu.memory_space<hbm>>
      tpu.enqueue_indirect_dma source(%dma_start3A_1243 : memref<128xf32, #tpu.memory_space<vmem>>) target(%dma_start3A_1248 : memref<3072xf32, #tpu.memory_space<hbm>>) offsets(%dma_start3A_1246 : memref<128xi32, #tpu.memory_space<vmem>>) semaphore(%arg17 : memref<!tpu.dma_semaphore, #tpu.memory_space<semaphore_mem>>)
      %dma_start3A_1249 = arith.constant 7 : i32
      %dma_start3A_1250 = arith.constant 7 : i32
      %dma_start3A_1251 = arith.constant 0 : i32
      %dma_start3A_1252 = tpu.memref_slice %arg11[%dma_start3A_1249, %dma_start3A_1251] : memref<16x128xi32, #tpu.memory_space<vmem>> -> memref<1x128xi32, #tpu.memory_space<vmem>>
      %dma_start3A_1253 = tpu.memref_squeeze %dma_start3A_1252 : memref<1x128xi32, #tpu.memory_space<vmem>> -> memref<128xi32, #tpu.memory_space<vmem>>
      %dma_start3A_1254 = arith.constant 0 : i32
      %dma_start3A_1255 = tpu.memref_slice %arg10[%dma_start3A_1250, %dma_start3A_1254] : memref<16x128xi32, #tpu.memory_space<vmem>> -> memref<1x128xi32, #tpu.memory_space<vmem>>
      %dma_start3A_1256 = tpu.memref_squeeze %dma_start3A_1255 : memref<1x128xi32, #tpu.memory_space<vmem>> -> memref<128xi32, #tpu.memory_space<vmem>>
      %dma_start3A_1257 = arith.constant 0 : i32
      %dma_start3A_1258 = tpu.memref_slice %arg3[%dma_start3A_1257] : memref<3072xi32, #tpu.memory_space<hbm>> -> memref<3072xi32, #tpu.memory_space<hbm>>
      tpu.enqueue_indirect_dma source(%dma_start3A_1253 : memref<128xi32, #tpu.memory_space<vmem>>) target(%dma_start3A_1258 : memref<3072xi32, #tpu.memory_space<hbm>>) offsets(%dma_start3A_1256 : memref<128xi32, #tpu.memory_space<vmem>>) semaphore(%arg17 : memref<!tpu.dma_semaphore, #tpu.memory_space<semaphore_mem>>)
      %dma_start3A_1259 = arith.constant 7 : i32
      %dma_start3A_1260 = arith.constant 7 : i32
      %dma_start3A_1261 = arith.constant 0 : i32
      %dma_start3A_1262 = tpu.memref_slice %arg12[%dma_start3A_1259, %dma_start3A_1261] : memref<16x128xf32, #tpu.memory_space<vmem>> -> memref<1x128xf32, #tpu.memory_space<vmem>>
      %dma_start3A_1263 = tpu.memref_squeeze %dma_start3A_1262 : memref<1x128xf32, #tpu.memory_space<vmem>> -> memref<128xf32, #tpu.memory_space<vmem>>
      %dma_start3A_1264 = arith.constant 0 : i32
      %dma_start3A_1265 = tpu.memref_slice %arg10[%dma_start3A_1260, %dma_start3A_1264] : memref<16x128xi32, #tpu.memory_space<vmem>> -> memref<1x128xi32, #tpu.memory_space<vmem>>
      %dma_start3A_1266 = tpu.memref_squeeze %dma_start3A_1265 : memref<1x128xi32, #tpu.memory_space<vmem>> -> memref<128xi32, #tpu.memory_space<vmem>>
      %dma_start3A_1267 = arith.constant 0 : i32
      %dma_start3A_1268 = tpu.memref_slice %arg5[%dma_start3A_1267] : memref<3072xf32, #tpu.memory_space<hbm>> -> memref<3072xf32, #tpu.memory_space<hbm>>
      tpu.enqueue_indirect_dma source(%dma_start3A_1263 : memref<128xf32, #tpu.memory_space<vmem>>) target(%dma_start3A_1268 : memref<3072xf32, #tpu.memory_space<hbm>>) offsets(%dma_start3A_1266 : memref<128xi32, #tpu.memory_space<vmem>>) semaphore(%arg17 : memref<!tpu.dma_semaphore, #tpu.memory_space<semaphore_mem>>)
      %dma_start3A_1269 = arith.constant 8 : i32
      %dma_start3A_1270 = arith.constant 8 : i32
      %dma_start3A_1271 = arith.constant 0 : i32
      %dma_start3A_1272 = tpu.memref_slice %arg11[%dma_start3A_1269, %dma_start3A_1271] : memref<16x128xi32, #tpu.memory_space<vmem>> -> memref<1x128xi32, #tpu.memory_space<vmem>>
      %dma_start3A_1273 = tpu.memref_squeeze %dma_start3A_1272 : memref<1x128xi32, #tpu.memory_space<vmem>> -> memref<128xi32, #tpu.memory_space<vmem>>
      %dma_start3A_1274 = arith.constant 0 : i32
      %dma_start3A_1275 = tpu.memref_slice %arg10[%dma_start3A_1270, %dma_start3A_1274] : memref<16x128xi32, #tpu.memory_space<vmem>> -> memref<1x128xi32, #tpu.memory_space<vmem>>
      %dma_start3A_1276 = tpu.memref_squeeze %dma_start3A_1275 : memref<1x128xi32, #tpu.memory_space<vmem>> -> memref<128xi32, #tpu.memory_space<vmem>>
      %dma_start3A_1277 = arith.constant 0 : i32
      %dma_start3A_1278 = tpu.memref_slice %arg3[%dma_start3A_1277] : memref<3072xi32, #tpu.memory_space<hbm>> -> memref<3072xi32, #tpu.memory_space<hbm>>
      tpu.enqueue_indirect_dma source(%dma_start3A_1273 : memref<128xi32, #tpu.memory_space<vmem>>) target(%dma_start3A_1278 : memref<3072xi32, #tpu.memory_space<hbm>>) offsets(%dma_start3A_1276 : memref<128xi32, #tpu.memory_space<vmem>>) semaphore(%arg17 : memref<!tpu.dma_semaphore, #tpu.memory_space<semaphore_mem>>)
      %dma_start3A_1279 = arith.constant 8 : i32
      %dma_start3A_1280 = arith.constant 8 : i32
      %dma_start3A_1281 = arith.constant 0 : i32
      %dma_start3A_1282 = tpu.memref_slice %arg12[%dma_start3A_1279, %dma_start3A_1281] : memref<16x128xf32, #tpu.memory_space<vmem>> -> memref<1x128xf32, #tpu.memory_space<vmem>>
      %dma_start3A_1283 = tpu.memref_squeeze %dma_start3A_1282 : memref<1x128xf32, #tpu.memory_space<vmem>> -> memref<128xf32, #tpu.memory_space<vmem>>
      %dma_start3A_1284 = arith.constant 0 : i32
      %dma_start3A_1285 = tpu.memref_slice %arg10[%dma_start3A_1280, %dma_start3A_1284] : memref<16x128xi32, #tpu.memory_space<vmem>> -> memref<1x128xi32, #tpu.memory_space<vmem>>
      %dma_start3A_1286 = tpu.memref_squeeze %dma_start3A_1285 : memref<1x128xi32, #tpu.memory_space<vmem>> -> memref<128xi32, #tpu.memory_space<vmem>>
      %dma_start3A_1287 = arith.constant 0 : i32
      %dma_start3A_1288 = tpu.memref_slice %arg5[%dma_start3A_1287] : memref<3072xf32, #tpu.memory_space<hbm>> -> memref<3072xf32, #tpu.memory_space<hbm>>
      tpu.enqueue_indirect_dma source(%dma_start3A_1283 : memref<128xf32, #tpu.memory_space<vmem>>) target(%dma_start3A_1288 : memref<3072xf32, #tpu.memory_space<hbm>>) offsets(%dma_start3A_1286 : memref<128xi32, #tpu.memory_space<vmem>>) semaphore(%arg17 : memref<!tpu.dma_semaphore, #tpu.memory_space<semaphore_mem>>)
      %dma_start3A_1289 = arith.constant 9 : i32
      %dma_start3A_1290 = arith.constant 9 : i32
      %dma_start3A_1291 = arith.constant 0 : i32
      %dma_start3A_1292 = tpu.memref_slice %arg11[%dma_start3A_1289, %dma_start3A_1291] : memref<16x128xi32, #tpu.memory_space<vmem>> -> memref<1x128xi32, #tpu.memory_space<vmem>>
      %dma_start3A_1293 = tpu.memref_squeeze %dma_start3A_1292 : memref<1x128xi32, #tpu.memory_space<vmem>> -> memref<128xi32, #tpu.memory_space<vmem>>
      %dma_start3A_1294 = arith.constant 0 : i32
      %dma_start3A_1295 = tpu.memref_slice %arg10[%dma_start3A_1290, %dma_start3A_1294] : memref<16x128xi32, #tpu.memory_space<vmem>> -> memref<1x128xi32, #tpu.memory_space<vmem>>
      %dma_start3A_1296 = tpu.memref_squeeze %dma_start3A_1295 : memref<1x128xi32, #tpu.memory_space<vmem>> -> memref<128xi32, #tpu.memory_space<vmem>>
      %dma_start3A_1297 = arith.constant 0 : i32
      %dma_start3A_1298 = tpu.memref_slice %arg3[%dma_start3A_1297] : memref<3072xi32, #tpu.memory_space<hbm>> -> memref<3072xi32, #tpu.memory_space<hbm>>
      tpu.enqueue_indirect_dma source(%dma_start3A_1293 : memref<128xi32, #tpu.memory_space<vmem>>) target(%dma_start3A_1298 : memref<3072xi32, #tpu.memory_space<hbm>>) offsets(%dma_start3A_1296 : memref<128xi32, #tpu.memory_space<vmem>>) semaphore(%arg17 : memref<!tpu.dma_semaphore, #tpu.memory_space<semaphore_mem>>)
      %dma_start3A_1299 = arith.constant 9 : i32
      %dma_start3A_1300 = arith.constant 9 : i32
      %dma_start3A_1301 = arith.constant 0 : i32
      %dma_start3A_1302 = tpu.memref_slice %arg12[%dma_start3A_1299, %dma_start3A_1301] : memref<16x128xf32, #tpu.memory_space<vmem>> -> memref<1x128xf32, #tpu.memory_space<vmem>>
      %dma_start3A_1303 = tpu.memref_squeeze %dma_start3A_1302 : memref<1x128xf32, #tpu.memory_space<vmem>> -> memref<128xf32, #tpu.memory_space<vmem>>
      %dma_start3A_1304 = arith.constant 0 : i32
      %dma_start3A_1305 = tpu.memref_slice %arg10[%dma_start3A_1300, %dma_start3A_1304] : memref<16x128xi32, #tpu.memory_space<vmem>> -> memref<1x128xi32, #tpu.memory_space<vmem>>
      %dma_start3A_1306 = tpu.memref_squeeze %dma_start3A_1305 : memref<1x128xi32, #tpu.memory_space<vmem>> -> memref<128xi32, #tpu.memory_space<vmem>>
      %dma_start3A_1307 = arith.constant 0 : i32
      %dma_start3A_1308 = tpu.memref_slice %arg5[%dma_start3A_1307] : memref<3072xf32, #tpu.memory_space<hbm>> -> memref<3072xf32, #tpu.memory_space<hbm>>
      tpu.enqueue_indirect_dma source(%dma_start3A_1303 : memref<128xf32, #tpu.memory_space<vmem>>) target(%dma_start3A_1308 : memref<3072xf32, #tpu.memory_space<hbm>>) offsets(%dma_start3A_1306 : memref<128xi32, #tpu.memory_space<vmem>>) semaphore(%arg17 : memref<!tpu.dma_semaphore, #tpu.memory_space<semaphore_mem>>)
      %dma_start3A_1309 = arith.constant 10 : i32
      %dma_start3A_1310 = arith.constant 10 : i32
      %dma_start3A_1311 = arith.constant 0 : i32
      %dma_start3A_1312 = tpu.memref_slice %arg11[%dma_start3A_1309, %dma_start3A_1311] : memref<16x128xi32, #tpu.memory_space<vmem>> -> memref<1x128xi32, #tpu.memory_space<vmem>>
      %dma_start3A_1313 = tpu.memref_squeeze %dma_start3A_1312 : memref<1x128xi32, #tpu.memory_space<vmem>> -> memref<128xi32, #tpu.memory_space<vmem>>
      %dma_start3A_1314 = arith.constant 0 : i32
      %dma_start3A_1315 = tpu.memref_slice %arg10[%dma_start3A_1310, %dma_start3A_1314] : memref<16x128xi32, #tpu.memory_space<vmem>> -> memref<1x128xi32, #tpu.memory_space<vmem>>
      %dma_start3A_1316 = tpu.memref_squeeze %dma_start3A_1315 : memref<1x128xi32, #tpu.memory_space<vmem>> -> memref<128xi32, #tpu.memory_space<vmem>>
      %dma_start3A_1317 = arith.constant 0 : i32
      %dma_start3A_1318 = tpu.memref_slice %arg3[%dma_start3A_1317] : memref<3072xi32, #tpu.memory_space<hbm>> -> memref<3072xi32, #tpu.memory_space<hbm>>
      tpu.enqueue_indirect_dma source(%dma_start3A_1313 : memref<128xi32, #tpu.memory_space<vmem>>) target(%dma_start3A_1318 : memref<3072xi32, #tpu.memory_space<hbm>>) offsets(%dma_start3A_1316 : memref<128xi32, #tpu.memory_space<vmem>>) semaphore(%arg17 : memref<!tpu.dma_semaphore, #tpu.memory_space<semaphore_mem>>)
      %dma_start3A_1319 = arith.constant 10 : i32
      %dma_start3A_1320 = arith.constant 10 : i32
      %dma_start3A_1321 = arith.constant 0 : i32
      %dma_start3A_1322 = tpu.memref_slice %arg12[%dma_start3A_1319, %dma_start3A_1321] : memref<16x128xf32, #tpu.memory_space<vmem>> -> memref<1x128xf32, #tpu.memory_space<vmem>>
      %dma_start3A_1323 = tpu.memref_squeeze %dma_start3A_1322 : memref<1x128xf32, #tpu.memory_space<vmem>> -> memref<128xf32, #tpu.memory_space<vmem>>
      %dma_start3A_1324 = arith.constant 0 : i32
      %dma_start3A_1325 = tpu.memref_slice %arg10[%dma_start3A_1320, %dma_start3A_1324] : memref<16x128xi32, #tpu.memory_space<vmem>> -> memref<1x128xi32, #tpu.memory_space<vmem>>
      %dma_start3A_1326 = tpu.memref_squeeze %dma_start3A_1325 : memref<1x128xi32, #tpu.memory_space<vmem>> -> memref<128xi32, #tpu.memory_space<vmem>>
      %dma_start3A_1327 = arith.constant 0 : i32
      %dma_start3A_1328 = tpu.memref_slice %arg5[%dma_start3A_1327] : memref<3072xf32, #tpu.memory_space<hbm>> -> memref<3072xf32, #tpu.memory_space<hbm>>
      tpu.enqueue_indirect_dma source(%dma_start3A_1323 : memref<128xf32, #tpu.memory_space<vmem>>) target(%dma_start3A_1328 : memref<3072xf32, #tpu.memory_space<hbm>>) offsets(%dma_start3A_1326 : memref<128xi32, #tpu.memory_space<vmem>>) semaphore(%arg17 : memref<!tpu.dma_semaphore, #tpu.memory_space<semaphore_mem>>)
      %dma_start3A_1329 = arith.constant 11 : i32
      %dma_start3A_1330 = arith.constant 11 : i32
      %dma_start3A_1331 = arith.constant 0 : i32
      %dma_start3A_1332 = tpu.memref_slice %arg11[%dma_start3A_1329, %dma_start3A_1331] : memref<16x128xi32, #tpu.memory_space<vmem>> -> memref<1x128xi32, #tpu.memory_space<vmem>>
      %dma_start3A_1333 = tpu.memref_squeeze %dma_start3A_1332 : memref<1x128xi32, #tpu.memory_space<vmem>> -> memref<128xi32, #tpu.memory_space<vmem>>
      %dma_start3A_1334 = arith.constant 0 : i32
      %dma_start3A_1335 = tpu.memref_slice %arg10[%dma_start3A_1330, %dma_start3A_1334] : memref<16x128xi32, #tpu.memory_space<vmem>> -> memref<1x128xi32, #tpu.memory_space<vmem>>
      %dma_start3A_1336 = tpu.memref_squeeze %dma_start3A_1335 : memref<1x128xi32, #tpu.memory_space<vmem>> -> memref<128xi32, #tpu.memory_space<vmem>>
      %dma_start3A_1337 = arith.constant 0 : i32
      %dma_start3A_1338 = tpu.memref_slice %arg3[%dma_start3A_1337] : memref<3072xi32, #tpu.memory_space<hbm>> -> memref<3072xi32, #tpu.memory_space<hbm>>
      tpu.enqueue_indirect_dma source(%dma_start3A_1333 : memref<128xi32, #tpu.memory_space<vmem>>) target(%dma_start3A_1338 : memref<3072xi32, #tpu.memory_space<hbm>>) offsets(%dma_start3A_1336 : memref<128xi32, #tpu.memory_space<vmem>>) semaphore(%arg17 : memref<!tpu.dma_semaphore, #tpu.memory_space<semaphore_mem>>)
      %dma_start3A_1339 = arith.constant 11 : i32
      %dma_start3A_1340 = arith.constant 11 : i32
      %dma_start3A_1341 = arith.constant 0 : i32
      %dma_start3A_1342 = tpu.memref_slice %arg12[%dma_start3A_1339, %dma_start3A_1341] : memref<16x128xf32, #tpu.memory_space<vmem>> -> memref<1x128xf32, #tpu.memory_space<vmem>>
      %dma_start3A_1343 = tpu.memref_squeeze %dma_start3A_1342 : memref<1x128xf32, #tpu.memory_space<vmem>> -> memref<128xf32, #tpu.memory_space<vmem>>
      %dma_start3A_1344 = arith.constant 0 : i32
      %dma_start3A_1345 = tpu.memref_slice %arg10[%dma_start3A_1340, %dma_start3A_1344] : memref<16x128xi32, #tpu.memory_space<vmem>> -> memref<1x128xi32, #tpu.memory_space<vmem>>
      %dma_start3A_1346 = tpu.memref_squeeze %dma_start3A_1345 : memref<1x128xi32, #tpu.memory_space<vmem>> -> memref<128xi32, #tpu.memory_space<vmem>>
      %dma_start3A_1347 = arith.constant 0 : i32
      %dma_start3A_1348 = tpu.memref_slice %arg5[%dma_start3A_1347] : memref<3072xf32, #tpu.memory_space<hbm>> -> memref<3072xf32, #tpu.memory_space<hbm>>
      tpu.enqueue_indirect_dma source(%dma_start3A_1343 : memref<128xf32, #tpu.memory_space<vmem>>) target(%dma_start3A_1348 : memref<3072xf32, #tpu.memory_space<hbm>>) offsets(%dma_start3A_1346 : memref<128xi32, #tpu.memory_space<vmem>>) semaphore(%arg17 : memref<!tpu.dma_semaphore, #tpu.memory_space<semaphore_mem>>)
      %dma_start3A_1349 = arith.constant 12 : i32
      %dma_start3A_1350 = arith.constant 12 : i32
      %dma_start3A_1351 = arith.constant 0 : i32
      %dma_start3A_1352 = tpu.memref_slice %arg11[%dma_start3A_1349, %dma_start3A_1351] : memref<16x128xi32, #tpu.memory_space<vmem>> -> memref<1x128xi32, #tpu.memory_space<vmem>>
      %dma_start3A_1353 = tpu.memref_squeeze %dma_start3A_1352 : memref<1x128xi32, #tpu.memory_space<vmem>> -> memref<128xi32, #tpu.memory_space<vmem>>
      %dma_start3A_1354 = arith.constant 0 : i32
      %dma_start3A_1355 = tpu.memref_slice %arg10[%dma_start3A_1350, %dma_start3A_1354] : memref<16x128xi32, #tpu.memory_space<vmem>> -> memref<1x128xi32, #tpu.memory_space<vmem>>
      %dma_start3A_1356 = tpu.memref_squeeze %dma_start3A_1355 : memref<1x128xi32, #tpu.memory_space<vmem>> -> memref<128xi32, #tpu.memory_space<vmem>>
      %dma_start3A_1357 = arith.constant 0 : i32
      %dma_start3A_1358 = tpu.memref_slice %arg3[%dma_start3A_1357] : memref<3072xi32, #tpu.memory_space<hbm>> -> memref<3072xi32, #tpu.memory_space<hbm>>
      tpu.enqueue_indirect_dma source(%dma_start3A_1353 : memref<128xi32, #tpu.memory_space<vmem>>) target(%dma_start3A_1358 : memref<3072xi32, #tpu.memory_space<hbm>>) offsets(%dma_start3A_1356 : memref<128xi32, #tpu.memory_space<vmem>>) semaphore(%arg17 : memref<!tpu.dma_semaphore, #tpu.memory_space<semaphore_mem>>)
      %dma_start3A_1359 = arith.constant 12 : i32
      %dma_start3A_1360 = arith.constant 12 : i32
      %dma_start3A_1361 = arith.constant 0 : i32
      %dma_start3A_1362 = tpu.memref_slice %arg12[%dma_start3A_1359, %dma_start3A_1361] : memref<16x128xf32, #tpu.memory_space<vmem>> -> memref<1x128xf32, #tpu.memory_space<vmem>>
      %dma_start3A_1363 = tpu.memref_squeeze %dma_start3A_1362 : memref<1x128xf32, #tpu.memory_space<vmem>> -> memref<128xf32, #tpu.memory_space<vmem>>
      %dma_start3A_1364 = arith.constant 0 : i32
      %dma_start3A_1365 = tpu.memref_slice %arg10[%dma_start3A_1360, %dma_start3A_1364] : memref<16x128xi32, #tpu.memory_space<vmem>> -> memref<1x128xi32, #tpu.memory_space<vmem>>
      %dma_start3A_1366 = tpu.memref_squeeze %dma_start3A_1365 : memref<1x128xi32, #tpu.memory_space<vmem>> -> memref<128xi32, #tpu.memory_space<vmem>>
      %dma_start3A_1367 = arith.constant 0 : i32
      %dma_start3A_1368 = tpu.memref_slice %arg5[%dma_start3A_1367] : memref<3072xf32, #tpu.memory_space<hbm>> -> memref<3072xf32, #tpu.memory_space<hbm>>
      tpu.enqueue_indirect_dma source(%dma_start3A_1363 : memref<128xf32, #tpu.memory_space<vmem>>) target(%dma_start3A_1368 : memref<3072xf32, #tpu.memory_space<hbm>>) offsets(%dma_start3A_1366 : memref<128xi32, #tpu.memory_space<vmem>>) semaphore(%arg17 : memref<!tpu.dma_semaphore, #tpu.memory_space<semaphore_mem>>)
      %dma_start3A_1369 = arith.constant 13 : i32
      %dma_start3A_1370 = arith.constant 13 : i32
      %dma_start3A_1371 = arith.constant 0 : i32
      %dma_start3A_1372 = tpu.memref_slice %arg11[%dma_start3A_1369, %dma_start3A_1371] : memref<16x128xi32, #tpu.memory_space<vmem>> -> memref<1x128xi32, #tpu.memory_space<vmem>>
      %dma_start3A_1373 = tpu.memref_squeeze %dma_start3A_1372 : memref<1x128xi32, #tpu.memory_space<vmem>> -> memref<128xi32, #tpu.memory_space<vmem>>
      %dma_start3A_1374 = arith.constant 0 : i32
      %dma_start3A_1375 = tpu.memref_slice %arg10[%dma_start3A_1370, %dma_start3A_1374] : memref<16x128xi32, #tpu.memory_space<vmem>> -> memref<1x128xi32, #tpu.memory_space<vmem>>
      %dma_start3A_1376 = tpu.memref_squeeze %dma_start3A_1375 : memref<1x128xi32, #tpu.memory_space<vmem>> -> memref<128xi32, #tpu.memory_space<vmem>>
      %dma_start3A_1377 = arith.constant 0 : i32
      %dma_start3A_1378 = tpu.memref_slice %arg3[%dma_start3A_1377] : memref<3072xi32, #tpu.memory_space<hbm>> -> memref<3072xi32, #tpu.memory_space<hbm>>
      tpu.enqueue_indirect_dma source(%dma_start3A_1373 : memref<128xi32, #tpu.memory_space<vmem>>) target(%dma_start3A_1378 : memref<3072xi32, #tpu.memory_space<hbm>>) offsets(%dma_start3A_1376 : memref<128xi32, #tpu.memory_space<vmem>>) semaphore(%arg17 : memref<!tpu.dma_semaphore, #tpu.memory_space<semaphore_mem>>)
      %dma_start3A_1379 = arith.constant 13 : i32
      %dma_start3A_1380 = arith.constant 13 : i32
      %dma_start3A_1381 = arith.constant 0 : i32
      %dma_start3A_1382 = tpu.memref_slice %arg12[%dma_start3A_1379, %dma_start3A_1381] : memref<16x128xf32, #tpu.memory_space<vmem>> -> memref<1x128xf32, #tpu.memory_space<vmem>>
      %dma_start3A_1383 = tpu.memref_squeeze %dma_start3A_1382 : memref<1x128xf32, #tpu.memory_space<vmem>> -> memref<128xf32, #tpu.memory_space<vmem>>
      %dma_start3A_1384 = arith.constant 0 : i32
      %dma_start3A_1385 = tpu.memref_slice %arg10[%dma_start3A_1380, %dma_start3A_1384] : memref<16x128xi32, #tpu.memory_space<vmem>> -> memref<1x128xi32, #tpu.memory_space<vmem>>
      %dma_start3A_1386 = tpu.memref_squeeze %dma_start3A_1385 : memref<1x128xi32, #tpu.memory_space<vmem>> -> memref<128xi32, #tpu.memory_space<vmem>>
      %dma_start3A_1387 = arith.constant 0 : i32
      %dma_start3A_1388 = tpu.memref_slice %arg5[%dma_start3A_1387] : memref<3072xf32, #tpu.memory_space<hbm>> -> memref<3072xf32, #tpu.memory_space<hbm>>
      tpu.enqueue_indirect_dma source(%dma_start3A_1383 : memref<128xf32, #tpu.memory_space<vmem>>) target(%dma_start3A_1388 : memref<3072xf32, #tpu.memory_space<hbm>>) offsets(%dma_start3A_1386 : memref<128xi32, #tpu.memory_space<vmem>>) semaphore(%arg17 : memref<!tpu.dma_semaphore, #tpu.memory_space<semaphore_mem>>)
      %dma_start3A_1389 = arith.constant 14 : i32
      %dma_start3A_1390 = arith.constant 14 : i32
      %dma_start3A_1391 = arith.constant 0 : i32
      %dma_start3A_1392 = tpu.memref_slice %arg11[%dma_start3A_1389, %dma_start3A_1391] : memref<16x128xi32, #tpu.memory_space<vmem>> -> memref<1x128xi32, #tpu.memory_space<vmem>>
      %dma_start3A_1393 = tpu.memref_squeeze %dma_start3A_1392 : memref<1x128xi32, #tpu.memory_space<vmem>> -> memref<128xi32, #tpu.memory_space<vmem>>
      %dma_start3A_1394 = arith.constant 0 : i32
      %dma_start3A_1395 = tpu.memref_slice %arg10[%dma_start3A_1390, %dma_start3A_1394] : memref<16x128xi32, #tpu.memory_space<vmem>> -> memref<1x128xi32, #tpu.memory_space<vmem>>
      %dma_start3A_1396 = tpu.memref_squeeze %dma_start3A_1395 : memref<1x128xi32, #tpu.memory_space<vmem>> -> memref<128xi32, #tpu.memory_space<vmem>>
      %dma_start3A_1397 = arith.constant 0 : i32
      %dma_start3A_1398 = tpu.memref_slice %arg3[%dma_start3A_1397] : memref<3072xi32, #tpu.memory_space<hbm>> -> memref<3072xi32, #tpu.memory_space<hbm>>
      tpu.enqueue_indirect_dma source(%dma_start3A_1393 : memref<128xi32, #tpu.memory_space<vmem>>) target(%dma_start3A_1398 : memref<3072xi32, #tpu.memory_space<hbm>>) offsets(%dma_start3A_1396 : memref<128xi32, #tpu.memory_space<vmem>>) semaphore(%arg17 : memref<!tpu.dma_semaphore, #tpu.memory_space<semaphore_mem>>)
      %dma_start3A_1399 = arith.constant 14 : i32
      %dma_start3A_1400 = arith.constant 14 : i32
      %dma_start3A_1401 = arith.constant 0 : i32
      %dma_start3A_1402 = tpu.memref_slice %arg12[%dma_start3A_1399, %dma_start3A_1401] : memref<16x128xf32, #tpu.memory_space<vmem>> -> memref<1x128xf32, #tpu.memory_space<vmem>>
      %dma_start3A_1403 = tpu.memref_squeeze %dma_start3A_1402 : memref<1x128xf32, #tpu.memory_space<vmem>> -> memref<128xf32, #tpu.memory_space<vmem>>
      %dma_start3A_1404 = arith.constant 0 : i32
      %dma_start3A_1405 = tpu.memref_slice %arg10[%dma_start3A_1400, %dma_start3A_1404] : memref<16x128xi32, #tpu.memory_space<vmem>> -> memref<1x128xi32, #tpu.memory_space<vmem>>
      %dma_start3A_1406 = tpu.memref_squeeze %dma_start3A_1405 : memref<1x128xi32, #tpu.memory_space<vmem>> -> memref<128xi32, #tpu.memory_space<vmem>>
      %dma_start3A_1407 = arith.constant 0 : i32
      %dma_start3A_1408 = tpu.memref_slice %arg5[%dma_start3A_1407] : memref<3072xf32, #tpu.memory_space<hbm>> -> memref<3072xf32, #tpu.memory_space<hbm>>
      tpu.enqueue_indirect_dma source(%dma_start3A_1403 : memref<128xf32, #tpu.memory_space<vmem>>) target(%dma_start3A_1408 : memref<3072xf32, #tpu.memory_space<hbm>>) offsets(%dma_start3A_1406 : memref<128xi32, #tpu.memory_space<vmem>>) semaphore(%arg17 : memref<!tpu.dma_semaphore, #tpu.memory_space<semaphore_mem>>)
      %dma_start3A_1409 = arith.constant 15 : i32
      %dma_start3A_1410 = arith.constant 15 : i32
      %dma_start3A_1411 = arith.constant 0 : i32
      %dma_start3A_1412 = tpu.memref_slice %arg11[%dma_start3A_1409, %dma_start3A_1411] : memref<16x128xi32, #tpu.memory_space<vmem>> -> memref<1x128xi32, #tpu.memory_space<vmem>>
      %dma_start3A_1413 = tpu.memref_squeeze %dma_start3A_1412 : memref<1x128xi32, #tpu.memory_space<vmem>> -> memref<128xi32, #tpu.memory_space<vmem>>
      %dma_start3A_1414 = arith.constant 0 : i32
      %dma_start3A_1415 = tpu.memref_slice %arg10[%dma_start3A_1410, %dma_start3A_1414] : memref<16x128xi32, #tpu.memory_space<vmem>> -> memref<1x128xi32, #tpu.memory_space<vmem>>
      %dma_start3A_1416 = tpu.memref_squeeze %dma_start3A_1415 : memref<1x128xi32, #tpu.memory_space<vmem>> -> memref<128xi32, #tpu.memory_space<vmem>>
      %dma_start3A_1417 = arith.constant 0 : i32
      %dma_start3A_1418 = tpu.memref_slice %arg3[%dma_start3A_1417] : memref<3072xi32, #tpu.memory_space<hbm>> -> memref<3072xi32, #tpu.memory_space<hbm>>
      tpu.enqueue_indirect_dma source(%dma_start3A_1413 : memref<128xi32, #tpu.memory_space<vmem>>) target(%dma_start3A_1418 : memref<3072xi32, #tpu.memory_space<hbm>>) offsets(%dma_start3A_1416 : memref<128xi32, #tpu.memory_space<vmem>>) semaphore(%arg17 : memref<!tpu.dma_semaphore, #tpu.memory_space<semaphore_mem>>)
      %dma_start3A_1419 = arith.constant 15 : i32
      %dma_start3A_1420 = arith.constant 15 : i32
      %dma_start3A_1421 = arith.constant 0 : i32
      %dma_start3A_1422 = tpu.memref_slice %arg12[%dma_start3A_1419, %dma_start3A_1421] : memref<16x128xf32, #tpu.memory_space<vmem>> -> memref<1x128xf32, #tpu.memory_space<vmem>>
      %dma_start3A_1423 = tpu.memref_squeeze %dma_start3A_1422 : memref<1x128xf32, #tpu.memory_space<vmem>> -> memref<128xf32, #tpu.memory_space<vmem>>
      %dma_start3A_1424 = arith.constant 0 : i32
      %dma_start3A_1425 = tpu.memref_slice %arg10[%dma_start3A_1420, %dma_start3A_1424] : memref<16x128xi32, #tpu.memory_space<vmem>> -> memref<1x128xi32, #tpu.memory_space<vmem>>
      %dma_start3A_1426 = tpu.memref_squeeze %dma_start3A_1425 : memref<1x128xi32, #tpu.memory_space<vmem>> -> memref<128xi32, #tpu.memory_space<vmem>>
      %dma_start3A_1427 = arith.constant 0 : i32
      %dma_start3A_1428 = tpu.memref_slice %arg5[%dma_start3A_1427] : memref<3072xf32, #tpu.memory_space<hbm>> -> memref<3072xf32, #tpu.memory_space<hbm>>
      tpu.enqueue_indirect_dma source(%dma_start3A_1423 : memref<128xf32, #tpu.memory_space<vmem>>) target(%dma_start3A_1428 : memref<3072xf32, #tpu.memory_space<hbm>>) offsets(%dma_start3A_1426 : memref<128xi32, #tpu.memory_space<vmem>>) semaphore(%arg17 : memref<!tpu.dma_semaphore, #tpu.memory_space<semaphore_mem>>)
      %dma_wait3A = arith.constant 0 : i32
      %dma_wait3A_1429 = arith.constant 0 : i32
      %dma_wait3A_1430 = arith.constant 0 : i32
      %dma_wait3A_1431 = tpu.memref_slice %arg11[%dma_wait3A, %dma_wait3A_1430] : memref<16x128xi32, #tpu.memory_space<vmem>> -> memref<1x128xi32, #tpu.memory_space<vmem>>
      %dma_wait3A_1432 = tpu.memref_squeeze %dma_wait3A_1431 : memref<1x128xi32, #tpu.memory_space<vmem>> -> memref<128xi32, #tpu.memory_space<vmem>>
      %dma_wait3A_1433 = arith.constant 0 : i32
      %dma_wait3A_1434 = tpu.memref_slice %arg10[%dma_wait3A_1429, %dma_wait3A_1433] : memref<16x128xi32, #tpu.memory_space<vmem>> -> memref<1x128xi32, #tpu.memory_space<vmem>>
      %dma_wait3A_1435 = tpu.memref_squeeze %dma_wait3A_1434 : memref<1x128xi32, #tpu.memory_space<vmem>> -> memref<128xi32, #tpu.memory_space<vmem>>
      %dma_wait3A_1436 = arith.constant 0 : i32
      %dma_wait3A_1437 = tpu.memref_slice %arg3[%dma_wait3A_1436] : memref<3072xi32, #tpu.memory_space<hbm>> -> memref<3072xi32, #tpu.memory_space<hbm>>
      tpu.wait_indirect_dma semaphore(%arg17 : memref<!tpu.dma_semaphore, #tpu.memory_space<semaphore_mem>>) src(%dma_wait3A_1432 : memref<128xi32, #tpu.memory_space<vmem>>) dst(%dma_wait3A_1437 : memref<3072xi32, #tpu.memory_space<hbm>>)
      %dma_wait3A_1438 = arith.constant 0 : i32
      %dma_wait3A_1439 = arith.constant 0 : i32
      %dma_wait3A_1440 = arith.constant 0 : i32
      %dma_wait3A_1441 = tpu.memref_slice %arg12[%dma_wait3A_1438, %dma_wait3A_1440] : memref<16x128xf32, #tpu.memory_space<vmem>> -> memref<1x128xf32, #tpu.memory_space<vmem>>
      %dma_wait3A_1442 = tpu.memref_squeeze %dma_wait3A_1441 : memref<1x128xf32, #tpu.memory_space<vmem>> -> memref<128xf32, #tpu.memory_space<vmem>>
      %dma_wait3A_1443 = arith.constant 0 : i32
      %dma_wait3A_1444 = tpu.memref_slice %arg10[%dma_wait3A_1439, %dma_wait3A_1443] : memref<16x128xi32, #tpu.memory_space<vmem>> -> memref<1x128xi32, #tpu.memory_space<vmem>>
      %dma_wait3A_1445 = tpu.memref_squeeze %dma_wait3A_1444 : memref<1x128xi32, #tpu.memory_space<vmem>> -> memref<128xi32, #tpu.memory_space<vmem>>
      %dma_wait3A_1446 = arith.constant 0 : i32
      %dma_wait3A_1447 = tpu.memref_slice %arg5[%dma_wait3A_1446] : memref<3072xf32, #tpu.memory_space<hbm>> -> memref<3072xf32, #tpu.memory_space<hbm>>
      tpu.wait_indirect_dma semaphore(%arg17 : memref<!tpu.dma_semaphore, #tpu.memory_space<semaphore_mem>>) src(%dma_wait3A_1442 : memref<128xf32, #tpu.memory_space<vmem>>) dst(%dma_wait3A_1447 : memref<3072xf32, #tpu.memory_space<hbm>>)
      %dma_wait3A_1448 = arith.constant 1 : i32
      %dma_wait3A_1449 = arith.constant 1 : i32
      %dma_wait3A_1450 = arith.constant 0 : i32
      %dma_wait3A_1451 = tpu.memref_slice %arg11[%dma_wait3A_1448, %dma_wait3A_1450] : memref<16x128xi32, #tpu.memory_space<vmem>> -> memref<1x128xi32, #tpu.memory_space<vmem>>
      %dma_wait3A_1452 = tpu.memref_squeeze %dma_wait3A_1451 : memref<1x128xi32, #tpu.memory_space<vmem>> -> memref<128xi32, #tpu.memory_space<vmem>>
      %dma_wait3A_1453 = arith.constant 0 : i32
      %dma_wait3A_1454 = tpu.memref_slice %arg10[%dma_wait3A_1449, %dma_wait3A_1453] : memref<16x128xi32, #tpu.memory_space<vmem>> -> memref<1x128xi32, #tpu.memory_space<vmem>>
      %dma_wait3A_1455 = tpu.memref_squeeze %dma_wait3A_1454 : memref<1x128xi32, #tpu.memory_space<vmem>> -> memref<128xi32, #tpu.memory_space<vmem>>
      %dma_wait3A_1456 = arith.constant 0 : i32
      %dma_wait3A_1457 = tpu.memref_slice %arg3[%dma_wait3A_1456] : memref<3072xi32, #tpu.memory_space<hbm>> -> memref<3072xi32, #tpu.memory_space<hbm>>
      tpu.wait_indirect_dma semaphore(%arg17 : memref<!tpu.dma_semaphore, #tpu.memory_space<semaphore_mem>>) src(%dma_wait3A_1452 : memref<128xi32, #tpu.memory_space<vmem>>) dst(%dma_wait3A_1457 : memref<3072xi32, #tpu.memory_space<hbm>>)
      %dma_wait3A_1458 = arith.constant 1 : i32
      %dma_wait3A_1459 = arith.constant 1 : i32
      %dma_wait3A_1460 = arith.constant 0 : i32
      %dma_wait3A_1461 = tpu.memref_slice %arg12[%dma_wait3A_1458, %dma_wait3A_1460] : memref<16x128xf32, #tpu.memory_space<vmem>> -> memref<1x128xf32, #tpu.memory_space<vmem>>
      %dma_wait3A_1462 = tpu.memref_squeeze %dma_wait3A_1461 : memref<1x128xf32, #tpu.memory_space<vmem>> -> memref<128xf32, #tpu.memory_space<vmem>>
      %dma_wait3A_1463 = arith.constant 0 : i32
      %dma_wait3A_1464 = tpu.memref_slice %arg10[%dma_wait3A_1459, %dma_wait3A_1463] : memref<16x128xi32, #tpu.memory_space<vmem>> -> memref<1x128xi32, #tpu.memory_space<vmem>>
      %dma_wait3A_1465 = tpu.memref_squeeze %dma_wait3A_1464 : memref<1x128xi32, #tpu.memory_space<vmem>> -> memref<128xi32, #tpu.memory_space<vmem>>
      %dma_wait3A_1466 = arith.constant 0 : i32
      %dma_wait3A_1467 = tpu.memref_slice %arg5[%dma_wait3A_1466] : memref<3072xf32, #tpu.memory_space<hbm>> -> memref<3072xf32, #tpu.memory_space<hbm>>
      tpu.wait_indirect_dma semaphore(%arg17 : memref<!tpu.dma_semaphore, #tpu.memory_space<semaphore_mem>>) src(%dma_wait3A_1462 : memref<128xf32, #tpu.memory_space<vmem>>) dst(%dma_wait3A_1467 : memref<3072xf32, #tpu.memory_space<hbm>>)
      %dma_wait3A_1468 = arith.constant 2 : i32
      %dma_wait3A_1469 = arith.constant 2 : i32
      %dma_wait3A_1470 = arith.constant 0 : i32
      %dma_wait3A_1471 = tpu.memref_slice %arg11[%dma_wait3A_1468, %dma_wait3A_1470] : memref<16x128xi32, #tpu.memory_space<vmem>> -> memref<1x128xi32, #tpu.memory_space<vmem>>
      %dma_wait3A_1472 = tpu.memref_squeeze %dma_wait3A_1471 : memref<1x128xi32, #tpu.memory_space<vmem>> -> memref<128xi32, #tpu.memory_space<vmem>>
      %dma_wait3A_1473 = arith.constant 0 : i32
      %dma_wait3A_1474 = tpu.memref_slice %arg10[%dma_wait3A_1469, %dma_wait3A_1473] : memref<16x128xi32, #tpu.memory_space<vmem>> -> memref<1x128xi32, #tpu.memory_space<vmem>>
      %dma_wait3A_1475 = tpu.memref_squeeze %dma_wait3A_1474 : memref<1x128xi32, #tpu.memory_space<vmem>> -> memref<128xi32, #tpu.memory_space<vmem>>
      %dma_wait3A_1476 = arith.constant 0 : i32
      %dma_wait3A_1477 = tpu.memref_slice %arg3[%dma_wait3A_1476] : memref<3072xi32, #tpu.memory_space<hbm>> -> memref<3072xi32, #tpu.memory_space<hbm>>
      tpu.wait_indirect_dma semaphore(%arg17 : memref<!tpu.dma_semaphore, #tpu.memory_space<semaphore_mem>>) src(%dma_wait3A_1472 : memref<128xi32, #tpu.memory_space<vmem>>) dst(%dma_wait3A_1477 : memref<3072xi32, #tpu.memory_space<hbm>>)
      %dma_wait3A_1478 = arith.constant 2 : i32
      %dma_wait3A_1479 = arith.constant 2 : i32
      %dma_wait3A_1480 = arith.constant 0 : i32
      %dma_wait3A_1481 = tpu.memref_slice %arg12[%dma_wait3A_1478, %dma_wait3A_1480] : memref<16x128xf32, #tpu.memory_space<vmem>> -> memref<1x128xf32, #tpu.memory_space<vmem>>
      %dma_wait3A_1482 = tpu.memref_squeeze %dma_wait3A_1481 : memref<1x128xf32, #tpu.memory_space<vmem>> -> memref<128xf32, #tpu.memory_space<vmem>>
      %dma_wait3A_1483 = arith.constant 0 : i32
      %dma_wait3A_1484 = tpu.memref_slice %arg10[%dma_wait3A_1479, %dma_wait3A_1483] : memref<16x128xi32, #tpu.memory_space<vmem>> -> memref<1x128xi32, #tpu.memory_space<vmem>>
      %dma_wait3A_1485 = tpu.memref_squeeze %dma_wait3A_1484 : memref<1x128xi32, #tpu.memory_space<vmem>> -> memref<128xi32, #tpu.memory_space<vmem>>
      %dma_wait3A_1486 = arith.constant 0 : i32
      %dma_wait3A_1487 = tpu.memref_slice %arg5[%dma_wait3A_1486] : memref<3072xf32, #tpu.memory_space<hbm>> -> memref<3072xf32, #tpu.memory_space<hbm>>
      tpu.wait_indirect_dma semaphore(%arg17 : memref<!tpu.dma_semaphore, #tpu.memory_space<semaphore_mem>>) src(%dma_wait3A_1482 : memref<128xf32, #tpu.memory_space<vmem>>) dst(%dma_wait3A_1487 : memref<3072xf32, #tpu.memory_space<hbm>>)
      %dma_wait3A_1488 = arith.constant 3 : i32
      %dma_wait3A_1489 = arith.constant 3 : i32
      %dma_wait3A_1490 = arith.constant 0 : i32
      %dma_wait3A_1491 = tpu.memref_slice %arg11[%dma_wait3A_1488, %dma_wait3A_1490] : memref<16x128xi32, #tpu.memory_space<vmem>> -> memref<1x128xi32, #tpu.memory_space<vmem>>
      %dma_wait3A_1492 = tpu.memref_squeeze %dma_wait3A_1491 : memref<1x128xi32, #tpu.memory_space<vmem>> -> memref<128xi32, #tpu.memory_space<vmem>>
      %dma_wait3A_1493 = arith.constant 0 : i32
      %dma_wait3A_1494 = tpu.memref_slice %arg10[%dma_wait3A_1489, %dma_wait3A_1493] : memref<16x128xi32, #tpu.memory_space<vmem>> -> memref<1x128xi32, #tpu.memory_space<vmem>>
      %dma_wait3A_1495 = tpu.memref_squeeze %dma_wait3A_1494 : memref<1x128xi32, #tpu.memory_space<vmem>> -> memref<128xi32, #tpu.memory_space<vmem>>
      %dma_wait3A_1496 = arith.constant 0 : i32
      %dma_wait3A_1497 = tpu.memref_slice %arg3[%dma_wait3A_1496] : memref<3072xi32, #tpu.memory_space<hbm>> -> memref<3072xi32, #tpu.memory_space<hbm>>
      tpu.wait_indirect_dma semaphore(%arg17 : memref<!tpu.dma_semaphore, #tpu.memory_space<semaphore_mem>>) src(%dma_wait3A_1492 : memref<128xi32, #tpu.memory_space<vmem>>) dst(%dma_wait3A_1497 : memref<3072xi32, #tpu.memory_space<hbm>>)
      %dma_wait3A_1498 = arith.constant 3 : i32
      %dma_wait3A_1499 = arith.constant 3 : i32
      %dma_wait3A_1500 = arith.constant 0 : i32
      %dma_wait3A_1501 = tpu.memref_slice %arg12[%dma_wait3A_1498, %dma_wait3A_1500] : memref<16x128xf32, #tpu.memory_space<vmem>> -> memref<1x128xf32, #tpu.memory_space<vmem>>
      %dma_wait3A_1502 = tpu.memref_squeeze %dma_wait3A_1501 : memref<1x128xf32, #tpu.memory_space<vmem>> -> memref<128xf32, #tpu.memory_space<vmem>>
      %dma_wait3A_1503 = arith.constant 0 : i32
      %dma_wait3A_1504 = tpu.memref_slice %arg10[%dma_wait3A_1499, %dma_wait3A_1503] : memref<16x128xi32, #tpu.memory_space<vmem>> -> memref<1x128xi32, #tpu.memory_space<vmem>>
      %dma_wait3A_1505 = tpu.memref_squeeze %dma_wait3A_1504 : memref<1x128xi32, #tpu.memory_space<vmem>> -> memref<128xi32, #tpu.memory_space<vmem>>
      %dma_wait3A_1506 = arith.constant 0 : i32
      %dma_wait3A_1507 = tpu.memref_slice %arg5[%dma_wait3A_1506] : memref<3072xf32, #tpu.memory_space<hbm>> -> memref<3072xf32, #tpu.memory_space<hbm>>
      tpu.wait_indirect_dma semaphore(%arg17 : memref<!tpu.dma_semaphore, #tpu.memory_space<semaphore_mem>>) src(%dma_wait3A_1502 : memref<128xf32, #tpu.memory_space<vmem>>) dst(%dma_wait3A_1507 : memref<3072xf32, #tpu.memory_space<hbm>>)
      %dma_wait3A_1508 = arith.constant 4 : i32
      %dma_wait3A_1509 = arith.constant 4 : i32
      %dma_wait3A_1510 = arith.constant 0 : i32
      %dma_wait3A_1511 = tpu.memref_slice %arg11[%dma_wait3A_1508, %dma_wait3A_1510] : memref<16x128xi32, #tpu.memory_space<vmem>> -> memref<1x128xi32, #tpu.memory_space<vmem>>
      %dma_wait3A_1512 = tpu.memref_squeeze %dma_wait3A_1511 : memref<1x128xi32, #tpu.memory_space<vmem>> -> memref<128xi32, #tpu.memory_space<vmem>>
      %dma_wait3A_1513 = arith.constant 0 : i32
      %dma_wait3A_1514 = tpu.memref_slice %arg10[%dma_wait3A_1509, %dma_wait3A_1513] : memref<16x128xi32, #tpu.memory_space<vmem>> -> memref<1x128xi32, #tpu.memory_space<vmem>>
      %dma_wait3A_1515 = tpu.memref_squeeze %dma_wait3A_1514 : memref<1x128xi32, #tpu.memory_space<vmem>> -> memref<128xi32, #tpu.memory_space<vmem>>
      %dma_wait3A_1516 = arith.constant 0 : i32
      %dma_wait3A_1517 = tpu.memref_slice %arg3[%dma_wait3A_1516] : memref<3072xi32, #tpu.memory_space<hbm>> -> memref<3072xi32, #tpu.memory_space<hbm>>
      tpu.wait_indirect_dma semaphore(%arg17 : memref<!tpu.dma_semaphore, #tpu.memory_space<semaphore_mem>>) src(%dma_wait3A_1512 : memref<128xi32, #tpu.memory_space<vmem>>) dst(%dma_wait3A_1517 : memref<3072xi32, #tpu.memory_space<hbm>>)
      %dma_wait3A_1518 = arith.constant 4 : i32
      %dma_wait3A_1519 = arith.constant 4 : i32
      %dma_wait3A_1520 = arith.constant 0 : i32
      %dma_wait3A_1521 = tpu.memref_slice %arg12[%dma_wait3A_1518, %dma_wait3A_1520] : memref<16x128xf32, #tpu.memory_space<vmem>> -> memref<1x128xf32, #tpu.memory_space<vmem>>
      %dma_wait3A_1522 = tpu.memref_squeeze %dma_wait3A_1521 : memref<1x128xf32, #tpu.memory_space<vmem>> -> memref<128xf32, #tpu.memory_space<vmem>>
      %dma_wait3A_1523 = arith.constant 0 : i32
      %dma_wait3A_1524 = tpu.memref_slice %arg10[%dma_wait3A_1519, %dma_wait3A_1523] : memref<16x128xi32, #tpu.memory_space<vmem>> -> memref<1x128xi32, #tpu.memory_space<vmem>>
      %dma_wait3A_1525 = tpu.memref_squeeze %dma_wait3A_1524 : memref<1x128xi32, #tpu.memory_space<vmem>> -> memref<128xi32, #tpu.memory_space<vmem>>
      %dma_wait3A_1526 = arith.constant 0 : i32
      %dma_wait3A_1527 = tpu.memref_slice %arg5[%dma_wait3A_1526] : memref<3072xf32, #tpu.memory_space<hbm>> -> memref<3072xf32, #tpu.memory_space<hbm>>
      tpu.wait_indirect_dma semaphore(%arg17 : memref<!tpu.dma_semaphore, #tpu.memory_space<semaphore_mem>>) src(%dma_wait3A_1522 : memref<128xf32, #tpu.memory_space<vmem>>) dst(%dma_wait3A_1527 : memref<3072xf32, #tpu.memory_space<hbm>>)
      %dma_wait3A_1528 = arith.constant 5 : i32
      %dma_wait3A_1529 = arith.constant 5 : i32
      %dma_wait3A_1530 = arith.constant 0 : i32
      %dma_wait3A_1531 = tpu.memref_slice %arg11[%dma_wait3A_1528, %dma_wait3A_1530] : memref<16x128xi32, #tpu.memory_space<vmem>> -> memref<1x128xi32, #tpu.memory_space<vmem>>
      %dma_wait3A_1532 = tpu.memref_squeeze %dma_wait3A_1531 : memref<1x128xi32, #tpu.memory_space<vmem>> -> memref<128xi32, #tpu.memory_space<vmem>>
      %dma_wait3A_1533 = arith.constant 0 : i32
      %dma_wait3A_1534 = tpu.memref_slice %arg10[%dma_wait3A_1529, %dma_wait3A_1533] : memref<16x128xi32, #tpu.memory_space<vmem>> -> memref<1x128xi32, #tpu.memory_space<vmem>>
      %dma_wait3A_1535 = tpu.memref_squeeze %dma_wait3A_1534 : memref<1x128xi32, #tpu.memory_space<vmem>> -> memref<128xi32, #tpu.memory_space<vmem>>
      %dma_wait3A_1536 = arith.constant 0 : i32
      %dma_wait3A_1537 = tpu.memref_slice %arg3[%dma_wait3A_1536] : memref<3072xi32, #tpu.memory_space<hbm>> -> memref<3072xi32, #tpu.memory_space<hbm>>
      tpu.wait_indirect_dma semaphore(%arg17 : memref<!tpu.dma_semaphore, #tpu.memory_space<semaphore_mem>>) src(%dma_wait3A_1532 : memref<128xi32, #tpu.memory_space<vmem>>) dst(%dma_wait3A_1537 : memref<3072xi32, #tpu.memory_space<hbm>>)
      %dma_wait3A_1538 = arith.constant 5 : i32
      %dma_wait3A_1539 = arith.constant 5 : i32
      %dma_wait3A_1540 = arith.constant 0 : i32
      %dma_wait3A_1541 = tpu.memref_slice %arg12[%dma_wait3A_1538, %dma_wait3A_1540] : memref<16x128xf32, #tpu.memory_space<vmem>> -> memref<1x128xf32, #tpu.memory_space<vmem>>
      %dma_wait3A_1542 = tpu.memref_squeeze %dma_wait3A_1541 : memref<1x128xf32, #tpu.memory_space<vmem>> -> memref<128xf32, #tpu.memory_space<vmem>>
      %dma_wait3A_1543 = arith.constant 0 : i32
      %dma_wait3A_1544 = tpu.memref_slice %arg10[%dma_wait3A_1539, %dma_wait3A_1543] : memref<16x128xi32, #tpu.memory_space<vmem>> -> memref<1x128xi32, #tpu.memory_space<vmem>>
      %dma_wait3A_1545 = tpu.memref_squeeze %dma_wait3A_1544 : memref<1x128xi32, #tpu.memory_space<vmem>> -> memref<128xi32, #tpu.memory_space<vmem>>
      %dma_wait3A_1546 = arith.constant 0 : i32
      %dma_wait3A_1547 = tpu.memref_slice %arg5[%dma_wait3A_1546] : memref<3072xf32, #tpu.memory_space<hbm>> -> memref<3072xf32, #tpu.memory_space<hbm>>
      tpu.wait_indirect_dma semaphore(%arg17 : memref<!tpu.dma_semaphore, #tpu.memory_space<semaphore_mem>>) src(%dma_wait3A_1542 : memref<128xf32, #tpu.memory_space<vmem>>) dst(%dma_wait3A_1547 : memref<3072xf32, #tpu.memory_space<hbm>>)
      %dma_wait3A_1548 = arith.constant 6 : i32
      %dma_wait3A_1549 = arith.constant 6 : i32
      %dma_wait3A_1550 = arith.constant 0 : i32
      %dma_wait3A_1551 = tpu.memref_slice %arg11[%dma_wait3A_1548, %dma_wait3A_1550] : memref<16x128xi32, #tpu.memory_space<vmem>> -> memref<1x128xi32, #tpu.memory_space<vmem>>
      %dma_wait3A_1552 = tpu.memref_squeeze %dma_wait3A_1551 : memref<1x128xi32, #tpu.memory_space<vmem>> -> memref<128xi32, #tpu.memory_space<vmem>>
      %dma_wait3A_1553 = arith.constant 0 : i32
      %dma_wait3A_1554 = tpu.memref_slice %arg10[%dma_wait3A_1549, %dma_wait3A_1553] : memref<16x128xi32, #tpu.memory_space<vmem>> -> memref<1x128xi32, #tpu.memory_space<vmem>>
      %dma_wait3A_1555 = tpu.memref_squeeze %dma_wait3A_1554 : memref<1x128xi32, #tpu.memory_space<vmem>> -> memref<128xi32, #tpu.memory_space<vmem>>
      %dma_wait3A_1556 = arith.constant 0 : i32
      %dma_wait3A_1557 = tpu.memref_slice %arg3[%dma_wait3A_1556] : memref<3072xi32, #tpu.memory_space<hbm>> -> memref<3072xi32, #tpu.memory_space<hbm>>
      tpu.wait_indirect_dma semaphore(%arg17 : memref<!tpu.dma_semaphore, #tpu.memory_space<semaphore_mem>>) src(%dma_wait3A_1552 : memref<128xi32, #tpu.memory_space<vmem>>) dst(%dma_wait3A_1557 : memref<3072xi32, #tpu.memory_space<hbm>>)
      %dma_wait3A_1558 = arith.constant 6 : i32
      %dma_wait3A_1559 = arith.constant 6 : i32
      %dma_wait3A_1560 = arith.constant 0 : i32
      %dma_wait3A_1561 = tpu.memref_slice %arg12[%dma_wait3A_1558, %dma_wait3A_1560] : memref<16x128xf32, #tpu.memory_space<vmem>> -> memref<1x128xf32, #tpu.memory_space<vmem>>
      %dma_wait3A_1562 = tpu.memref_squeeze %dma_wait3A_1561 : memref<1x128xf32, #tpu.memory_space<vmem>> -> memref<128xf32, #tpu.memory_space<vmem>>
      %dma_wait3A_1563 = arith.constant 0 : i32
      %dma_wait3A_1564 = tpu.memref_slice %arg10[%dma_wait3A_1559, %dma_wait3A_1563] : memref<16x128xi32, #tpu.memory_space<vmem>> -> memref<1x128xi32, #tpu.memory_space<vmem>>
      %dma_wait3A_1565 = tpu.memref_squeeze %dma_wait3A_1564 : memref<1x128xi32, #tpu.memory_space<vmem>> -> memref<128xi32, #tpu.memory_space<vmem>>
      %dma_wait3A_1566 = arith.constant 0 : i32
      %dma_wait3A_1567 = tpu.memref_slice %arg5[%dma_wait3A_1566] : memref<3072xf32, #tpu.memory_space<hbm>> -> memref<3072xf32, #tpu.memory_space<hbm>>
      tpu.wait_indirect_dma semaphore(%arg17 : memref<!tpu.dma_semaphore, #tpu.memory_space<semaphore_mem>>) src(%dma_wait3A_1562 : memref<128xf32, #tpu.memory_space<vmem>>) dst(%dma_wait3A_1567 : memref<3072xf32, #tpu.memory_space<hbm>>)
      %dma_wait3A_1568 = arith.constant 7 : i32
      %dma_wait3A_1569 = arith.constant 7 : i32
      %dma_wait3A_1570 = arith.constant 0 : i32
      %dma_wait3A_1571 = tpu.memref_slice %arg11[%dma_wait3A_1568, %dma_wait3A_1570] : memref<16x128xi32, #tpu.memory_space<vmem>> -> memref<1x128xi32, #tpu.memory_space<vmem>>
      %dma_wait3A_1572 = tpu.memref_squeeze %dma_wait3A_1571 : memref<1x128xi32, #tpu.memory_space<vmem>> -> memref<128xi32, #tpu.memory_space<vmem>>
      %dma_wait3A_1573 = arith.constant 0 : i32
      %dma_wait3A_1574 = tpu.memref_slice %arg10[%dma_wait3A_1569, %dma_wait3A_1573] : memref<16x128xi32, #tpu.memory_space<vmem>> -> memref<1x128xi32, #tpu.memory_space<vmem>>
      %dma_wait3A_1575 = tpu.memref_squeeze %dma_wait3A_1574 : memref<1x128xi32, #tpu.memory_space<vmem>> -> memref<128xi32, #tpu.memory_space<vmem>>
      %dma_wait3A_1576 = arith.constant 0 : i32
      %dma_wait3A_1577 = tpu.memref_slice %arg3[%dma_wait3A_1576] : memref<3072xi32, #tpu.memory_space<hbm>> -> memref<3072xi32, #tpu.memory_space<hbm>>
      tpu.wait_indirect_dma semaphore(%arg17 : memref<!tpu.dma_semaphore, #tpu.memory_space<semaphore_mem>>) src(%dma_wait3A_1572 : memref<128xi32, #tpu.memory_space<vmem>>) dst(%dma_wait3A_1577 : memref<3072xi32, #tpu.memory_space<hbm>>)
      %dma_wait3A_1578 = arith.constant 7 : i32
      %dma_wait3A_1579 = arith.constant 7 : i32
      %dma_wait3A_1580 = arith.constant 0 : i32
      %dma_wait3A_1581 = tpu.memref_slice %arg12[%dma_wait3A_1578, %dma_wait3A_1580] : memref<16x128xf32, #tpu.memory_space<vmem>> -> memref<1x128xf32, #tpu.memory_space<vmem>>
      %dma_wait3A_1582 = tpu.memref_squeeze %dma_wait3A_1581 : memref<1x128xf32, #tpu.memory_space<vmem>> -> memref<128xf32, #tpu.memory_space<vmem>>
      %dma_wait3A_1583 = arith.constant 0 : i32
      %dma_wait3A_1584 = tpu.memref_slice %arg10[%dma_wait3A_1579, %dma_wait3A_1583] : memref<16x128xi32, #tpu.memory_space<vmem>> -> memref<1x128xi32, #tpu.memory_space<vmem>>
      %dma_wait3A_1585 = tpu.memref_squeeze %dma_wait3A_1584 : memref<1x128xi32, #tpu.memory_space<vmem>> -> memref<128xi32, #tpu.memory_space<vmem>>
      %dma_wait3A_1586 = arith.constant 0 : i32
      %dma_wait3A_1587 = tpu.memref_slice %arg5[%dma_wait3A_1586] : memref<3072xf32, #tpu.memory_space<hbm>> -> memref<3072xf32, #tpu.memory_space<hbm>>
      tpu.wait_indirect_dma semaphore(%arg17 : memref<!tpu.dma_semaphore, #tpu.memory_space<semaphore_mem>>) src(%dma_wait3A_1582 : memref<128xf32, #tpu.memory_space<vmem>>) dst(%dma_wait3A_1587 : memref<3072xf32, #tpu.memory_space<hbm>>)
      %dma_wait3A_1588 = arith.constant 8 : i32
      %dma_wait3A_1589 = arith.constant 8 : i32
      %dma_wait3A_1590 = arith.constant 0 : i32
      %dma_wait3A_1591 = tpu.memref_slice %arg11[%dma_wait3A_1588, %dma_wait3A_1590] : memref<16x128xi32, #tpu.memory_space<vmem>> -> memref<1x128xi32, #tpu.memory_space<vmem>>
      %dma_wait3A_1592 = tpu.memref_squeeze %dma_wait3A_1591 : memref<1x128xi32, #tpu.memory_space<vmem>> -> memref<128xi32, #tpu.memory_space<vmem>>
      %dma_wait3A_1593 = arith.constant 0 : i32
      %dma_wait3A_1594 = tpu.memref_slice %arg10[%dma_wait3A_1589, %dma_wait3A_1593] : memref<16x128xi32, #tpu.memory_space<vmem>> -> memref<1x128xi32, #tpu.memory_space<vmem>>
      %dma_wait3A_1595 = tpu.memref_squeeze %dma_wait3A_1594 : memref<1x128xi32, #tpu.memory_space<vmem>> -> memref<128xi32, #tpu.memory_space<vmem>>
      %dma_wait3A_1596 = arith.constant 0 : i32
      %dma_wait3A_1597 = tpu.memref_slice %arg3[%dma_wait3A_1596] : memref<3072xi32, #tpu.memory_space<hbm>> -> memref<3072xi32, #tpu.memory_space<hbm>>
      tpu.wait_indirect_dma semaphore(%arg17 : memref<!tpu.dma_semaphore, #tpu.memory_space<semaphore_mem>>) src(%dma_wait3A_1592 : memref<128xi32, #tpu.memory_space<vmem>>) dst(%dma_wait3A_1597 : memref<3072xi32, #tpu.memory_space<hbm>>)
      %dma_wait3A_1598 = arith.constant 8 : i32
      %dma_wait3A_1599 = arith.constant 8 : i32
      %dma_wait3A_1600 = arith.constant 0 : i32
      %dma_wait3A_1601 = tpu.memref_slice %arg12[%dma_wait3A_1598, %dma_wait3A_1600] : memref<16x128xf32, #tpu.memory_space<vmem>> -> memref<1x128xf32, #tpu.memory_space<vmem>>
      %dma_wait3A_1602 = tpu.memref_squeeze %dma_wait3A_1601 : memref<1x128xf32, #tpu.memory_space<vmem>> -> memref<128xf32, #tpu.memory_space<vmem>>
      %dma_wait3A_1603 = arith.constant 0 : i32
      %dma_wait3A_1604 = tpu.memref_slice %arg10[%dma_wait3A_1599, %dma_wait3A_1603] : memref<16x128xi32, #tpu.memory_space<vmem>> -> memref<1x128xi32, #tpu.memory_space<vmem>>
      %dma_wait3A_1605 = tpu.memref_squeeze %dma_wait3A_1604 : memref<1x128xi32, #tpu.memory_space<vmem>> -> memref<128xi32, #tpu.memory_space<vmem>>
      %dma_wait3A_1606 = arith.constant 0 : i32
      %dma_wait3A_1607 = tpu.memref_slice %arg5[%dma_wait3A_1606] : memref<3072xf32, #tpu.memory_space<hbm>> -> memref<3072xf32, #tpu.memory_space<hbm>>
      tpu.wait_indirect_dma semaphore(%arg17 : memref<!tpu.dma_semaphore, #tpu.memory_space<semaphore_mem>>) src(%dma_wait3A_1602 : memref<128xf32, #tpu.memory_space<vmem>>) dst(%dma_wait3A_1607 : memref<3072xf32, #tpu.memory_space<hbm>>)
      %dma_wait3A_1608 = arith.constant 9 : i32
      %dma_wait3A_1609 = arith.constant 9 : i32
      %dma_wait3A_1610 = arith.constant 0 : i32
      %dma_wait3A_1611 = tpu.memref_slice %arg11[%dma_wait3A_1608, %dma_wait3A_1610] : memref<16x128xi32, #tpu.memory_space<vmem>> -> memref<1x128xi32, #tpu.memory_space<vmem>>
      %dma_wait3A_1612 = tpu.memref_squeeze %dma_wait3A_1611 : memref<1x128xi32, #tpu.memory_space<vmem>> -> memref<128xi32, #tpu.memory_space<vmem>>
      %dma_wait3A_1613 = arith.constant 0 : i32
      %dma_wait3A_1614 = tpu.memref_slice %arg10[%dma_wait3A_1609, %dma_wait3A_1613] : memref<16x128xi32, #tpu.memory_space<vmem>> -> memref<1x128xi32, #tpu.memory_space<vmem>>
      %dma_wait3A_1615 = tpu.memref_squeeze %dma_wait3A_1614 : memref<1x128xi32, #tpu.memory_space<vmem>> -> memref<128xi32, #tpu.memory_space<vmem>>
      %dma_wait3A_1616 = arith.constant 0 : i32
      %dma_wait3A_1617 = tpu.memref_slice %arg3[%dma_wait3A_1616] : memref<3072xi32, #tpu.memory_space<hbm>> -> memref<3072xi32, #tpu.memory_space<hbm>>
      tpu.wait_indirect_dma semaphore(%arg17 : memref<!tpu.dma_semaphore, #tpu.memory_space<semaphore_mem>>) src(%dma_wait3A_1612 : memref<128xi32, #tpu.memory_space<vmem>>) dst(%dma_wait3A_1617 : memref<3072xi32, #tpu.memory_space<hbm>>)
      %dma_wait3A_1618 = arith.constant 9 : i32
      %dma_wait3A_1619 = arith.constant 9 : i32
      %dma_wait3A_1620 = arith.constant 0 : i32
      %dma_wait3A_1621 = tpu.memref_slice %arg12[%dma_wait3A_1618, %dma_wait3A_1620] : memref<16x128xf32, #tpu.memory_space<vmem>> -> memref<1x128xf32, #tpu.memory_space<vmem>>
      %dma_wait3A_1622 = tpu.memref_squeeze %dma_wait3A_1621 : memref<1x128xf32, #tpu.memory_space<vmem>> -> memref<128xf32, #tpu.memory_space<vmem>>
      %dma_wait3A_1623 = arith.constant 0 : i32
      %dma_wait3A_1624 = tpu.memref_slice %arg10[%dma_wait3A_1619, %dma_wait3A_1623] : memref<16x128xi32, #tpu.memory_space<vmem>> -> memref<1x128xi32, #tpu.memory_space<vmem>>
      %dma_wait3A_1625 = tpu.memref_squeeze %dma_wait3A_1624 : memref<1x128xi32, #tpu.memory_space<vmem>> -> memref<128xi32, #tpu.memory_space<vmem>>
      %dma_wait3A_1626 = arith.constant 0 : i32
      %dma_wait3A_1627 = tpu.memref_slice %arg5[%dma_wait3A_1626] : memref<3072xf32, #tpu.memory_space<hbm>> -> memref<3072xf32, #tpu.memory_space<hbm>>
      tpu.wait_indirect_dma semaphore(%arg17 : memref<!tpu.dma_semaphore, #tpu.memory_space<semaphore_mem>>) src(%dma_wait3A_1622 : memref<128xf32, #tpu.memory_space<vmem>>) dst(%dma_wait3A_1627 : memref<3072xf32, #tpu.memory_space<hbm>>)
      %dma_wait3A_1628 = arith.constant 10 : i32
      %dma_wait3A_1629 = arith.constant 10 : i32
      %dma_wait3A_1630 = arith.constant 0 : i32
      %dma_wait3A_1631 = tpu.memref_slice %arg11[%dma_wait3A_1628, %dma_wait3A_1630] : memref<16x128xi32, #tpu.memory_space<vmem>> -> memref<1x128xi32, #tpu.memory_space<vmem>>
      %dma_wait3A_1632 = tpu.memref_squeeze %dma_wait3A_1631 : memref<1x128xi32, #tpu.memory_space<vmem>> -> memref<128xi32, #tpu.memory_space<vmem>>
      %dma_wait3A_1633 = arith.constant 0 : i32
      %dma_wait3A_1634 = tpu.memref_slice %arg10[%dma_wait3A_1629, %dma_wait3A_1633] : memref<16x128xi32, #tpu.memory_space<vmem>> -> memref<1x128xi32, #tpu.memory_space<vmem>>
      %dma_wait3A_1635 = tpu.memref_squeeze %dma_wait3A_1634 : memref<1x128xi32, #tpu.memory_space<vmem>> -> memref<128xi32, #tpu.memory_space<vmem>>
      %dma_wait3A_1636 = arith.constant 0 : i32
      %dma_wait3A_1637 = tpu.memref_slice %arg3[%dma_wait3A_1636] : memref<3072xi32, #tpu.memory_space<hbm>> -> memref<3072xi32, #tpu.memory_space<hbm>>
      tpu.wait_indirect_dma semaphore(%arg17 : memref<!tpu.dma_semaphore, #tpu.memory_space<semaphore_mem>>) src(%dma_wait3A_1632 : memref<128xi32, #tpu.memory_space<vmem>>) dst(%dma_wait3A_1637 : memref<3072xi32, #tpu.memory_space<hbm>>)
      %dma_wait3A_1638 = arith.constant 10 : i32
      %dma_wait3A_1639 = arith.constant 10 : i32
      %dma_wait3A_1640 = arith.constant 0 : i32
      %dma_wait3A_1641 = tpu.memref_slice %arg12[%dma_wait3A_1638, %dma_wait3A_1640] : memref<16x128xf32, #tpu.memory_space<vmem>> -> memref<1x128xf32, #tpu.memory_space<vmem>>
      %dma_wait3A_1642 = tpu.memref_squeeze %dma_wait3A_1641 : memref<1x128xf32, #tpu.memory_space<vmem>> -> memref<128xf32, #tpu.memory_space<vmem>>
      %dma_wait3A_1643 = arith.constant 0 : i32
      %dma_wait3A_1644 = tpu.memref_slice %arg10[%dma_wait3A_1639, %dma_wait3A_1643] : memref<16x128xi32, #tpu.memory_space<vmem>> -> memref<1x128xi32, #tpu.memory_space<vmem>>
      %dma_wait3A_1645 = tpu.memref_squeeze %dma_wait3A_1644 : memref<1x128xi32, #tpu.memory_space<vmem>> -> memref<128xi32, #tpu.memory_space<vmem>>
      %dma_wait3A_1646 = arith.constant 0 : i32
      %dma_wait3A_1647 = tpu.memref_slice %arg5[%dma_wait3A_1646] : memref<3072xf32, #tpu.memory_space<hbm>> -> memref<3072xf32, #tpu.memory_space<hbm>>
      tpu.wait_indirect_dma semaphore(%arg17 : memref<!tpu.dma_semaphore, #tpu.memory_space<semaphore_mem>>) src(%dma_wait3A_1642 : memref<128xf32, #tpu.memory_space<vmem>>) dst(%dma_wait3A_1647 : memref<3072xf32, #tpu.memory_space<hbm>>)
      %dma_wait3A_1648 = arith.constant 11 : i32
      %dma_wait3A_1649 = arith.constant 11 : i32
      %dma_wait3A_1650 = arith.constant 0 : i32
      %dma_wait3A_1651 = tpu.memref_slice %arg11[%dma_wait3A_1648, %dma_wait3A_1650] : memref<16x128xi32, #tpu.memory_space<vmem>> -> memref<1x128xi32, #tpu.memory_space<vmem>>
      %dma_wait3A_1652 = tpu.memref_squeeze %dma_wait3A_1651 : memref<1x128xi32, #tpu.memory_space<vmem>> -> memref<128xi32, #tpu.memory_space<vmem>>
      %dma_wait3A_1653 = arith.constant 0 : i32
      %dma_wait3A_1654 = tpu.memref_slice %arg10[%dma_wait3A_1649, %dma_wait3A_1653] : memref<16x128xi32, #tpu.memory_space<vmem>> -> memref<1x128xi32, #tpu.memory_space<vmem>>
      %dma_wait3A_1655 = tpu.memref_squeeze %dma_wait3A_1654 : memref<1x128xi32, #tpu.memory_space<vmem>> -> memref<128xi32, #tpu.memory_space<vmem>>
      %dma_wait3A_1656 = arith.constant 0 : i32
      %dma_wait3A_1657 = tpu.memref_slice %arg3[%dma_wait3A_1656] : memref<3072xi32, #tpu.memory_space<hbm>> -> memref<3072xi32, #tpu.memory_space<hbm>>
      tpu.wait_indirect_dma semaphore(%arg17 : memref<!tpu.dma_semaphore, #tpu.memory_space<semaphore_mem>>) src(%dma_wait3A_1652 : memref<128xi32, #tpu.memory_space<vmem>>) dst(%dma_wait3A_1657 : memref<3072xi32, #tpu.memory_space<hbm>>)
      %dma_wait3A_1658 = arith.constant 11 : i32
      %dma_wait3A_1659 = arith.constant 11 : i32
      %dma_wait3A_1660 = arith.constant 0 : i32
      %dma_wait3A_1661 = tpu.memref_slice %arg12[%dma_wait3A_1658, %dma_wait3A_1660] : memref<16x128xf32, #tpu.memory_space<vmem>> -> memref<1x128xf32, #tpu.memory_space<vmem>>
      %dma_wait3A_1662 = tpu.memref_squeeze %dma_wait3A_1661 : memref<1x128xf32, #tpu.memory_space<vmem>> -> memref<128xf32, #tpu.memory_space<vmem>>
      %dma_wait3A_1663 = arith.constant 0 : i32
      %dma_wait3A_1664 = tpu.memref_slice %arg10[%dma_wait3A_1659, %dma_wait3A_1663] : memref<16x128xi32, #tpu.memory_space<vmem>> -> memref<1x128xi32, #tpu.memory_space<vmem>>
      %dma_wait3A_1665 = tpu.memref_squeeze %dma_wait3A_1664 : memref<1x128xi32, #tpu.memory_space<vmem>> -> memref<128xi32, #tpu.memory_space<vmem>>
      %dma_wait3A_1666 = arith.constant 0 : i32
      %dma_wait3A_1667 = tpu.memref_slice %arg5[%dma_wait3A_1666] : memref<3072xf32, #tpu.memory_space<hbm>> -> memref<3072xf32, #tpu.memory_space<hbm>>
      tpu.wait_indirect_dma semaphore(%arg17 : memref<!tpu.dma_semaphore, #tpu.memory_space<semaphore_mem>>) src(%dma_wait3A_1662 : memref<128xf32, #tpu.memory_space<vmem>>) dst(%dma_wait3A_1667 : memref<3072xf32, #tpu.memory_space<hbm>>)
      %dma_wait3A_1668 = arith.constant 12 : i32
      %dma_wait3A_1669 = arith.constant 12 : i32
      %dma_wait3A_1670 = arith.constant 0 : i32
      %dma_wait3A_1671 = tpu.memref_slice %arg11[%dma_wait3A_1668, %dma_wait3A_1670] : memref<16x128xi32, #tpu.memory_space<vmem>> -> memref<1x128xi32, #tpu.memory_space<vmem>>
      %dma_wait3A_1672 = tpu.memref_squeeze %dma_wait3A_1671 : memref<1x128xi32, #tpu.memory_space<vmem>> -> memref<128xi32, #tpu.memory_space<vmem>>
      %dma_wait3A_1673 = arith.constant 0 : i32
      %dma_wait3A_1674 = tpu.memref_slice %arg10[%dma_wait3A_1669, %dma_wait3A_1673] : memref<16x128xi32, #tpu.memory_space<vmem>> -> memref<1x128xi32, #tpu.memory_space<vmem>>
      %dma_wait3A_1675 = tpu.memref_squeeze %dma_wait3A_1674 : memref<1x128xi32, #tpu.memory_space<vmem>> -> memref<128xi32, #tpu.memory_space<vmem>>
      %dma_wait3A_1676 = arith.constant 0 : i32
      %dma_wait3A_1677 = tpu.memref_slice %arg3[%dma_wait3A_1676] : memref<3072xi32, #tpu.memory_space<hbm>> -> memref<3072xi32, #tpu.memory_space<hbm>>
      tpu.wait_indirect_dma semaphore(%arg17 : memref<!tpu.dma_semaphore, #tpu.memory_space<semaphore_mem>>) src(%dma_wait3A_1672 : memref<128xi32, #tpu.memory_space<vmem>>) dst(%dma_wait3A_1677 : memref<3072xi32, #tpu.memory_space<hbm>>)
      %dma_wait3A_1678 = arith.constant 12 : i32
      %dma_wait3A_1679 = arith.constant 12 : i32
      %dma_wait3A_1680 = arith.constant 0 : i32
      %dma_wait3A_1681 = tpu.memref_slice %arg12[%dma_wait3A_1678, %dma_wait3A_1680] : memref<16x128xf32, #tpu.memory_space<vmem>> -> memref<1x128xf32, #tpu.memory_space<vmem>>
      %dma_wait3A_1682 = tpu.memref_squeeze %dma_wait3A_1681 : memref<1x128xf32, #tpu.memory_space<vmem>> -> memref<128xf32, #tpu.memory_space<vmem>>
      %dma_wait3A_1683 = arith.constant 0 : i32
      %dma_wait3A_1684 = tpu.memref_slice %arg10[%dma_wait3A_1679, %dma_wait3A_1683] : memref<16x128xi32, #tpu.memory_space<vmem>> -> memref<1x128xi32, #tpu.memory_space<vmem>>
      %dma_wait3A_1685 = tpu.memref_squeeze %dma_wait3A_1684 : memref<1x128xi32, #tpu.memory_space<vmem>> -> memref<128xi32, #tpu.memory_space<vmem>>
      %dma_wait3A_1686 = arith.constant 0 : i32
      %dma_wait3A_1687 = tpu.memref_slice %arg5[%dma_wait3A_1686] : memref<3072xf32, #tpu.memory_space<hbm>> -> memref<3072xf32, #tpu.memory_space<hbm>>
      tpu.wait_indirect_dma semaphore(%arg17 : memref<!tpu.dma_semaphore, #tpu.memory_space<semaphore_mem>>) src(%dma_wait3A_1682 : memref<128xf32, #tpu.memory_space<vmem>>) dst(%dma_wait3A_1687 : memref<3072xf32, #tpu.memory_space<hbm>>)
      %dma_wait3A_1688 = arith.constant 13 : i32
      %dma_wait3A_1689 = arith.constant 13 : i32
      %dma_wait3A_1690 = arith.constant 0 : i32
      %dma_wait3A_1691 = tpu.memref_slice %arg11[%dma_wait3A_1688, %dma_wait3A_1690] : memref<16x128xi32, #tpu.memory_space<vmem>> -> memref<1x128xi32, #tpu.memory_space<vmem>>
      %dma_wait3A_1692 = tpu.memref_squeeze %dma_wait3A_1691 : memref<1x128xi32, #tpu.memory_space<vmem>> -> memref<128xi32, #tpu.memory_space<vmem>>
      %dma_wait3A_1693 = arith.constant 0 : i32
      %dma_wait3A_1694 = tpu.memref_slice %arg10[%dma_wait3A_1689, %dma_wait3A_1693] : memref<16x128xi32, #tpu.memory_space<vmem>> -> memref<1x128xi32, #tpu.memory_space<vmem>>
      %dma_wait3A_1695 = tpu.memref_squeeze %dma_wait3A_1694 : memref<1x128xi32, #tpu.memory_space<vmem>> -> memref<128xi32, #tpu.memory_space<vmem>>
      %dma_wait3A_1696 = arith.constant 0 : i32
      %dma_wait3A_1697 = tpu.memref_slice %arg3[%dma_wait3A_1696] : memref<3072xi32, #tpu.memory_space<hbm>> -> memref<3072xi32, #tpu.memory_space<hbm>>
      tpu.wait_indirect_dma semaphore(%arg17 : memref<!tpu.dma_semaphore, #tpu.memory_space<semaphore_mem>>) src(%dma_wait3A_1692 : memref<128xi32, #tpu.memory_space<vmem>>) dst(%dma_wait3A_1697 : memref<3072xi32, #tpu.memory_space<hbm>>)
      %dma_wait3A_1698 = arith.constant 13 : i32
      %dma_wait3A_1699 = arith.constant 13 : i32
      %dma_wait3A_1700 = arith.constant 0 : i32
      %dma_wait3A_1701 = tpu.memref_slice %arg12[%dma_wait3A_1698, %dma_wait3A_1700] : memref<16x128xf32, #tpu.memory_space<vmem>> -> memref<1x128xf32, #tpu.memory_space<vmem>>
      %dma_wait3A_1702 = tpu.memref_squeeze %dma_wait3A_1701 : memref<1x128xf32, #tpu.memory_space<vmem>> -> memref<128xf32, #tpu.memory_space<vmem>>
      %dma_wait3A_1703 = arith.constant 0 : i32
      %dma_wait3A_1704 = tpu.memref_slice %arg10[%dma_wait3A_1699, %dma_wait3A_1703] : memref<16x128xi32, #tpu.memory_space<vmem>> -> memref<1x128xi32, #tpu.memory_space<vmem>>
      %dma_wait3A_1705 = tpu.memref_squeeze %dma_wait3A_1704 : memref<1x128xi32, #tpu.memory_space<vmem>> -> memref<128xi32, #tpu.memory_space<vmem>>
      %dma_wait3A_1706 = arith.constant 0 : i32
      %dma_wait3A_1707 = tpu.memref_slice %arg5[%dma_wait3A_1706] : memref<3072xf32, #tpu.memory_space<hbm>> -> memref<3072xf32, #tpu.memory_space<hbm>>
      tpu.wait_indirect_dma semaphore(%arg17 : memref<!tpu.dma_semaphore, #tpu.memory_space<semaphore_mem>>) src(%dma_wait3A_1702 : memref<128xf32, #tpu.memory_space<vmem>>) dst(%dma_wait3A_1707 : memref<3072xf32, #tpu.memory_space<hbm>>)
      %dma_wait3A_1708 = arith.constant 14 : i32
      %dma_wait3A_1709 = arith.constant 14 : i32
      %dma_wait3A_1710 = arith.constant 0 : i32
      %dma_wait3A_1711 = tpu.memref_slice %arg11[%dma_wait3A_1708, %dma_wait3A_1710] : memref<16x128xi32, #tpu.memory_space<vmem>> -> memref<1x128xi32, #tpu.memory_space<vmem>>
      %dma_wait3A_1712 = tpu.memref_squeeze %dma_wait3A_1711 : memref<1x128xi32, #tpu.memory_space<vmem>> -> memref<128xi32, #tpu.memory_space<vmem>>
      %dma_wait3A_1713 = arith.constant 0 : i32
      %dma_wait3A_1714 = tpu.memref_slice %arg10[%dma_wait3A_1709, %dma_wait3A_1713] : memref<16x128xi32, #tpu.memory_space<vmem>> -> memref<1x128xi32, #tpu.memory_space<vmem>>
      %dma_wait3A_1715 = tpu.memref_squeeze %dma_wait3A_1714 : memref<1x128xi32, #tpu.memory_space<vmem>> -> memref<128xi32, #tpu.memory_space<vmem>>
      %dma_wait3A_1716 = arith.constant 0 : i32
      %dma_wait3A_1717 = tpu.memref_slice %arg3[%dma_wait3A_1716] : memref<3072xi32, #tpu.memory_space<hbm>> -> memref<3072xi32, #tpu.memory_space<hbm>>
      tpu.wait_indirect_dma semaphore(%arg17 : memref<!tpu.dma_semaphore, #tpu.memory_space<semaphore_mem>>) src(%dma_wait3A_1712 : memref<128xi32, #tpu.memory_space<vmem>>) dst(%dma_wait3A_1717 : memref<3072xi32, #tpu.memory_space<hbm>>)
      %dma_wait3A_1718 = arith.constant 14 : i32
      %dma_wait3A_1719 = arith.constant 14 : i32
      %dma_wait3A_1720 = arith.constant 0 : i32
      %dma_wait3A_1721 = tpu.memref_slice %arg12[%dma_wait3A_1718, %dma_wait3A_1720] : memref<16x128xf32, #tpu.memory_space<vmem>> -> memref<1x128xf32, #tpu.memory_space<vmem>>
      %dma_wait3A_1722 = tpu.memref_squeeze %dma_wait3A_1721 : memref<1x128xf32, #tpu.memory_space<vmem>> -> memref<128xf32, #tpu.memory_space<vmem>>
      %dma_wait3A_1723 = arith.constant 0 : i32
      %dma_wait3A_1724 = tpu.memref_slice %arg10[%dma_wait3A_1719, %dma_wait3A_1723] : memref<16x128xi32, #tpu.memory_space<vmem>> -> memref<1x128xi32, #tpu.memory_space<vmem>>
      %dma_wait3A_1725 = tpu.memref_squeeze %dma_wait3A_1724 : memref<1x128xi32, #tpu.memory_space<vmem>> -> memref<128xi32, #tpu.memory_space<vmem>>
      %dma_wait3A_1726 = arith.constant 0 : i32
      %dma_wait3A_1727 = tpu.memref_slice %arg5[%dma_wait3A_1726] : memref<3072xf32, #tpu.memory_space<hbm>> -> memref<3072xf32, #tpu.memory_space<hbm>>
      tpu.wait_indirect_dma semaphore(%arg17 : memref<!tpu.dma_semaphore, #tpu.memory_space<semaphore_mem>>) src(%dma_wait3A_1722 : memref<128xf32, #tpu.memory_space<vmem>>) dst(%dma_wait3A_1727 : memref<3072xf32, #tpu.memory_space<hbm>>)
      %dma_wait3A_1728 = arith.constant 15 : i32
      %dma_wait3A_1729 = arith.constant 15 : i32
      %dma_wait3A_1730 = arith.constant 0 : i32
      %dma_wait3A_1731 = tpu.memref_slice %arg11[%dma_wait3A_1728, %dma_wait3A_1730] : memref<16x128xi32, #tpu.memory_space<vmem>> -> memref<1x128xi32, #tpu.memory_space<vmem>>
      %dma_wait3A_1732 = tpu.memref_squeeze %dma_wait3A_1731 : memref<1x128xi32, #tpu.memory_space<vmem>> -> memref<128xi32, #tpu.memory_space<vmem>>
      %dma_wait3A_1733 = arith.constant 0 : i32
      %dma_wait3A_1734 = tpu.memref_slice %arg10[%dma_wait3A_1729, %dma_wait3A_1733] : memref<16x128xi32, #tpu.memory_space<vmem>> -> memref<1x128xi32, #tpu.memory_space<vmem>>
      %dma_wait3A_1735 = tpu.memref_squeeze %dma_wait3A_1734 : memref<1x128xi32, #tpu.memory_space<vmem>> -> memref<128xi32, #tpu.memory_space<vmem>>
      %dma_wait3A_1736 = arith.constant 0 : i32
      %dma_wait3A_1737 = tpu.memref_slice %arg3[%dma_wait3A_1736] : memref<3072xi32, #tpu.memory_space<hbm>> -> memref<3072xi32, #tpu.memory_space<hbm>>
      tpu.wait_indirect_dma semaphore(%arg17 : memref<!tpu.dma_semaphore, #tpu.memory_space<semaphore_mem>>) src(%dma_wait3A_1732 : memref<128xi32, #tpu.memory_space<vmem>>) dst(%dma_wait3A_1737 : memref<3072xi32, #tpu.memory_space<hbm>>)
      %dma_wait3A_1738 = arith.constant 15 : i32
      %dma_wait3A_1739 = arith.constant 15 : i32
      %dma_wait3A_1740 = arith.constant 0 : i32
      %dma_wait3A_1741 = tpu.memref_slice %arg12[%dma_wait3A_1738, %dma_wait3A_1740] : memref<16x128xf32, #tpu.memory_space<vmem>> -> memref<1x128xf32, #tpu.memory_space<vmem>>
      %dma_wait3A_1742 = tpu.memref_squeeze %dma_wait3A_1741 : memref<1x128xf32, #tpu.memory_space<vmem>> -> memref<128xf32, #tpu.memory_space<vmem>>
      %dma_wait3A_1743 = arith.constant 0 : i32
      %dma_wait3A_1744 = tpu.memref_slice %arg10[%dma_wait3A_1739, %dma_wait3A_1743] : memref<16x128xi32, #tpu.memory_space<vmem>> -> memref<1x128xi32, #tpu.memory_space<vmem>>
      %dma_wait3A_1745 = tpu.memref_squeeze %dma_wait3A_1744 : memref<1x128xi32, #tpu.memory_space<vmem>> -> memref<128xi32, #tpu.memory_space<vmem>>
      %dma_wait3A_1746 = arith.constant 0 : i32
      %dma_wait3A_1747 = tpu.memref_slice %arg5[%dma_wait3A_1746] : memref<3072xf32, #tpu.memory_space<hbm>> -> memref<3072xf32, #tpu.memory_space<hbm>>
      tpu.wait_indirect_dma semaphore(%arg17 : memref<!tpu.dma_semaphore, #tpu.memory_space<semaphore_mem>>) src(%dma_wait3A_1742 : memref<128xf32, #tpu.memory_space<vmem>>) dst(%dma_wait3A_1747 : memref<3072xf32, #tpu.memory_space<hbm>>)
    } else {
    }
    return
  }
}

module attributes {stable_mosaic.version = 14 : i64} {
  func.func @_router_body(%arg0: i32, %arg1: memref<512x768xf32, #tpu.memory_space<vmem>>, %arg2: memref<768x768xf32, #tpu.memory_space<vmem>>, %arg3: memref<8x768xf32, #tpu.memory_space<vmem>>, %arg4: memref<512x8xf32, #tpu.memory_space<vmem>>, %arg5: memref<8x512xf32, #tpu.memory_space<vmem>>) attributes {dimension_semantics = [#tpu.dimension_semantics<arbitrary>], iteration_bounds = array<i64: 4>, scalar_prefetch = 0 : i64, scratch_operands = 0 : i64, tpu.core_type = #tpu.core_type<tc>, window_params = [{transform_indices = @transform_0, window_bounds = array<i64: 512, 768>}, {pipeline_mode = #tpu.pipeline_mode<synchronous>, transform_indices = @transform_1, window_bounds = array<i64: 768, 768>}, {pipeline_mode = #tpu.pipeline_mode<synchronous>, transform_indices = @transform_2, window_bounds = array<i64: 8, 768>}, {transform_indices = @transform_3, window_bounds = array<i64: 512, 8>}, {transform_indices = @transform_4, window_bounds = array<i64: 8, 512>}]} {
    %get3A = arith.constant 0 : index
    %get3A_0 = arith.constant 0 : index
    %get3A_1 = vector.load %arg1[%get3A, %get3A_0] : memref<512x768xf32, #tpu.memory_space<vmem>>, vector<512x768xf32>
    %get3A_2 = arith.constant 0 : index
    %get3A_3 = arith.constant 0 : index
    %get3A_4 = vector.load %arg2[%get3A_2, %get3A_3] : memref<768x768xf32, #tpu.memory_space<vmem>>, vector<768x768xf32>
    %dot_general3A = arith.constant dense<0.000000e+00> : vector<512x768xf32>
    %dot_general3A_5 = tpu.matmul %get3A_1, %get3A_4, %dot_general3A {dimension_numbers = #tpu.dot_dimension_numbers<[1], [1], [0], [0], [0, 0, 1, 0], [], []>, transpose_lhs_hint = false} : vector<512x768xf32>, vector<768x768xf32>, vector<512x768xf32> -> vector<512x768xf32>
    %get3A_6 = arith.constant 0 : index
    %get3A_7 = arith.constant 0 : index
    %get3A_8 = vector.load %arg3[%get3A_6, %get3A_7] : memref<8x768xf32, #tpu.memory_space<vmem>>, vector<8x768xf32>
    %dot_general3A_9 = arith.constant dense<0.000000e+00> : vector<512x8xf32>
    %dot_general3A_10 = tpu.matmul %dot_general3A_5, %get3A_8, %dot_general3A_9 {dimension_numbers = #tpu.dot_dimension_numbers<[1], [1], [0], [0], [0, 0, 1, 0], [], []>, transpose_lhs_hint = false} : vector<512x768xf32>, vector<8x768xf32>, vector<512x8xf32> -> vector<512x8xf32>
    %swap3A = arith.constant 0 : index
    %swap3A_11 = arith.constant 0 : index
    %swap3A_12 = vector.load %arg4[%swap3A, %swap3A_11] : memref<512x8xf32, #tpu.memory_space<vmem>>, vector<512x8xf32>
    tpu.vector_store %arg4[%swap3A, %swap3A_11], %dot_general3A_10 {strides = array<i32>} : memref<512x8xf32, #tpu.memory_space<vmem>>, vector<512x8xf32>,
    %get3A_13 = arith.constant 0 : index
    %get3A_14 = arith.constant 0 : index
    %get3A_15 = vector.load %arg3[%get3A_13, %get3A_14] : memref<8x768xf32, #tpu.memory_space<vmem>>, vector<8x768xf32>
    %dot_general3A_16 = arith.constant dense<0.000000e+00> : vector<8x512xf32>
    %dot_general3A_17 = tpu.matmul %get3A_15, %dot_general3A_5, %dot_general3A_16 {dimension_numbers = #tpu.dot_dimension_numbers<[1], [1], [0], [0], [0, 0, 1, 0], [], []>, transpose_lhs_hint = false} : vector<8x768xf32>, vector<512x768xf32>, vector<8x512xf32> -> vector<8x512xf32>
    %swap3A_18 = arith.constant 0 : index
    %swap3A_19 = arith.constant 0 : index
    %swap3A_20 = vector.load %arg5[%swap3A_18, %swap3A_19] : memref<8x512xf32, #tpu.memory_space<vmem>>, vector<8x512xf32>
    tpu.vector_store %arg5[%swap3A_18, %swap3A_19], %dot_general3A_17 {strides = array<i32>} : memref<8x512xf32, #tpu.memory_space<vmem>>, vector<8x512xf32>,
    return
  }
  func.func @transform_0(%arg0: i32) -> (i32, i32) {
    %c0_i32 = arith.constant 0 : i32
    %c0_i32_0 = arith.constant 0 : i32
    return %arg0, %c0_i32 : i32, i32
  }
  func.func @transform_1(%arg0: i32) -> (i32, i32) {
    %c0_i32 = arith.constant 0 : i32
    %c0_i32_0 = arith.constant 0 : i32
    %c0_i32_1 = arith.constant 0 : i32
    return %c0_i32, %c0_i32_0 : i32, i32
  }
  func.func @transform_2(%arg0: i32) -> (i32, i32) {
    %c0_i32 = arith.constant 0 : i32
    %c0_i32_0 = arith.constant 0 : i32
    %c0_i32_1 = arith.constant 0 : i32
    return %c0_i32, %c0_i32_0 : i32, i32
  }
  func.func @transform_3(%arg0: i32) -> (i32, i32) {
    %c0_i32 = arith.constant 0 : i32
    %c0_i32_0 = arith.constant 0 : i32
    return %arg0, %c0_i32 : i32, i32
  }
  func.func @transform_4(%arg0: i32) -> (i32, i32) {
    %c0_i32 = arith.constant 0 : i32
    %c0_i32_0 = arith.constant 0 : i32
    return %c0_i32, %arg0 : i32, i32
  }
}

module attributes {stable_mosaic.version = 14 : i64} {
  func.func @_kv_body(%arg0: i32, %arg1: i32, %arg2: memref<2048x768xf32, #tpu.memory_space<vmem>>, %arg3: memref<1x768x768xf32, #tpu.memory_space<vmem>>, %arg4: memref<1x768x768xf32, #tpu.memory_space<vmem>>, %arg5: memref<1x1x768xf32, #tpu.memory_space<vmem>>, %arg6: memref<512x128xi32, #tpu.memory_space<vmem>>, %arg7: memref<1x12x512x64xbf16, #tpu.memory_space<vmem>>, %arg8: memref<1x12x512x64xbf16, #tpu.memory_space<vmem>>) attributes {dimension_semantics = [#tpu.dimension_semantics<arbitrary>, #tpu.dimension_semantics<arbitrary>], iteration_bounds = array<i64: 8, 4>, scalar_prefetch = 0 : i64, scratch_operands = 0 : i64, tpu.core_type = #tpu.core_type<tc>, window_params = [{pipeline_mode = #tpu.pipeline_mode<synchronous>, transform_indices = @transform_0, window_bounds = array<i64: 2048, 768>}, {transform_indices = @transform_1, window_bounds = array<i64: 1, 768, 768>}, {transform_indices = @transform_2, window_bounds = array<i64: 1, 768, 768>}, {transform_indices = @transform_3, window_bounds = array<i64: 1, 1, 768>}, {transform_indices = @transform_4, window_bounds = array<i64: 512, 128>}, {transform_indices = @transform_5, window_bounds = array<i64: 1, 12, 512, 64>}, {transform_indices = @transform_6, window_bounds = array<i64: 1, 12, 512, 64>}]} {
    %mul3A = arith.constant 512 : i32
    %mul3A_0 = arith.muli %arg1, %mul3A : i32
    %get3A = arith.index_cast %mul3A_0 : i32 to index
    %get3A_1 = arith.constant 0 : index
    %get3A_2 = vector.load %arg2[%get3A, %get3A_1] : memref<2048x768xf32, #tpu.memory_space<vmem>>, vector<512x768xf32>
    %convert_element_type3A = arith.truncf %get3A_2 : vector<512x768xf32> to vector<512x768xbf16>
    %get3A_3 = arith.constant 0 : index
    %get3A_4 = arith.constant 0 : index
    %get3A_5 = arith.constant 0 : index
    %get3A_6 = vector.load %arg3[%get3A_3, %get3A_4, %get3A_5] : memref<1x768x768xf32, #tpu.memory_space<vmem>>, vector<1x768x768xf32>
    %get3A_7 = vector.shape_cast %get3A_6 : vector<1x768x768xf32> to vector<768x768xf32>
    %convert_element_type3A_8 = arith.truncf %get3A_7 : vector<768x768xf32> to vector<768x768xbf16>
    %dot_general3A = arith.constant dense<0.000000e+00> : vector<512x768xf32>
    %dot_general3A_9 = tpu.matmul %convert_element_type3A, %convert_element_type3A_8, %dot_general3A {dimension_numbers = #tpu.dot_dimension_numbers<[1], [1], [0], [0], [0, 0, 1, 0], [], []>, transpose_lhs_hint = false} : vector<512x768xbf16>, vector<768x768xbf16>, vector<512x768xf32> -> vector<512x768xf32>
    %get3A_10 = arith.constant 0 : index
    %get3A_11 = arith.constant 0 : index
    %get3A_12 = arith.constant 0 : index
    %get3A_13 = vector.load %arg5[%get3A_10, %get3A_11, %get3A_12] : memref<1x1x768xf32, #tpu.memory_space<vmem>>, vector<1x1x768xf32>
    %get3A_14 = vector.shape_cast %get3A_13 : vector<1x1x768xf32> to vector<1x768xf32>
    %integer_pow3A = arith.mulf %dot_general3A_9, %dot_general3A_9 : vector<512x768xf32>
    %reduce_sum3A = arith.constant dense<0.000000e+00> : vector<512xf32>
    %reduce_sum3A_15 = vector.multi_reduction <add>, %integer_pow3A, %reduce_sum3A [1] : vector<512x768xf32> to vector<512xf32>
    %broadcast_in_dim3A = vector.shape_cast %reduce_sum3A_15 : vector<512xf32> to vector<512x1xf32>
    %div3A = arith.constant 7.680000e+02 : f32
    %div3A_16 = vector.broadcast %div3A : f32 to vector<512x1xf32>
    %div3A_17 = arith.divf %broadcast_in_dim3A, %div3A_16 : vector<512x1xf32>
    %add3A = arith.constant 9.99999974E-6 : f32
    %add3A_18 = vector.broadcast %add3A : f32 to vector<512x1xf32>
    %add3A_19 = arith.addf %div3A_17, %add3A_18 : vector<512x1xf32>
    %rsqrt3A = math.rsqrt %add3A_19 : vector<512x1xf32>
    %mul3A_20 = vector.broadcast %rsqrt3A : vector<512x1xf32> to vector<512x768xf32>
    %mul3A_21 = arith.mulf %dot_general3A_9, %mul3A_20 : vector<512x768xf32>
    %mul3A_22 = vector.broadcast %get3A_14 : vector<1x768xf32> to vector<512x768xf32>
    %mul3A_23 = arith.mulf %mul3A_21, %mul3A_22 : vector<512x768xf32>
    %get3A_24 = arith.constant 0 : index
    %get3A_25 = arith.constant 0 : index
    %get3A_26 = arith.constant 0 : index
    %get3A_27 = vector.load %arg4[%get3A_24, %get3A_25, %get3A_26] : memref<1x768x768xf32, #tpu.memory_space<vmem>>, vector<1x768x768xf32>
    %get3A_28 = vector.shape_cast %get3A_27 : vector<1x768x768xf32> to vector<768x768xf32>
    %convert_element_type3A_29 = arith.truncf %get3A_28 : vector<768x768xf32> to vector<768x768xbf16>
    %dot_general3A_30 = arith.constant dense<0.000000e+00> : vector<512x768xf32>
    %dot_general3A_31 = tpu.matmul %convert_element_type3A, %convert_element_type3A_29, %dot_general3A_30 {dimension_numbers = #tpu.dot_dimension_numbers<[1], [1], [0], [0], [0, 0, 1, 0], [], []>, transpose_lhs_hint = false} : vector<512x768xbf16>, vector<768x768xbf16>, vector<512x768xf32> -> vector<512x768xf32>
    %get3A_32 = arith.constant 0 : index
    %get3A_33 = arith.constant 0 : index
    %get3A_34 = vector.load %arg6[%get3A_32, %get3A_33] : memref<512x128xi32, #tpu.memory_space<vmem>>, vector<512x1xi32>
    %convert_element_type3A_35 = arith.sitofp %get3A_34 : vector<512x1xi32> to vector<512x1xf32>
    %iota3A = tpu.iota {dimensions = array<i32: 1>} : vector<1x32xi32>
    %convert_element_type3A_36 = arith.sitofp %iota3A : vector<1x32xi32> to vector<1x32xf32>
    %mul3A_37 = arith.constant -0.410073847 : f32
    %mul3A_38 = vector.broadcast %mul3A_37 : f32 to vector<1x32xf32>
    %mul3A_39 = arith.mulf %convert_element_type3A_36, %mul3A_38 : vector<1x32xf32>
    %exp3A = math.exp %mul3A_39 : vector<1x32xf32>
    %mul3A_40 = vector.broadcast %convert_element_type3A_35 : vector<512x1xf32> to vector<512x32xf32>
    %mul3A_41 = vector.broadcast %exp3A : vector<1x32xf32> to vector<512x32xf32>
    %mul3A_42 = arith.mulf %mul3A_40, %mul3A_41 : vector<512x32xf32>
    %cos3A = math.cos %mul3A_42 : vector<512x32xf32>
    %sin3A = math.sin %mul3A_42 : vector<512x32xf32>
    %concatenate3A = tpu.concatenate %cos3A, %cos3A in 1 : vector<512x32xf32>, vector<512x32xf32> -> vector<512x64xf32>
    %concatenate3A_43 = tpu.concatenate %sin3A, %sin3A in 1 : vector<512x32xf32>, vector<512x32xf32> -> vector<512x64xf32>
    %slice3A = vector.extract_strided_slice %mul3A_23 {offsets = [0, 0], sizes = [512, 64], strides = [1, 1]} : vector<512x768xf32> to vector<512x64xf32>
    %mul3A_44 = arith.mulf %slice3A, %concatenate3A : vector<512x64xf32>
    %slice3A_45 = vector.extract_strided_slice %slice3A {offsets = [0, 32], sizes = [512, 32], strides = [1, 1]} : vector<512x64xf32> to vector<512x32xf32>
    %neg3A = arith.constant 0.000000e+00 : f32
    %neg3A_46 = vector.broadcast %neg3A : f32 to vector<512x32xf32>
    %neg3A_47 = arith.subf %neg3A_46, %slice3A_45 : vector<512x32xf32>
    %slice3A_48 = vector.extract_strided_slice %slice3A {offsets = [0, 0], sizes = [512, 32], strides = [1, 1]} : vector<512x64xf32> to vector<512x32xf32>
    %concatenate3A_49 = tpu.concatenate %neg3A_47, %slice3A_48 in 1 : vector<512x32xf32>, vector<512x32xf32> -> vector<512x64xf32>
    %mul3A_50 = arith.mulf %concatenate3A_49, %concatenate3A_43 : vector<512x64xf32>
    %add3A_51 = arith.addf %mul3A_44, %mul3A_50 : vector<512x64xf32>
    %convert_element_type3A_52 = arith.truncf %add3A_51 : vector<512x64xf32> to vector<512x64xbf16>
    %swap3A = arith.constant 0 : index
    %swap3A_53 = arith.constant 0 : index
    %swap3A_54 = arith.constant 0 : index
    %swap3A_55 = arith.constant 0 : index
    %swap3A_56 = vector.load %arg7[%swap3A, %swap3A_53, %swap3A_54, %swap3A_55] : memref<1x12x512x64xbf16, #tpu.memory_space<vmem>>, vector<1x1x512x64xbf16>
    %swap3A_57 = vector.shape_cast %swap3A_56 : vector<1x1x512x64xbf16> to vector<512x64xbf16>
    %swap3A_58 = vector.shape_cast %convert_element_type3A_52 : vector<512x64xbf16> to vector<1x1x512x64xbf16>
    tpu.vector_store %arg7[%swap3A, %swap3A_53, %swap3A_54, %swap3A_55], %swap3A_58 {strides = array<i32>} : memref<1x12x512x64xbf16, #tpu.memory_space<vmem>>, vector<1x1x512x64xbf16>,
    %slice3A_59 = vector.extract_strided_slice %dot_general3A_31 {offsets = [0, 0], sizes = [512, 64], strides = [1, 1]} : vector<512x768xf32> to vector<512x64xf32>
    %convert_element_type3A_60 = arith.truncf %slice3A_59 : vector<512x64xf32> to vector<512x64xbf16>
    %swap3A_61 = arith.constant 0 : index
    %swap3A_62 = arith.constant 0 : index
    %swap3A_63 = arith.constant 0 : index
    %swap3A_64 = arith.constant 0 : index
    %swap3A_65 = vector.load %arg8[%swap3A_61, %swap3A_62, %swap3A_63, %swap3A_64] : memref<1x12x512x64xbf16, #tpu.memory_space<vmem>>, vector<1x1x512x64xbf16>
    %swap3A_66 = vector.shape_cast %swap3A_65 : vector<1x1x512x64xbf16> to vector<512x64xbf16>
    %swap3A_67 = vector.shape_cast %convert_element_type3A_60 : vector<512x64xbf16> to vector<1x1x512x64xbf16>
    tpu.vector_store %arg8[%swap3A_61, %swap3A_62, %swap3A_63, %swap3A_64], %swap3A_67 {strides = array<i32>} : memref<1x12x512x64xbf16, #tpu.memory_space<vmem>>, vector<1x1x512x64xbf16>,
    %slice3A_68 = vector.extract_strided_slice %mul3A_23 {offsets = [0, 64], sizes = [512, 64], strides = [1, 1]} : vector<512x768xf32> to vector<512x64xf32>
    %mul3A_69 = arith.mulf %slice3A_68, %concatenate3A : vector<512x64xf32>
    %slice3A_70 = vector.extract_strided_slice %slice3A_68 {offsets = [0, 32], sizes = [512, 32], strides = [1, 1]} : vector<512x64xf32> to vector<512x32xf32>
    %neg3A_71 = arith.constant 0.000000e+00 : f32
    %neg3A_72 = vector.broadcast %neg3A_71 : f32 to vector<512x32xf32>
    %neg3A_73 = arith.subf %neg3A_72, %slice3A_70 : vector<512x32xf32>
    %slice3A_74 = vector.extract_strided_slice %slice3A_68 {offsets = [0, 0], sizes = [512, 32], strides = [1, 1]} : vector<512x64xf32> to vector<512x32xf32>
    %concatenate3A_75 = tpu.concatenate %neg3A_73, %slice3A_74 in 1 : vector<512x32xf32>, vector<512x32xf32> -> vector<512x64xf32>
    %mul3A_76 = arith.mulf %concatenate3A_75, %concatenate3A_43 : vector<512x64xf32>
    %add3A_77 = arith.addf %mul3A_69, %mul3A_76 : vector<512x64xf32>
    %convert_element_type3A_78 = arith.truncf %add3A_77 : vector<512x64xf32> to vector<512x64xbf16>
    %swap3A_79 = arith.constant 0 : index
    %swap3A_80 = arith.constant 1 : index
    %swap3A_81 = arith.constant 0 : index
    %swap3A_82 = arith.constant 0 : index
    %swap3A_83 = vector.load %arg7[%swap3A_79, %swap3A_80, %swap3A_81, %swap3A_82] : memref<1x12x512x64xbf16, #tpu.memory_space<vmem>>, vector<1x1x512x64xbf16>
    %swap3A_84 = vector.shape_cast %swap3A_83 : vector<1x1x512x64xbf16> to vector<512x64xbf16>
    %swap3A_85 = vector.shape_cast %convert_element_type3A_78 : vector<512x64xbf16> to vector<1x1x512x64xbf16>
    tpu.vector_store %arg7[%swap3A_79, %swap3A_80, %swap3A_81, %swap3A_82], %swap3A_85 {strides = array<i32>} : memref<1x12x512x64xbf16, #tpu.memory_space<vmem>>, vector<1x1x512x64xbf16>,
    %slice3A_86 = vector.extract_strided_slice %dot_general3A_31 {offsets = [0, 64], sizes = [512, 64], strides = [1, 1]} : vector<512x768xf32> to vector<512x64xf32>
    %convert_element_type3A_87 = arith.truncf %slice3A_86 : vector<512x64xf32> to vector<512x64xbf16>
    %swap3A_88 = arith.constant 0 : index
    %swap3A_89 = arith.constant 1 : index
    %swap3A_90 = arith.constant 0 : index
    %swap3A_91 = arith.constant 0 : index
    %swap3A_92 = vector.load %arg8[%swap3A_88, %swap3A_89, %swap3A_90, %swap3A_91] : memref<1x12x512x64xbf16, #tpu.memory_space<vmem>>, vector<1x1x512x64xbf16>
    %swap3A_93 = vector.shape_cast %swap3A_92 : vector<1x1x512x64xbf16> to vector<512x64xbf16>
    %swap3A_94 = vector.shape_cast %convert_element_type3A_87 : vector<512x64xbf16> to vector<1x1x512x64xbf16>
    tpu.vector_store %arg8[%swap3A_88, %swap3A_89, %swap3A_90, %swap3A_91], %swap3A_94 {strides = array<i32>} : memref<1x12x512x64xbf16, #tpu.memory_space<vmem>>, vector<1x1x512x64xbf16>,
    %slice3A_95 = vector.extract_strided_slice %mul3A_23 {offsets = [0, 128], sizes = [512, 64], strides = [1, 1]} : vector<512x768xf32> to vector<512x64xf32>
    %mul3A_96 = arith.mulf %slice3A_95, %concatenate3A : vector<512x64xf32>
    %slice3A_97 = vector.extract_strided_slice %slice3A_95 {offsets = [0, 32], sizes = [512, 32], strides = [1, 1]} : vector<512x64xf32> to vector<512x32xf32>
    %neg3A_98 = arith.constant 0.000000e+00 : f32
    %neg3A_99 = vector.broadcast %neg3A_98 : f32 to vector<512x32xf32>
    %neg3A_100 = arith.subf %neg3A_99, %slice3A_97 : vector<512x32xf32>
    %slice3A_101 = vector.extract_strided_slice %slice3A_95 {offsets = [0, 0], sizes = [512, 32], strides = [1, 1]} : vector<512x64xf32> to vector<512x32xf32>
    %concatenate3A_102 = tpu.concatenate %neg3A_100, %slice3A_101 in 1 : vector<512x32xf32>, vector<512x32xf32> -> vector<512x64xf32>
    %mul3A_103 = arith.mulf %concatenate3A_102, %concatenate3A_43 : vector<512x64xf32>
    %add3A_104 = arith.addf %mul3A_96, %mul3A_103 : vector<512x64xf32>
    %convert_element_type3A_105 = arith.truncf %add3A_104 : vector<512x64xf32> to vector<512x64xbf16>
    %swap3A_106 = arith.constant 0 : index
    %swap3A_107 = arith.constant 2 : index
    %swap3A_108 = arith.constant 0 : index
    %swap3A_109 = arith.constant 0 : index
    %swap3A_110 = vector.load %arg7[%swap3A_106, %swap3A_107, %swap3A_108, %swap3A_109] : memref<1x12x512x64xbf16, #tpu.memory_space<vmem>>, vector<1x1x512x64xbf16>
    %swap3A_111 = vector.shape_cast %swap3A_110 : vector<1x1x512x64xbf16> to vector<512x64xbf16>
    %swap3A_112 = vector.shape_cast %convert_element_type3A_105 : vector<512x64xbf16> to vector<1x1x512x64xbf16>
    tpu.vector_store %arg7[%swap3A_106, %swap3A_107, %swap3A_108, %swap3A_109], %swap3A_112 {strides = array<i32>} : memref<1x12x512x64xbf16, #tpu.memory_space<vmem>>, vector<1x1x512x64xbf16>,
    %slice3A_113 = vector.extract_strided_slice %dot_general3A_31 {offsets = [0, 128], sizes = [512, 64], strides = [1, 1]} : vector<512x768xf32> to vector<512x64xf32>
    %convert_element_type3A_114 = arith.truncf %slice3A_113 : vector<512x64xf32> to vector<512x64xbf16>
    %swap3A_115 = arith.constant 0 : index
    %swap3A_116 = arith.constant 2 : index
    %swap3A_117 = arith.constant 0 : index
    %swap3A_118 = arith.constant 0 : index
    %swap3A_119 = vector.load %arg8[%swap3A_115, %swap3A_116, %swap3A_117, %swap3A_118] : memref<1x12x512x64xbf16, #tpu.memory_space<vmem>>, vector<1x1x512x64xbf16>
    %swap3A_120 = vector.shape_cast %swap3A_119 : vector<1x1x512x64xbf16> to vector<512x64xbf16>
    %swap3A_121 = vector.shape_cast %convert_element_type3A_114 : vector<512x64xbf16> to vector<1x1x512x64xbf16>
    tpu.vector_store %arg8[%swap3A_115, %swap3A_116, %swap3A_117, %swap3A_118], %swap3A_121 {strides = array<i32>} : memref<1x12x512x64xbf16, #tpu.memory_space<vmem>>, vector<1x1x512x64xbf16>,
    %slice3A_122 = vector.extract_strided_slice %mul3A_23 {offsets = [0, 192], sizes = [512, 64], strides = [1, 1]} : vector<512x768xf32> to vector<512x64xf32>
    %mul3A_123 = arith.mulf %slice3A_122, %concatenate3A : vector<512x64xf32>
    %slice3A_124 = vector.extract_strided_slice %slice3A_122 {offsets = [0, 32], sizes = [512, 32], strides = [1, 1]} : vector<512x64xf32> to vector<512x32xf32>
    %neg3A_125 = arith.constant 0.000000e+00 : f32
    %neg3A_126 = vector.broadcast %neg3A_125 : f32 to vector<512x32xf32>
    %neg3A_127 = arith.subf %neg3A_126, %slice3A_124 : vector<512x32xf32>
    %slice3A_128 = vector.extract_strided_slice %slice3A_122 {offsets = [0, 0], sizes = [512, 32], strides = [1, 1]} : vector<512x64xf32> to vector<512x32xf32>
    %concatenate3A_129 = tpu.concatenate %neg3A_127, %slice3A_128 in 1 : vector<512x32xf32>, vector<512x32xf32> -> vector<512x64xf32>
    %mul3A_130 = arith.mulf %concatenate3A_129, %concatenate3A_43 : vector<512x64xf32>
    %add3A_131 = arith.addf %mul3A_123, %mul3A_130 : vector<512x64xf32>
    %convert_element_type3A_132 = arith.truncf %add3A_131 : vector<512x64xf32> to vector<512x64xbf16>
    %swap3A_133 = arith.constant 0 : index
    %swap3A_134 = arith.constant 3 : index
    %swap3A_135 = arith.constant 0 : index
    %swap3A_136 = arith.constant 0 : index
    %swap3A_137 = vector.load %arg7[%swap3A_133, %swap3A_134, %swap3A_135, %swap3A_136] : memref<1x12x512x64xbf16, #tpu.memory_space<vmem>>, vector<1x1x512x64xbf16>
    %swap3A_138 = vector.shape_cast %swap3A_137 : vector<1x1x512x64xbf16> to vector<512x64xbf16>
    %swap3A_139 = vector.shape_cast %convert_element_type3A_132 : vector<512x64xbf16> to vector<1x1x512x64xbf16>
    tpu.vector_store %arg7[%swap3A_133, %swap3A_134, %swap3A_135, %swap3A_136], %swap3A_139 {strides = array<i32>} : memref<1x12x512x64xbf16, #tpu.memory_space<vmem>>, vector<1x1x512x64xbf16>,
    %slice3A_140 = vector.extract_strided_slice %dot_general3A_31 {offsets = [0, 192], sizes = [512, 64], strides = [1, 1]} : vector<512x768xf32> to vector<512x64xf32>
    %convert_element_type3A_141 = arith.truncf %slice3A_140 : vector<512x64xf32> to vector<512x64xbf16>
    %swap3A_142 = arith.constant 0 : index
    %swap3A_143 = arith.constant 3 : index
    %swap3A_144 = arith.constant 0 : index
    %swap3A_145 = arith.constant 0 : index
    %swap3A_146 = vector.load %arg8[%swap3A_142, %swap3A_143, %swap3A_144, %swap3A_145] : memref<1x12x512x64xbf16, #tpu.memory_space<vmem>>, vector<1x1x512x64xbf16>
    %swap3A_147 = vector.shape_cast %swap3A_146 : vector<1x1x512x64xbf16> to vector<512x64xbf16>
    %swap3A_148 = vector.shape_cast %convert_element_type3A_141 : vector<512x64xbf16> to vector<1x1x512x64xbf16>
    tpu.vector_store %arg8[%swap3A_142, %swap3A_143, %swap3A_144, %swap3A_145], %swap3A_148 {strides = array<i32>} : memref<1x12x512x64xbf16, #tpu.memory_space<vmem>>, vector<1x1x512x64xbf16>,
    %slice3A_149 = vector.extract_strided_slice %mul3A_23 {offsets = [0, 256], sizes = [512, 64], strides = [1, 1]} : vector<512x768xf32> to vector<512x64xf32>
    %mul3A_150 = arith.mulf %slice3A_149, %concatenate3A : vector<512x64xf32>
    %slice3A_151 = vector.extract_strided_slice %slice3A_149 {offsets = [0, 32], sizes = [512, 32], strides = [1, 1]} : vector<512x64xf32> to vector<512x32xf32>
    %neg3A_152 = arith.constant 0.000000e+00 : f32
    %neg3A_153 = vector.broadcast %neg3A_152 : f32 to vector<512x32xf32>
    %neg3A_154 = arith.subf %neg3A_153, %slice3A_151 : vector<512x32xf32>
    %slice3A_155 = vector.extract_strided_slice %slice3A_149 {offsets = [0, 0], sizes = [512, 32], strides = [1, 1]} : vector<512x64xf32> to vector<512x32xf32>
    %concatenate3A_156 = tpu.concatenate %neg3A_154, %slice3A_155 in 1 : vector<512x32xf32>, vector<512x32xf32> -> vector<512x64xf32>
    %mul3A_157 = arith.mulf %concatenate3A_156, %concatenate3A_43 : vector<512x64xf32>
    %add3A_158 = arith.addf %mul3A_150, %mul3A_157 : vector<512x64xf32>
    %convert_element_type3A_159 = arith.truncf %add3A_158 : vector<512x64xf32> to vector<512x64xbf16>
    %swap3A_160 = arith.constant 0 : index
    %swap3A_161 = arith.constant 4 : index
    %swap3A_162 = arith.constant 0 : index
    %swap3A_163 = arith.constant 0 : index
    %swap3A_164 = vector.load %arg7[%swap3A_160, %swap3A_161, %swap3A_162, %swap3A_163] : memref<1x12x512x64xbf16, #tpu.memory_space<vmem>>, vector<1x1x512x64xbf16>
    %swap3A_165 = vector.shape_cast %swap3A_164 : vector<1x1x512x64xbf16> to vector<512x64xbf16>
    %swap3A_166 = vector.shape_cast %convert_element_type3A_159 : vector<512x64xbf16> to vector<1x1x512x64xbf16>
    tpu.vector_store %arg7[%swap3A_160, %swap3A_161, %swap3A_162, %swap3A_163], %swap3A_166 {strides = array<i32>} : memref<1x12x512x64xbf16, #tpu.memory_space<vmem>>, vector<1x1x512x64xbf16>,
    %slice3A_167 = vector.extract_strided_slice %dot_general3A_31 {offsets = [0, 256], sizes = [512, 64], strides = [1, 1]} : vector<512x768xf32> to vector<512x64xf32>
    %convert_element_type3A_168 = arith.truncf %slice3A_167 : vector<512x64xf32> to vector<512x64xbf16>
    %swap3A_169 = arith.constant 0 : index
    %swap3A_170 = arith.constant 4 : index
    %swap3A_171 = arith.constant 0 : index
    %swap3A_172 = arith.constant 0 : index
    %swap3A_173 = vector.load %arg8[%swap3A_169, %swap3A_170, %swap3A_171, %swap3A_172] : memref<1x12x512x64xbf16, #tpu.memory_space<vmem>>, vector<1x1x512x64xbf16>
    %swap3A_174 = vector.shape_cast %swap3A_173 : vector<1x1x512x64xbf16> to vector<512x64xbf16>
    %swap3A_175 = vector.shape_cast %convert_element_type3A_168 : vector<512x64xbf16> to vector<1x1x512x64xbf16>
    tpu.vector_store %arg8[%swap3A_169, %swap3A_170, %swap3A_171, %swap3A_172], %swap3A_175 {strides = array<i32>} : memref<1x12x512x64xbf16, #tpu.memory_space<vmem>>, vector<1x1x512x64xbf16>,
    %slice3A_176 = vector.extract_strided_slice %mul3A_23 {offsets = [0, 320], sizes = [512, 64], strides = [1, 1]} : vector<512x768xf32> to vector<512x64xf32>
    %mul3A_177 = arith.mulf %slice3A_176, %concatenate3A : vector<512x64xf32>
    %slice3A_178 = vector.extract_strided_slice %slice3A_176 {offsets = [0, 32], sizes = [512, 32], strides = [1, 1]} : vector<512x64xf32> to vector<512x32xf32>
    %neg3A_179 = arith.constant 0.000000e+00 : f32
    %neg3A_180 = vector.broadcast %neg3A_179 : f32 to vector<512x32xf32>
    %neg3A_181 = arith.subf %neg3A_180, %slice3A_178 : vector<512x32xf32>
    %slice3A_182 = vector.extract_strided_slice %slice3A_176 {offsets = [0, 0], sizes = [512, 32], strides = [1, 1]} : vector<512x64xf32> to vector<512x32xf32>
    %concatenate3A_183 = tpu.concatenate %neg3A_181, %slice3A_182 in 1 : vector<512x32xf32>, vector<512x32xf32> -> vector<512x64xf32>
    %mul3A_184 = arith.mulf %concatenate3A_183, %concatenate3A_43 : vector<512x64xf32>
    %add3A_185 = arith.addf %mul3A_177, %mul3A_184 : vector<512x64xf32>
    %convert_element_type3A_186 = arith.truncf %add3A_185 : vector<512x64xf32> to vector<512x64xbf16>
    %swap3A_187 = arith.constant 0 : index
    %swap3A_188 = arith.constant 5 : index
    %swap3A_189 = arith.constant 0 : index
    %swap3A_190 = arith.constant 0 : index
    %swap3A_191 = vector.load %arg7[%swap3A_187, %swap3A_188, %swap3A_189, %swap3A_190] : memref<1x12x512x64xbf16, #tpu.memory_space<vmem>>, vector<1x1x512x64xbf16>
    %swap3A_192 = vector.shape_cast %swap3A_191 : vector<1x1x512x64xbf16> to vector<512x64xbf16>
    %swap3A_193 = vector.shape_cast %convert_element_type3A_186 : vector<512x64xbf16> to vector<1x1x512x64xbf16>
    tpu.vector_store %arg7[%swap3A_187, %swap3A_188, %swap3A_189, %swap3A_190], %swap3A_193 {strides = array<i32>} : memref<1x12x512x64xbf16, #tpu.memory_space<vmem>>, vector<1x1x512x64xbf16>,
    %slice3A_194 = vector.extract_strided_slice %dot_general3A_31 {offsets = [0, 320], sizes = [512, 64], strides = [1, 1]} : vector<512x768xf32> to vector<512x64xf32>
    %convert_element_type3A_195 = arith.truncf %slice3A_194 : vector<512x64xf32> to vector<512x64xbf16>
    %swap3A_196 = arith.constant 0 : index
    %swap3A_197 = arith.constant 5 : index
    %swap3A_198 = arith.constant 0 : index
    %swap3A_199 = arith.constant 0 : index
    %swap3A_200 = vector.load %arg8[%swap3A_196, %swap3A_197, %swap3A_198, %swap3A_199] : memref<1x12x512x64xbf16, #tpu.memory_space<vmem>>, vector<1x1x512x64xbf16>
    %swap3A_201 = vector.shape_cast %swap3A_200 : vector<1x1x512x64xbf16> to vector<512x64xbf16>
    %swap3A_202 = vector.shape_cast %convert_element_type3A_195 : vector<512x64xbf16> to vector<1x1x512x64xbf16>
    tpu.vector_store %arg8[%swap3A_196, %swap3A_197, %swap3A_198, %swap3A_199], %swap3A_202 {strides = array<i32>} : memref<1x12x512x64xbf16, #tpu.memory_space<vmem>>, vector<1x1x512x64xbf16>,
    %slice3A_203 = vector.extract_strided_slice %mul3A_23 {offsets = [0, 384], sizes = [512, 64], strides = [1, 1]} : vector<512x768xf32> to vector<512x64xf32>
    %mul3A_204 = arith.mulf %slice3A_203, %concatenate3A : vector<512x64xf32>
    %slice3A_205 = vector.extract_strided_slice %slice3A_203 {offsets = [0, 32], sizes = [512, 32], strides = [1, 1]} : vector<512x64xf32> to vector<512x32xf32>
    %neg3A_206 = arith.constant 0.000000e+00 : f32
    %neg3A_207 = vector.broadcast %neg3A_206 : f32 to vector<512x32xf32>
    %neg3A_208 = arith.subf %neg3A_207, %slice3A_205 : vector<512x32xf32>
    %slice3A_209 = vector.extract_strided_slice %slice3A_203 {offsets = [0, 0], sizes = [512, 32], strides = [1, 1]} : vector<512x64xf32> to vector<512x32xf32>
    %concatenate3A_210 = tpu.concatenate %neg3A_208, %slice3A_209 in 1 : vector<512x32xf32>, vector<512x32xf32> -> vector<512x64xf32>
    %mul3A_211 = arith.mulf %concatenate3A_210, %concatenate3A_43 : vector<512x64xf32>
    %add3A_212 = arith.addf %mul3A_204, %mul3A_211 : vector<512x64xf32>
    %convert_element_type3A_213 = arith.truncf %add3A_212 : vector<512x64xf32> to vector<512x64xbf16>
    %swap3A_214 = arith.constant 0 : index
    %swap3A_215 = arith.constant 6 : index
    %swap3A_216 = arith.constant 0 : index
    %swap3A_217 = arith.constant 0 : index
    %swap3A_218 = vector.load %arg7[%swap3A_214, %swap3A_215, %swap3A_216, %swap3A_217] : memref<1x12x512x64xbf16, #tpu.memory_space<vmem>>, vector<1x1x512x64xbf16>
    %swap3A_219 = vector.shape_cast %swap3A_218 : vector<1x1x512x64xbf16> to vector<512x64xbf16>
    %swap3A_220 = vector.shape_cast %convert_element_type3A_213 : vector<512x64xbf16> to vector<1x1x512x64xbf16>
    tpu.vector_store %arg7[%swap3A_214, %swap3A_215, %swap3A_216, %swap3A_217], %swap3A_220 {strides = array<i32>} : memref<1x12x512x64xbf16, #tpu.memory_space<vmem>>, vector<1x1x512x64xbf16>,
    %slice3A_221 = vector.extract_strided_slice %dot_general3A_31 {offsets = [0, 384], sizes = [512, 64], strides = [1, 1]} : vector<512x768xf32> to vector<512x64xf32>
    %convert_element_type3A_222 = arith.truncf %slice3A_221 : vector<512x64xf32> to vector<512x64xbf16>
    %swap3A_223 = arith.constant 0 : index
    %swap3A_224 = arith.constant 6 : index
    %swap3A_225 = arith.constant 0 : index
    %swap3A_226 = arith.constant 0 : index
    %swap3A_227 = vector.load %arg8[%swap3A_223, %swap3A_224, %swap3A_225, %swap3A_226] : memref<1x12x512x64xbf16, #tpu.memory_space<vmem>>, vector<1x1x512x64xbf16>
    %swap3A_228 = vector.shape_cast %swap3A_227 : vector<1x1x512x64xbf16> to vector<512x64xbf16>
    %swap3A_229 = vector.shape_cast %convert_element_type3A_222 : vector<512x64xbf16> to vector<1x1x512x64xbf16>
    tpu.vector_store %arg8[%swap3A_223, %swap3A_224, %swap3A_225, %swap3A_226], %swap3A_229 {strides = array<i32>} : memref<1x12x512x64xbf16, #tpu.memory_space<vmem>>, vector<1x1x512x64xbf16>,
    %slice3A_230 = vector.extract_strided_slice %mul3A_23 {offsets = [0, 448], sizes = [512, 64], strides = [1, 1]} : vector<512x768xf32> to vector<512x64xf32>
    %mul3A_231 = arith.mulf %slice3A_230, %concatenate3A : vector<512x64xf32>
    %slice3A_232 = vector.extract_strided_slice %slice3A_230 {offsets = [0, 32], sizes = [512, 32], strides = [1, 1]} : vector<512x64xf32> to vector<512x32xf32>
    %neg3A_233 = arith.constant 0.000000e+00 : f32
    %neg3A_234 = vector.broadcast %neg3A_233 : f32 to vector<512x32xf32>
    %neg3A_235 = arith.subf %neg3A_234, %slice3A_232 : vector<512x32xf32>
    %slice3A_236 = vector.extract_strided_slice %slice3A_230 {offsets = [0, 0], sizes = [512, 32], strides = [1, 1]} : vector<512x64xf32> to vector<512x32xf32>
    %concatenate3A_237 = tpu.concatenate %neg3A_235, %slice3A_236 in 1 : vector<512x32xf32>, vector<512x32xf32> -> vector<512x64xf32>
    %mul3A_238 = arith.mulf %concatenate3A_237, %concatenate3A_43 : vector<512x64xf32>
    %add3A_239 = arith.addf %mul3A_231, %mul3A_238 : vector<512x64xf32>
    %convert_element_type3A_240 = arith.truncf %add3A_239 : vector<512x64xf32> to vector<512x64xbf16>
    %swap3A_241 = arith.constant 0 : index
    %swap3A_242 = arith.constant 7 : index
    %swap3A_243 = arith.constant 0 : index
    %swap3A_244 = arith.constant 0 : index
    %swap3A_245 = vector.load %arg7[%swap3A_241, %swap3A_242, %swap3A_243, %swap3A_244] : memref<1x12x512x64xbf16, #tpu.memory_space<vmem>>, vector<1x1x512x64xbf16>
    %swap3A_246 = vector.shape_cast %swap3A_245 : vector<1x1x512x64xbf16> to vector<512x64xbf16>
    %swap3A_247 = vector.shape_cast %convert_element_type3A_240 : vector<512x64xbf16> to vector<1x1x512x64xbf16>
    tpu.vector_store %arg7[%swap3A_241, %swap3A_242, %swap3A_243, %swap3A_244], %swap3A_247 {strides = array<i32>} : memref<1x12x512x64xbf16, #tpu.memory_space<vmem>>, vector<1x1x512x64xbf16>,
    %slice3A_248 = vector.extract_strided_slice %dot_general3A_31 {offsets = [0, 448], sizes = [512, 64], strides = [1, 1]} : vector<512x768xf32> to vector<512x64xf32>
    %convert_element_type3A_249 = arith.truncf %slice3A_248 : vector<512x64xf32> to vector<512x64xbf16>
    %swap3A_250 = arith.constant 0 : index
    %swap3A_251 = arith.constant 7 : index
    %swap3A_252 = arith.constant 0 : index
    %swap3A_253 = arith.constant 0 : index
    %swap3A_254 = vector.load %arg8[%swap3A_250, %swap3A_251, %swap3A_252, %swap3A_253] : memref<1x12x512x64xbf16, #tpu.memory_space<vmem>>, vector<1x1x512x64xbf16>
    %swap3A_255 = vector.shape_cast %swap3A_254 : vector<1x1x512x64xbf16> to vector<512x64xbf16>
    %swap3A_256 = vector.shape_cast %convert_element_type3A_249 : vector<512x64xbf16> to vector<1x1x512x64xbf16>
    tpu.vector_store %arg8[%swap3A_250, %swap3A_251, %swap3A_252, %swap3A_253], %swap3A_256 {strides = array<i32>} : memref<1x12x512x64xbf16, #tpu.memory_space<vmem>>, vector<1x1x512x64xbf16>,
    %slice3A_257 = vector.extract_strided_slice %mul3A_23 {offsets = [0, 512], sizes = [512, 64], strides = [1, 1]} : vector<512x768xf32> to vector<512x64xf32>
    %mul3A_258 = arith.mulf %slice3A_257, %concatenate3A : vector<512x64xf32>
    %slice3A_259 = vector.extract_strided_slice %slice3A_257 {offsets = [0, 32], sizes = [512, 32], strides = [1, 1]} : vector<512x64xf32> to vector<512x32xf32>
    %neg3A_260 = arith.constant 0.000000e+00 : f32
    %neg3A_261 = vector.broadcast %neg3A_260 : f32 to vector<512x32xf32>
    %neg3A_262 = arith.subf %neg3A_261, %slice3A_259 : vector<512x32xf32>
    %slice3A_263 = vector.extract_strided_slice %slice3A_257 {offsets = [0, 0], sizes = [512, 32], strides = [1, 1]} : vector<512x64xf32> to vector<512x32xf32>
    %concatenate3A_264 = tpu.concatenate %neg3A_262, %slice3A_263 in 1 : vector<512x32xf32>, vector<512x32xf32> -> vector<512x64xf32>
    %mul3A_265 = arith.mulf %concatenate3A_264, %concatenate3A_43 : vector<512x64xf32>
    %add3A_266 = arith.addf %mul3A_258, %mul3A_265 : vector<512x64xf32>
    %convert_element_type3A_267 = arith.truncf %add3A_266 : vector<512x64xf32> to vector<512x64xbf16>
    %swap3A_268 = arith.constant 0 : index
    %swap3A_269 = arith.constant 8 : index
    %swap3A_270 = arith.constant 0 : index
    %swap3A_271 = arith.constant 0 : index
    %swap3A_272 = vector.load %arg7[%swap3A_268, %swap3A_269, %swap3A_270, %swap3A_271] : memref<1x12x512x64xbf16, #tpu.memory_space<vmem>>, vector<1x1x512x64xbf16>
    %swap3A_273 = vector.shape_cast %swap3A_272 : vector<1x1x512x64xbf16> to vector<512x64xbf16>
    %swap3A_274 = vector.shape_cast %convert_element_type3A_267 : vector<512x64xbf16> to vector<1x1x512x64xbf16>
    tpu.vector_store %arg7[%swap3A_268, %swap3A_269, %swap3A_270, %swap3A_271], %swap3A_274 {strides = array<i32>} : memref<1x12x512x64xbf16, #tpu.memory_space<vmem>>, vector<1x1x512x64xbf16>,
    %slice3A_275 = vector.extract_strided_slice %dot_general3A_31 {offsets = [0, 512], sizes = [512, 64], strides = [1, 1]} : vector<512x768xf32> to vector<512x64xf32>
    %convert_element_type3A_276 = arith.truncf %slice3A_275 : vector<512x64xf32> to vector<512x64xbf16>
    %swap3A_277 = arith.constant 0 : index
    %swap3A_278 = arith.constant 8 : index
    %swap3A_279 = arith.constant 0 : index
    %swap3A_280 = arith.constant 0 : index
    %swap3A_281 = vector.load %arg8[%swap3A_277, %swap3A_278, %swap3A_279, %swap3A_280] : memref<1x12x512x64xbf16, #tpu.memory_space<vmem>>, vector<1x1x512x64xbf16>
    %swap3A_282 = vector.shape_cast %swap3A_281 : vector<1x1x512x64xbf16> to vector<512x64xbf16>
    %swap3A_283 = vector.shape_cast %convert_element_type3A_276 : vector<512x64xbf16> to vector<1x1x512x64xbf16>
    tpu.vector_store %arg8[%swap3A_277, %swap3A_278, %swap3A_279, %swap3A_280], %swap3A_283 {strides = array<i32>} : memref<1x12x512x64xbf16, #tpu.memory_space<vmem>>, vector<1x1x512x64xbf16>,
    %slice3A_284 = vector.extract_strided_slice %mul3A_23 {offsets = [0, 576], sizes = [512, 64], strides = [1, 1]} : vector<512x768xf32> to vector<512x64xf32>
    %mul3A_285 = arith.mulf %slice3A_284, %concatenate3A : vector<512x64xf32>
    %slice3A_286 = vector.extract_strided_slice %slice3A_284 {offsets = [0, 32], sizes = [512, 32], strides = [1, 1]} : vector<512x64xf32> to vector<512x32xf32>
    %neg3A_287 = arith.constant 0.000000e+00 : f32
    %neg3A_288 = vector.broadcast %neg3A_287 : f32 to vector<512x32xf32>
    %neg3A_289 = arith.subf %neg3A_288, %slice3A_286 : vector<512x32xf32>
    %slice3A_290 = vector.extract_strided_slice %slice3A_284 {offsets = [0, 0], sizes = [512, 32], strides = [1, 1]} : vector<512x64xf32> to vector<512x32xf32>
    %concatenate3A_291 = tpu.concatenate %neg3A_289, %slice3A_290 in 1 : vector<512x32xf32>, vector<512x32xf32> -> vector<512x64xf32>
    %mul3A_292 = arith.mulf %concatenate3A_291, %concatenate3A_43 : vector<512x64xf32>
    %add3A_293 = arith.addf %mul3A_285, %mul3A_292 : vector<512x64xf32>
    %convert_element_type3A_294 = arith.truncf %add3A_293 : vector<512x64xf32> to vector<512x64xbf16>
    %swap3A_295 = arith.constant 0 : index
    %swap3A_296 = arith.constant 9 : index
    %swap3A_297 = arith.constant 0 : index
    %swap3A_298 = arith.constant 0 : index
    %swap3A_299 = vector.load %arg7[%swap3A_295, %swap3A_296, %swap3A_297, %swap3A_298] : memref<1x12x512x64xbf16, #tpu.memory_space<vmem>>, vector<1x1x512x64xbf16>
    %swap3A_300 = vector.shape_cast %swap3A_299 : vector<1x1x512x64xbf16> to vector<512x64xbf16>
    %swap3A_301 = vector.shape_cast %convert_element_type3A_294 : vector<512x64xbf16> to vector<1x1x512x64xbf16>
    tpu.vector_store %arg7[%swap3A_295, %swap3A_296, %swap3A_297, %swap3A_298], %swap3A_301 {strides = array<i32>} : memref<1x12x512x64xbf16, #tpu.memory_space<vmem>>, vector<1x1x512x64xbf16>,
    %slice3A_302 = vector.extract_strided_slice %dot_general3A_31 {offsets = [0, 576], sizes = [512, 64], strides = [1, 1]} : vector<512x768xf32> to vector<512x64xf32>
    %convert_element_type3A_303 = arith.truncf %slice3A_302 : vector<512x64xf32> to vector<512x64xbf16>
    %swap3A_304 = arith.constant 0 : index
    %swap3A_305 = arith.constant 9 : index
    %swap3A_306 = arith.constant 0 : index
    %swap3A_307 = arith.constant 0 : index
    %swap3A_308 = vector.load %arg8[%swap3A_304, %swap3A_305, %swap3A_306, %swap3A_307] : memref<1x12x512x64xbf16, #tpu.memory_space<vmem>>, vector<1x1x512x64xbf16>
    %swap3A_309 = vector.shape_cast %swap3A_308 : vector<1x1x512x64xbf16> to vector<512x64xbf16>
    %swap3A_310 = vector.shape_cast %convert_element_type3A_303 : vector<512x64xbf16> to vector<1x1x512x64xbf16>
    tpu.vector_store %arg8[%swap3A_304, %swap3A_305, %swap3A_306, %swap3A_307], %swap3A_310 {strides = array<i32>} : memref<1x12x512x64xbf16, #tpu.memory_space<vmem>>, vector<1x1x512x64xbf16>,
    %slice3A_311 = vector.extract_strided_slice %mul3A_23 {offsets = [0, 640], sizes = [512, 64], strides = [1, 1]} : vector<512x768xf32> to vector<512x64xf32>
    %mul3A_312 = arith.mulf %slice3A_311, %concatenate3A : vector<512x64xf32>
    %slice3A_313 = vector.extract_strided_slice %slice3A_311 {offsets = [0, 32], sizes = [512, 32], strides = [1, 1]} : vector<512x64xf32> to vector<512x32xf32>
    %neg3A_314 = arith.constant 0.000000e+00 : f32
    %neg3A_315 = vector.broadcast %neg3A_314 : f32 to vector<512x32xf32>
    %neg3A_316 = arith.subf %neg3A_315, %slice3A_313 : vector<512x32xf32>
    %slice3A_317 = vector.extract_strided_slice %slice3A_311 {offsets = [0, 0], sizes = [512, 32], strides = [1, 1]} : vector<512x64xf32> to vector<512x32xf32>
    %concatenate3A_318 = tpu.concatenate %neg3A_316, %slice3A_317 in 1 : vector<512x32xf32>, vector<512x32xf32> -> vector<512x64xf32>
    %mul3A_319 = arith.mulf %concatenate3A_318, %concatenate3A_43 : vector<512x64xf32>
    %add3A_320 = arith.addf %mul3A_312, %mul3A_319 : vector<512x64xf32>
    %convert_element_type3A_321 = arith.truncf %add3A_320 : vector<512x64xf32> to vector<512x64xbf16>
    %swap3A_322 = arith.constant 0 : index
    %swap3A_323 = arith.constant 10 : index
    %swap3A_324 = arith.constant 0 : index
    %swap3A_325 = arith.constant 0 : index
    %swap3A_326 = vector.load %arg7[%swap3A_322, %swap3A_323, %swap3A_324, %swap3A_325] : memref<1x12x512x64xbf16, #tpu.memory_space<vmem>>, vector<1x1x512x64xbf16>
    %swap3A_327 = vector.shape_cast %swap3A_326 : vector<1x1x512x64xbf16> to vector<512x64xbf16>
    %swap3A_328 = vector.shape_cast %convert_element_type3A_321 : vector<512x64xbf16> to vector<1x1x512x64xbf16>
    tpu.vector_store %arg7[%swap3A_322, %swap3A_323, %swap3A_324, %swap3A_325], %swap3A_328 {strides = array<i32>} : memref<1x12x512x64xbf16, #tpu.memory_space<vmem>>, vector<1x1x512x64xbf16>,
    %slice3A_329 = vector.extract_strided_slice %dot_general3A_31 {offsets = [0, 640], sizes = [512, 64], strides = [1, 1]} : vector<512x768xf32> to vector<512x64xf32>
    %convert_element_type3A_330 = arith.truncf %slice3A_329 : vector<512x64xf32> to vector<512x64xbf16>
    %swap3A_331 = arith.constant 0 : index
    %swap3A_332 = arith.constant 10 : index
    %swap3A_333 = arith.constant 0 : index
    %swap3A_334 = arith.constant 0 : index
    %swap3A_335 = vector.load %arg8[%swap3A_331, %swap3A_332, %swap3A_333, %swap3A_334] : memref<1x12x512x64xbf16, #tpu.memory_space<vmem>>, vector<1x1x512x64xbf16>
    %swap3A_336 = vector.shape_cast %swap3A_335 : vector<1x1x512x64xbf16> to vector<512x64xbf16>
    %swap3A_337 = vector.shape_cast %convert_element_type3A_330 : vector<512x64xbf16> to vector<1x1x512x64xbf16>
    tpu.vector_store %arg8[%swap3A_331, %swap3A_332, %swap3A_333, %swap3A_334], %swap3A_337 {strides = array<i32>} : memref<1x12x512x64xbf16, #tpu.memory_space<vmem>>, vector<1x1x512x64xbf16>,
    %slice3A_338 = vector.extract_strided_slice %mul3A_23 {offsets = [0, 704], sizes = [512, 64], strides = [1, 1]} : vector<512x768xf32> to vector<512x64xf32>
    %mul3A_339 = arith.mulf %slice3A_338, %concatenate3A : vector<512x64xf32>
    %slice3A_340 = vector.extract_strided_slice %slice3A_338 {offsets = [0, 32], sizes = [512, 32], strides = [1, 1]} : vector<512x64xf32> to vector<512x32xf32>
    %neg3A_341 = arith.constant 0.000000e+00 : f32
    %neg3A_342 = vector.broadcast %neg3A_341 : f32 to vector<512x32xf32>
    %neg3A_343 = arith.subf %neg3A_342, %slice3A_340 : vector<512x32xf32>
    %slice3A_344 = vector.extract_strided_slice %slice3A_338 {offsets = [0, 0], sizes = [512, 32], strides = [1, 1]} : vector<512x64xf32> to vector<512x32xf32>
    %concatenate3A_345 = tpu.concatenate %neg3A_343, %slice3A_344 in 1 : vector<512x32xf32>, vector<512x32xf32> -> vector<512x64xf32>
    %mul3A_346 = arith.mulf %concatenate3A_345, %concatenate3A_43 : vector<512x64xf32>
    %add3A_347 = arith.addf %mul3A_339, %mul3A_346 : vector<512x64xf32>
    %convert_element_type3A_348 = arith.truncf %add3A_347 : vector<512x64xf32> to vector<512x64xbf16>
    %swap3A_349 = arith.constant 0 : index
    %swap3A_350 = arith.constant 11 : index
    %swap3A_351 = arith.constant 0 : index
    %swap3A_352 = arith.constant 0 : index
    %swap3A_353 = vector.load %arg7[%swap3A_349, %swap3A_350, %swap3A_351, %swap3A_352] : memref<1x12x512x64xbf16, #tpu.memory_space<vmem>>, vector<1x1x512x64xbf16>
    %swap3A_354 = vector.shape_cast %swap3A_353 : vector<1x1x512x64xbf16> to vector<512x64xbf16>
    %swap3A_355 = vector.shape_cast %convert_element_type3A_348 : vector<512x64xbf16> to vector<1x1x512x64xbf16>
    tpu.vector_store %arg7[%swap3A_349, %swap3A_350, %swap3A_351, %swap3A_352], %swap3A_355 {strides = array<i32>} : memref<1x12x512x64xbf16, #tpu.memory_space<vmem>>, vector<1x1x512x64xbf16>,
    %slice3A_356 = vector.extract_strided_slice %dot_general3A_31 {offsets = [0, 704], sizes = [512, 64], strides = [1, 1]} : vector<512x768xf32> to vector<512x64xf32>
    %convert_element_type3A_357 = arith.truncf %slice3A_356 : vector<512x64xf32> to vector<512x64xbf16>
    %swap3A_358 = arith.constant 0 : index
    %swap3A_359 = arith.constant 11 : index
    %swap3A_360 = arith.constant 0 : index
    %swap3A_361 = arith.constant 0 : index
    %swap3A_362 = vector.load %arg8[%swap3A_358, %swap3A_359, %swap3A_360, %swap3A_361] : memref<1x12x512x64xbf16, #tpu.memory_space<vmem>>, vector<1x1x512x64xbf16>
    %swap3A_363 = vector.shape_cast %swap3A_362 : vector<1x1x512x64xbf16> to vector<512x64xbf16>
    %swap3A_364 = vector.shape_cast %convert_element_type3A_357 : vector<512x64xbf16> to vector<1x1x512x64xbf16>
    tpu.vector_store %arg8[%swap3A_358, %swap3A_359, %swap3A_360, %swap3A_361], %swap3A_364 {strides = array<i32>} : memref<1x12x512x64xbf16, #tpu.memory_space<vmem>>, vector<1x1x512x64xbf16>,
    return
  }
  func.func @transform_0(%arg0: i32, %arg1: i32) -> (i32, i32) {
    %c0_i32 = arith.constant 0 : i32
    %c0_i32_0 = arith.constant 0 : i32
    %c0_i32_1 = arith.constant 0 : i32
    return %c0_i32, %c0_i32_0 : i32, i32
  }
  func.func @transform_1(%arg0: i32, %arg1: i32) -> (i32, i32, i32) {
    %c0_i32 = arith.constant 0 : i32
    %c0_i32_0 = arith.constant 0 : i32
    %c0_i32_1 = arith.constant 0 : i32
    return %arg0, %c0_i32, %c0_i32_0 : i32, i32, i32
  }
  func.func @transform_2(%arg0: i32, %arg1: i32) -> (i32, i32, i32) {
    %c0_i32 = arith.constant 0 : i32
    %c0_i32_0 = arith.constant 0 : i32
    %c0_i32_1 = arith.constant 0 : i32
    return %arg0, %c0_i32, %c0_i32_0 : i32, i32, i32
  }
  func.func @transform_3(%arg0: i32, %arg1: i32) -> (i32, i32, i32) {
    %c0_i32 = arith.constant 0 : i32
    %c0_i32_0 = arith.constant 0 : i32
    %c0_i32_1 = arith.constant 0 : i32
    return %arg0, %c0_i32, %c0_i32_0 : i32, i32, i32
  }
  func.func @transform_4(%arg0: i32, %arg1: i32) -> (i32, i32) {
    %c0_i32 = arith.constant 0 : i32
    %c0_i32_0 = arith.constant 0 : i32
    return %arg1, %c0_i32 : i32, i32
  }
  func.func @transform_5(%arg0: i32, %arg1: i32) -> (i32, i32, i32, i32) {
    %c0_i32 = arith.constant 0 : i32
    %c0_i32_0 = arith.constant 0 : i32
    %c0_i32_1 = arith.constant 0 : i32
    return %arg0, %c0_i32, %arg1, %c0_i32_0 : i32, i32, i32, i32
  }
  func.func @transform_6(%arg0: i32, %arg1: i32) -> (i32, i32, i32, i32) {
    %c0_i32 = arith.constant 0 : i32
    %c0_i32_0 = arith.constant 0 : i32
    %c0_i32_1 = arith.constant 0 : i32
    return %arg0, %c0_i32, %arg1, %c0_i32_0 : i32, i32, i32, i32
  }
}

module attributes {stable_mosaic.version = 14 : i64} {
  func.func @_q_body(%arg0: i32, %arg1: memref<32xi32, #tpu.memory_space<smem>>, %arg2: memref<128x768xf32, #tpu.memory_space<vmem>>, %arg3: memref<1x768x768xf32, #tpu.memory_space<vmem>>, %arg4: memref<1x1x768xf32, #tpu.memory_space<vmem>>, %arg5: memref<128x128xi32, #tpu.memory_space<vmem>>, %arg6: memref<128x768xbf16, #tpu.memory_space<vmem>>) attributes {dimension_semantics = [#tpu.dimension_semantics<arbitrary>], iteration_bounds = array<i64: 24>, scalar_prefetch = 1 : i64, scratch_operands = 0 : i64, tpu.core_type = #tpu.core_type<tc>, window_params = [{transform_indices = @transform_0, window_bounds = array<i64: 128, 768>}, {transform_indices = @transform_1, window_bounds = array<i64: 1, 768, 768>}, {transform_indices = @transform_2, window_bounds = array<i64: 1, 1, 768>}, {transform_indices = @transform_3, window_bounds = array<i64: 128, 128>}, {transform_indices = @transform_4, window_bounds = array<i64: 128, 768>}]} {
    %get3A = arith.constant 0 : index
    %get3A_0 = arith.constant 0 : index
    %get3A_1 = vector.load %arg2[%get3A, %get3A_0] : memref<128x768xf32, #tpu.memory_space<vmem>>, vector<128x768xf32>
    %convert_element_type3A = arith.truncf %get3A_1 : vector<128x768xf32> to vector<128x768xbf16>
    %get3A_2 = arith.constant 0 : index
    %get3A_3 = arith.constant 0 : index
    %get3A_4 = arith.constant 0 : index
    %get3A_5 = vector.load %arg3[%get3A_2, %get3A_3, %get3A_4] : memref<1x768x768xf32, #tpu.memory_space<vmem>>, vector<1x768x768xf32>
    %get3A_6 = vector.shape_cast %get3A_5 : vector<1x768x768xf32> to vector<768x768xf32>
    %convert_element_type3A_7 = arith.truncf %get3A_6 : vector<768x768xf32> to vector<768x768xbf16>
    %dot_general3A = arith.constant dense<0.000000e+00> : vector<128x768xf32>
    %dot_general3A_8 = tpu.matmul %convert_element_type3A, %convert_element_type3A_7, %dot_general3A {dimension_numbers = #tpu.dot_dimension_numbers<[1], [1], [0], [0], [0, 0, 1, 0], [], []>, transpose_lhs_hint = false} : vector<128x768xbf16>, vector<768x768xbf16>, vector<128x768xf32> -> vector<128x768xf32>
    %get3A_9 = arith.constant 0 : index
    %get3A_10 = arith.constant 0 : index
    %get3A_11 = arith.constant 0 : index
    %get3A_12 = vector.load %arg4[%get3A_9, %get3A_10, %get3A_11] : memref<1x1x768xf32, #tpu.memory_space<vmem>>, vector<1x1x768xf32>
    %get3A_13 = vector.shape_cast %get3A_12 : vector<1x1x768xf32> to vector<1x768xf32>
    %integer_pow3A = arith.mulf %dot_general3A_8, %dot_general3A_8 : vector<128x768xf32>
    %reduce_sum3A = arith.constant dense<0.000000e+00> : vector<128xf32>
    %reduce_sum3A_14 = vector.multi_reduction <add>, %integer_pow3A, %reduce_sum3A [1] : vector<128x768xf32> to vector<128xf32>
    %broadcast_in_dim3A = vector.shape_cast %reduce_sum3A_14 : vector<128xf32> to vector<128x1xf32>
    %div3A = arith.constant 7.680000e+02 : f32
    %div3A_15 = vector.broadcast %div3A : f32 to vector<128x1xf32>
    %div3A_16 = arith.divf %broadcast_in_dim3A, %div3A_15 : vector<128x1xf32>
    %add3A = arith.constant 9.99999974E-6 : f32
    %add3A_17 = vector.broadcast %add3A : f32 to vector<128x1xf32>
    %add3A_18 = arith.addf %div3A_16, %add3A_17 : vector<128x1xf32>
    %rsqrt3A = math.rsqrt %add3A_18 : vector<128x1xf32>
    %mul3A = vector.broadcast %rsqrt3A : vector<128x1xf32> to vector<128x768xf32>
    %mul3A_19 = arith.mulf %dot_general3A_8, %mul3A : vector<128x768xf32>
    %mul3A_20 = vector.broadcast %get3A_13 : vector<1x768xf32> to vector<128x768xf32>
    %mul3A_21 = arith.mulf %mul3A_19, %mul3A_20 : vector<128x768xf32>
    %mul3A_22 = arith.constant 1.250000e-01 : f32
    %mul3A_23 = vector.broadcast %mul3A_22 : f32 to vector<128x768xf32>
    %mul3A_24 = arith.mulf %mul3A_21, %mul3A_23 : vector<128x768xf32>
    %get3A_25 = arith.constant 0 : index
    %get3A_26 = arith.constant 0 : index
    %get3A_27 = vector.load %arg5[%get3A_25, %get3A_26] : memref<128x128xi32, #tpu.memory_space<vmem>>, vector<128x1xi32>
    %convert_element_type3A_28 = arith.sitofp %get3A_27 : vector<128x1xi32> to vector<128x1xf32>
    %iota3A = tpu.iota {dimensions = array<i32: 1>} : vector<1x32xi32>
    %convert_element_type3A_29 = arith.sitofp %iota3A : vector<1x32xi32> to vector<1x32xf32>
    %mul3A_30 = arith.constant -0.410073847 : f32
    %mul3A_31 = vector.broadcast %mul3A_30 : f32 to vector<1x32xf32>
    %mul3A_32 = arith.mulf %convert_element_type3A_29, %mul3A_31 : vector<1x32xf32>
    %exp3A = math.exp %mul3A_32 : vector<1x32xf32>
    %mul3A_33 = vector.broadcast %convert_element_type3A_28 : vector<128x1xf32> to vector<128x32xf32>
    %mul3A_34 = vector.broadcast %exp3A : vector<1x32xf32> to vector<128x32xf32>
    %mul3A_35 = arith.mulf %mul3A_33, %mul3A_34 : vector<128x32xf32>
    %cos3A = math.cos %mul3A_35 : vector<128x32xf32>
    %sin3A = math.sin %mul3A_35 : vector<128x32xf32>
    %concatenate3A = tpu.concatenate %cos3A, %cos3A in 1 : vector<128x32xf32>, vector<128x32xf32> -> vector<128x64xf32>
    %concatenate3A_36 = tpu.concatenate %sin3A, %sin3A in 1 : vector<128x32xf32>, vector<128x32xf32> -> vector<128x64xf32>
    %slice3A = vector.extract_strided_slice %mul3A_24 {offsets = [0, 0], sizes = [128, 64], strides = [1, 1]} : vector<128x768xf32> to vector<128x64xf32>
    %mul3A_37 = arith.mulf %slice3A, %concatenate3A : vector<128x64xf32>
    %slice3A_38 = vector.extract_strided_slice %slice3A {offsets = [0, 32], sizes = [128, 32], strides = [1, 1]} : vector<128x64xf32> to vector<128x32xf32>
    %neg3A = arith.constant 0.000000e+00 : f32
    %neg3A_39 = vector.broadcast %neg3A : f32 to vector<128x32xf32>
    %neg3A_40 = arith.subf %neg3A_39, %slice3A_38 : vector<128x32xf32>
    %slice3A_41 = vector.extract_strided_slice %slice3A {offsets = [0, 0], sizes = [128, 32], strides = [1, 1]} : vector<128x64xf32> to vector<128x32xf32>
    %concatenate3A_42 = tpu.concatenate %neg3A_40, %slice3A_41 in 1 : vector<128x32xf32>, vector<128x32xf32> -> vector<128x64xf32>
    %mul3A_43 = arith.mulf %concatenate3A_42, %concatenate3A_36 : vector<128x64xf32>
    %add3A_44 = arith.addf %mul3A_37, %mul3A_43 : vector<128x64xf32>
    %convert_element_type3A_45 = arith.truncf %add3A_44 : vector<128x64xf32> to vector<128x64xbf16>
    %swap3A = arith.constant 0 : index
    %swap3A_46 = arith.constant 0 : index
    %swap3A_47 = vector.load %arg6[%swap3A, %swap3A_46] : memref<128x768xbf16, #tpu.memory_space<vmem>>, vector<128x64xbf16>
    tpu.vector_store %arg6[%swap3A, %swap3A_46], %convert_element_type3A_45 {strides = array<i32>} : memref<128x768xbf16, #tpu.memory_space<vmem>>, vector<128x64xbf16>,
    %slice3A_48 = vector.extract_strided_slice %mul3A_24 {offsets = [0, 64], sizes = [128, 64], strides = [1, 1]} : vector<128x768xf32> to vector<128x64xf32>
    %mul3A_49 = arith.mulf %slice3A_48, %concatenate3A : vector<128x64xf32>
    %slice3A_50 = vector.extract_strided_slice %slice3A_48 {offsets = [0, 32], sizes = [128, 32], strides = [1, 1]} : vector<128x64xf32> to vector<128x32xf32>
    %neg3A_51 = arith.constant 0.000000e+00 : f32
    %neg3A_52 = vector.broadcast %neg3A_51 : f32 to vector<128x32xf32>
    %neg3A_53 = arith.subf %neg3A_52, %slice3A_50 : vector<128x32xf32>
    %slice3A_54 = vector.extract_strided_slice %slice3A_48 {offsets = [0, 0], sizes = [128, 32], strides = [1, 1]} : vector<128x64xf32> to vector<128x32xf32>
    %concatenate3A_55 = tpu.concatenate %neg3A_53, %slice3A_54 in 1 : vector<128x32xf32>, vector<128x32xf32> -> vector<128x64xf32>
    %mul3A_56 = arith.mulf %concatenate3A_55, %concatenate3A_36 : vector<128x64xf32>
    %add3A_57 = arith.addf %mul3A_49, %mul3A_56 : vector<128x64xf32>
    %convert_element_type3A_58 = arith.truncf %add3A_57 : vector<128x64xf32> to vector<128x64xbf16>
    %swap3A_59 = arith.constant 0 : index
    %swap3A_60 = arith.constant 64 : index
    %swap3A_61 = vector.load %arg6[%swap3A_59, %swap3A_60] : memref<128x768xbf16, #tpu.memory_space<vmem>>, vector<128x64xbf16>
    tpu.vector_store %arg6[%swap3A_59, %swap3A_60], %convert_element_type3A_58 {strides = array<i32>} : memref<128x768xbf16, #tpu.memory_space<vmem>>, vector<128x64xbf16>,
    %slice3A_62 = vector.extract_strided_slice %mul3A_24 {offsets = [0, 128], sizes = [128, 64], strides = [1, 1]} : vector<128x768xf32> to vector<128x64xf32>
    %mul3A_63 = arith.mulf %slice3A_62, %concatenate3A : vector<128x64xf32>
    %slice3A_64 = vector.extract_strided_slice %slice3A_62 {offsets = [0, 32], sizes = [128, 32], strides = [1, 1]} : vector<128x64xf32> to vector<128x32xf32>
    %neg3A_65 = arith.constant 0.000000e+00 : f32
    %neg3A_66 = vector.broadcast %neg3A_65 : f32 to vector<128x32xf32>
    %neg3A_67 = arith.subf %neg3A_66, %slice3A_64 : vector<128x32xf32>
    %slice3A_68 = vector.extract_strided_slice %slice3A_62 {offsets = [0, 0], sizes = [128, 32], strides = [1, 1]} : vector<128x64xf32> to vector<128x32xf32>
    %concatenate3A_69 = tpu.concatenate %neg3A_67, %slice3A_68 in 1 : vector<128x32xf32>, vector<128x32xf32> -> vector<128x64xf32>
    %mul3A_70 = arith.mulf %concatenate3A_69, %concatenate3A_36 : vector<128x64xf32>
    %add3A_71 = arith.addf %mul3A_63, %mul3A_70 : vector<128x64xf32>
    %convert_element_type3A_72 = arith.truncf %add3A_71 : vector<128x64xf32> to vector<128x64xbf16>
    %swap3A_73 = arith.constant 0 : index
    %swap3A_74 = arith.constant 128 : index
    %swap3A_75 = vector.load %arg6[%swap3A_73, %swap3A_74] : memref<128x768xbf16, #tpu.memory_space<vmem>>, vector<128x64xbf16>
    tpu.vector_store %arg6[%swap3A_73, %swap3A_74], %convert_element_type3A_72 {strides = array<i32>} : memref<128x768xbf16, #tpu.memory_space<vmem>>, vector<128x64xbf16>,
    %slice3A_76 = vector.extract_strided_slice %mul3A_24 {offsets = [0, 192], sizes = [128, 64], strides = [1, 1]} : vector<128x768xf32> to vector<128x64xf32>
    %mul3A_77 = arith.mulf %slice3A_76, %concatenate3A : vector<128x64xf32>
    %slice3A_78 = vector.extract_strided_slice %slice3A_76 {offsets = [0, 32], sizes = [128, 32], strides = [1, 1]} : vector<128x64xf32> to vector<128x32xf32>
    %neg3A_79 = arith.constant 0.000000e+00 : f32
    %neg3A_80 = vector.broadcast %neg3A_79 : f32 to vector<128x32xf32>
    %neg3A_81 = arith.subf %neg3A_80, %slice3A_78 : vector<128x32xf32>
    %slice3A_82 = vector.extract_strided_slice %slice3A_76 {offsets = [0, 0], sizes = [128, 32], strides = [1, 1]} : vector<128x64xf32> to vector<128x32xf32>
    %concatenate3A_83 = tpu.concatenate %neg3A_81, %slice3A_82 in 1 : vector<128x32xf32>, vector<128x32xf32> -> vector<128x64xf32>
    %mul3A_84 = arith.mulf %concatenate3A_83, %concatenate3A_36 : vector<128x64xf32>
    %add3A_85 = arith.addf %mul3A_77, %mul3A_84 : vector<128x64xf32>
    %convert_element_type3A_86 = arith.truncf %add3A_85 : vector<128x64xf32> to vector<128x64xbf16>
    %swap3A_87 = arith.constant 0 : index
    %swap3A_88 = arith.constant 192 : index
    %swap3A_89 = vector.load %arg6[%swap3A_87, %swap3A_88] : memref<128x768xbf16, #tpu.memory_space<vmem>>, vector<128x64xbf16>
    tpu.vector_store %arg6[%swap3A_87, %swap3A_88], %convert_element_type3A_86 {strides = array<i32>} : memref<128x768xbf16, #tpu.memory_space<vmem>>, vector<128x64xbf16>,
    %slice3A_90 = vector.extract_strided_slice %mul3A_24 {offsets = [0, 256], sizes = [128, 64], strides = [1, 1]} : vector<128x768xf32> to vector<128x64xf32>
    %mul3A_91 = arith.mulf %slice3A_90, %concatenate3A : vector<128x64xf32>
    %slice3A_92 = vector.extract_strided_slice %slice3A_90 {offsets = [0, 32], sizes = [128, 32], strides = [1, 1]} : vector<128x64xf32> to vector<128x32xf32>
    %neg3A_93 = arith.constant 0.000000e+00 : f32
    %neg3A_94 = vector.broadcast %neg3A_93 : f32 to vector<128x32xf32>
    %neg3A_95 = arith.subf %neg3A_94, %slice3A_92 : vector<128x32xf32>
    %slice3A_96 = vector.extract_strided_slice %slice3A_90 {offsets = [0, 0], sizes = [128, 32], strides = [1, 1]} : vector<128x64xf32> to vector<128x32xf32>
    %concatenate3A_97 = tpu.concatenate %neg3A_95, %slice3A_96 in 1 : vector<128x32xf32>, vector<128x32xf32> -> vector<128x64xf32>
    %mul3A_98 = arith.mulf %concatenate3A_97, %concatenate3A_36 : vector<128x64xf32>
    %add3A_99 = arith.addf %mul3A_91, %mul3A_98 : vector<128x64xf32>
    %convert_element_type3A_100 = arith.truncf %add3A_99 : vector<128x64xf32> to vector<128x64xbf16>
    %swap3A_101 = arith.constant 0 : index
    %swap3A_102 = arith.constant 256 : index
    %swap3A_103 = vector.load %arg6[%swap3A_101, %swap3A_102] : memref<128x768xbf16, #tpu.memory_space<vmem>>, vector<128x64xbf16>
    tpu.vector_store %arg6[%swap3A_101, %swap3A_102], %convert_element_type3A_100 {strides = array<i32>} : memref<128x768xbf16, #tpu.memory_space<vmem>>, vector<128x64xbf16>,
    %slice3A_104 = vector.extract_strided_slice %mul3A_24 {offsets = [0, 320], sizes = [128, 64], strides = [1, 1]} : vector<128x768xf32> to vector<128x64xf32>
    %mul3A_105 = arith.mulf %slice3A_104, %concatenate3A : vector<128x64xf32>
    %slice3A_106 = vector.extract_strided_slice %slice3A_104 {offsets = [0, 32], sizes = [128, 32], strides = [1, 1]} : vector<128x64xf32> to vector<128x32xf32>
    %neg3A_107 = arith.constant 0.000000e+00 : f32
    %neg3A_108 = vector.broadcast %neg3A_107 : f32 to vector<128x32xf32>
    %neg3A_109 = arith.subf %neg3A_108, %slice3A_106 : vector<128x32xf32>
    %slice3A_110 = vector.extract_strided_slice %slice3A_104 {offsets = [0, 0], sizes = [128, 32], strides = [1, 1]} : vector<128x64xf32> to vector<128x32xf32>
    %concatenate3A_111 = tpu.concatenate %neg3A_109, %slice3A_110 in 1 : vector<128x32xf32>, vector<128x32xf32> -> vector<128x64xf32>
    %mul3A_112 = arith.mulf %concatenate3A_111, %concatenate3A_36 : vector<128x64xf32>
    %add3A_113 = arith.addf %mul3A_105, %mul3A_112 : vector<128x64xf32>
    %convert_element_type3A_114 = arith.truncf %add3A_113 : vector<128x64xf32> to vector<128x64xbf16>
    %swap3A_115 = arith.constant 0 : index
    %swap3A_116 = arith.constant 320 : index
    %swap3A_117 = vector.load %arg6[%swap3A_115, %swap3A_116] : memref<128x768xbf16, #tpu.memory_space<vmem>>, vector<128x64xbf16>
    tpu.vector_store %arg6[%swap3A_115, %swap3A_116], %convert_element_type3A_114 {strides = array<i32>} : memref<128x768xbf16, #tpu.memory_space<vmem>>, vector<128x64xbf16>,
    %slice3A_118 = vector.extract_strided_slice %mul3A_24 {offsets = [0, 384], sizes = [128, 64], strides = [1, 1]} : vector<128x768xf32> to vector<128x64xf32>
    %mul3A_119 = arith.mulf %slice3A_118, %concatenate3A : vector<128x64xf32>
    %slice3A_120 = vector.extract_strided_slice %slice3A_118 {offsets = [0, 32], sizes = [128, 32], strides = [1, 1]} : vector<128x64xf32> to vector<128x32xf32>
    %neg3A_121 = arith.constant 0.000000e+00 : f32
    %neg3A_122 = vector.broadcast %neg3A_121 : f32 to vector<128x32xf32>
    %neg3A_123 = arith.subf %neg3A_122, %slice3A_120 : vector<128x32xf32>
    %slice3A_124 = vector.extract_strided_slice %slice3A_118 {offsets = [0, 0], sizes = [128, 32], strides = [1, 1]} : vector<128x64xf32> to vector<128x32xf32>
    %concatenate3A_125 = tpu.concatenate %neg3A_123, %slice3A_124 in 1 : vector<128x32xf32>, vector<128x32xf32> -> vector<128x64xf32>
    %mul3A_126 = arith.mulf %concatenate3A_125, %concatenate3A_36 : vector<128x64xf32>
    %add3A_127 = arith.addf %mul3A_119, %mul3A_126 : vector<128x64xf32>
    %convert_element_type3A_128 = arith.truncf %add3A_127 : vector<128x64xf32> to vector<128x64xbf16>
    %swap3A_129 = arith.constant 0 : index
    %swap3A_130 = arith.constant 384 : index
    %swap3A_131 = vector.load %arg6[%swap3A_129, %swap3A_130] : memref<128x768xbf16, #tpu.memory_space<vmem>>, vector<128x64xbf16>
    tpu.vector_store %arg6[%swap3A_129, %swap3A_130], %convert_element_type3A_128 {strides = array<i32>} : memref<128x768xbf16, #tpu.memory_space<vmem>>, vector<128x64xbf16>,
    %slice3A_132 = vector.extract_strided_slice %mul3A_24 {offsets = [0, 448], sizes = [128, 64], strides = [1, 1]} : vector<128x768xf32> to vector<128x64xf32>
    %mul3A_133 = arith.mulf %slice3A_132, %concatenate3A : vector<128x64xf32>
    %slice3A_134 = vector.extract_strided_slice %slice3A_132 {offsets = [0, 32], sizes = [128, 32], strides = [1, 1]} : vector<128x64xf32> to vector<128x32xf32>
    %neg3A_135 = arith.constant 0.000000e+00 : f32
    %neg3A_136 = vector.broadcast %neg3A_135 : f32 to vector<128x32xf32>
    %neg3A_137 = arith.subf %neg3A_136, %slice3A_134 : vector<128x32xf32>
    %slice3A_138 = vector.extract_strided_slice %slice3A_132 {offsets = [0, 0], sizes = [128, 32], strides = [1, 1]} : vector<128x64xf32> to vector<128x32xf32>
    %concatenate3A_139 = tpu.concatenate %neg3A_137, %slice3A_138 in 1 : vector<128x32xf32>, vector<128x32xf32> -> vector<128x64xf32>
    %mul3A_140 = arith.mulf %concatenate3A_139, %concatenate3A_36 : vector<128x64xf32>
    %add3A_141 = arith.addf %mul3A_133, %mul3A_140 : vector<128x64xf32>
    %convert_element_type3A_142 = arith.truncf %add3A_141 : vector<128x64xf32> to vector<128x64xbf16>
    %swap3A_143 = arith.constant 0 : index
    %swap3A_144 = arith.constant 448 : index
    %swap3A_145 = vector.load %arg6[%swap3A_143, %swap3A_144] : memref<128x768xbf16, #tpu.memory_space<vmem>>, vector<128x64xbf16>
    tpu.vector_store %arg6[%swap3A_143, %swap3A_144], %convert_element_type3A_142 {strides = array<i32>} : memref<128x768xbf16, #tpu.memory_space<vmem>>, vector<128x64xbf16>,
    %slice3A_146 = vector.extract_strided_slice %mul3A_24 {offsets = [0, 512], sizes = [128, 64], strides = [1, 1]} : vector<128x768xf32> to vector<128x64xf32>
    %mul3A_147 = arith.mulf %slice3A_146, %concatenate3A : vector<128x64xf32>
    %slice3A_148 = vector.extract_strided_slice %slice3A_146 {offsets = [0, 32], sizes = [128, 32], strides = [1, 1]} : vector<128x64xf32> to vector<128x32xf32>
    %neg3A_149 = arith.constant 0.000000e+00 : f32
    %neg3A_150 = vector.broadcast %neg3A_149 : f32 to vector<128x32xf32>
    %neg3A_151 = arith.subf %neg3A_150, %slice3A_148 : vector<128x32xf32>
    %slice3A_152 = vector.extract_strided_slice %slice3A_146 {offsets = [0, 0], sizes = [128, 32], strides = [1, 1]} : vector<128x64xf32> to vector<128x32xf32>
    %concatenate3A_153 = tpu.concatenate %neg3A_151, %slice3A_152 in 1 : vector<128x32xf32>, vector<128x32xf32> -> vector<128x64xf32>
    %mul3A_154 = arith.mulf %concatenate3A_153, %concatenate3A_36 : vector<128x64xf32>
    %add3A_155 = arith.addf %mul3A_147, %mul3A_154 : vector<128x64xf32>
    %convert_element_type3A_156 = arith.truncf %add3A_155 : vector<128x64xf32> to vector<128x64xbf16>
    %swap3A_157 = arith.constant 0 : index
    %swap3A_158 = arith.constant 512 : index
    %swap3A_159 = vector.load %arg6[%swap3A_157, %swap3A_158] : memref<128x768xbf16, #tpu.memory_space<vmem>>, vector<128x64xbf16>
    tpu.vector_store %arg6[%swap3A_157, %swap3A_158], %convert_element_type3A_156 {strides = array<i32>} : memref<128x768xbf16, #tpu.memory_space<vmem>>, vector<128x64xbf16>,
    %slice3A_160 = vector.extract_strided_slice %mul3A_24 {offsets = [0, 576], sizes = [128, 64], strides = [1, 1]} : vector<128x768xf32> to vector<128x64xf32>
    %mul3A_161 = arith.mulf %slice3A_160, %concatenate3A : vector<128x64xf32>
    %slice3A_162 = vector.extract_strided_slice %slice3A_160 {offsets = [0, 32], sizes = [128, 32], strides = [1, 1]} : vector<128x64xf32> to vector<128x32xf32>
    %neg3A_163 = arith.constant 0.000000e+00 : f32
    %neg3A_164 = vector.broadcast %neg3A_163 : f32 to vector<128x32xf32>
    %neg3A_165 = arith.subf %neg3A_164, %slice3A_162 : vector<128x32xf32>
    %slice3A_166 = vector.extract_strided_slice %slice3A_160 {offsets = [0, 0], sizes = [128, 32], strides = [1, 1]} : vector<128x64xf32> to vector<128x32xf32>
    %concatenate3A_167 = tpu.concatenate %neg3A_165, %slice3A_166 in 1 : vector<128x32xf32>, vector<128x32xf32> -> vector<128x64xf32>
    %mul3A_168 = arith.mulf %concatenate3A_167, %concatenate3A_36 : vector<128x64xf32>
    %add3A_169 = arith.addf %mul3A_161, %mul3A_168 : vector<128x64xf32>
    %convert_element_type3A_170 = arith.truncf %add3A_169 : vector<128x64xf32> to vector<128x64xbf16>
    %swap3A_171 = arith.constant 0 : index
    %swap3A_172 = arith.constant 576 : index
    %swap3A_173 = vector.load %arg6[%swap3A_171, %swap3A_172] : memref<128x768xbf16, #tpu.memory_space<vmem>>, vector<128x64xbf16>
    tpu.vector_store %arg6[%swap3A_171, %swap3A_172], %convert_element_type3A_170 {strides = array<i32>} : memref<128x768xbf16, #tpu.memory_space<vmem>>, vector<128x64xbf16>,
    %slice3A_174 = vector.extract_strided_slice %mul3A_24 {offsets = [0, 640], sizes = [128, 64], strides = [1, 1]} : vector<128x768xf32> to vector<128x64xf32>
    %mul3A_175 = arith.mulf %slice3A_174, %concatenate3A : vector<128x64xf32>
    %slice3A_176 = vector.extract_strided_slice %slice3A_174 {offsets = [0, 32], sizes = [128, 32], strides = [1, 1]} : vector<128x64xf32> to vector<128x32xf32>
    %neg3A_177 = arith.constant 0.000000e+00 : f32
    %neg3A_178 = vector.broadcast %neg3A_177 : f32 to vector<128x32xf32>
    %neg3A_179 = arith.subf %neg3A_178, %slice3A_176 : vector<128x32xf32>
    %slice3A_180 = vector.extract_strided_slice %slice3A_174 {offsets = [0, 0], sizes = [128, 32], strides = [1, 1]} : vector<128x64xf32> to vector<128x32xf32>
    %concatenate3A_181 = tpu.concatenate %neg3A_179, %slice3A_180 in 1 : vector<128x32xf32>, vector<128x32xf32> -> vector<128x64xf32>
    %mul3A_182 = arith.mulf %concatenate3A_181, %concatenate3A_36 : vector<128x64xf32>
    %add3A_183 = arith.addf %mul3A_175, %mul3A_182 : vector<128x64xf32>
    %convert_element_type3A_184 = arith.truncf %add3A_183 : vector<128x64xf32> to vector<128x64xbf16>
    %swap3A_185 = arith.constant 0 : index
    %swap3A_186 = arith.constant 640 : index
    %swap3A_187 = vector.load %arg6[%swap3A_185, %swap3A_186] : memref<128x768xbf16, #tpu.memory_space<vmem>>, vector<128x64xbf16>
    tpu.vector_store %arg6[%swap3A_185, %swap3A_186], %convert_element_type3A_184 {strides = array<i32>} : memref<128x768xbf16, #tpu.memory_space<vmem>>, vector<128x64xbf16>,
    %slice3A_188 = vector.extract_strided_slice %mul3A_24 {offsets = [0, 704], sizes = [128, 64], strides = [1, 1]} : vector<128x768xf32> to vector<128x64xf32>
    %mul3A_189 = arith.mulf %slice3A_188, %concatenate3A : vector<128x64xf32>
    %slice3A_190 = vector.extract_strided_slice %slice3A_188 {offsets = [0, 32], sizes = [128, 32], strides = [1, 1]} : vector<128x64xf32> to vector<128x32xf32>
    %neg3A_191 = arith.constant 0.000000e+00 : f32
    %neg3A_192 = vector.broadcast %neg3A_191 : f32 to vector<128x32xf32>
    %neg3A_193 = arith.subf %neg3A_192, %slice3A_190 : vector<128x32xf32>
    %slice3A_194 = vector.extract_strided_slice %slice3A_188 {offsets = [0, 0], sizes = [128, 32], strides = [1, 1]} : vector<128x64xf32> to vector<128x32xf32>
    %concatenate3A_195 = tpu.concatenate %neg3A_193, %slice3A_194 in 1 : vector<128x32xf32>, vector<128x32xf32> -> vector<128x64xf32>
    %mul3A_196 = arith.mulf %concatenate3A_195, %concatenate3A_36 : vector<128x64xf32>
    %add3A_197 = arith.addf %mul3A_189, %mul3A_196 : vector<128x64xf32>
    %convert_element_type3A_198 = arith.truncf %add3A_197 : vector<128x64xf32> to vector<128x64xbf16>
    %swap3A_199 = arith.constant 0 : index
    %swap3A_200 = arith.constant 704 : index
    %swap3A_201 = vector.load %arg6[%swap3A_199, %swap3A_200] : memref<128x768xbf16, #tpu.memory_space<vmem>>, vector<128x64xbf16>
    tpu.vector_store %arg6[%swap3A_199, %swap3A_200], %convert_element_type3A_198 {strides = array<i32>} : memref<128x768xbf16, #tpu.memory_space<vmem>>, vector<128x64xbf16>,
    return
  }
  func.func @transform_0(%arg0: i32, %arg1: memref<32xi32, #tpu.memory_space<smem>>) -> (i32, i32) {
    %c0_i32 = arith.constant 0 : i32
    %c0_i32_0 = arith.constant 0 : i32
    return %arg0, %c0_i32 : i32, i32
  }
  func.func @transform_1(%arg0: i32, %arg1: memref<32xi32, #tpu.memory_space<smem>>) -> (i32, i32, i32) {
    %get3A = arith.index_cast %arg0 : i32 to index
    %get3A_0 = memref.load %arg1[%get3A] : memref<32xi32, #tpu.memory_space<smem>>
    %c0_i32 = arith.constant 0 : i32
    %c0_i32_1 = arith.constant 0 : i32
    %c0_i32_2 = arith.constant 0 : i32
    return %get3A_0, %c0_i32, %c0_i32_1 : i32, i32, i32
  }
  func.func @transform_2(%arg0: i32, %arg1: memref<32xi32, #tpu.memory_space<smem>>) -> (i32, i32, i32) {
    %get3A = arith.index_cast %arg0 : i32 to index
    %get3A_0 = memref.load %arg1[%get3A] : memref<32xi32, #tpu.memory_space<smem>>
    %c0_i32 = arith.constant 0 : i32
    %c0_i32_1 = arith.constant 0 : i32
    %c0_i32_2 = arith.constant 0 : i32
    return %get3A_0, %c0_i32, %c0_i32_1 : i32, i32, i32
  }
  func.func @transform_3(%arg0: i32, %arg1: memref<32xi32, #tpu.memory_space<smem>>) -> (i32, i32) {
    %c0_i32 = arith.constant 0 : i32
    %c0_i32_0 = arith.constant 0 : i32
    return %arg0, %c0_i32 : i32, i32
  }
  func.func @transform_4(%arg0: i32, %arg1: memref<32xi32, #tpu.memory_space<smem>>) -> (i32, i32) {
    %c0_i32 = arith.constant 0 : i32
    %c0_i32_0 = arith.constant 0 : i32
    return %arg0, %c0_i32 : i32, i32
  }
}

module attributes {stable_mosaic.version = 14 : i64} {
  func.func @_attn_body(%arg0: i32, %arg1: i32, %arg2: memref<32xi32, #tpu.memory_space<smem>>, %arg3: memref<128x256xbf16, #tpu.memory_space<vmem>>, %arg4: memref<1x4x2048x64xbf16, #tpu.memory_space<vmem>>, %arg5: memref<1x4x2048x64xbf16, #tpu.memory_space<vmem>>, %arg6: memref<128x128xi32, #tpu.memory_space<vmem>>, %arg7: memref<128x256xf32, #tpu.memory_space<vmem>>) attributes {dimension_semantics = [#tpu.dimension_semantics<arbitrary>, #tpu.dimension_semantics<arbitrary>], iteration_bounds = array<i64: 3, 24>, scalar_prefetch = 1 : i64, scratch_operands = 0 : i64, tpu.core_type = #tpu.core_type<tc>, window_params = [{transform_indices = @transform_0, window_bounds = array<i64: 128, 256>}, {transform_indices = @transform_1, window_bounds = array<i64: 1, 4, 2048, 64>}, {transform_indices = @transform_2, window_bounds = array<i64: 1, 4, 2048, 64>}, {transform_indices = @transform_3, window_bounds = array<i64: 128, 128>}, {transform_indices = @transform_4, window_bounds = array<i64: 128, 256>}]} {
    %get3A = arith.constant 0 : index
    %get3A_0 = arith.constant 0 : index
    %get3A_1 = vector.load %arg6[%get3A, %get3A_0] : memref<128x128xi32, #tpu.memory_space<vmem>>, vector<128x1xi32>
    %iota3A = tpu.iota {dimensions = array<i32: 1>} : vector<128x2048xi32>
    %le3A = vector.broadcast %get3A_1 : vector<128x1xi32> to vector<128x2048xi32>
    %le3A_2 = arith.cmpi sle, %iota3A, %le3A : vector<128x2048xi32>
    %get3A_3 = arith.constant 0 : index
    %get3A_4 = arith.constant 0 : index
    %get3A_5 = vector.load %arg3[%get3A_3, %get3A_4] : memref<128x256xbf16, #tpu.memory_space<vmem>>, vector<128x64xbf16>
    %get3A_6 = arith.constant 0 : index
    %get3A_7 = arith.constant 0 : index
    %get3A_8 = arith.constant 0 : index
    %get3A_9 = arith.constant 0 : index
    %get3A_10 = vector.load %arg4[%get3A_6, %get3A_7, %get3A_8, %get3A_9] : memref<1x4x2048x64xbf16, #tpu.memory_space<vmem>>, vector<1x1x2048x64xbf16>
    %get3A_11 = vector.shape_cast %get3A_10 : vector<1x1x2048x64xbf16> to vector<2048x64xbf16>
    %dot_general3A = arith.constant dense<0.000000e+00> : vector<128x2048xf32>
    %dot_general3A_12 = tpu.matmul %get3A_5, %get3A_11, %dot_general3A {dimension_numbers = #tpu.dot_dimension_numbers<[1], [1], [0], [0], [0, 0, 1, 0], [], []>, transpose_lhs_hint = false} : vector<128x64xbf16>, vector<2048x64xbf16>, vector<128x2048xf32> -> vector<128x2048xf32>
    %jit3A = arith.constant -1.000000e+09 : f32
    %broadcast_in_dim3A = vector.broadcast %jit3A : f32 to vector<128x2048xf32>
    %select_n3A = arith.select %le3A_2, %dot_general3A_12, %broadcast_in_dim3A : vector<128x2048xi1>, vector<128x2048xf32>
    %reduce_max3A = arith.constant dense<0xFF800000> : vector<128xf32>
    %reduce_max3A_13 = vector.multi_reduction <maximumf>, %select_n3A, %reduce_max3A [1] : vector<128x2048xf32> to vector<128xf32>
    %broadcast_in_dim3A_14 = vector.shape_cast %reduce_max3A_13 : vector<128xf32> to vector<128x1xf32>
    %sub3A = vector.broadcast %broadcast_in_dim3A_14 : vector<128x1xf32> to vector<128x2048xf32>
    %sub3A_15 = arith.subf %select_n3A, %sub3A : vector<128x2048xf32>
    %exp3A = math.exp %sub3A_15 : vector<128x2048xf32>
    %reduce_sum3A = arith.constant dense<0.000000e+00> : vector<128xf32>
    %reduce_sum3A_16 = vector.multi_reduction <add>, %exp3A, %reduce_sum3A [1] : vector<128x2048xf32> to vector<128xf32>
    %broadcast_in_dim3A_17 = vector.shape_cast %reduce_sum3A_16 : vector<128xf32> to vector<128x1xf32>
    %div3A = arith.constant 1.000000e+00 : f32
    %div3A_18 = vector.broadcast %div3A : f32 to vector<128x1xf32>
    %div3A_19 = arith.divf %div3A_18, %broadcast_in_dim3A_17 : vector<128x1xf32>
    %mul3A = vector.broadcast %div3A_19 : vector<128x1xf32> to vector<128x2048xf32>
    %mul3A_20 = arith.mulf %exp3A, %mul3A : vector<128x2048xf32>
    %convert_element_type3A = arith.truncf %mul3A_20 : vector<128x2048xf32> to vector<128x2048xbf16>
    %get3A_21 = arith.constant 0 : index
    %get3A_22 = arith.constant 0 : index
    %get3A_23 = arith.constant 0 : index
    %get3A_24 = arith.constant 0 : index
    %get3A_25 = vector.load %arg5[%get3A_21, %get3A_22, %get3A_23, %get3A_24] : memref<1x4x2048x64xbf16, #tpu.memory_space<vmem>>, vector<1x1x2048x64xbf16>
    %get3A_26 = vector.shape_cast %get3A_25 : vector<1x1x2048x64xbf16> to vector<2048x64xbf16>
    %dot_general3A_27 = arith.constant dense<0.000000e+00> : vector<128x64xf32>
    %dot_general3A_28 = tpu.matmul %convert_element_type3A, %get3A_26, %dot_general3A_27 {dimension_numbers = #tpu.dot_dimension_numbers<[1], [0], [0], [1], [0, 0, 1, 1], [], []>, transpose_lhs_hint = false} : vector<128x2048xbf16>, vector<2048x64xbf16>, vector<128x64xf32> -> vector<128x64xf32>
    %swap3A = arith.constant 0 : index
    %swap3A_29 = arith.constant 0 : index
    %swap3A_30 = vector.load %arg7[%swap3A, %swap3A_29] : memref<128x256xf32, #tpu.memory_space<vmem>>, vector<128x64xf32>
    tpu.vector_store %arg7[%swap3A, %swap3A_29], %dot_general3A_28 {strides = array<i32>} : memref<128x256xf32, #tpu.memory_space<vmem>>, vector<128x64xf32>,
    %get3A_31 = arith.constant 0 : index
    %get3A_32 = arith.constant 64 : index
    %get3A_33 = vector.load %arg3[%get3A_31, %get3A_32] : memref<128x256xbf16, #tpu.memory_space<vmem>>, vector<128x64xbf16>
    %get3A_34 = arith.constant 0 : index
    %get3A_35 = arith.constant 1 : index
    %get3A_36 = arith.constant 0 : index
    %get3A_37 = arith.constant 0 : index
    %get3A_38 = vector.load %arg4[%get3A_34, %get3A_35, %get3A_36, %get3A_37] : memref<1x4x2048x64xbf16, #tpu.memory_space<vmem>>, vector<1x1x2048x64xbf16>
    %get3A_39 = vector.shape_cast %get3A_38 : vector<1x1x2048x64xbf16> to vector<2048x64xbf16>
    %dot_general3A_40 = arith.constant dense<0.000000e+00> : vector<128x2048xf32>
    %dot_general3A_41 = tpu.matmul %get3A_33, %get3A_39, %dot_general3A_40 {dimension_numbers = #tpu.dot_dimension_numbers<[1], [1], [0], [0], [0, 0, 1, 0], [], []>, transpose_lhs_hint = false} : vector<128x64xbf16>, vector<2048x64xbf16>, vector<128x2048xf32> -> vector<128x2048xf32>
    %jit3A_42 = arith.constant -1.000000e+09 : f32
    %broadcast_in_dim3A_43 = vector.broadcast %jit3A_42 : f32 to vector<128x2048xf32>
    %select_n3A_44 = arith.select %le3A_2, %dot_general3A_41, %broadcast_in_dim3A_43 : vector<128x2048xi1>, vector<128x2048xf32>
    %reduce_max3A_45 = arith.constant dense<0xFF800000> : vector<128xf32>
    %reduce_max3A_46 = vector.multi_reduction <maximumf>, %select_n3A_44, %reduce_max3A_45 [1] : vector<128x2048xf32> to vector<128xf32>
    %broadcast_in_dim3A_47 = vector.shape_cast %reduce_max3A_46 : vector<128xf32> to vector<128x1xf32>
    %sub3A_48 = vector.broadcast %broadcast_in_dim3A_47 : vector<128x1xf32> to vector<128x2048xf32>
    %sub3A_49 = arith.subf %select_n3A_44, %sub3A_48 : vector<128x2048xf32>
    %exp3A_50 = math.exp %sub3A_49 : vector<128x2048xf32>
    %reduce_sum3A_51 = arith.constant dense<0.000000e+00> : vector<128xf32>
    %reduce_sum3A_52 = vector.multi_reduction <add>, %exp3A_50, %reduce_sum3A_51 [1] : vector<128x2048xf32> to vector<128xf32>
    %broadcast_in_dim3A_53 = vector.shape_cast %reduce_sum3A_52 : vector<128xf32> to vector<128x1xf32>
    %div3A_54 = arith.constant 1.000000e+00 : f32
    %div3A_55 = vector.broadcast %div3A_54 : f32 to vector<128x1xf32>
    %div3A_56 = arith.divf %div3A_55, %broadcast_in_dim3A_53 : vector<128x1xf32>
    %mul3A_57 = vector.broadcast %div3A_56 : vector<128x1xf32> to vector<128x2048xf32>
    %mul3A_58 = arith.mulf %exp3A_50, %mul3A_57 : vector<128x2048xf32>
    %convert_element_type3A_59 = arith.truncf %mul3A_58 : vector<128x2048xf32> to vector<128x2048xbf16>
    %get3A_60 = arith.constant 0 : index
    %get3A_61 = arith.constant 1 : index
    %get3A_62 = arith.constant 0 : index
    %get3A_63 = arith.constant 0 : index
    %get3A_64 = vector.load %arg5[%get3A_60, %get3A_61, %get3A_62, %get3A_63] : memref<1x4x2048x64xbf16, #tpu.memory_space<vmem>>, vector<1x1x2048x64xbf16>
    %get3A_65 = vector.shape_cast %get3A_64 : vector<1x1x2048x64xbf16> to vector<2048x64xbf16>
    %dot_general3A_66 = arith.constant dense<0.000000e+00> : vector<128x64xf32>
    %dot_general3A_67 = tpu.matmul %convert_element_type3A_59, %get3A_65, %dot_general3A_66 {dimension_numbers = #tpu.dot_dimension_numbers<[1], [0], [0], [1], [0, 0, 1, 1], [], []>, transpose_lhs_hint = false} : vector<128x2048xbf16>, vector<2048x64xbf16>, vector<128x64xf32> -> vector<128x64xf32>
    %swap3A_68 = arith.constant 0 : index
    %swap3A_69 = arith.constant 64 : index
    %swap3A_70 = vector.load %arg7[%swap3A_68, %swap3A_69] : memref<128x256xf32, #tpu.memory_space<vmem>>, vector<128x64xf32>
    tpu.vector_store %arg7[%swap3A_68, %swap3A_69], %dot_general3A_67 {strides = array<i32>} : memref<128x256xf32, #tpu.memory_space<vmem>>, vector<128x64xf32>,
    %get3A_71 = arith.constant 0 : index
    %get3A_72 = arith.constant 128 : index
    %get3A_73 = vector.load %arg3[%get3A_71, %get3A_72] : memref<128x256xbf16, #tpu.memory_space<vmem>>, vector<128x64xbf16>
    %get3A_74 = arith.constant 0 : index
    %get3A_75 = arith.constant 2 : index
    %get3A_76 = arith.constant 0 : index
    %get3A_77 = arith.constant 0 : index
    %get3A_78 = vector.load %arg4[%get3A_74, %get3A_75, %get3A_76, %get3A_77] : memref<1x4x2048x64xbf16, #tpu.memory_space<vmem>>, vector<1x1x2048x64xbf16>
    %get3A_79 = vector.shape_cast %get3A_78 : vector<1x1x2048x64xbf16> to vector<2048x64xbf16>
    %dot_general3A_80 = arith.constant dense<0.000000e+00> : vector<128x2048xf32>
    %dot_general3A_81 = tpu.matmul %get3A_73, %get3A_79, %dot_general3A_80 {dimension_numbers = #tpu.dot_dimension_numbers<[1], [1], [0], [0], [0, 0, 1, 0], [], []>, transpose_lhs_hint = false} : vector<128x64xbf16>, vector<2048x64xbf16>, vector<128x2048xf32> -> vector<128x2048xf32>
    %jit3A_82 = arith.constant -1.000000e+09 : f32
    %broadcast_in_dim3A_83 = vector.broadcast %jit3A_82 : f32 to vector<128x2048xf32>
    %select_n3A_84 = arith.select %le3A_2, %dot_general3A_81, %broadcast_in_dim3A_83 : vector<128x2048xi1>, vector<128x2048xf32>
    %reduce_max3A_85 = arith.constant dense<0xFF800000> : vector<128xf32>
    %reduce_max3A_86 = vector.multi_reduction <maximumf>, %select_n3A_84, %reduce_max3A_85 [1] : vector<128x2048xf32> to vector<128xf32>
    %broadcast_in_dim3A_87 = vector.shape_cast %reduce_max3A_86 : vector<128xf32> to vector<128x1xf32>
    %sub3A_88 = vector.broadcast %broadcast_in_dim3A_87 : vector<128x1xf32> to vector<128x2048xf32>
    %sub3A_89 = arith.subf %select_n3A_84, %sub3A_88 : vector<128x2048xf32>
    %exp3A_90 = math.exp %sub3A_89 : vector<128x2048xf32>
    %reduce_sum3A_91 = arith.constant dense<0.000000e+00> : vector<128xf32>
    %reduce_sum3A_92 = vector.multi_reduction <add>, %exp3A_90, %reduce_sum3A_91 [1] : vector<128x2048xf32> to vector<128xf32>
    %broadcast_in_dim3A_93 = vector.shape_cast %reduce_sum3A_92 : vector<128xf32> to vector<128x1xf32>
    %div3A_94 = arith.constant 1.000000e+00 : f32
    %div3A_95 = vector.broadcast %div3A_94 : f32 to vector<128x1xf32>
    %div3A_96 = arith.divf %div3A_95, %broadcast_in_dim3A_93 : vector<128x1xf32>
    %mul3A_97 = vector.broadcast %div3A_96 : vector<128x1xf32> to vector<128x2048xf32>
    %mul3A_98 = arith.mulf %exp3A_90, %mul3A_97 : vector<128x2048xf32>
    %convert_element_type3A_99 = arith.truncf %mul3A_98 : vector<128x2048xf32> to vector<128x2048xbf16>
    %get3A_100 = arith.constant 0 : index
    %get3A_101 = arith.constant 2 : index
    %get3A_102 = arith.constant 0 : index
    %get3A_103 = arith.constant 0 : index
    %get3A_104 = vector.load %arg5[%get3A_100, %get3A_101, %get3A_102, %get3A_103] : memref<1x4x2048x64xbf16, #tpu.memory_space<vmem>>, vector<1x1x2048x64xbf16>
    %get3A_105 = vector.shape_cast %get3A_104 : vector<1x1x2048x64xbf16> to vector<2048x64xbf16>
    %dot_general3A_106 = arith.constant dense<0.000000e+00> : vector<128x64xf32>
    %dot_general3A_107 = tpu.matmul %convert_element_type3A_99, %get3A_105, %dot_general3A_106 {dimension_numbers = #tpu.dot_dimension_numbers<[1], [0], [0], [1], [0, 0, 1, 1], [], []>, transpose_lhs_hint = false} : vector<128x2048xbf16>, vector<2048x64xbf16>, vector<128x64xf32> -> vector<128x64xf32>
    %swap3A_108 = arith.constant 0 : index
    %swap3A_109 = arith.constant 128 : index
    %swap3A_110 = vector.load %arg7[%swap3A_108, %swap3A_109] : memref<128x256xf32, #tpu.memory_space<vmem>>, vector<128x64xf32>
    tpu.vector_store %arg7[%swap3A_108, %swap3A_109], %dot_general3A_107 {strides = array<i32>} : memref<128x256xf32, #tpu.memory_space<vmem>>, vector<128x64xf32>,
    %get3A_111 = arith.constant 0 : index
    %get3A_112 = arith.constant 192 : index
    %get3A_113 = vector.load %arg3[%get3A_111, %get3A_112] : memref<128x256xbf16, #tpu.memory_space<vmem>>, vector<128x64xbf16>
    %get3A_114 = arith.constant 0 : index
    %get3A_115 = arith.constant 3 : index
    %get3A_116 = arith.constant 0 : index
    %get3A_117 = arith.constant 0 : index
    %get3A_118 = vector.load %arg4[%get3A_114, %get3A_115, %get3A_116, %get3A_117] : memref<1x4x2048x64xbf16, #tpu.memory_space<vmem>>, vector<1x1x2048x64xbf16>
    %get3A_119 = vector.shape_cast %get3A_118 : vector<1x1x2048x64xbf16> to vector<2048x64xbf16>
    %dot_general3A_120 = arith.constant dense<0.000000e+00> : vector<128x2048xf32>
    %dot_general3A_121 = tpu.matmul %get3A_113, %get3A_119, %dot_general3A_120 {dimension_numbers = #tpu.dot_dimension_numbers<[1], [1], [0], [0], [0, 0, 1, 0], [], []>, transpose_lhs_hint = false} : vector<128x64xbf16>, vector<2048x64xbf16>, vector<128x2048xf32> -> vector<128x2048xf32>
    %jit3A_122 = arith.constant -1.000000e+09 : f32
    %broadcast_in_dim3A_123 = vector.broadcast %jit3A_122 : f32 to vector<128x2048xf32>
    %select_n3A_124 = arith.select %le3A_2, %dot_general3A_121, %broadcast_in_dim3A_123 : vector<128x2048xi1>, vector<128x2048xf32>
    %reduce_max3A_125 = arith.constant dense<0xFF800000> : vector<128xf32>
    %reduce_max3A_126 = vector.multi_reduction <maximumf>, %select_n3A_124, %reduce_max3A_125 [1] : vector<128x2048xf32> to vector<128xf32>
    %broadcast_in_dim3A_127 = vector.shape_cast %reduce_max3A_126 : vector<128xf32> to vector<128x1xf32>
    %sub3A_128 = vector.broadcast %broadcast_in_dim3A_127 : vector<128x1xf32> to vector<128x2048xf32>
    %sub3A_129 = arith.subf %select_n3A_124, %sub3A_128 : vector<128x2048xf32>
    %exp3A_130 = math.exp %sub3A_129 : vector<128x2048xf32>
    %reduce_sum3A_131 = arith.constant dense<0.000000e+00> : vector<128xf32>
    %reduce_sum3A_132 = vector.multi_reduction <add>, %exp3A_130, %reduce_sum3A_131 [1] : vector<128x2048xf32> to vector<128xf32>
    %broadcast_in_dim3A_133 = vector.shape_cast %reduce_sum3A_132 : vector<128xf32> to vector<128x1xf32>
    %div3A_134 = arith.constant 1.000000e+00 : f32
    %div3A_135 = vector.broadcast %div3A_134 : f32 to vector<128x1xf32>
    %div3A_136 = arith.divf %div3A_135, %broadcast_in_dim3A_133 : vector<128x1xf32>
    %mul3A_137 = vector.broadcast %div3A_136 : vector<128x1xf32> to vector<128x2048xf32>
    %mul3A_138 = arith.mulf %exp3A_130, %mul3A_137 : vector<128x2048xf32>
    %convert_element_type3A_139 = arith.truncf %mul3A_138 : vector<128x2048xf32> to vector<128x2048xbf16>
    %get3A_140 = arith.constant 0 : index
    %get3A_141 = arith.constant 3 : index
    %get3A_142 = arith.constant 0 : index
    %get3A_143 = arith.constant 0 : index
    %get3A_144 = vector.load %arg5[%get3A_140, %get3A_141, %get3A_142, %get3A_143] : memref<1x4x2048x64xbf16, #tpu.memory_space<vmem>>, vector<1x1x2048x64xbf16>
    %get3A_145 = vector.shape_cast %get3A_144 : vector<1x1x2048x64xbf16> to vector<2048x64xbf16>
    %dot_general3A_146 = arith.constant dense<0.000000e+00> : vector<128x64xf32>
    %dot_general3A_147 = tpu.matmul %convert_element_type3A_139, %get3A_145, %dot_general3A_146 {dimension_numbers = #tpu.dot_dimension_numbers<[1], [0], [0], [1], [0, 0, 1, 1], [], []>, transpose_lhs_hint = false} : vector<128x2048xbf16>, vector<2048x64xbf16>, vector<128x64xf32> -> vector<128x64xf32>
    %swap3A_148 = arith.constant 0 : index
    %swap3A_149 = arith.constant 192 : index
    %swap3A_150 = vector.load %arg7[%swap3A_148, %swap3A_149] : memref<128x256xf32, #tpu.memory_space<vmem>>, vector<128x64xf32>
    tpu.vector_store %arg7[%swap3A_148, %swap3A_149], %dot_general3A_147 {strides = array<i32>} : memref<128x256xf32, #tpu.memory_space<vmem>>, vector<128x64xf32>,
    return
  }
  func.func @transform_0(%arg0: i32, %arg1: i32, %arg2: memref<32xi32, #tpu.memory_space<smem>>) -> (i32, i32) {
    %c0_i32 = arith.constant 0 : i32
    return %arg1, %arg0 : i32, i32
  }
  func.func @transform_1(%arg0: i32, %arg1: i32, %arg2: memref<32xi32, #tpu.memory_space<smem>>) -> (i32, i32, i32, i32) {
    %get3A = arith.index_cast %arg1 : i32 to index
    %get3A_0 = memref.load %arg2[%get3A] : memref<32xi32, #tpu.memory_space<smem>>
    %c0_i32 = arith.constant 0 : i32
    %c0_i32_1 = arith.constant 0 : i32
    %c0_i32_2 = arith.constant 0 : i32
    return %get3A_0, %arg0, %c0_i32, %c0_i32_1 : i32, i32, i32, i32
  }
  func.func @transform_2(%arg0: i32, %arg1: i32, %arg2: memref<32xi32, #tpu.memory_space<smem>>) -> (i32, i32, i32, i32) {
    %get3A = arith.index_cast %arg1 : i32 to index
    %get3A_0 = memref.load %arg2[%get3A] : memref<32xi32, #tpu.memory_space<smem>>
    %c0_i32 = arith.constant 0 : i32
    %c0_i32_1 = arith.constant 0 : i32
    %c0_i32_2 = arith.constant 0 : i32
    return %get3A_0, %arg0, %c0_i32, %c0_i32_1 : i32, i32, i32, i32
  }
  func.func @transform_3(%arg0: i32, %arg1: i32, %arg2: memref<32xi32, #tpu.memory_space<smem>>) -> (i32, i32) {
    %c0_i32 = arith.constant 0 : i32
    %c0_i32_0 = arith.constant 0 : i32
    return %arg1, %c0_i32 : i32, i32
  }
  func.func @transform_4(%arg0: i32, %arg1: i32, %arg2: memref<32xi32, #tpu.memory_space<smem>>) -> (i32, i32) {
    %c0_i32 = arith.constant 0 : i32
    return %arg1, %arg0 : i32, i32
  }
}

module attributes {stable_mosaic.version = 14 : i64} {
  func.func @_mlp_body(%arg0: i32, %arg1: i32, %arg2: memref<32xi32, #tpu.memory_space<smem>>, %arg3: memref<128x768xf32, #tpu.memory_space<vmem>>, %arg4: memref<1x768x768xf32, #tpu.memory_space<vmem>>, %arg5: memref<1x1x768xf32, #tpu.memory_space<vmem>>, %arg6: memref<128x768xf32, #tpu.memory_space<vmem>>, %arg7: memref<1x512x768xf32, #tpu.memory_space<vmem>>, %arg8: memref<1x512x768xf32, #tpu.memory_space<vmem>>, %arg9: memref<1x768x512xf32, #tpu.memory_space<vmem>>, %arg10: memref<1x1x768xf32, #tpu.memory_space<vmem>>, %arg11: memref<128x128xf32, #tpu.memory_space<vmem>>, %arg12: memref<128x768xf32, #tpu.memory_space<vmem>>, %arg13: memref<128x768xf32, #tpu.memory_space<vmem>>, %arg14: memref<128x768xf32, #tpu.memory_space<vmem>>) attributes {dimension_semantics = [#tpu.dimension_semantics<arbitrary>, #tpu.dimension_semantics<arbitrary>], iteration_bounds = array<i64: 24, 4>, scalar_prefetch = 1 : i64, scratch_operands = 2 : i64, tpu.core_type = #tpu.core_type<tc>, window_params = [{transform_indices = @transform_0, window_bounds = array<i64: 128, 768>}, {transform_indices = @transform_1, window_bounds = array<i64: 1, 768, 768>}, {transform_indices = @transform_2, window_bounds = array<i64: 1, 1, 768>}, {transform_indices = @transform_3, window_bounds = array<i64: 128, 768>}, {transform_indices = @transform_4, window_bounds = array<i64: 1, 512, 768>}, {transform_indices = @transform_5, window_bounds = array<i64: 1, 512, 768>}, {transform_indices = @transform_6, window_bounds = array<i64: 1, 768, 512>}, {transform_indices = @transform_7, window_bounds = array<i64: 1, 1, 768>}, {transform_indices = @transform_8, window_bounds = array<i64: 128, 128>}, {transform_indices = @transform_9, window_bounds = array<i64: 128, 768>}]} {
    %eq3A = arith.constant 0 : i32
    %eq3A_0 = arith.cmpi eq, %arg1, %eq3A : i32
    %convert_element_type3A = arith.extui %eq3A_0 : i1 to i32
    %cond3A = arith.constant 0 : i32
    %cond3A_1 = arith.cmpi ne, %convert_element_type3A, %cond3A : i32
    scf.if %cond3A_1 {
      %get3A_49 = arith.constant 0 : index
      %get3A_50 = arith.constant 0 : index
      %get3A_51 = vector.load %arg3[%get3A_49, %get3A_50] : memref<128x768xf32, #tpu.memory_space<vmem>>, vector<128x768xf32>
      %convert_element_type3A_52 = arith.truncf %get3A_51 : vector<128x768xf32> to vector<128x768xbf16>
      %get3A_53 = arith.constant 0 : index
      %get3A_54 = arith.constant 0 : index
      %get3A_55 = arith.constant 0 : index
      %get3A_56 = vector.load %arg4[%get3A_53, %get3A_54, %get3A_55] : memref<1x768x768xf32, #tpu.memory_space<vmem>>, vector<1x768x768xf32>
      %get3A_57 = vector.shape_cast %get3A_56 : vector<1x768x768xf32> to vector<768x768xf32>
      %convert_element_type3A_58 = arith.truncf %get3A_57 : vector<768x768xf32> to vector<768x768xbf16>
      %dot_general3A_59 = arith.constant dense<0.000000e+00> : vector<128x768xf32>
      %dot_general3A_60 = tpu.matmul %convert_element_type3A_52, %convert_element_type3A_58, %dot_general3A_59 {dimension_numbers = #tpu.dot_dimension_numbers<[1], [1], [0], [0], [0, 0, 1, 0], [], []>, transpose_lhs_hint = false} : vector<128x768xbf16>, vector<768x768xbf16>, vector<128x768xf32> -> vector<128x768xf32>
      %get3A_61 = arith.constant 0 : index
      %get3A_62 = arith.constant 0 : index
      %get3A_63 = vector.load %arg6[%get3A_61, %get3A_62] : memref<128x768xf32, #tpu.memory_space<vmem>>, vector<128x768xf32>
      %get3A_64 = arith.constant 0 : index
      %get3A_65 = arith.constant 0 : index
      %get3A_66 = arith.constant 0 : index
      %get3A_67 = vector.load %arg5[%get3A_64, %get3A_65, %get3A_66] : memref<1x1x768xf32, #tpu.memory_space<vmem>>, vector<1x1x768xf32>
      %get3A_68 = vector.shape_cast %get3A_67 : vector<1x1x768xf32> to vector<1x768xf32>
      %integer_pow3A = arith.mulf %dot_general3A_60, %dot_general3A_60 : vector<128x768xf32>
      %reduce_sum3A = arith.constant dense<0.000000e+00> : vector<128xf32>
      %reduce_sum3A_69 = vector.multi_reduction <add>, %integer_pow3A, %reduce_sum3A [1] : vector<128x768xf32> to vector<128xf32>
      %broadcast_in_dim3A = vector.shape_cast %reduce_sum3A_69 : vector<128xf32> to vector<128x1xf32>
      %div3A = arith.constant 7.680000e+02 : f32
      %div3A_70 = vector.broadcast %div3A : f32 to vector<128x1xf32>
      %div3A_71 = arith.divf %broadcast_in_dim3A, %div3A_70 : vector<128x1xf32>
      %add3A = arith.constant 9.99999974E-6 : f32
      %add3A_72 = vector.broadcast %add3A : f32 to vector<128x1xf32>
      %add3A_73 = arith.addf %div3A_71, %add3A_72 : vector<128x1xf32>
      %rsqrt3A = math.rsqrt %add3A_73 : vector<128x1xf32>
      %mul3A_74 = vector.broadcast %rsqrt3A : vector<128x1xf32> to vector<128x768xf32>
      %mul3A_75 = arith.mulf %dot_general3A_60, %mul3A_74 : vector<128x768xf32>
      %mul3A_76 = vector.broadcast %get3A_68 : vector<1x768xf32> to vector<128x768xf32>
      %mul3A_77 = arith.mulf %mul3A_75, %mul3A_76 : vector<128x768xf32>
      %add3A_78 = arith.addf %get3A_63, %mul3A_77 : vector<128x768xf32>
      %swap3A = arith.constant 0 : index
      %swap3A_79 = arith.constant 0 : index
      %swap3A_80 = vector.load %arg13[%swap3A, %swap3A_79] : memref<128x768xf32, #tpu.memory_space<vmem>>, vector<128x768xf32>
      tpu.vector_store %arg13[%swap3A, %swap3A_79], %add3A_78 {strides = array<i32>} : memref<128x768xf32, #tpu.memory_space<vmem>>, vector<128x768xf32>,
    } else {
    }
    %get3A = arith.constant 0 : index
    %get3A_2 = arith.constant 0 : index
    %get3A_3 = vector.load %arg13[%get3A, %get3A_2] : memref<128x768xf32, #tpu.memory_space<vmem>>, vector<128x768xf32>
    %convert_element_type3A_4 = arith.truncf %get3A_3 : vector<128x768xf32> to vector<128x768xbf16>
    %get3A_5 = arith.constant 0 : index
    %get3A_6 = arith.constant 0 : index
    %get3A_7 = arith.constant 0 : index
    %get3A_8 = vector.load %arg7[%get3A_5, %get3A_6, %get3A_7] : memref<1x512x768xf32, #tpu.memory_space<vmem>>, vector<1x512x768xf32>
    %get3A_9 = vector.shape_cast %get3A_8 : vector<1x512x768xf32> to vector<512x768xf32>
    %convert_element_type3A_10 = arith.truncf %get3A_9 : vector<512x768xf32> to vector<512x768xbf16>
    %dot_general3A = arith.constant dense<0.000000e+00> : vector<128x512xf32>
    %dot_general3A_11 = tpu.matmul %convert_element_type3A_4, %convert_element_type3A_10, %dot_general3A {dimension_numbers = #tpu.dot_dimension_numbers<[1], [1], [0], [0], [0, 0, 1, 0], [], []>, transpose_lhs_hint = false} : vector<128x768xbf16>, vector<512x768xbf16>, vector<128x512xf32> -> vector<128x512xf32>
    %logistic3A = arith.negf %dot_general3A_11 : vector<128x512xf32>
    %logistic3A_12 = math.exp %logistic3A : vector<128x512xf32>
    %logistic3A_13 = arith.constant 1.000000e+00 : f32
    %logistic3A_14 = vector.broadcast %logistic3A_13 : f32 to vector<128x512xf32>
    %logistic3A_15 = arith.addf %logistic3A_14, %logistic3A_12 : vector<128x512xf32>
    %logistic3A_16 = arith.divf %logistic3A_14, %logistic3A_15 : vector<128x512xf32>
    %mul3A = arith.mulf %dot_general3A_11, %logistic3A_16 : vector<128x512xf32>
    %get3A_17 = arith.constant 0 : index
    %get3A_18 = arith.constant 0 : index
    %get3A_19 = arith.constant 0 : index
    %get3A_20 = vector.load %arg8[%get3A_17, %get3A_18, %get3A_19] : memref<1x512x768xf32, #tpu.memory_space<vmem>>, vector<1x512x768xf32>
    %get3A_21 = vector.shape_cast %get3A_20 : vector<1x512x768xf32> to vector<512x768xf32>
    %convert_element_type3A_22 = arith.truncf %get3A_21 : vector<512x768xf32> to vector<512x768xbf16>
    %dot_general3A_23 = arith.constant dense<0.000000e+00> : vector<128x512xf32>
    %dot_general3A_24 = tpu.matmul %convert_element_type3A_4, %convert_element_type3A_22, %dot_general3A_23 {dimension_numbers = #tpu.dot_dimension_numbers<[1], [1], [0], [0], [0, 0, 1, 0], [], []>, transpose_lhs_hint = false} : vector<128x768xbf16>, vector<512x768xbf16>, vector<128x512xf32> -> vector<128x512xf32>
    %mul3A_25 = arith.mulf %mul3A, %dot_general3A_24 : vector<128x512xf32>
    %convert_element_type3A_26 = arith.truncf %mul3A_25 : vector<128x512xf32> to vector<128x512xbf16>
    %get3A_27 = arith.constant 0 : index
    %get3A_28 = arith.constant 0 : index
    %get3A_29 = arith.constant 0 : index
    %get3A_30 = vector.load %arg9[%get3A_27, %get3A_28, %get3A_29] : memref<1x768x512xf32, #tpu.memory_space<vmem>>, vector<1x768x512xf32>
    %get3A_31 = vector.shape_cast %get3A_30 : vector<1x768x512xf32> to vector<768x512xf32>
    %convert_element_type3A_32 = arith.truncf %get3A_31 : vector<768x512xf32> to vector<768x512xbf16>
    %dot_general3A_33 = arith.constant dense<0.000000e+00> : vector<128x768xf32>
    %dot_general3A_34 = tpu.matmul %convert_element_type3A_26, %convert_element_type3A_32, %dot_general3A_33 {dimension_numbers = #tpu.dot_dimension_numbers<[1], [1], [0], [0], [0, 0, 1, 0], [], []>, transpose_lhs_hint = false} : vector<128x512xbf16>, vector<768x512xbf16>, vector<128x768xf32> -> vector<128x768xf32>
    %eq3A_35 = arith.constant 0 : i32
    %eq3A_36 = arith.cmpi eq, %arg1, %eq3A_35 : i32
    %convert_element_type3A_37 = arith.extui %eq3A_36 : i1 to i32
    %cond3A_38 = arith.constant 0 : i32
    %cond3A_39 = arith.cmpi ne, %convert_element_type3A_37, %cond3A_38 : i32
    scf.if %cond3A_39 {
      %swap3A = arith.constant 0 : index
      %swap3A_49 = arith.constant 0 : index
      %swap3A_50 = vector.load %arg14[%swap3A, %swap3A_49] : memref<128x768xf32, #tpu.memory_space<vmem>>, vector<128x768xf32>
      tpu.vector_store %arg14[%swap3A, %swap3A_49], %dot_general3A_34 {strides = array<i32>} : memref<128x768xf32, #tpu.memory_space<vmem>>, vector<128x768xf32>,
    } else {
    }
    %gt3A = arith.constant 0 : i32
    %gt3A_40 = arith.cmpi sgt, %arg1, %gt3A : i32
    %convert_element_type3A_41 = arith.extui %gt3A_40 : i1 to i32
    %cond3A_42 = arith.constant 0 : i32
    %cond3A_43 = arith.cmpi ne, %convert_element_type3A_41, %cond3A_42 : i32
    scf.if %cond3A_43 {
      %get3A_49 = arith.constant 0 : index
      %get3A_50 = arith.constant 0 : index
      %get3A_51 = vector.load %arg14[%get3A_49, %get3A_50] : memref<128x768xf32, #tpu.memory_space<vmem>>, vector<128x768xf32>
      %add3A = arith.addf %get3A_51, %dot_general3A_34 : vector<128x768xf32>
      %swap3A = arith.constant 0 : index
      %swap3A_52 = arith.constant 0 : index
      %swap3A_53 = vector.load %arg14[%swap3A, %swap3A_52] : memref<128x768xf32, #tpu.memory_space<vmem>>, vector<128x768xf32>
      tpu.vector_store %arg14[%swap3A, %swap3A_52], %add3A {strides = array<i32>} : memref<128x768xf32, #tpu.memory_space<vmem>>, vector<128x768xf32>,
    } else {
    }
    %eq3A_44 = arith.constant 3 : i32
    %eq3A_45 = arith.cmpi eq, %arg1, %eq3A_44 : i32
    %convert_element_type3A_46 = arith.extui %eq3A_45 : i1 to i32
    %cond3A_47 = arith.constant 0 : i32
    %cond3A_48 = arith.cmpi ne, %convert_element_type3A_46, %cond3A_47 : i32
    scf.if %cond3A_48 {
      %get3A_49 = arith.constant 0 : index
      %get3A_50 = arith.constant 0 : index
      %get3A_51 = vector.load %arg14[%get3A_49, %get3A_50] : memref<128x768xf32, #tpu.memory_space<vmem>>, vector<128x768xf32>
      %get3A_52 = arith.constant 0 : index
      %get3A_53 = arith.constant 0 : index
      %get3A_54 = arith.constant 0 : index
      %get3A_55 = vector.load %arg10[%get3A_52, %get3A_53, %get3A_54] : memref<1x1x768xf32, #tpu.memory_space<vmem>>, vector<1x1x768xf32>
      %get3A_56 = vector.shape_cast %get3A_55 : vector<1x1x768xf32> to vector<1x768xf32>
      %integer_pow3A = arith.mulf %get3A_51, %get3A_51 : vector<128x768xf32>
      %reduce_sum3A = arith.constant dense<0.000000e+00> : vector<128xf32>
      %reduce_sum3A_57 = vector.multi_reduction <add>, %integer_pow3A, %reduce_sum3A [1] : vector<128x768xf32> to vector<128xf32>
      %broadcast_in_dim3A = vector.shape_cast %reduce_sum3A_57 : vector<128xf32> to vector<128x1xf32>
      %div3A = arith.constant 7.680000e+02 : f32
      %div3A_58 = vector.broadcast %div3A : f32 to vector<128x1xf32>
      %div3A_59 = arith.divf %broadcast_in_dim3A, %div3A_58 : vector<128x1xf32>
      %add3A = arith.constant 9.99999974E-6 : f32
      %add3A_60 = vector.broadcast %add3A : f32 to vector<128x1xf32>
      %add3A_61 = arith.addf %div3A_59, %add3A_60 : vector<128x1xf32>
      %rsqrt3A = math.rsqrt %add3A_61 : vector<128x1xf32>
      %mul3A_62 = vector.broadcast %rsqrt3A : vector<128x1xf32> to vector<128x768xf32>
      %mul3A_63 = arith.mulf %get3A_51, %mul3A_62 : vector<128x768xf32>
      %mul3A_64 = vector.broadcast %get3A_56 : vector<1x768xf32> to vector<128x768xf32>
      %mul3A_65 = arith.mulf %mul3A_63, %mul3A_64 : vector<128x768xf32>
      %convert_element_type3A_66 = arith.extf %convert_element_type3A_4 : vector<128x768xbf16> to vector<128x768xf32>
      %add3A_67 = arith.addf %convert_element_type3A_66, %mul3A_65 : vector<128x768xf32>
      %get3A_68 = arith.constant 0 : index
      %get3A_69 = arith.constant 0 : index
      %get3A_70 = vector.load %arg11[%get3A_68, %get3A_69] : memref<128x128xf32, #tpu.memory_space<vmem>>, vector<128x1xf32>
      %mul3A_71 = vector.broadcast %get3A_70 : vector<128x1xf32> to vector<128x768xf32>
      %mul3A_72 = arith.mulf %add3A_67, %mul3A_71 : vector<128x768xf32>
      %swap3A = arith.constant 0 : index
      %swap3A_73 = arith.constant 0 : index
      %swap3A_74 = vector.load %arg12[%swap3A, %swap3A_73] : memref<128x768xf32, #tpu.memory_space<vmem>>, vector<128x768xf32>
      tpu.vector_store %arg12[%swap3A, %swap3A_73], %mul3A_72 {strides = array<i32>} : memref<128x768xf32, #tpu.memory_space<vmem>>, vector<128x768xf32>,
    } else {
    }
    return
  }
  func.func @transform_0(%arg0: i32, %arg1: i32, %arg2: memref<32xi32, #tpu.memory_space<smem>>) -> (i32, i32) {
    %c0_i32 = arith.constant 0 : i32
    %c0_i32_0 = arith.constant 0 : i32
    return %arg0, %c0_i32 : i32, i32
  }
  func.func @transform_1(%arg0: i32, %arg1: i32, %arg2: memref<32xi32, #tpu.memory_space<smem>>) -> (i32, i32, i32) {
    %get3A = arith.index_cast %arg0 : i32 to index
    %get3A_0 = memref.load %arg2[%get3A] : memref<32xi32, #tpu.memory_space<smem>>
    %c0_i32 = arith.constant 0 : i32
    %c0_i32_1 = arith.constant 0 : i32
    %c0_i32_2 = arith.constant 0 : i32
    return %get3A_0, %c0_i32, %c0_i32_1 : i32, i32, i32
  }
  func.func @transform_2(%arg0: i32, %arg1: i32, %arg2: memref<32xi32, #tpu.memory_space<smem>>) -> (i32, i32, i32) {
    %get3A = arith.index_cast %arg0 : i32 to index
    %get3A_0 = memref.load %arg2[%get3A] : memref<32xi32, #tpu.memory_space<smem>>
    %c0_i32 = arith.constant 0 : i32
    %c0_i32_1 = arith.constant 0 : i32
    %c0_i32_2 = arith.constant 0 : i32
    return %get3A_0, %c0_i32, %c0_i32_1 : i32, i32, i32
  }
  func.func @transform_3(%arg0: i32, %arg1: i32, %arg2: memref<32xi32, #tpu.memory_space<smem>>) -> (i32, i32) {
    %c0_i32 = arith.constant 0 : i32
    %c0_i32_0 = arith.constant 0 : i32
    return %arg0, %c0_i32 : i32, i32
  }
  func.func @transform_4(%arg0: i32, %arg1: i32, %arg2: memref<32xi32, #tpu.memory_space<smem>>) -> (i32, i32, i32) {
    %get3A = arith.index_cast %arg0 : i32 to index
    %get3A_0 = memref.load %arg2[%get3A] : memref<32xi32, #tpu.memory_space<smem>>
    %c0_i32 = arith.constant 0 : i32
    %c0_i32_1 = arith.constant 0 : i32
    return %get3A_0, %arg1, %c0_i32 : i32, i32, i32
  }
  func.func @transform_5(%arg0: i32, %arg1: i32, %arg2: memref<32xi32, #tpu.memory_space<smem>>) -> (i32, i32, i32) {
    %get3A = arith.index_cast %arg0 : i32 to index
    %get3A_0 = memref.load %arg2[%get3A] : memref<32xi32, #tpu.memory_space<smem>>
    %c0_i32 = arith.constant 0 : i32
    %c0_i32_1 = arith.constant 0 : i32
    return %get3A_0, %arg1, %c0_i32 : i32, i32, i32
  }
  func.func @transform_6(%arg0: i32, %arg1: i32, %arg2: memref<32xi32, #tpu.memory_space<smem>>) -> (i32, i32, i32) {
    %get3A = arith.index_cast %arg0 : i32 to index
    %get3A_0 = memref.load %arg2[%get3A] : memref<32xi32, #tpu.memory_space<smem>>
    %c0_i32 = arith.constant 0 : i32
    %c0_i32_1 = arith.constant 0 : i32
    return %get3A_0, %c0_i32, %arg1 : i32, i32, i32
  }
  func.func @transform_7(%arg0: i32, %arg1: i32, %arg2: memref<32xi32, #tpu.memory_space<smem>>) -> (i32, i32, i32) {
    %get3A = arith.index_cast %arg0 : i32 to index
    %get3A_0 = memref.load %arg2[%get3A] : memref<32xi32, #tpu.memory_space<smem>>
    %c0_i32 = arith.constant 0 : i32
    %c0_i32_1 = arith.constant 0 : i32
    %c0_i32_2 = arith.constant 0 : i32
    return %get3A_0, %c0_i32, %c0_i32_1 : i32, i32, i32
  }
  func.func @transform_8(%arg0: i32, %arg1: i32, %arg2: memref<32xi32, #tpu.memory_space<smem>>) -> (i32, i32) {
    %c0_i32 = arith.constant 0 : i32
    %c0_i32_0 = arith.constant 0 : i32
    return %arg0, %c0_i32 : i32, i32
  }
  func.func @transform_9(%arg0: i32, %arg1: i32, %arg2: memref<32xi32, #tpu.memory_space<smem>>) -> (i32, i32) {
    %c0_i32 = arith.constant 0 : i32
    %c0_i32_0 = arith.constant 0 : i32
    return %arg0, %c0_i32 : i32, i32
  }
}

</mosaic_0001>

<sc_bundles>
// kernel: kernel.10.cloned.1.call-start
scs
__scs_entry_jumppad:
0x0: {  	(pc) =	sbr.rel $0x88, $3  }
0x1: {  	(tag) =	ssettag $0x0;
	lr =	simm.s32 $0x1  }
0x2: {  	[smem:$0x3F92] =	sst lr;
	_ =	strace $0xD0000000  }
0x3: {  	_ = 	snop  }
0x4: {  	_ = 	snop  }
0x5: {  	_ = 	snop  }
0x6: {  	_ = 	snop  }
0x7: {  	_ = 	snop  }
__scs_overlays_trampoline_lowered:
0x8: {  	[smem:$0x3FA1] =	sst s0  }
0x9: {  	[smem:$0x3FA2] =	sst s1  }
0xa: {  	[smem:$0x3FA3] =	sst s2  }
0xb: {  	[smem:$0x3FA4] =	sst s3  }
0xc: {  	[smem:$0x3FA5] =	sst s4  }
0xd: {  	[smem:$0x3FA6] =	sst s5  }
0xe: {  	[smem:$0x3FA7] =	sst s6  }
0xf: {  	[smem:$0x3FA8] =	sst s7  }
0x10: {  	[smem:$0x3FA9] =	sst s8  }
0x11: {  	[smem:$0x3FAA] =	sst s9;
	s0 =	simm.s32 @!p0 $0x0  }
0x12: {  	s1 =	sld [smem:$0x3F90];
	s0 =	simm.s32 @p0 $0x1  }
0x13: {  	[smem:$0x3FAB] =	sst s0;
	s0 =	simm.s32 @!p1 $0x0  }
0x14: {  	s2 =	sld [smem:$0x3F8F];
	s0 =	simm.s32 @p1 $0x1  }
0x15: {  	[smem:$0x3FAC] =	sst s0;
	s0 =	simm.s32 @!p2 $0x0  }
0x16: {  	s3 =	sld [smem:$0x3FDB];
	s0 =	simm.s32 @p2 $0x1  }
0x17: {  	s4 =	simm.s32 $0x1BF5;
	[smem:$0x3FAE] =	sst s0  }
0x18: {  	s0 =	sld [smem:$0x3F91];
	_ =	swait.ge [sflag:s4], $0x0  }
0x19: {  	s7 =	sld [smem:$0x3F92]  }
0x1a: {  	s8 =	sadd.s32 $0xFFFFE003, lr  }
0x1b: {  	s9 =	sadd.s32 $0xFFFFFEF7, lr;
	s5 =	simm.s32 $0xFFFFFFFF;
	p2 =	slt.u32 s8, $0xFFFFF086  }
0x1c: {  	p1 =	slt.u32 s9, $0xF7A;
	s5 =	simm.s32 @!p2 $0x0  }
0x1d: {  	s5 =	simm.s32 @p1 $0x1;
	p0 =	seq.s32 s7, s2  }
0x1e: {  	s7 =	smul.u32 @!p0 $0xF7A, s2;
	p2 =	seq.s32 @!p0 s5, $0x0  }
0x1f: {  	s9 =	smul.u32 $0xF7A, s1;
	s8 =	simm.s32 @!p0 $0x1BF5;
	p2 =	por !p2, p0  }
0x20: {  	[sflag:s8] =	ssyncset.s32 @!p0 $0xFFFFF086;
	s6 =	sadd.s32 @!p0 s3, s7;
	s7 =	simm.s32 @!p0 $0x108  }
0x21: {  	s3 =	sadd.s32 s3, s9;
	s6 =	sadd.s32 @!p0 $0x88, s6;
	s7 =	simm.s32 @p2 $0x1082  }
0x22: {  	[simem:s7], [sflag:s8] =	dma.local @!p0 [hbm:s6], $0xF7A  }
0x23: {  	s9 =	sor.u32 $0xD0000000, s2;
	s6 =	simm.s32 $0x108;
	_ =	swait.ge @!p0 [sflag:s8], $0x0  }
0x24: {  	s3 =	sadd.s32 $0x88, s3;
	s6 =	simm.s32 @!p1 $0x1082;
	[sflag:s4] =	ssyncset.s32 $0xFFFFF086  }
0x25: {  	[simem:s6], [sflag:s4] =	dma.local [hbm:s3], $0xF7A  }
0x26: {  	[smem:$0x3F92] =	sst s1;
	(tag) =	ssettag s2;
	_ =	strace s9  }
0x27: {  	s1 =	sld [smem:$0x3FA2]  }
0x28: {  	s2 =	sld [smem:$0x3FA3]  }
0x29: {  	s4 =	sld [smem:$0x3FA5]  }
0x2a: {  	p0 =	seq.s32 s5, $0x0;
	s5 =	sld [smem:$0x3FA6]  }
0x2b: {  	s6 =	sld [smem:$0x3FA7]  }
0x2c: {  	s7 =	sld [smem:$0x3FA8]  }
0x2d: {  	s3 =	simm.s32 $0x108;
	s8 =	sld [smem:$0x3FA9]  }
0x2e: {  	s3 =	simm.s32 @!p0 $0x1082;
	s9 =	sld [smem:$0x3FAA]  }
0x2f: {  	lr =	sadd.s32 s0, s3;
	s0 =	sld [smem:$0x3FA1]  }
0x30: {  	s3 =	sld [smem:$0x3FA4]  }
0x31: {  	[smem:$0x3FAD] =	sst s10  }
0x32: {  	s10 =	sld [smem:$0x3FAB];
	_ =	sdelay $0x3  }
0x33: {  	p0 =	seq.s32 s10, $0x1;
	s10 =	sld [smem:$0x3FAD];
	_ =	sdelay $0x3  }
0x34: {  	[smem:$0x3FAD] =	sst s10  }
0x35: {  	s10 =	sld [smem:$0x3FAC];
	_ =	sdelay $0x3  }
0x36: {  	p1 =	seq.s32 s10, $0x1;
	s10 =	sld [smem:$0x3FAD];
	_ =	sdelay $0x3  }
0x37: {  	[smem:$0x3FAD] =	sst s10  }
0x38: {  	s10 =	sld [smem:$0x3FAE]  }
0x39: {  	_ = 	snop;
	(pc) =	sbr.ind lr, $3  }
0x3a: {  	_ = 	snop  }
0x3b: {  	_ = 	snop  }
0x3c: {  	p2 =	seq.s32 s10, $0x1;
	s10 =	sld [smem:$0x3FAD]  }
0x3d: {  	_ =	shalt  }
0x3e: {  	_ =	shalt  }
0x3f: {  	_ =	shalt  }
0x40: {  	_ =	shalt  }
0x41: {  	_ =	shalt  }
0x42: {  	_ =	shalt  }
0x43: {  	_ =	shalt  }
0x44: {  	_ =	shalt  }
0x45: {  	_ =	shalt  }
0x46: {  	_ =	shalt  }
0x47: {  	_ =	shalt  }
0x48: {  	_ =	shalt  }
0x49: {  	_ =	shalt  }
0x4a: {  	_ =	shalt  }
0x4b: {  	_ =	shalt  }
0x4c: {  	_ =	shalt  }
0x4d: {  	_ =	shalt  }
0x4e: {  	_ =	shalt  }
0x4f: {  	_ =	shalt  }
0x50: {  	_ =	shalt  }
0x51: {  	_ =	shalt  }
0x52: {  	_ =	shalt  }
0x53: {  	_ =	shalt  }
0x54: {  	_ =	shalt  }
0x55: {  	_ =	shalt  }
0x56: {  	_ =	shalt  }
0x57: {  	_ =	shalt  }
0x58: {  	_ =	shalt  }
0x59: {  	_ =	shalt  }
0x5a: {  	_ =	shalt  }
0x5b: {  	_ =	shalt  }
0x5c: {  	_ =	shalt  }
0x5d: {  	_ =	shalt  }
0x5e: {  	_ =	shalt  }
0x5f: {  	_ =	shalt  }
0x60: {  	_ =	shalt  }
0x61: {  	_ =	shalt  }
0x62: {  	_ =	shalt  }
0x63: {  	_ =	shalt  }
0x64: {  	_ =	shalt  }
0x65: {  	_ =	shalt  }
0x66: {  	_ =	shalt  }
0x67: {  	_ =	shalt  }
0x68: {  	_ =	shalt  }
0x69: {  	_ =	shalt  }
0x6a: {  	_ =	shalt  }
0x6b: {  	_ =	shalt  }
0x6c: {  	_ =	shalt  }
0x6d: {  	_ =	shalt  }
0x6e: {  	_ =	shalt  }
0x6f: {  	_ =	shalt  }
0x70: {  	_ =	shalt  }
0x71: {  	_ =	shalt  }
0x72: {  	_ =	shalt  }
0x73: {  	_ =	shalt  }
0x74: {  	_ =	shalt  }
0x75: {  	_ =	shalt  }
0x76: {  	_ =	shalt  }
0x77: {  	_ =	shalt  }
0x78: {  	_ =	shalt  }
0x79: {  	_ =	shalt  }
0x7a: {  	_ =	shalt  }
0x7b: {  	_ =	shalt  }
0x7c: {  	_ =	shalt  }
0x7d: {  	_ =	shalt  }
0x7e: {  	_ =	shalt  }
0x7f: {  	_ =	shalt  }
0x80: {  	_ =	shalt  }
0x81: {  	_ =	shalt  }
0x82: {  	_ =	shalt  }
0x83: {  	_ =	shalt  }
0x84: {  	_ =	shalt  }
0x85: {  	_ =	shalt  }
0x86: {  	_ =	shalt  }
0x87: {  	_ =	shalt  }
.Lfunc_end0:
.L_simem_size_0:
called_computation_lowered:
.L_overlay_start_0:
0x88: {  	s2 =	sld [smem:$0x3FD9]  }
0x89: {  	s3 =	sld [smem:$0x3FFE];
	_ =	sdelay $0x1  }
0x8a: {  	s1 =	srdreg.scid  }
0x8b: {  	s0 =	sand.u32 $0x1, s1  }
0x8c: {  	s14 =	sshll.u32 s0, $0xA;
	s2 =	sadd.s32 s3, s2  }
0x8d: {  	s2 =	sadd.s32 s2, s14  }
0x8e: {  	[smem:$0x3FB9] =	sst s2  }
0x8f: {  	_ = 	snop  }
0x90: {  	s2 =	sld [smem:$0x3FD0];
	_ =	sdelay $0x2  }
0x91: {  	s15 =	simm.s32 $0xA;
	s4 =	simm.s32 $0x10  }
0x92: {  	[smem:s4], [sflag:s15] =	dma.local [hbm:s2], $0x1  }
0x93: {  	_ =	swait.eq [sflag:s15], $0x1  }
0x94: {  	[sflag:s15] =	ssyncset.done $0x0  }
0x95: {  	s16 =	sld [smem:$0x10];
	[sflag:s15] =	ssyncadd.s32 $0xFFFFFFFF  }
0x96: {  	s17 =	sld [smem:$0x11];
	(tm) =	ssettm $0x1  }
0x97: {  	s18 =	sld [smem:$0x3FFB];
	_ =	sdelay $0x3  }
0x98: {  	_ =	strace s18  }
0x99: {  	s4 =	sld [smem:$0x3FFC];
	_ =	sdelay $0x3  }
0x9a: {  	_ =	strace s4  }
0x9b: {  	s4 =	sld [smem:$0x3FFD];
	_ =	sdelay $0x3  }
0x9c: {  	_ =	strace s4  }
0x9d: {  	_ =	strace $0x8FFFFFFF  }
0x9e: {  	s19 =	sld [smem:$0x3FDB];
	_ =	sdelay $0x1  }
0x9f: {  	s5 =	simm.s32 $_scs_section_size  }
0xa0: {  	s6 =	simm.s32 $_size__tile_overlayer_lowered;
	s7 =	simm.s32 $_tile_overlayer_lowered  }
0xa1: {  	s22 =	simm.s32 $0x1BFF;
	s21 =	sshll.u32 s7, $0x1;
	s4 =	sadd.s32 s5, s19  }
0xa2: {  	s8 =	simm.s32 $0x0;
	s20 =	sshll.u32 s6, $0x1;
	s6 =	sadd.s32 s21, s4  }
0xa3: {  	[timem:s8], [sflag:s22] =	dma.local [hbm:s6], s20  }
0xa4: {  	_ =	swait.ge [sflag:s22], s20  }
0xa5: {  	s5 =	ssub.s32 $0x0, s20;
	[sflag:s22] =	ssyncset.done $0x0  }
0xa6: {  	[sflag:s22] =	ssyncadd.s32 s5;
	_ =	sdelay $0x1  }
0xa7: {  	s23 =	simm.s32 $0x1B8B  }
0xa8: {  	_ =	swait.ge [sflag:s23], $0x1  }
0xa9: {  	[sflag:s23] =	ssyncset.done $0x0  }
0xaa: {  	s25 =	simm.s32 $0x1B8E;
	s24 =	sld [smem:$0x3FFE];
	[sflag:s23] =	ssyncadd.s32 $0xFFFFFFFF  }
0xab: {  	s26 =	simm.s32 $execute0_lowered;
	[smem:$0x3FD2] =	sst s25  }
0xac: {  	s6 =	sshll.u32 s26, $0x1;
	_ =	strace $0x80000046;
	[dreg:$0x1] =	wrdreg $0xFFFFFFFF  }
0xad: {  	s28 =	simm.s32 $_size_execute0_lowered;
	s4 =	sadd.s32 s4, s6;
	[dreg:$0x0] =	wrdreg $0x0  }
0xae: {  	s6 =	sshll.u32 s28, $0x1;
	[dreg:$0x2] =	wrdreg s4  }
0xaf: {  	[dreg:$0x3] =	wrdreg s6  }
0xb0: {  	[dreg:$0x4] =	wrdreg $0xC0  }
0xb1: {  	_ =	task [dreg:s8], $0x5FFFF  }
0xb2: {  	[dreg:$0x1] =	wrdreg $0xFFFFFFFF  }
0xb3: {  	[dreg:$0x0] =	wrdreg $0x60  }
0xb4: {  	[dreg:$0x2] =	wrdreg s17  }
0xb5: {  	[dreg:$0x3] =	wrdreg s16  }
0xb6: {  	[dreg:$0x4] =	wrdreg s24  }
0xb7: {  	[dreg:$0x5] =	wrdreg $0x9  }
0xb8: {  	_ =	task.clear_ibuf [dreg:s8], $0x6FFFF;
	_ =	strace $0x90000046  }
0xb9: {  	s29 =	simm.s32 $0x9;
	_ =	strace $0x80000048  }
0xba: {  	_ =	swait.ge [sflag:s29], $0x1  }
0xbb: {  	[sflag:s29] =	ssyncadd.s32 $0xFFFFFFFF  }
0xbc: {  	_ =	strace $0x90000048  }
0xbd: {  	_ =	sfence  }
0xbe: {  	s30 =	sld [smem:$0x0];
	_ =	sdelay $0x2  }
0xbf: {  	s31 =	sshll.u32 s1, $0xD;
	s1 =	sshrl.u32 s1, $0x2  }
0xc0: {  	s3 =	sand.u32 $0x4000, s31;
	s1 =	sadd.s32 s1, s30  }
0xc1: {  	s0 =	sor.u32 s3, s0;
	s1 =	sshll.u32 s1, $0x11  }
0xc2: {  	s0 =	sor.u32 s1, s0  }
0xc3: {  	s0 =	sadd.s32 $0x8F2B, s0  }
0xc4: {  	[sflag:s0] =	ssyncadd.remote.s32 $0x1  }
0xc5: {  	_ =	sfence.sel $0xFFFF  }
0xc6: {  	[dreg:$0x0] =	wrdreg $0xFFFFFFFF;
	(pc) =	sbr.abs _section_cstart, $3  }
0xc7: {  	[dreg:$0x1] =	wrdreg $0xFFFFFFFF  }
0xc8: {  	_ =	task.clear_ibuf [dreg:s8], $0x2FFFF;
	_ =	strace $0x9FFFFFFF  }
0xc9: {  	(tm) =	ssettm $0x7FFFFFFF  }
tec
execute0_lowered:
.L_overlay_start_1:
0x0: {  	(tag) =	ssettag $0x1  }
0x1: {  	s0 =	srdreg.scid  }
0x2: {  	s2 =	stileid.u32;
	s1 =	sand.u32 $0x1, s0  }
0x3: {  	s2 =	sshll.u32 s2, $0x1;
	s3 =	ssub.s32 $0x0, s1  }
0x4: {  	p0 =	sne.s32 s2, s3  }
.Ltmp0:
0x5: {  	_ = 	snop;
	(pc) =	sbr.rel @p0 .LBB2_9-.Ltmp0, $3  }
0x6: {  	_ =	sdelay $0x1  }
0x7: {  	s4 =	rddreg [dreg:$0x1]  }
0x8: {  	s0 =	rddreg [dreg:$0x2];
	_ =	strace $0x80000047  }
0x9: {  	s1 =	ssub.s32 $0x2, s1;
	s2 =	sadd.s32 $0x3A00, s0;
	s3 =	sadd.s32 $0x3800, s0;
	v0 =	vimm.s32 $0x0  }
0xa: {  	s30 =	sadd.s32 $0x3600, s0;
	v1 =	vlaneseq.u32;
	v2 =	vimm.s32 $0x7;
	vm7 =	vcmask $0x1F1C;
	[dreg:$0x4] =	wrdreg s2;
	s29 =	sshrl.u32 s1, $0x1  }
0xb: {  	s11 =	simm.s32 $0x1;
	vm8 =	vcmask $0x2320;
	vm9 =	vcmask $0x2724;
	vm10 =	vcmask $0x2B28;
	[dreg:$0x5] =	wrdreg s3;
	s31 =	ssub.s32 s1, s29  }
0xc: {  	vm11 =	vcmask $0x2F2C;
	vm12 =	vcmask $0x3330;
	vm13 =	vcmask $0x3734;
	[dreg:$0x6] =	wrdreg s30;
	s2 =	simm.s32 $0x2;
	s0 =	smax.u32 s31, $0x1  }
0xd: {  	vm14 =	vcmask $0x3B38;
	v3 =	vadd.s32 $0x1, v1;
	v4 =	vadd.s32 $0x11, v1;
	s3 =	simm.s32 $0x0;
	s1 =	simm.s32 $0x0;
	[dreg:$0x7] =	wrdreg s0  }
.LBB2_2:
0xe: {  	s0 =	rddreg [dreg:$0x0]  }
0xf: {  	[tilespmem:s1], [sflag:$0x2] =	stream.linear.gather [hbm4b:s0+s1], $0x4000, $0x38;
	[tilespmem:$0x7580] =	vst v63  }
0x10: {  	_ =	swait.ge [sflag:s2], $0x4000  }
0x11: {  	[sflag:s2] =	ssyncset.done $0x0  }
0x12: {  	s0 =	simm.s32 $0x40;
	s1 =	simm.s32 $0x0;
	[sflag:s2] =	ssyncadd.s32 $0xFFFFC000  }
.LBB2_3:
0x13: {  	p0 =	sne.s32 s0, $0x2FC0;
	[tilespmem:s1+$0x4880] =	vst v0;
	s1 =	smov.u32 s0;
	s0 =	sadd.s32 $0x40, s0  }
.Ltmp1:
0x14: {  	(pc) =	sbr.rel @p0 .LBB2_3-.Ltmp1, $2  }
0x15: {  	_ =	sdelay $0x2  }
0x16: {  	s1 =	sshra.s32 s1, $0x2  }
0x17: {  	[dreg:$0x8] =	wrdreg s3;
	[tilespmem:s1+$0x4880] =	vst v0;
	s1 =	simm.s32 $0x0;
	s0 =	simm.s32 $0x4880  }
0x18: {  	[hbm4b:s4+s1] =	stream.linear.scatter [tilespmem:s0], [sflag:$0x2], $0xC00, $0x38;
	[tilespmem:$0x7580] =	vst v63  }
0x19: {  	_ =	swait.ge [sflag:s2], $0xC00  }
0x1a: {  	[sflag:s2] =	ssyncset.done $0x0  }
0x1b: {  	[sflag:s2] =	ssyncadd.s32 $0xFFFFF400  }
0x1c: {  	[tilespmem:$0x7500] =	vst v0  }
0x1d: {  	[tilespmem:$0x7510] =	vst v0  }
0x1e: {  	[tilespmem:$0x7520] =	vst v0  }
0x1f: {  	[tilespmem:$0x7530] =	vst v0  }
0x20: {  	[tilespmem:$0x7540] =	vst v0  }
0x21: {  	[tilespmem:$0x7550] =	vst v0  }
0x22: {  	[tilespmem:$0x7560] =	vst v0  }
0x23: {  	s29 =	sand.u32 $0x7F0, s1;
	[tilespmem:$0x7570] =	vst v0  }
0x24: {  	s30 =	simm.s32 $0x0;
	v5 =	vld [tilespmem:s29+$0x800]  }
0x25: {  	v6 =	vld [tilespmem:s30+$0x0]  }
0x26: {  	v7 =	vld [tilespmem:s29+$0x1000]  }
0x27: {  	v8 =	vld [tilespmem:s29+$0x1800]  }
0x28: {  	v9 =	vld [tilespmem:s29+$0x2000]  }
0x29: {  	v10 =	vld [tilespmem:s29+$0x2800]  }
0x2a: {  	v11 =	vld [tilespmem:s29+$0x3000];
	v12 =	vmax.f32 v6, v5  }
0x2b: {  	v13 =	vld [tilespmem:s29+$0x3800];
	v12 =	vmax.f32 v12, v7  }
0x2c: {  	v12 =	vmax.f32 v12, v8  }
0x2d: {  	v12 =	vmax.f32 v12, v9  }
0x2e: {  	v12 =	vmax.f32 v12, v10  }
0x2f: {  	v12 =	vmax.f32 v12, v11  }
0x30: {  	v12 =	vmax.f32 v12, v13  }
0x31: {  	v14 =	vsub.f32 v6, v12  }
0x32: {  	v15 =	vsub.f32 v5, v12  }
0x33: {  	v14 =	vmul.f32 $1.442695020e+00, v14  }
0x34: {  	v16 =	vsub.f32 v7, v12;
	v15 =	vmul.f32 $1.442695020e+00, v15  }
0x35: {  	(erf) = vpow2.f32 v14  }
0x36: {  	v47 =	vsub.f32 v8, v12;
	v16 =	vmul.f32 $1.442695020e+00, v16;
	(erf) = vpow2.f32 v15;
	_ =	sdelay $0x1  }
0x37: {  	v48 =	vsub.f32 v9, v12;
	v14 =	vmul.f32 $1.442695020e+00, v47;
	(erf) = vpow2.f32 v16;
	_ =	sdelay $0x1  }
0x38: {  	v49 =	vsub.f32 v10, v12;
	v15 =	vmul.f32 $1.442695020e+00, v48;
	(erf) = vpow2.f32 v14;
	_ =	sdelay $0x1  }
0x39: {  	v50 =	vsub.f32 v11, v12;
	v16 =	vmul.f32 $1.442695020e+00, v49;
	(erf) = vpow2.f32 v15;
	_ =	sdelay $0x1  }
0x3a: {  	v13 =	vsub.f32 v13, v12;
	v14 =	vmul.f32 $1.442695020e+00, v50;
	v51 =	vpop (erf);
	(erf) = vpow2.f32 v16  }
0x3b: {  	v52 =	vpop (erf)  }
0x3c: {  	v13 =	vmul.f32 $1.442695020e+00, v13;
	(erf) = vpow2.f32 v14;
	v15 =	vadd.f32 v52, v51  }
0x3d: {  	v53 =	vpop (erf)  }
0x3e: {  	(erf) = vpow2.f32 v13;
	v14 =	vadd.f32 v15, v53  }
0x3f: {  	v54 =	vpop (erf)  }
0x40: {  	v13 =	vadd.f32 v14, v54  }
0x41: {  	v55 =	vpop (erf)  }
0x42: {  	v13 =	vadd.f32 v13, v55  }
0x43: {  	v56 =	vpop (erf)  }
0x44: {  	v57 =	vadd.f32 v13, v56  }
0x45: {  	vm0 =	veq.f32 v11, v12;
	v59 =	vpop (erf)  }
0x46: {  	v58 =	vsel vm0, $0x6, v2;
	vm0 =	veq.f32 v10, v12;
	v10 =	vadd.f32 v57, v59  }
0x47: {  	v62 =	vpop (erf)  }
0x48: {  	v63 =	vadd.f32 v10, v62;
	_ =	sdelay $0x1  }
0x49: {  	vm5 =	veq.f32 v6, v12;
	v6 =	vmul.f32 $9.999999710e-10, v63;
	_ =	sdelay $0x1  }
0x4a: {  	v6 =	vadd.f32 $1.000000000e+00, v6;
	_ =	sdelay $0x1  }
0x4b: {  	(erf) = vrcp.f32 v6  }
0x4c: {  	vm1 =	veq.f32 v9, v12;
	v60 =	vsel vm0, $0x5, v58  }
0x4d: {  	vm0 =	veq.f32 v8, v12;
	v61 =	vsel vm1, $0x4, v60  }
0x4e: {  	vm1 =	veq.f32 v7, v12;
	v7 =	vsel vm0, $0x3, v61  }
0x4f: {  	vm0 =	vne.f32 v5, v12;
	v5 =	vsel vm1, $0x2, v7  }
0x50: {  	v5 =	vnsel vm0, $0x1, v5  }
0x51: {  	vm6 =	vmor vm5, vm0;
	v5 =	vsel vm5, $0x0, v5  }
0x52: {  	s31 =	sand.u32 $0x1E00, s1;
	vm4 =	veq.s32 v5, $0x2;
	vm3 =	veq.s32 v5, $0x3;
	vm2 =	veq.s32 v5, $0x4  }
0x53: {  	s12 =	simm.s32 $0x40;
	s0 =	sand.u32 $0x70, s1;
	s2 =	sshrl.u32 s31, $0x2;
	vm1 =	veq.s32 v5, $0x5;
	[tilespmem:s30+$0x4000] =	vst v5;
	vm0 =	veq.s32 v5, $0x6;
	vm15 =	veq.s32 v5, $0x7  }
.LBB2_5:
0x54: {  	p0 =	sne.s32 s12, $0x1FC0;
	s0 =	sor.u32 s0, s2;
	s1 =	sadd.s32 $0x10, s1;
	v5 =	vpop (erf)  }
0x55: {  	s15 =	smov.u32 s12;
	s12 =	sadd.s32 $0x40, s12;
	[tilespmem:s0+$0x6480] =	vst v5  }
0x56: {  	v5 =	vld [tilespmem:$0x7500]  }
0x57: {  	v6 =	vld [tilespmem:$0x7510]  }
0x58: {  	v7 =	vld [tilespmem:$0x7520]  }
0x59: {  	v8 =	vld [tilespmem:$0x7530]  }
0x5a: {  	v9 =	vsel vm5, $0x1, v0;
	vm5 =	vmneg vm6;
	v10 =	vld [tilespmem:$0x7540]  }
0x5b: {  	v5 =	vadd.s32 v9, v5;
	v9 =	vsel vm5, $0x1, v0;
	v11 =	vld [tilespmem:$0x7550]  }
0x5c: {  	[tilespmem:$0x7500] =	vst v5;
	v5 =	vadd.s32 v9, v6;
	v6 =	vsel vm4, $0x1, v0;
	v9 =	vld [tilespmem:$0x7560]  }
0x5d: {  	[tilespmem:$0x7510] =	vst v5;
	v5 =	vadd.s32 v6, v7;
	v6 =	vsel vm3, $0x1, v0;
	v7 =	vld [tilespmem:$0x7570]  }
0x5e: {  	[tilespmem:$0x7520] =	vst v5;
	v5 =	vadd.s32 v6, v8;
	v6 =	vsel vm2, $0x1, v0  }
0x5f: {  	s0 =	sshra.s32 s15, $0x2;
	[tilespmem:$0x7530] =	vst v5;
	v5 =	vadd.s32 v6, v10;
	v6 =	vsel vm1, $0x1, v0  }
0x60: {  	s2 =	sand.u32 $0x7F0, s1;
	[tilespmem:$0x7540] =	vst v5;
	v5 =	vadd.s32 v6, v11;
	v6 =	vsel vm0, $0x1, v0  }
0x61: {  	[tilespmem:$0x7550] =	vst v5;
	v5 =	vadd.s32 v6, v9;
	v6 =	vsel vm15, $0x1, v0  }
0x62: {  	[tilespmem:$0x7560] =	vst v5;
	v5 =	vadd.s32 v6, v7  }
0x63: {  	[tilespmem:$0x7570] =	vst v5;
	_ =	sdelay $0x1  }
0x64: {  	v5 =	vld [tilespmem:s2+$0x1800]  }
0x65: {  	v6 =	vld [tilespmem:s2+$0x1000]  }
0x66: {  	v7 =	vld [tilespmem:s2+$0x800]  }
0x67: {  	v8 =	vld [tilespmem:s0+$0x0]  }
0x68: {  	v9 =	vld [tilespmem:s2+$0x2800]  }
0x69: {  	v10 =	vld [tilespmem:s2+$0x2000]  }
0x6a: {  	v11 =	vld [tilespmem:s2+$0x3000];
	_ =	sdelay $0x1  }
0x6b: {  	v12 =	vmax.f32 v8, v7  }
0x6c: {  	v13 =	vld [tilespmem:s2+$0x3800];
	v12 =	vmax.f32 v12, v6  }
0x6d: {  	v12 =	vmax.f32 v12, v5  }
0x6e: {  	v12 =	vmax.f32 v12, v10  }
0x6f: {  	v12 =	vmax.f32 v12, v9  }
0x70: {  	v12 =	vmax.f32 v12, v11  }
0x71: {  	v12 =	vmax.f32 v12, v13  }
0x72: {  	vm5 =	veq.f32 v8, v12;
	v8 =	vsub.f32 v8, v12;
	v14 =	vsub.f32 v7, v12  }
0x73: {  	vm0 =	veq.f32 v5, v12;
	v15 =	vsub.f32 v6, v12;
	v5 =	vsub.f32 v5, v12  }
0x74: {  	vm1 =	veq.f32 v11, v12;
	v8 =	vmul.f32 $1.442695020e+00, v8;
	v14 =	vmul.f32 $1.442695020e+00, v14  }
0x75: {  	v17 =	vsub.f32 v9, v12;
	v16 =	vsel vm1, $0x6, v2;
	v5 =	vmul.f32 $1.442695020e+00, v5  }
0x76: {  	v18 =	vsub.f32 v10, v12;
	v13 =	vsub.f32 v13, v12;
	(erf) = vpow2.f32 v8  }
0x77: {  	v11 =	vsub.f32 v11, v12;
	v8 =	vmul.f32 $1.442695020e+00, v15;
	(erf) = vpow2.f32 v14  }
0x78: {  	vm2 =	veq.f32 v10, v12;
	vm1 =	veq.f32 v9, v12;
	v9 =	vmul.f32 $1.442695020e+00, v17  }
0x79: {  	v10 =	vsel vm1, $0x5, v16;
	v13 =	vmul.f32 $1.442695020e+00, v13;
	(erf) = vpow2.f32 v8  }
0x7a: {  	vm1 =	veq.f32 v6, v12;
	v8 =	vsel vm2, $0x4, v10;
	vm2 =	vne.f32 v7, v12  }
0x7b: {  	v7 =	vmul.f32 $1.442695020e+00, v18;
	v6 =	vsel vm0, $0x3, v8;
	(erf) = vpow2.f32 v5  }
0x7c: {  	vm6 =	vmor vm5, vm2;
	v5 =	vsel vm1, $0x2, v6;
	v6 =	vmul.f32 $1.442695020e+00, v11  }
0x7d: {  	v5 =	vnsel vm2, $0x1, v5;
	(erf) = vpow2.f32 v7  }
0x7e: {  	v5 =	vsel vm5, $0x0, v5  }
0x7f: {  	vm4 =	veq.s32 v5, $0x2;
	vm3 =	veq.s32 v5, $0x3;
	[tilespmem:s0+$0x4000] =	vst v5;
	v7 =	vpop (erf);
	(erf) = vpow2.f32 v9  }
0x80: {  	vm2 =	veq.s32 v5, $0x4;
	vm1 =	veq.s32 v5, $0x5;
	vm0 =	veq.s32 v5, $0x6;
	v8 =	vpop (erf)  }
0x81: {  	vm15 =	veq.s32 v5, $0x7;
	v7 =	vadd.f32 v8, v7;
	(erf) = vpow2.f32 v6  }
0x82: {  	v5 =	vpop (erf)  }
0x83: {  	v5 =	vadd.f32 v7, v5;
	(erf) = vpow2.f32 v13  }
0x84: {  	v6 =	vpop (erf)  }
0x85: {  	v5 =	vadd.f32 v5, v6  }
0x86: {  	v6 =	vpop (erf)  }
0x87: {  	v5 =	vadd.f32 v5, v6  }
0x88: {  	v6 =	vpop (erf)  }
0x89: {  	v5 =	vadd.f32 v5, v6  }
0x8a: {  	v6 =	vpop (erf)  }
0x8b: {  	v5 =	vadd.f32 v5, v6  }
0x8c: {  	v6 =	vpop (erf)  }
0x8d: {  	v5 =	vadd.f32 v5, v6;
	_ =	sdelay $0x1  }
0x8e: {  	v5 =	vmul.f32 $9.999999710e-10, v5;
	_ =	sdelay $0x1  }
0x8f: {  	v5 =	vadd.f32 $1.000000000e+00, v5;
	_ =	sdelay $0x1  }
0x90: {  	(erf) = vrcp.f32 v5;
	_ =	sdelay $0x3  }
.Ltmp2:
0x91: {  	(pc) =	sbr.rel @p0 .LBB2_5-.Ltmp2, $3  }
0x92: {  	_ =	sdelay $0x1  }
0x93: {  	s2 =	sand.u32 $0x1E00, s15  }
0x94: {  	s2 =	sshrl.u32 s2, $0x2;
	s0 =	sand.u32 $0x70, s1  }
0x95: {  	s0 =	sor.u32 s0, s2;
	v5 =	vpop (erf)  }
0x96: {  	[tilespmem:s0+$0x6480] =	vst v5  }
0x97: {  	v5 =	vld [tilespmem:$0x7500];
	_ =	sdelay $0x3  }
0x98: {  	v6 =	vsel vm5, $0x1, v0  }
0x99: {  	v5 =	vadd.s32 v6, v5  }
0x9a: {  	(v2sf) =	vpush v5, $0x0  }
0x9b: {  	(v2sf) =	vpush v5, $0x1  }
0x9c: {  	(v2sf) =	vpush v5, $0x2  }
0x9d: {  	(v2sf) =	vpush v5, $0x3  }
0x9e: {  	(v2sf) =	vpush v5, $0x4  }
0x9f: {  	(v2sf) =	vpush v5, $0x5  }
0xa0: {  	(v2sf) =	vpush v5, $0x6  }
0xa1: {  	(v2sf) =	vpush v5, $0x7  }
0xa2: {  	(v2sf) =	vpush v5, $0x8  }
0xa3: {  	(v2sf) =	vpush v5, $0x9  }
0xa4: {  	v6 =	vld [tilespmem:$0x7510];
	(v2sf) =	vpush v5, $0xA  }
0xa5: {  	(v2sf) =	vpush v5, $0xB  }
0xa6: {  	(v2sf) =	vpush v5, $0xC  }
0xa7: {  	vm5 =	vmneg vm6;
	(v2sf) =	vpush v5, $0xD  }
0xa8: {  	v7 =	vsel vm5, $0x1, v0;
	(v2sf) =	vpush v5, $0xE  }
0xa9: {  	v6 =	vadd.s32 v7, v6;
	s29 =	spop (v2sf);
	(v2sf) =	vpush v5, $0xF  }
0xaa: {  	s10 =	spop (v2sf);
	(v2sf) =	vpush v6, $0x0  }
0xab: {  	s31 =	spop (v2sf);
	(v2sf) =	vpush v6, $0x1  }
0xac: {  	s2 =	spop (v2sf);
	(v2sf) =	vpush v6, $0x2  }
0xad: {  	s4 =	spop (v2sf);
	(v2sf) =	vpush v6, $0x3  }
0xae: {  	s0 =	spop (v2sf);
	(v2sf) =	vpush v6, $0x4  }
0xaf: {  	s1 =	spop (v2sf);
	(v2sf) =	vpush v6, $0x5  }
0xb0: {  	s3 =	spop (v2sf);
	(v2sf) =	vpush v6, $0x6  }
0xb1: {  	s8 =	spop (v2sf);
	(v2sf) =	vpush v6, $0x7  }
0xb2: {  	s20 =	spop (v2sf);
	(v2sf) =	vpush v6, $0x8  }
0xb3: {  	s21 =	spop (v2sf);
	(v2sf) =	vpush v6, $0x9  }
0xb4: {  	v7 =	vld [tilespmem:$0x7520];
	s22 =	spop (v2sf);
	(v2sf) =	vpush v6, $0xA  }
0xb5: {  	s5 =	spop (v2sf);
	(v2sf) =	vpush v6, $0xB  }
0xb6: {  	s6 =	spop (v2sf);
	(v2sf) =	vpush v6, $0xC  }
0xb7: {  	s19 =	spop (v2sf);
	(v2sf) =	vpush v6, $0xD  }
0xb8: {  	v8 =	vsel vm4, $0x1, v0;
	s24 =	spop (v2sf);
	(v2sf) =	vpush v6, $0xE  }
0xb9: {  	v7 =	vadd.s32 v8, v7;
	s23 =	spop (v2sf);
	(v2sf) =	vpush v6, $0xF  }
0xba: {  	s25 =	spop (v2sf);
	(v2sf) =	vpush v7, $0x0  }
0xbb: {  	s26 =	spop (v2sf);
	(v2sf) =	vpush v7, $0x1  }
0xbc: {  	s28 =	spop (v2sf);
	(v2sf) =	vpush v7, $0x2  }
0xbd: {  	s30 =	spop (v2sf);
	(v2sf) =	vpush v7, $0x3  }
0xbe: {  	s7 =	spop (v2sf);
	(v2sf) =	vpush v7, $0x4  }
0xbf: {  	s9 =	spop (v2sf);
	(v2sf) =	vpush v7, $0x5  }
0xc0: {  	s12 =	spop (v2sf);
	(v2sf) =	vpush v7, $0x6  }
0xc1: {  	s13 =	spop (v2sf);
	(v2sf) =	vpush v7, $0x7  }
0xc2: {  	s14 =	spop (v2sf);
	(v2sf) =	vpush v7, $0x8  }
0xc3: {  	(v2sf) =	vpush v7, $0x9;
	s15 =	spop (v2sf)  }
0xc4: {  	v51 =	vld [tilespmem:$0x7530];
	(v2sf) =	vpush v7, $0xA;
	s16 =	spop (v2sf)  }
0xc5: {  	(v2sf) =	vpush v7, $0xB;
	s17 =	spop (v2sf)  }
0xc6: {  	(v2sf) =	vpush v7, $0xC;
	s18 =	spop (v2sf)  }
0xc7: {  	[dreg:$0x1f] =	wrdreg s20;
	(v2sf) =	vpush v7, $0xD;
	s20 =	spop (v2sf)  }
0xc8: {  	v9 =	vsel vm3, $0x1, v0;
	[dreg:$0x1c] =	wrdreg s21;
	(v2sf) =	vpush v7, $0xE;
	s21 =	spop (v2sf)  }
0xc9: {  	v8 =	vadd.s32 v9, v51;
	[dreg:$0x16] =	wrdreg s7;
	(v2sf) =	vpush v7, $0xF;
	s7 =	spop (v2sf)  }
0xca: {  	[dreg:$0xf] =	wrdreg s15;
	(v2sf) =	vpush v8, $0x0;
	s15 =	spop (v2sf)  }
0xcb: {  	[dreg:$0x13] =	wrdreg s9;
	(v2sf) =	vpush v8, $0x1;
	s9 =	spop (v2sf)  }
0xcc: {  	[dreg:$0x12] =	wrdreg s12;
	(v2sf) =	vpush v8, $0x2;
	s12 =	spop (v2sf)  }
0xcd: {  	[dreg:$0x11] =	wrdreg s13;
	(v2sf) =	vpush v8, $0x3;
	s13 =	spop (v2sf)  }
0xce: {  	[dreg:$0x10] =	wrdreg s14;
	(v2sf) =	vpush v8, $0x4;
	s14 =	spop (v2sf)  }
0xcf: {  	[dreg:$0xe] =	wrdreg s16;
	(v2sf) =	vpush v8, $0x5;
	s16 =	spop (v2sf)  }
0xd0: {  	[dreg:$0xd] =	wrdreg s17;
	(v2sf) =	vpush v8, $0x6;
	s17 =	spop (v2sf)  }
0xd1: {  	[dreg:$0xc] =	wrdreg s18;
	(v2sf) =	vpush v8, $0x7;
	s18 =	spop (v2sf)  }
0xd2: {  	v52 =	vld [tilespmem:$0x7540];
	[dreg:$0xb] =	wrdreg s20;
	(v2sf) =	vpush v8, $0x8;
	s20 =	spop (v2sf)  }
0xd3: {  	[dreg:$0xa] =	wrdreg s21;
	(v2sf) =	vpush v8, $0x9;
	s21 =	spop (v2sf)  }
0xd4: {  	[smem:$0x7F4] =	sst s23;
	(v2sf) =	vpush v8, $0xA;
	s23 =	spop (v2sf)  }
0xd5: {  	[smem:$0x7F5] =	sst s25;
	(v2sf) =	vpush v8, $0xB;
	s25 =	spop (v2sf)  }
0xd6: {  	v10 =	vsel vm2, $0x1, v0;
	[smem:$0x7F6] =	sst s26;
	(v2sf) =	vpush v8, $0xC;
	s26 =	spop (v2sf)  }
0xd7: {  	v9 =	vadd.s32 v10, v52;
	[dreg:$0x1d] =	wrdreg s22;
	(v2sf) =	vpush v8, $0xD;
	s22 =	spop (v2sf)  }
0xd8: {  	[tilespmem:$0x7540] =	vst v9;
	[dreg:$0x1e] =	wrdreg s28;
	s28 =	spop (v2sf)  }
0xd9: {  	v9 =	vld [tilespmem:$0x7540];
	(v2sf) =	vpush v8, $0xE;
	[smem:$0x7F8] =	sst s28;
	s28 =	spop (v2sf)  }
0xda: {  	[smem:$0x7F7] =	sst s22;
	s22 =	spop (v2sf)  }
0xdb: {  	[dreg:$0x1a] =	wrdreg s30;
	s30 =	spop (v2sf)  }
0xdc: {  	[smem:$0x7F9] =	sst s30;
	s30 =	spop (v2sf)  }
0xdd: {  	[smem:$0x7F3] =	sst s3;
	(v2sf) =	vpush v8, $0xF;
	s3 =	spop (v2sf)  }
0xde: {  	(v2sf) =	vpush v9, $0x0;
	[smem:$0x7FA] =	sst s3;
	s3 =	spop (v2sf)  }
0xdf: {  	s10 =	sadd.s32 s10, s29;
	(v2sf) =	vpush v9, $0x1;
	[smem:$0x7FB] =	sst s3;
	s3 =	spop (v2sf)  }
0xe0: {  	s7 =	sadd.s32 s15, s7;
	(v2sf) =	vpush v9, $0x2;
	[smem:$0x7FC] =	sst s3;
	s3 =	spop (v2sf)  }
0xe1: {  	s7 =	sadd.s32 s9, s7;
	(v2sf) =	vpush v9, $0x3;
	[smem:$0x7FD] =	sst s3;
	s3 =	spop (v2sf)  }
0xe2: {  	s15 =	rddreg [dreg:$0x1a];
	s7 =	sadd.s32 s12, s7;
	(v2sf) =	vpush v9, $0x4;
	s29 =	spop (v2sf)  }
0xe3: {  	(v2sf) =	vpush v9, $0x5;
	[dreg:$0x1b] =	wrdreg s3;
	s3 =	sadd.s32 s31, s10;
	s31 =	spop (v2sf)  }
0xe4: {  	s12 =	rddreg [dreg:$0x13];
	(v2sf) =	vpush v9, $0x6;
	s2 =	sadd.s32 s2, s3;
	s10 =	spop (v2sf)  }
0xe5: {  	(v2sf) =	vpush v9, $0x7;
	s3 =	sld [smem:$0x7F3];
	s2 =	sadd.s32 s4, s2;
	s4 =	spop (v2sf)  }
0xe6: {  	(v2sf) =	vpush v9, $0x8;
	[dreg:$0x18] =	wrdreg s10;
	s0 =	sadd.s32 s0, s2;
	s10 =	spop (v2sf)  }
0xe7: {  	(v2sf) =	vpush v9, $0x9;
	s0 =	sadd.s32 s1, s0;
	[dreg:$0x17] =	wrdreg s10  }
0xe8: {  	v53 =	vld [tilespmem:$0x7550];
	(v2sf) =	vpush v9, $0xA;
	s2 =	spop (v2sf);
	s0 =	sadd.s32 s3, s0;
	s10 =	rddreg [dreg:$0x1f]  }
0xe9: {  	(v2sf) =	vpush v9, $0xB;
	[dreg:$0x15] =	wrdreg s2;
	s0 =	sadd.s32 s8, s0  }
0xea: {  	(v2sf) =	vpush v9, $0xC;
	s2 =	rddreg [dreg:$0x1c];
	s1 =	sadd.s32 s10, s0  }
0xeb: {  	s10 =	rddreg [dreg:$0x1d];
	s3 =	sadd.s32 s2, s1  }
0xec: {  	v11 =	vsel vm1, $0x1, v0;
	[dreg:$0x19] =	wrdreg s4;
	s4 =	spop (v2sf);
	s0 =	sadd.s32 s10, s3  }
0xed: {  	v10 =	vadd.s32 v11, v53;
	s9 =	sadd.s32 s13, s7;
	s8 =	spop (v2sf);
	s5 =	sadd.s32 s5, s0  }
0xee: {  	[tilespmem:$0x7550] =	vst v10;
	[dreg:$0x14] =	wrdreg s4;
	s4 =	spop (v2sf);
	s6 =	sadd.s32 s6, s5  }
0xef: {  	v10 =	vld [tilespmem:$0x7550];
	s1 =	spop (v2sf);
	s10 =	sadd.s32 s19, s6;
	s6 =	sld [smem:$0x7F4]  }
0xf0: {  	s4 =	sadd.s32 s4, s8;
	s2 =	spop (v2sf);
	s19 =	sld [smem:$0x7F5]  }
0xf1: {  	(v2sf) =	vpush v9, $0xD;
	s3 =	spop (v2sf);
	s10 =	sadd.s32 s24, s10;
	s24 =	sld [smem:$0x7F6]  }
0xf2: {  	s13 =	rddreg [dreg:$0x12];
	(v2sf) =	vpush v9, $0xE;
	s4 =	sadd.s32 s1, s4;
	s5 =	spop (v2sf)  }
0xf3: {  	(v2sf) =	vpush v9, $0xF;
	[dreg:$0x9] =	wrdreg s10;
	s19 =	sadd.s32 s19, s6;
	s6 =	spop (v2sf)  }
0xf4: {  	(v2sf) =	vpush v10, $0x0;
	s10 =	rddreg [dreg:$0x1e];
	s19 =	sadd.s32 s24, s19;
	s24 =	spop (v2sf)  }
0xf5: {  	s4 =	sadd.s32 s2, s4;
	s0 =	sadd.s32 s10, s19;
	s19 =	spop (v2sf)  }
0xf6: {  	(v2sf) =	vpush v10, $0x1;
	s10 =	rddreg [dreg:$0x16];
	s0 =	sadd.s32 s15, s0;
	s15 =	spop (v2sf)  }
0xf7: {  	(v2sf) =	vpush v10, $0x2;
	s4 =	sadd.s32 s3, s4;
	s0 =	sadd.s32 s10, s0;
	s10 =	spop (v2sf)  }
0xf8: {  	(v2sf) =	vpush v10, $0x3;
	s0 =	sadd.s32 s12, s0;
	s7 =	spop (v2sf);
	s12 =	sadd.s32 s14, s9  }
0xf9: {  	v54 =	vld [tilespmem:$0x7560];
	(v2sf) =	vpush v10, $0x4;
	s14 =	rddreg [dreg:$0x11];
	s0 =	sadd.s32 s13, s0;
	s9 =	spop (v2sf)  }
0xfa: {  	(v2sf) =	vpush v10, $0x5;
	s13 =	sadd.s32 s16, s12;
	s16 =	rddreg [dreg:$0x10];
	s0 =	sadd.s32 s14, s0  }
0xfb: {  	(v2sf) =	vpush v10, $0x6;
	s14 =	sadd.s32 s17, s13;
	s17 =	rddreg [dreg:$0xf];
	s0 =	sadd.s32 s16, s0  }
0xfc: {  	(v2sf) =	vpush v10, $0x7;
	s14 =	sadd.s32 s18, s14;
	s18 =	rddreg [dreg:$0xe];
	s0 =	sadd.s32 s17, s0  }
0xfd: {  	v55 =	vsel vm0, $0x1, v0;
	(v2sf) =	vpush v10, $0x8;
	s14 =	sadd.s32 s20, s14;
	s20 =	rddreg [dreg:$0xd];
	s0 =	sadd.s32 s18, s0  }
0xfe: {  	v9 =	vadd.s32 v55, v54;
	(v2sf) =	vpush v10, $0x9;
	s14 =	sadd.s32 s21, s14;
	s21 =	rddreg [dreg:$0xc];
	s0 =	sadd.s32 s20, s0  }
0xff: {  	[tilespmem:$0x7560] =	vst v9;
	(v2sf) =	vpush v10, $0xA;
	s14 =	sadd.s32 s23, s14;
	s23 =	rddreg [dreg:$0xb];
	s0 =	sadd.s32 s21, s0  }
0x100: {  	v56 =	vld [tilespmem:$0x7560];
	(v2sf) =	vpush v10, $0xB;
	s12 =	spop (v2sf);
	s0 =	sadd.s32 s23, s0;
	s23 =	rddreg [dreg:$0xa]  }
0x101: {  	(v2sf) =	vpush v10, $0xC;
	s13 =	spop (v2sf);
	s17 =	sadd.s32 s23, s0;
	s23 =	sld [smem:$0x7F7]  }
0x102: {  	s5 =	sadd.s32 s5, s4;
	(v2sf) =	vpush v10, $0xD;
	s16 =	spop (v2sf);
	s14 =	sadd.s32 s25, s14  }
0x103: {  	s6 =	sadd.s32 s6, s5;
	(v2sf) =	vpush v10, $0xE;
	s18 =	spop (v2sf);
	s14 =	sadd.s32 s26, s14  }
0x104: {  	(v2sf) =	vpush v10, $0xF;
	s0 =	sadd.s32 s23, s14;
	s23 =	sadd.s32 s22, s28;
	s28 =	sld [smem:$0x7F8]  }
0x105: {  	s24 =	sadd.s32 s24, s6;
	(v2sf) =	vpush v56, $0x0;
	s20 =	spop (v2sf)  }
0x106: {  	s19 =	sadd.s32 s19, s24;
	(v2sf) =	vpush v56, $0x1;
	s21 =	spop (v2sf)  }
0x107: {  	(v2sf) =	vpush v56, $0x2;
	s25 =	spop (v2sf);
	s14 =	sadd.s32 s28, s0;
	s28 =	sld [smem:$0x7F9]  }
0x108: {  	s15 =	sadd.s32 s15, s19;
	s26 =	spop (v2sf)  }
0x109: {  	s10 =	sadd.s32 s10, s15;
	s22 =	spop (v2sf)  }
0x10a: {  	s7 =	sadd.s32 s7, s10;
	s0 =	sadd.s32 s28, s23;
	s23 =	spop (v2sf)  }
0x10b: {  	s28 =	sadd.s32 s30, s0;
	s0 =	spop (v2sf);
	s30 =	sld [smem:$0x7FA]  }
0x10c: {  	s7 =	sadd.s32 s9, s7;
	s1 =	spop (v2sf)  }
0x10d: {  	s7 =	sadd.s32 s12, s7;
	s2 =	spop (v2sf)  }
0x10e: {  	s8 =	sadd.s32 s30, s28;
	s30 =	sld [smem:$0x7FB];
	s3 =	spop (v2sf)  }
0x10f: {  	s7 =	sadd.s32 s13, s7;
	s13 =	sadd.s32 s20, s18;
	(v2sf) =	vpush v56, $0x3;
	s4 =	spop (v2sf)  }
0x110: {  	s12 =	sadd.s32 s21, s13;
	(v2sf) =	vpush v56, $0x4;
	s5 =	spop (v2sf)  }
0x111: {  	(v2sf) =	vpush v56, $0x5;
	s8 =	sadd.s32 s30, s8;
	s30 =	sld [smem:$0x7FC];
	s6 =	spop (v2sf)  }
0x112: {  	s12 =	sadd.s32 s25, s12;
	(v2sf) =	vpush v56, $0x6;
	s24 =	spop (v2sf)  }
0x113: {  	s12 =	sadd.s32 s26, s12;
	(v2sf) =	vpush v56, $0x7;
	s28 =	spop (v2sf)  }
0x114: {  	(v2sf) =	vpush v56, $0x8;
	s8 =	sadd.s32 s30, s8;
	s30 =	sld [smem:$0x7FD];
	s15 =	spop (v2sf)  }
0x115: {  	v57 =	vld [tilespmem:$0x7570];
	s20 =	sadd.s32 s22, s12;
	(v2sf) =	vpush v56, $0x9;
	s10 =	spop (v2sf)  }
0x116: {  	(v2sf) =	vpush v56, $0xA;
	s9 =	spop (v2sf);
	s10 =	sadd.s32 s10, s15;
	s15 =	sadd.s32 s16, s7  }
0x117: {  	(v2sf) =	vpush v56, $0xB;
	s7 =	sadd.s32 s23, s20;
	s8 =	sadd.s32 s30, s8;
	s30 =	rddreg [dreg:$0x1b]  }
0x118: {  	(v2sf) =	vpush v56, $0xC;
	s9 =	sadd.s32 s9, s10;
	s0 =	sadd.s32 s0, s7;
	s8 =	sadd.s32 s30, s8  }
0x119: {  	v58 =	vsel vm15, $0x1, v0;
	s30 =	rddreg [dreg:$0x18];
	s0 =	sadd.s32 s1, s0;
	s8 =	sadd.s32 s29, s8  }
0x11a: {  	v9 =	vadd.s32 v58, v57;
	(v2sf) =	vpush v56, $0xD;
	s0 =	sadd.s32 s2, s0;
	s8 =	sadd.s32 s31, s8;
	s31 =	rddreg [dreg:$0x19]  }
0x11b: {  	[tilespmem:$0x7570] =	vst v9;
	s0 =	sadd.s32 s3, s0;
	s3 =	simm.s32 $0x1;
	s8 =	sadd.s32 s30, s8  }
0x11c: {  	v9 =	vld [tilespmem:$0x7570];
	(v2sf) =	vpush v56, $0xE;
	s30 =	rddreg [dreg:$0x17];
	s0 =	sadd.s32 s4, s0;
	s8 =	sadd.s32 s31, s8  }
0x11d: {  	s4 =	simm.s32 $0x1;
	s31 =	rddreg [dreg:$0x15];
	s8 =	sadd.s32 s30, s8  }
0x11e: {  	s30 =	rddreg [dreg:$0x14];
	s8 =	sadd.s32 s31, s8;
	s31 =	spop (v2sf)  }
0x11f: {  	(v2sf) =	vpush v56, $0xF;
	s19 =	sadd.s32 s30, s8;
	s18 =	spop (v2sf);
	s8 =	sadd.s32 s31, s9  }
0x120: {  	s0 =	sadd.s32 s5, s0;
	s21 =	spop (v2sf);
	s8 =	sadd.s32 s18, s8  }
0x121: {  	(v2sf) =	vpush v9, $0x0;
	s5 =	simm.s32 $0x1;
	s30 =	spop (v2sf);
	s8 =	sadd.s32 s21, s8  }
0x122: {  	s0 =	sadd.s32 s6, s0;
	s31 =	spop (v2sf);
	s22 =	sadd.s32 s30, s8  }
0x123: {  	(v2sf) =	vpush v9, $0x1;
	s0 =	sadd.s32 s24, s0;
	s21 =	spop (v2sf);
	s25 =	sadd.s32 s31, s22  }
0x124: {  	s18 =	sadd.s32 s28, s0;
	s23 =	spop (v2sf);
	s1 =	sadd.s32 s21, s25  }
0x125: {  	s26 =	spop (v2sf);
	s1 =	sadd.s32 s23, s1;
	s23 =	rddreg [dreg:$0x9]  }
0x126: {  	(v2sf) =	vpush v9, $0x2;
	s30 =	spop (v2sf);
	s1 =	sadd.s32 s26, s1;
	s21 =	sadd.s32 $0x7F, s23  }
0x127: {  	s26 =	sadd.s32 $0x7F, s17;
	s31 =	spop (v2sf);
	s1 =	sadd.s32 s30, s1  }
0x128: {  	s24 =	sand.u32 $0x7F, s21;
	s25 =	sshra.s32 s21, $0x1F;
	p0 =	slt.s32 s21, $0x1  }
0x129: {  	s28 =	sshra.s32 s26, $0x1F;
	s30 =	sand.u32 $0x7F, s26;
	s8 =	spop (v2sf)  }
0x12a: {  	s1 =	sadd.s32 s31, s1;
	p1 =	sne.s32 s24, $0x0;
	s2 =	sshrl.u32 s25, $0x19  }
0x12b: {  	p2 =	sne.s32 s30, $0x0;
	s31 =	sadd.s32 $0x7F, s14;
	s9 =	spop (v2sf)  }
0x12c: {  	(v2sf) =	vpush v9, $0x3;
	s1 =	sadd.s32 s8, s1;
	p0 =	por !p0, !p1;
	s2 =	sadd.s32 s2, s21  }
0x12d: {  	p1 =	slt.s32 s26, $0x1;
	s8 =	sand.u32 $0x7F, s31;
	p3 =	slt.s32 s31, $0x1  }
0x12e: {  	s10 =	spop (v2sf);
	s13 =	sadd.s32 s9, s1;
	p0 =	por !p0, !p0  }
0x12f: {  	s2 =	sshra.s32 s2, $0x7;
	s9 =	sshra.s32 s31, $0x1F;
	p4 =	sne.s32 s8, $0x0  }
0x130: {  	s8 =	simm.s32 $0x1;
	s12 =	spop (v2sf);
	s22 =	sadd.s32 s10, s13  }
0x131: {  	s3 =	simm.s32 @!p0 $0x0;
	p0 =	por !p1, !p2;
	s10 =	sshrl.u32 s9, $0x19  }
0x132: {  	s16 =	spop (v2sf);
	s2 =	ssub.s32 s2, s3;
	s3 =	sshrl.u32 s28, $0x19  }
0x133: {  	p0 =	por !p0, !p0;
	s1 =	sadd.s32 s16, s12;
	s21 =	sshll.u32 s2, $0x7  }
0x134: {  	s3 =	sadd.s32 s3, s26;
	s4 =	simm.s32 @!p0 $0x0;
	p0 =	por !p3, !p4  }
0x135: {  	s12 =	sadd.s32 $0x7F, s19;
	s20 =	spop (v2sf);
	s3 =	sshra.s32 s3, $0x7  }
0x136: {  	p0 =	por !p0, !p0;
	s24 =	sshra.s32 s21, $0x7;
	s13 =	sshra.s32 s12, $0x1F  }
0x137: {  	s16 =	sand.u32 $0x7F, s12;
	p5 =	slt.s32 s12, $0x1;
	s0 =	sadd.s32 s20, s1  }
0x138: {  	s2 =	sadd.s32 s3, s2;
	s3 =	sadd.s32 s10, s31;
	s5 =	simm.s32 @!p0 $0x0  }
0x139: {  	p6 =	sne.s32 s16, $0x0;
	s20 =	sadd.s32 $0x7F, s15;
	s2 =	ssub.s32 s2, s4  }
0x13a: {  	s3 =	sshra.s32 s3, $0x7;
	p0 =	por !p5, !p6;
	s25 =	sand.u32 $0x7F, s20  }
0x13b: {  	s26 =	sshra.s32 s20, $0x1F;
	p1 =	slt.s32 s20, $0x1;
	s1 =	spop (v2sf)  }
0x13c: {  	s4 =	sshll.u32 s2, $0x7;
	s3 =	ssub.s32 s3, s5;
	s5 =	sshrl.u32 s13, $0x19  }
0x13d: {  	p0 =	por !p0, !p0;
	p2 =	sne.s32 s25, $0x0;
	s30 =	sshrl.u32 s26, $0x19  }
0x13e: {  	s25 =	sadd.s32 $0x7F, s22;
	s28 =	sshra.s32 s4, $0x7;
	s2 =	sadd.s32 s2, s3  }
0x13f: {  	s3 =	sadd.s32 s5, s12;
	s5 =	simm.s32 $0x1;
	s12 =	sadd.s32 $0x7F, s18  }
0x140: {  	(v2sf) =	vpush v9, $0x4;
	s26 =	sand.u32 $0x7F, s25;
	p5 =	slt.s32 s25, $0x1;
	s6 =	sshll.u32 s2, $0x7  }
0x141: {  	(v2sf) =	vpush v9, $0x5;
	s3 =	sshra.s32 s3, $0x7;
	s5 =	simm.s32 @!p0 $0x0;
	p0 =	por !p1, !p2  }
0x142: {  	(v2sf) =	vpush v9, $0x6;
	s13 =	sand.u32 $0x7F, s12;
	s16 =	sshra.s32 s12, $0x1F;
	p3 =	slt.s32 s12, $0x1  }
0x143: {  	(v2sf) =	vpush v9, $0x7;
	p6 =	sne.s32 s26, $0x0;
	s7 =	sshra.s32 s6, $0x7;
	s3 =	ssub.s32 s3, s5  }
0x144: {  	s5 =	sadd.s32 s30, s20;
	p0 =	por !p0, !p0;
	(v2sf) =	vpush v9, $0x8;
	p4 =	sne.s32 s13, $0x0  }
0x145: {  	s9 =	sshrl.u32 s16, $0x19;
	s30 =	sshra.s32 s25, $0x1F;
	s31 =	sadd.s32 s2, s3;
	(v2sf) =	vpush v9, $0x9  }
0x146: {  	s10 =	sshra.s32 s5, $0x7;
	s8 =	simm.s32 @!p0 $0x0;
	p0 =	por !p3, !p4;
	(v2sf) =	vpush v9, $0xA  }
0x147: {  	v59 =	vmov s24;
	s9 =	sadd.s32 s9, s12;
	s2 =	sshll.u32 s31, $0x7;
	s5 =	ssub.s32 s10, s8;
	(v2sf) =	vpush v9, $0xB  }
0x148: {  	vm0 =	vlt.s32 v59, v3;
	v60 =	vmov s28;
	p0 =	por !p0, !p0;
	s10 =	simm.s32 $0x1;
	s20 =	sshra.s32 s9, $0x7;
	(v2sf) =	vpush v9, $0xC  }
0x149: {  	v61 =	vsel vm0, $0x1, v0;
	vm0 =	vlt.s32 v60, v3;
	s3 =	sshra.s32 s2, $0x7;
	s5 =	sadd.s32 s31, s5;
	s10 =	simm.s32 @!p0 $0x0;
	(v2sf) =	vpush v9, $0xD  }
0x14a: {  	v12 =	vmov s7;
	v11 =	vsel vm0, $0x2, v61;
	p0 =	por !p5, !p6;
	s8 =	sshll.u32 s5, $0x7;
	s10 =	ssub.s32 s20, s10;
	(v2sf) =	vpush v9, $0xE  }
0x14b: {  	vm0 =	vlt.s32 v12, v3;
	v13 =	vmov s3;
	s9 =	sshra.s32 s8, $0x7;
	s31 =	sadd.s32 s5, s10;
	s10 =	sshrl.u32 s30, $0x19;
	(v2sf) =	vpush v9, $0xF  }
0x14c: {  	s13 =	simm.s32 $0x1;
	v11 =	vsel vm0, $0x3, v11;
	p0 =	por !p0, !p0;
	vm0 =	vlt.s32 v13, v3;
	s16 =	sadd.s32 s10, s25;
	v14 =	vmov s9  }
0x14d: {  	s13 =	simm.s32 @!p0 $0x0;
	s5 =	sshll.u32 s31, $0x7;
	v11 =	vsel vm0, $0x4, v11;
	s10 =	sshrl.u32 s16, $0x7;
	vm0 =	vlt.s32 v14, v3  }
0x14e: {  	s13 =	ssub.s32 s10, s13;
	s10 =	sshra.s32 s5, $0x7;
	v11 =	vsel vm0, $0x5, v11;
	vm0 =	vlt.s32 v59, v4  }
0x14f: {  	s0 =	sadd.s32 s1, s0;
	vm1 =	vlt.s32 v60, v4;
	s20 =	spop (v2sf);
	s26 =	sadd.s32 s31, s13;
	v62 =	vmov s10;
	v63 =	vsel vm0, $0x1, v0  }
0x150: {  	s0 =	sadd.s32 s20, s0;
	vm0 =	vlt.s32 v12, v4;
	s1 =	sshll.u32 s26, $0x7;
	v9 =	vsel vm1, $0x2, v63;
	vm1 =	vlt.s32 v62, v3;
	s25 =	spop (v2sf)  }
0x151: {  	[tilespmem:$0x7500] =	vst v5;
	s12 =	sshra.s32 s1, $0x7;
	v5 =	vsel vm1, $0x6, v11;
	v9 =	vsel vm0, $0x3, v9;
	vm0 =	vlt.s32 v13, v4;
	s30 =	spop (v2sf);
	s0 =	sadd.s32 s25, s0  }
0x152: {  	[tilespmem:$0x7510] =	vst v6;
	v6 =	vmov s12;
	v9 =	vsel vm0, $0x4, v9;
	vm0 =	vlt.s32 v14, v4;
	s31 =	spop (v2sf);
	s0 =	sadd.s32 s30, s0  }
0x153: {  	[tilespmem:$0x7520] =	vst v7;
	vm1 =	vlt.s32 v6, v3;
	v7 =	vsel vm0, $0x5, v9;
	vm0 =	vlt.s32 v62, v4;
	s20 =	spop (v2sf);
	s0 =	sadd.s32 s31, s0  }
0x154: {  	[tilespmem:$0x7530] =	vst v8;
	s29 =	simm.s32 $0x4000;
	v5 =	vsel vm1, $0x7, v5;
	v7 =	vsel vm0, $0x6, v7;
	vm0 =	vlt.s32 v6, v4;
	s25 =	spop (v2sf);
	s0 =	sadd.s32 s20, s0  }
0x155: {  	[smem:$0x0] =	sst s23;
	v6 =	vsel vm0, $0x7, v7;
	[tilespmem:$0x7480] =	vst v5;
	s26 =	spop (v2sf);
	s0 =	sadd.s32 s25, s0  }
0x156: {  	[smem:$0x1] =	sst s17;
	[tilespmem:$0x7490] =	vst v6;
	s30 =	spop (v2sf);
	s0 =	sadd.s32 s26, s0  }
0x157: {  	[smem:$0x2] =	sst s14;
	v5 =	vld [tilespmem:s29+$0x0];
	s31 =	spop (v2sf);
	s0 =	sadd.s32 s30, s0  }
0x158: {  	[smem:$0x3] =	sst s19;
	s0 =	sadd.s32 s31, s0;
	s14 =	spop (v2sf)  }
0x159: {  	[smem:$0x4] =	sst s15;
	s0 =	sadd.s32 s14, s0;
	s16 =	spop (v2sf)  }
0x15a: {  	[smem:$0x5] =	sst s18;
	s0 =	sadd.s32 s16, s0;
	s17 =	spop (v2sf)  }
0x15b: {  	[smem:$0x6] =	sst s22;
	s0 =	sadd.s32 s17, s0  }
0x15c: {  	v5 =	vadd.s32 $0x8, v5;
	[smem:$0x7] =	sst s0;
	s0 =	simm.s32 $0x0  }
0x15d: {  	(v2sf) =	vpush v5, $0x0;
	[smem:$0x8] =	sst s0  }
0x15e: {  	[smem:$0x10] =	sst s0  }
0x15f: {  	[smem:$0x9] =	sst s21  }
0x160: {  	[smem:$0x11] =	sst s24  }
0x161: {  	[smem:$0xA] =	sst s4  }
0x162: {  	(v2sf) =	vpush v5, $0x1;
	[smem:$0x12] =	sst s28  }
0x163: {  	[smem:$0xB] =	sst s6  }
0x164: {  	[smem:$0x13] =	sst s7  }
0x165: {  	[smem:$0xC] =	sst s2  }
0x166: {  	[smem:$0x14] =	sst s3  }
0x167: {  	(v2sf) =	vpush v5, $0x2;
	[smem:$0xD] =	sst s8  }
0x168: {  	[smem:$0x15] =	sst s9  }
0x169: {  	[smem:$0xE] =	sst s5  }
0x16a: {  	[smem:$0x16] =	sst s10  }
0x16b: {  	[smem:$0xF] =	sst s1  }
0x16c: {  	[smem:$0x17] =	sst s12;
	s18 =	spop (v2sf);
	(v2sf) =	vpush v5, $0x3  }
0x16d: {  	s1 =	sld [smem:s18+$0x0];
	_ =	sdelay $0x2  }
0x16e: {  	s19 =	sadd.s32 $0x1, s1  }
0x16f: {  	s20 =	spop (v2sf);
	(v2sf) =	vpush v5, $0x4;
	[smem:s18] =	sst s19  }
0x170: {  	s2 =	sld [smem:s20+$0x0];
	_ =	sdelay $0x2  }
0x171: {  	s21 =	sadd.s32 $0x1, s2  }
0x172: {  	s22 =	spop (v2sf);
	(v2sf) =	vpush v5, $0x5;
	[smem:s20] =	sst s21  }
0x173: {  	s3 =	sld [smem:s22+$0x0];
	_ =	sdelay $0x2  }
0x174: {  	s23 =	sadd.s32 $0x1, s3  }
0x175: {  	[smem:s22] =	sst s23;
	s24 =	spop (v2sf);
	(v2sf) =	vpush v5, $0x6  }
0x176: {  	s5 =	sld [smem:s24+$0x0];
	_ =	sdelay $0x2  }
0x177: {  	s25 =	sadd.s32 $0x1, s5  }
0x178: {  	s26 =	spop (v2sf);
	(v2sf) =	vpush v5, $0x7;
	[smem:s24] =	sst s25  }
0x179: {  	s6 =	sld [smem:s26+$0x0];
	_ =	sdelay $0x2  }
0x17a: {  	s28 =	sadd.s32 $0x1, s6  }
0x17b: {  	s30 =	spop (v2sf);
	(v2sf) =	vpush v5, $0x8;
	[smem:s26] =	sst s28  }
0x17c: {  	s7 =	sld [smem:s30+$0x0];
	_ =	sdelay $0x2  }
0x17d: {  	s31 =	sadd.s32 $0x1, s7  }
0x17e: {  	[smem:s30] =	sst s31;
	s9 =	spop (v2sf);
	(v2sf) =	vpush v5, $0x9  }
0x17f: {  	s8 =	sld [smem:s9+$0x0];
	_ =	sdelay $0x2  }
0x180: {  	s10 =	sadd.s32 $0x1, s8  }
0x181: {  	s12 =	spop (v2sf);
	(v2sf) =	vpush v5, $0xA;
	[smem:s9] =	sst s10  }
0x182: {  	s9 =	sld [smem:s12+$0x0];
	_ =	sdelay $0x2  }
0x183: {  	s13 =	sadd.s32 $0x1, s9  }
0x184: {  	s14 =	spop (v2sf);
	(v2sf) =	vpush v5, $0xB;
	[smem:s12] =	sst s13  }
0x185: {  	s10 =	sld [smem:s14+$0x0];
	_ =	sdelay $0x2  }
0x186: {  	s15 =	sadd.s32 $0x1, s10  }
0x187: {  	[smem:s14] =	sst s15;
	s16 =	spop (v2sf);
	(v2sf) =	vpush v5, $0xC  }
0x188: {  	s12 =	sld [smem:s16+$0x0];
	_ =	sdelay $0x2  }
0x189: {  	s17 =	sadd.s32 $0x1, s12  }
0x18a: {  	s18 =	spop (v2sf);
	(v2sf) =	vpush v5, $0xD;
	[smem:s16] =	sst s17  }
0x18b: {  	s13 =	sld [smem:s18+$0x0];
	_ =	sdelay $0x2  }
0x18c: {  	s19 =	sadd.s32 $0x1, s13  }
0x18d: {  	s20 =	spop (v2sf);
	(v2sf) =	vpush v5, $0xE;
	[smem:s18] =	sst s19  }
0x18e: {  	s14 =	sld [smem:s20+$0x0];
	_ =	sdelay $0x2  }
0x18f: {  	s21 =	sadd.s32 $0x1, s14  }
0x190: {  	[smem:s20] =	sst s21;
	s22 =	spop (v2sf);
	(v2sf) =	vpush v5, $0xF  }
0x191: {  	s15 =	sld [smem:s22+$0x0];
	_ =	sdelay $0x2  }
0x192: {  	s23 =	sadd.s32 $0x1, s15  }
0x193: {  	s24 =	spop (v2sf);
	[smem:s22] =	sst s23  }
0x194: {  	s16 =	sld [smem:s24+$0x0];
	_ =	sdelay $0x2  }
0x195: {  	s25 =	sadd.s32 $0x1, s16  }
0x196: {  	s26 =	spop (v2sf);
	[smem:s24] =	sst s25  }
0x197: {  	s17 =	sld [smem:s26+$0x0];
	_ =	sdelay $0x2  }
0x198: {  	s28 =	sadd.s32 $0x1, s17  }
0x199: {  	[smem:s26] =	sst s28;
	s30 =	spop (v2sf)  }
0x19a: {  	s18 =	sld [smem:s30+$0x0];
	_ =	sdelay $0x2  }
0x19b: {  	vm0 =	vcmask $0x300;
	v5 =	vmov s18  }
0x19c: {  	vm1 =	vcmask $0x704;
	v5 =	vsel vm0, s1, v5  }
0x19d: {  	vm2 =	vcmask $0xB08;
	v5 =	vsel vm1, s2, v5  }
0x19e: {  	vm3 =	vcmask $0xF0C;
	v5 =	vsel vm2, s3, v5  }
0x19f: {  	vm4 =	vcmask $0x1310;
	v5 =	vsel vm3, s5, v5  }
0x1a0: {  	vm5 =	vcmask $0x1714;
	v5 =	vsel vm4, s6, v5  }
0x1a1: {  	vm6 =	vcmask $0x1B18;
	v5 =	vsel vm5, s7, v5  }
0x1a2: {  	v5 =	vsel vm6, s8, v5  }
0x1a3: {  	v5 =	vsel vm7, s9, v5  }
0x1a4: {  	v5 =	vsel vm8, s10, v5  }
0x1a5: {  	v5 =	vsel vm9, s12, v5  }
0x1a6: {  	v5 =	vsel vm10, s13, v5  }
0x1a7: {  	v5 =	vsel vm11, s14, v5  }
0x1a8: {  	v5 =	vsel vm12, s15, v5  }
0x1a9: {  	v5 =	vsel vm13, s16, v5  }
0x1aa: {  	s1 =	simm.s32 $0x5480;
	v5 =	vsel vm14, s17, v5  }
0x1ab: {  	v6 =	vor.u32 s0, v1;
	s19 =	simm.s32 $0x10;
	s31 =	sadd.s32 $0x1, s18;
	s12 =	simm.s32 $0x5C80;
	[tilespmem:s1+$0x0] =	vst v5  }
0x1ac: {  	s22 =	simm.s32 $0x6C90;
	[smem:s30] =	sst s31;
	s15 =	simm.s32 $0x6C80;
	[tilespmem:s12+$0x0] =	vst v6  }
.LBB2_7:
0x1ad: {  	[tilespmem:s15+$0x0] =	vst v5;
	s1 =	sadd.s32 $0x10, s1;
	s12 =	sadd.s32 $0x10, s12;
	s29 =	sadd.s32 $0x10, s29  }
0x1ae: {  	p0 =	sne.s32 s19, $0x7F0;
	s18 =	smov.u32 s19;
	s19 =	sadd.s32 $0x10, s19;
	v5 =	vld [tilespmem:s29+$0x0]  }
0x1af: {  	s15 =	smov.u32 s22;
	_ =	sdelay $0x3  }
0x1b0: {  	v5 =	vadd.s32 $0x8, v5  }
0x1b1: {  	(v2sf) =	vpush v5, $0x0;
	_ =	sdelay $0x4  }
0x1b2: {  	(v2sf) =	vpush v5, $0x1;
	_ =	sdelay $0x4  }
0x1b3: {  	(v2sf) =	vpush v5, $0x2;
	_ =	sdelay $0x4  }
0x1b4: {  	s0 =	spop (v2sf);
	(v2sf) =	vpush v5, $0x3  }
0x1b5: {  	s4 =	sld [smem:s0+$0x0];
	_ =	sdelay $0x2  }
0x1b6: {  	s2 =	sadd.s32 $0x1, s4  }
0x1b7: {  	[smem:s0] =	sst s2;
	s0 =	spop (v2sf);
	(v2sf) =	vpush v5, $0x4  }
0x1b8: {  	s6 =	sld [smem:s0+$0x0];
	_ =	sdelay $0x2  }
0x1b9: {  	s2 =	sadd.s32 $0x1, s6  }
0x1ba: {  	[smem:s0] =	sst s2;
	s2 =	spop (v2sf);
	(v2sf) =	vpush v5, $0x5  }
0x1bb: {  	s0 =	sld [smem:s2+$0x0];
	_ =	sdelay $0x2  }
0x1bc: {  	s3 =	sadd.s32 $0x1, s0  }
0x1bd: {  	[smem:s2] =	sst s3;
	s3 =	spop (v2sf);
	(v2sf) =	vpush v5, $0x6  }
0x1be: {  	s2 =	sld [smem:s3+$0x0];
	_ =	sdelay $0x2  }
0x1bf: {  	s5 =	sadd.s32 $0x1, s2  }
0x1c0: {  	[smem:s3] =	sst s5;
	s5 =	spop (v2sf);
	(v2sf) =	vpush v5, $0x7  }
0x1c1: {  	s3 =	sld [smem:s5+$0x0];
	_ =	sdelay $0x2  }
0x1c2: {  	s7 =	sadd.s32 $0x1, s3  }
0x1c3: {  	[smem:s5] =	sst s7;
	s7 =	spop (v2sf);
	(v2sf) =	vpush v5, $0x8  }
0x1c4: {  	s5 =	sld [smem:s7+$0x0];
	_ =	sdelay $0x2  }
0x1c5: {  	s8 =	sadd.s32 $0x1, s5  }
0x1c6: {  	[smem:s7] =	sst s8;
	s8 =	spop (v2sf);
	(v2sf) =	vpush v5, $0x9  }
0x1c7: {  	s7 =	sld [smem:s8+$0x0];
	_ =	sdelay $0x2  }
0x1c8: {  	s9 =	sadd.s32 $0x1, s7  }
0x1c9: {  	[smem:s8] =	sst s9;
	s9 =	spop (v2sf);
	(v2sf) =	vpush v5, $0xA  }
0x1ca: {  	s8 =	sld [smem:s9+$0x0];
	_ =	sdelay $0x2  }
0x1cb: {  	s10 =	sadd.s32 $0x1, s8  }
0x1cc: {  	[smem:s9] =	sst s10;
	s10 =	spop (v2sf);
	(v2sf) =	vpush v5, $0xB  }
0x1cd: {  	s9 =	sld [smem:s10+$0x0];
	_ =	sdelay $0x2  }
0x1ce: {  	s13 =	sadd.s32 $0x1, s9  }
0x1cf: {  	[smem:s10] =	sst s13;
	s13 =	spop (v2sf);
	(v2sf) =	vpush v5, $0xC  }
0x1d0: {  	s10 =	sld [smem:s13+$0x0];
	_ =	sdelay $0x2  }
0x1d1: {  	s14 =	sadd.s32 $0x1, s10  }
0x1d2: {  	[smem:s13] =	sst s14;
	s14 =	spop (v2sf);
	(v2sf) =	vpush v5, $0xD  }
0x1d3: {  	s13 =	sld [smem:s14+$0x0];
	_ =	sdelay $0x2  }
0x1d4: {  	s16 =	sadd.s32 $0x1, s13  }
0x1d5: {  	[smem:s14] =	sst s16;
	s16 =	spop (v2sf);
	(v2sf) =	vpush v5, $0xE  }
0x1d6: {  	s14 =	sld [smem:s16+$0x0];
	_ =	sdelay $0x2  }
0x1d7: {  	s17 =	sadd.s32 $0x1, s14  }
0x1d8: {  	[smem:s16] =	sst s17;
	s16 =	spop (v2sf);
	(v2sf) =	vpush v5, $0xF  }
0x1d9: {  	s17 =	sld [smem:s16+$0x0];
	_ =	sdelay $0x2  }
0x1da: {  	s20 =	sadd.s32 $0x1, s17  }
0x1db: {  	[smem:s16] =	sst s20;
	s16 =	spop (v2sf)  }
0x1dc: {  	s20 =	sld [smem:s16+$0x0];
	_ =	sdelay $0x2  }
0x1dd: {  	s21 =	sadd.s32 $0x1, s20  }
0x1de: {  	[smem:s16] =	sst s21;
	s16 =	spop (v2sf)  }
0x1df: {  	s21 =	sld [smem:s16+$0x0];
	_ =	sdelay $0x2  }
0x1e0: {  	s23 =	sadd.s32 $0x1, s21  }
0x1e1: {  	[smem:s16] =	sst s23;
	s16 =	spop (v2sf)  }
0x1e2: {  	s23 =	sld [smem:s16+$0x0];
	_ =	sdelay $0x2  }
0x1e3: {  	s24 =	sadd.s32 $0x1, s23;
	v5 =	vmov s23  }
0x1e4: {  	[smem:s16] =	sst s24;
	v5 =	vsel vm0, s4, v5  }
0x1e5: {  	v5 =	vsel vm1, s6, v5  }
0x1e6: {  	v5 =	vsel vm2, s0, v5  }
0x1e7: {  	v5 =	vsel vm3, s2, v5  }
0x1e8: {  	v5 =	vsel vm4, s3, v5  }
0x1e9: {  	v5 =	vsel vm5, s5, v5  }
0x1ea: {  	v5 =	vsel vm6, s7, v5  }
0x1eb: {  	v5 =	vsel vm7, s8, v5  }
0x1ec: {  	v5 =	vsel vm8, s9, v5  }
0x1ed: {  	v5 =	vsel vm9, s10, v5  }
0x1ee: {  	v5 =	vsel vm10, s13, v5  }
0x1ef: {  	v5 =	vsel vm11, s14, v5  }
.Ltmp3:
0x1f0: {  	v5 =	vsel vm12, s17, v5;
	(pc) =	sbr.rel @p0 .LBB2_7-.Ltmp3, $4  }
0x1f1: {  	v5 =	vsel vm13, s20, v5  }
0x1f2: {  	v5 =	vsel vm14, s21, v5  }
0x1f3: {  	v6 =	vor.u32 s18, v1;
	[tilespmem:s1+$0x0] =	vst v5  }
0x1f4: {  	s22 =	sadd.s32 $0x10, s22;
	[tilespmem:s12+$0x0] =	vst v6  }
0x1f5: {  	[tilespmem:s15+$0x0] =	vst v5;
	s0 =	rddreg [dreg:$0x4];
	s1 =	simm.s32 $0x0;
	s2 =	simm.s32 $0x6C80  }
0x1f6: {  	[hbm4b:s0+s1] =	stream.linear.scatter [tilespmem:s2], [sflag:$0x2], $0x800, $0x38;
	[tilespmem:$0x7580] =	vst v63  }
0x1f7: {  	s2 =	simm.s32 $0x2  }
0x1f8: {  	_ =	swait.ge [sflag:s2], $0x800  }
0x1f9: {  	[sflag:s2] =	ssyncset.done $0x0  }
0x1fa: {  	s3 =	simm.s32 $0x7480;
	s29 =	rddreg [dreg:$0x6];
	[sflag:s2] =	ssyncadd.s32 $0xFFFFF800  }
0x1fb: {  	[hbm4b:s29+s1] =	stream.linear.scatter [tilespmem:s3], [sflag:$0x2], $0x80, $0x38;
	[tilespmem:$0x7580] =	vst v63  }
0x1fc: {  	_ =	swait.ge [sflag:s2], $0x80  }
0x1fd: {  	[sflag:s2] =	ssyncset.done $0x0  }
0x1fe: {  	s5 =	simm.s32 $0x5480;
	[sflag:s2] =	ssyncadd.s32 $0xFFFFFF80  }
0x1ff: {  	s30 =	simm.s32 $0x5C80;
	s3 =	simm.s32 $0x80;
	s4 =	rddreg [dreg:$0x1]  }
0x200: {  	[hbm4b:s4+s3] =	stream.indirect.scatter [tilespmem:s30], [sflag:$0x1], $0x1, s5, s3, $0xb8;
	[tilespmem:$0x7580] =	vst v63  }
0x201: {  	s6 =	simm.s32 $0x6480;
	s0 =	rddreg [dreg:$0x5]  }
0x202: {  	[hbm4b:s0+s3] =	stream.indirect.scatter [tilespmem:s6], [sflag:$0x1], $0x1, s5, s3, $0xb8;
	[tilespmem:$0x7580] =	vst v63  }
0x203: {  	s31 =	simm.s32 $0x5500;
	s7 =	simm.s32 $0x5D00  }
0x204: {  	[hbm4b:s4+s3] =	stream.indirect.scatter [tilespmem:s7], [sflag:$0x1], $0x1, s31, s3, $0xb8;
	[tilespmem:$0x7580] =	vst v63  }
0x205: {  	s8 =	simm.s32 $0x6500  }
0x206: {  	[hbm4b:s0+s3] =	stream.indirect.scatter [tilespmem:s8], [sflag:$0x1], $0x1, s31, s3, $0xb8;
	[tilespmem:$0x7580] =	vst v63  }
0x207: {  	s9 =	simm.s32 $0x5580;
	s10 =	simm.s32 $0x5D80  }
0x208: {  	[hbm4b:s4+s3] =	stream.indirect.scatter [tilespmem:s10], [sflag:$0x1], $0x1, s9, s3, $0xb8;
	[tilespmem:$0x7580] =	vst v63  }
0x209: {  	s12 =	simm.s32 $0x6580  }
0x20a: {  	[hbm4b:s0+s3] =	stream.indirect.scatter [tilespmem:s12], [sflag:$0x1], $0x1, s9, s3, $0xb8;
	[tilespmem:$0x7580] =	vst v63  }
0x20b: {  	s13 =	simm.s32 $0x5600;
	s14 =	simm.s32 $0x5E00  }
0x20c: {  	[hbm4b:s4+s3] =	stream.indirect.scatter [tilespmem:s14], [sflag:$0x1], $0x1, s13, s3, $0xb8;
	[tilespmem:$0x7580] =	vst v63  }
0x20d: {  	s15 =	simm.s32 $0x6600  }
0x20e: {  	[hbm4b:s0+s3] =	stream.indirect.scatter [tilespmem:s15], [sflag:$0x1], $0x1, s13, s3, $0xb8;
	[tilespmem:$0x7580] =	vst v63  }
0x20f: {  	s16 =	simm.s32 $0x5680;
	s17 =	simm.s32 $0x5E80  }
0x210: {  	[hbm4b:s4+s3] =	stream.indirect.scatter [tilespmem:s17], [sflag:$0x1], $0x1, s16, s3, $0xb8;
	[tilespmem:$0x7580] =	vst v63  }
0x211: {  	s18 =	simm.s32 $0x6680  }
0x212: {  	[hbm4b:s0+s3] =	stream.indirect.scatter [tilespmem:s18], [sflag:$0x1], $0x1, s16, s3, $0xb8;
	[tilespmem:$0x7580] =	vst v63  }
0x213: {  	s19 =	simm.s32 $0x5700;
	s20 =	simm.s32 $0x5F00  }
0x214: {  	[hbm4b:s4+s3] =	stream.indirect.scatter [tilespmem:s20], [sflag:$0x1], $0x1, s19, s3, $0xb8;
	[tilespmem:$0x7580] =	vst v63  }
0x215: {  	s21 =	simm.s32 $0x6700  }
0x216: {  	[hbm4b:s0+s3] =	stream.indirect.scatter [tilespmem:s21], [sflag:$0x1], $0x1, s19, s3, $0xb8;
	[tilespmem:$0x7580] =	vst v63  }
0x217: {  	s22 =	simm.s32 $0x5780;
	s23 =	simm.s32 $0x5F80  }
0x218: {  	[hbm4b:s4+s3] =	stream.indirect.scatter [tilespmem:s23], [sflag:$0x1], $0x1, s22, s3, $0xb8;
	[tilespmem:$0x7580] =	vst v63  }
0x219: {  	s24 =	simm.s32 $0x6780  }
0x21a: {  	[hbm4b:s0+s3] =	stream.indirect.scatter [tilespmem:s24], [sflag:$0x1], $0x1, s22, s3, $0xb8;
	[tilespmem:$0x7580] =	vst v63  }
0x21b: {  	s25 =	simm.s32 $0x5800;
	s26 =	simm.s32 $0x6000  }
0x21c: {  	[hbm4b:s4+s3] =	stream.indirect.scatter [tilespmem:s26], [sflag:$0x1], $0x1, s25, s3, $0xb8;
	[tilespmem:$0x7580] =	vst v63  }
0x21d: {  	s28 =	simm.s32 $0x6800  }
0x21e: {  	[hbm4b:s0+s3] =	stream.indirect.scatter [tilespmem:s28], [sflag:$0x1], $0x1, s25, s3, $0xb8;
	[tilespmem:$0x7580] =	vst v63  }
0x21f: {  	s29 =	simm.s32 $0x5880;
	s30 =	simm.s32 $0x6080  }
0x220: {  	[hbm4b:s4+s3] =	stream.indirect.scatter [tilespmem:s30], [sflag:$0x1], $0x1, s29, s3, $0xb8;
	[tilespmem:$0x7580] =	vst v63  }
0x221: {  	s31 =	simm.s32 $0x6880  }
0x222: {  	[hbm4b:s0+s3] =	stream.indirect.scatter [tilespmem:s31], [sflag:$0x1], $0x1, s29, s3, $0xb8;
	[tilespmem:$0x7580] =	vst v63  }
0x223: {  	s7 =	simm.s32 $0x5900;
	s8 =	simm.s32 $0x6100  }
0x224: {  	[hbm4b:s4+s3] =	stream.indirect.scatter [tilespmem:s8], [sflag:$0x1], $0x1, s7, s3, $0xb8;
	[tilespmem:$0x7580] =	vst v63  }
0x225: {  	s9 =	simm.s32 $0x6900  }
0x226: {  	[hbm4b:s0+s3] =	stream.indirect.scatter [tilespmem:s9], [sflag:$0x1], $0x1, s7, s3, $0xb8;
	[tilespmem:$0x7580] =	vst v63  }
0x227: {  	s10 =	simm.s32 $0x5980;
	s12 =	simm.s32 $0x6180  }
0x228: {  	[hbm4b:s4+s3] =	stream.indirect.scatter [tilespmem:s12], [sflag:$0x1], $0x1, s10, s3, $0xb8;
	[tilespmem:$0x7580] =	vst v63  }
0x229: {  	s13 =	simm.s32 $0x6980  }
0x22a: {  	[hbm4b:s0+s3] =	stream.indirect.scatter [tilespmem:s13], [sflag:$0x1], $0x1, s10, s3, $0xb8;
	[tilespmem:$0x7580] =	vst v63  }
0x22b: {  	s14 =	simm.s32 $0x5A00;
	s15 =	simm.s32 $0x6200  }
0x22c: {  	[hbm4b:s4+s3] =	stream.indirect.scatter [tilespmem:s15], [sflag:$0x1], $0x1, s14, s3, $0xb8;
	[tilespmem:$0x7580] =	vst v63  }
0x22d: {  	s16 =	simm.s32 $0x6A00  }
0x22e: {  	[hbm4b:s0+s3] =	stream.indirect.scatter [tilespmem:s16], [sflag:$0x1], $0x1, s14, s3, $0xb8;
	[tilespmem:$0x7580] =	vst v63  }
0x22f: {  	s17 =	simm.s32 $0x5A80;
	s18 =	simm.s32 $0x6280  }
0x230: {  	[hbm4b:s4+s3] =	stream.indirect.scatter [tilespmem:s18], [sflag:$0x1], $0x1, s17, s3, $0xb8;
	[tilespmem:$0x7580] =	vst v63  }
0x231: {  	s19 =	simm.s32 $0x6A80  }
0x232: {  	[hbm4b:s0+s3] =	stream.indirect.scatter [tilespmem:s19], [sflag:$0x1], $0x1, s17, s3, $0xb8;
	[tilespmem:$0x7580] =	vst v63  }
0x233: {  	s20 =	simm.s32 $0x5B00;
	s21 =	simm.s32 $0x6300  }
0x234: {  	[hbm4b:s4+s3] =	stream.indirect.scatter [tilespmem:s21], [sflag:$0x1], $0x1, s20, s3, $0xb8;
	[tilespmem:$0x7580] =	vst v63  }
0x235: {  	s22 =	simm.s32 $0x6B00  }
0x236: {  	[hbm4b:s0+s3] =	stream.indirect.scatter [tilespmem:s22], [sflag:$0x1], $0x1, s20, s3, $0xb8;
	[tilespmem:$0x7580] =	vst v63  }
0x237: {  	s23 =	simm.s32 $0x5B80;
	s24 =	simm.s32 $0x6380  }
0x238: {  	[hbm4b:s4+s3] =	stream.indirect.scatter [tilespmem:s24], [sflag:$0x1], $0x1, s23, s3, $0xb8;
	[tilespmem:$0x7580] =	vst v63  }
0x239: {  	s25 =	simm.s32 $0x6B80  }
0x23a: {  	[hbm4b:s0+s3] =	stream.indirect.scatter [tilespmem:s25], [sflag:$0x1], $0x1, s23, s3, $0xb8;
	[tilespmem:$0x7580] =	vst v63  }
0x23b: {  	s26 =	simm.s32 $0x5C00;
	s28 =	simm.s32 $0x6400  }
0x23c: {  	[hbm4b:s4+s3] =	stream.indirect.scatter [tilespmem:s28], [sflag:$0x1], $0x1, s26, s3, $0xb8;
	[tilespmem:$0x7580] =	vst v63  }
0x23d: {  	s29 =	simm.s32 $0x6C00  }
0x23e: {  	[hbm4b:s0+s3] =	stream.indirect.scatter [tilespmem:s29], [sflag:$0x1], $0x1, s26, s3, $0xb8;
	[tilespmem:$0x7580] =	vst v63  }
0x23f: {  	_ =	swait.ge [sflag:s11], $0x80  }
0x240: {  	[sflag:s11] =	ssyncset.done $0x0  }
0x241: {  	[sflag:s11] =	ssyncadd.s32 $0xFFFFFF80  }
0x242: {  	_ =	swait.ge [sflag:s11], $0x80  }
0x243: {  	[sflag:s11] =	ssyncset.done $0x0  }
0x244: {  	[sflag:s11] =	ssyncadd.s32 $0xFFFFFF80  }
0x245: {  	_ =	swait.ge [sflag:s11], $0x80  }
0x246: {  	[sflag:s11] =	ssyncset.done $0x0  }
0x247: {  	[sflag:s11] =	ssyncadd.s32 $0xFFFFFF80  }
0x248: {  	_ =	swait.ge [sflag:s11], $0x80  }
0x249: {  	[sflag:s11] =	ssyncset.done $0x0  }
0x24a: {  	[sflag:s11] =	ssyncadd.s32 $0xFFFFFF80  }
0x24b: {  	_ =	swait.ge [sflag:s11], $0x80  }
0x24c: {  	[sflag:s11] =	ssyncset.done $0x0  }
0x24d: {  	[sflag:s11] =	ssyncadd.s32 $0xFFFFFF80  }
0x24e: {  	_ =	swait.ge [sflag:s11], $0x80  }
0x24f: {  	[sflag:s11] =	ssyncset.done $0x0  }
0x250: {  	[sflag:s11] =	ssyncadd.s32 $0xFFFFFF80  }
0x251: {  	_ =	swait.ge [sflag:s11], $0x80  }
0x252: {  	[sflag:s11] =	ssyncset.done $0x0  }
0x253: {  	[sflag:s11] =	ssyncadd.s32 $0xFFFFFF80  }
0x254: {  	_ =	swait.ge [sflag:s11], $0x80  }
0x255: {  	[sflag:s11] =	ssyncset.done $0x0  }
0x256: {  	[sflag:s11] =	ssyncadd.s32 $0xFFFFFF80  }
0x257: {  	_ =	swait.ge [sflag:s11], $0x80  }
0x258: {  	[sflag:s11] =	ssyncset.done $0x0  }
0x259: {  	[sflag:s11] =	ssyncadd.s32 $0xFFFFFF80  }
0x25a: {  	_ =	swait.ge [sflag:s11], $0x80  }
0x25b: {  	[sflag:s11] =	ssyncset.done $0x0  }
0x25c: {  	[sflag:s11] =	ssyncadd.s32 $0xFFFFFF80  }
0x25d: {  	_ =	swait.ge [sflag:s11], $0x80  }
0x25e: {  	[sflag:s11] =	ssyncset.done $0x0  }
0x25f: {  	[sflag:s11] =	ssyncadd.s32 $0xFFFFFF80  }
0x260: {  	_ =	swait.ge [sflag:s11], $0x80  }
0x261: {  	[sflag:s11] =	ssyncset.done $0x0  }
0x262: {  	[sflag:s11] =	ssyncadd.s32 $0xFFFFFF80  }
0x263: {  	_ =	swait.ge [sflag:s11], $0x80  }
0x264: {  	[sflag:s11] =	ssyncset.done $0x0  }
0x265: {  	[sflag:s11] =	ssyncadd.s32 $0xFFFFFF80  }
0x266: {  	_ =	swait.ge [sflag:s11], $0x80  }
0x267: {  	[sflag:s11] =	ssyncset.done $0x0  }
0x268: {  	[sflag:s11] =	ssyncadd.s32 $0xFFFFFF80  }
0x269: {  	_ =	swait.ge [sflag:s11], $0x80  }
0x26a: {  	[sflag:s11] =	ssyncset.done $0x0  }
0x26b: {  	[sflag:s11] =	ssyncadd.s32 $0xFFFFFF80  }
0x26c: {  	_ =	swait.ge [sflag:s11], $0x80  }
0x26d: {  	[sflag:s11] =	ssyncset.done $0x0  }
0x26e: {  	[sflag:s11] =	ssyncadd.s32 $0xFFFFFF80  }
0x26f: {  	_ =	swait.ge [sflag:s11], $0x80  }
0x270: {  	[sflag:s11] =	ssyncset.done $0x0  }
0x271: {  	[sflag:s11] =	ssyncadd.s32 $0xFFFFFF80  }
0x272: {  	_ =	swait.ge [sflag:s11], $0x80  }
0x273: {  	[sflag:s11] =	ssyncset.done $0x0  }
0x274: {  	[sflag:s11] =	ssyncadd.s32 $0xFFFFFF80  }
0x275: {  	_ =	swait.ge [sflag:s11], $0x80  }
0x276: {  	[sflag:s11] =	ssyncset.done $0x0  }
0x277: {  	[sflag:s11] =	ssyncadd.s32 $0xFFFFFF80  }
0x278: {  	_ =	swait.ge [sflag:s11], $0x80  }
0x279: {  	[sflag:s11] =	ssyncset.done $0x0  }
0x27a: {  	[sflag:s11] =	ssyncadd.s32 $0xFFFFFF80  }
0x27b: {  	_ =	swait.ge [sflag:s11], $0x80  }
0x27c: {  	[sflag:s11] =	ssyncset.done $0x0  }
0x27d: {  	[sflag:s11] =	ssyncadd.s32 $0xFFFFFF80  }
0x27e: {  	_ =	swait.ge [sflag:s11], $0x80  }
0x27f: {  	[sflag:s11] =	ssyncset.done $0x0  }
0x280: {  	[sflag:s11] =	ssyncadd.s32 $0xFFFFFF80  }
0x281: {  	_ =	swait.ge [sflag:s11], $0x80  }
0x282: {  	[sflag:s11] =	ssyncset.done $0x0  }
0x283: {  	[sflag:s11] =	ssyncadd.s32 $0xFFFFFF80  }
0x284: {  	_ =	swait.ge [sflag:s11], $0x80  }
0x285: {  	[sflag:s11] =	ssyncset.done $0x0  }
0x286: {  	[sflag:s11] =	ssyncadd.s32 $0xFFFFFF80  }
0x287: {  	_ =	swait.ge [sflag:s11], $0x80  }
0x288: {  	[sflag:s11] =	ssyncset.done $0x0  }
0x289: {  	[sflag:s11] =	ssyncadd.s32 $0xFFFFFF80  }
0x28a: {  	_ =	swait.ge [sflag:s11], $0x80  }
0x28b: {  	[sflag:s11] =	ssyncset.done $0x0  }
0x28c: {  	[sflag:s11] =	ssyncadd.s32 $0xFFFFFF80  }
0x28d: {  	_ =	swait.ge [sflag:s11], $0x80  }
0x28e: {  	[sflag:s11] =	ssyncset.done $0x0  }
0x28f: {  	[sflag:s11] =	ssyncadd.s32 $0xFFFFFF80  }
0x290: {  	_ =	swait.ge [sflag:s11], $0x80  }
0x291: {  	[sflag:s11] =	ssyncset.done $0x0  }
0x292: {  	[sflag:s11] =	ssyncadd.s32 $0xFFFFFF80  }
0x293: {  	_ =	swait.ge [sflag:s11], $0x80  }
0x294: {  	[sflag:s11] =	ssyncset.done $0x0  }
0x295: {  	[sflag:s11] =	ssyncadd.s32 $0xFFFFFF80  }
0x296: {  	_ =	swait.ge [sflag:s11], $0x80  }
0x297: {  	[sflag:s11] =	ssyncset.done $0x0  }
0x298: {  	[sflag:s11] =	ssyncadd.s32 $0xFFFFFF80  }
0x299: {  	_ =	swait.ge [sflag:s11], $0x80  }
0x29a: {  	[sflag:s11] =	ssyncset.done $0x0  }
0x29b: {  	[sflag:s11] =	ssyncadd.s32 $0xFFFFFF80  }
0x29c: {  	_ =	swait.ge [sflag:s11], $0x80  }
0x29d: {  	s30 =	rddreg [dreg:$0x8]  }
0x29e: {  	s31 =	rddreg [dreg:$0x7];
	s3 =	sadd.s32 $0x1, s30  }
0x29f: {  	p0 =	sne.s32 s3, s31  }
.Ltmp4:
0x2a0: {  	_ = 	snop;
	(pc) =	sbr.rel @p0 .LBB2_2-.Ltmp4, $3  }
0x2a1: {  	_ =	sdelay $0x1  }
0x2a2: {  	[sflag:s11] =	ssyncset.done $0x0  }
0x2a3: {  	[sflag:s11] =	ssyncadd.s32 $0xFFFFFF80  }
.LBB2_9:
0x2a4: {  	_ =	sfence.sel $0x180000  }
0x2a5: {  	[bflag:$0x0] =	sbarrier.arrive $0xFFFF  }
0x2a6: {  	_ =	strace $0x90000047  }
0x2a7: {  	s0 =	stileid.u32;
	[bflag:$0x2] =	sbarrier.arrive $0xFFFF  }
0x2a8: {  	p0 =	sne.s32 s0, $0x0;
	s0 =	rddreg [dreg:$0x3]  }
0x2a9: {  	s0 =	sadd.s32 @!p0 $0x100000, s0  }
0x2aa: {  	[sflag:s0] =	ssyncadd.tile.s32 @!p0 $0x1;
	_ =	shalt  }
.Lfunc_end2:
_tile_overlayer_lowered:
.L_overlay_start_2:
0x2ab: {  	(tag) =	ssettag $0x2  }
0x2ac: {  	s0 =	rddreg [dreg:$0x0];
	s2 =	stileid.u32  }
0x2ad: {  	s1 =	rddreg [dreg:$0x1];
	p0 =	sne.s32 s2, $0x0  }
0x2ae: {  	s3 =	rddreg [dreg:$0x2];
	[bflag:$0x3] =	sbarrier.arrive $0xFFFF;
	s2 =	simm.s32 @!p0 $0x1C02  }
0x2af: {  	[timem:s3], [sflag:s2] =	dma.local @!p0 [hbm:s0], s1  }
0x2b0: {  	s0 =	simm.s32 @!p0 $0x2  }
0x2b1: {  	_ =	swait.ge @!p0 [sflag:s0], s1  }
0x2b2: {  	s1 =	ssub.s32 @!p0 $0x0, s1;
	[sflag:s0] =	ssyncset.done @!p0 $0x0  }
0x2b3: {  	[sflag:s0] =	ssyncadd.s32 @!p0 s1  }
0x2b4: {  	[bflag:$0x3] =	sbarrier.arrive $0xFFFF  }
0x2b5: {  	_ =	shalt  }

// kernel: kernel.13.cloned.1.call-start
scs
__scs_entry_jumppad:
0x0: {  	(pc) =	sbr.rel $0x88, $3  }
0x1: {  	(tag) =	ssettag $0x0;
	lr =	simm.s32 $0x1  }
0x2: {  	[smem:$0x3F92] =	sst lr;
	_ =	strace $0xD0000000  }
0x3: {  	_ = 	snop  }
0x4: {  	_ = 	snop  }
0x5: {  	_ = 	snop  }
0x6: {  	_ = 	snop  }
0x7: {  	_ = 	snop  }
__scs_overlays_trampoline_lowered:
0x8: {  	[smem:$0x3FA1] =	sst s0  }
0x9: {  	[smem:$0x3FA2] =	sst s1  }
0xa: {  	[smem:$0x3FA3] =	sst s2  }
0xb: {  	[smem:$0x3FA4] =	sst s3  }
0xc: {  	[smem:$0x3FA5] =	sst s4  }
0xd: {  	[smem:$0x3FA6] =	sst s5  }
0xe: {  	[smem:$0x3FA7] =	sst s6  }
0xf: {  	[smem:$0x3FA8] =	sst s7  }
0x10: {  	[smem:$0x3FA9] =	sst s8  }
0x11: {  	[smem:$0x3FAA] =	sst s9;
	s0 =	simm.s32 @!p0 $0x0  }
0x12: {  	s1 =	sld [smem:$0x3F90];
	s0 =	simm.s32 @p0 $0x1  }
0x13: {  	[smem:$0x3FAB] =	sst s0;
	s0 =	simm.s32 @!p1 $0x0  }
0x14: {  	s2 =	sld [smem:$0x3F8F];
	s0 =	simm.s32 @p1 $0x1  }
0x15: {  	[smem:$0x3FAC] =	sst s0;
	s0 =	simm.s32 @!p2 $0x0  }
0x16: {  	s3 =	sld [smem:$0x3FDB];
	s0 =	simm.s32 @p2 $0x1  }
0x17: {  	s4 =	simm.s32 $0x1BF5;
	[smem:$0x3FAE] =	sst s0  }
0x18: {  	s0 =	sld [smem:$0x3F91];
	_ =	swait.ge [sflag:s4], $0x0  }
0x19: {  	s7 =	sld [smem:$0x3F92]  }
0x1a: {  	s8 =	sadd.s32 $0xFFFFE003, lr  }
0x1b: {  	s9 =	sadd.s32 $0xFFFFFEF7, lr;
	s5 =	simm.s32 $0xFFFFFFFF;
	p2 =	slt.u32 s8, $0xFFFFF086  }
0x1c: {  	p1 =	slt.u32 s9, $0xF7A;
	s5 =	simm.s32 @!p2 $0x0  }
0x1d: {  	s5 =	simm.s32 @p1 $0x1;
	p0 =	seq.s32 s7, s2  }
0x1e: {  	s7 =	smul.u32 @!p0 $0xF7A, s2;
	p2 =	seq.s32 @!p0 s5, $0x0  }
0x1f: {  	s9 =	smul.u32 $0xF7A, s1;
	s8 =	simm.s32 @!p0 $0x1BF5;
	p2 =	por !p2, p0  }
0x20: {  	[sflag:s8] =	ssyncset.s32 @!p0 $0xFFFFF086;
	s6 =	sadd.s32 @!p0 s3, s7;
	s7 =	simm.s32 @!p0 $0x108  }
0x21: {  	s3 =	sadd.s32 s3, s9;
	s6 =	sadd.s32 @!p0 $0x88, s6;
	s7 =	simm.s32 @p2 $0x1082  }
0x22: {  	[simem:s7], [sflag:s8] =	dma.local @!p0 [hbm:s6], $0xF7A  }
0x23: {  	s9 =	sor.u32 $0xD0000000, s2;
	s6 =	simm.s32 $0x108;
	_ =	swait.ge @!p0 [sflag:s8], $0x0  }
0x24: {  	s3 =	sadd.s32 $0x88, s3;
	s6 =	simm.s32 @!p1 $0x1082;
	[sflag:s4] =	ssyncset.s32 $0xFFFFF086  }
0x25: {  	[simem:s6], [sflag:s4] =	dma.local [hbm:s3], $0xF7A  }
0x26: {  	[smem:$0x3F92] =	sst s1;
	(tag) =	ssettag s2;
	_ =	strace s9  }
0x27: {  	s1 =	sld [smem:$0x3FA2]  }
0x28: {  	s2 =	sld [smem:$0x3FA3]  }
0x29: {  	s4 =	sld [smem:$0x3FA5]  }
0x2a: {  	p0 =	seq.s32 s5, $0x0;
	s5 =	sld [smem:$0x3FA6]  }
0x2b: {  	s6 =	sld [smem:$0x3FA7]  }
0x2c: {  	s7 =	sld [smem:$0x3FA8]  }
0x2d: {  	s3 =	simm.s32 $0x108;
	s8 =	sld [smem:$0x3FA9]  }
0x2e: {  	s3 =	simm.s32 @!p0 $0x1082;
	s9 =	sld [smem:$0x3FAA]  }
0x2f: {  	lr =	sadd.s32 s0, s3;
	s0 =	sld [smem:$0x3FA1]  }
0x30: {  	s3 =	sld [smem:$0x3FA4]  }
0x31: {  	[smem:$0x3FAD] =	sst s10  }
0x32: {  	s10 =	sld [smem:$0x3FAB];
	_ =	sdelay $0x3  }
0x33: {  	p0 =	seq.s32 s10, $0x1;
	s10 =	sld [smem:$0x3FAD];
	_ =	sdelay $0x3  }
0x34: {  	[smem:$0x3FAD] =	sst s10  }
0x35: {  	s10 =	sld [smem:$0x3FAC];
	_ =	sdelay $0x3  }
0x36: {  	p1 =	seq.s32 s10, $0x1;
	s10 =	sld [smem:$0x3FAD];
	_ =	sdelay $0x3  }
0x37: {  	[smem:$0x3FAD] =	sst s10  }
0x38: {  	s10 =	sld [smem:$0x3FAE]  }
0x39: {  	_ = 	snop;
	(pc) =	sbr.ind lr, $3  }
0x3a: {  	_ = 	snop  }
0x3b: {  	_ = 	snop  }
0x3c: {  	p2 =	seq.s32 s10, $0x1;
	s10 =	sld [smem:$0x3FAD]  }
0x3d: {  	_ =	shalt  }
0x3e: {  	_ =	shalt  }
0x3f: {  	_ =	shalt  }
0x40: {  	_ =	shalt  }
0x41: {  	_ =	shalt  }
0x42: {  	_ =	shalt  }
0x43: {  	_ =	shalt  }
0x44: {  	_ =	shalt  }
0x45: {  	_ =	shalt  }
0x46: {  	_ =	shalt  }
0x47: {  	_ =	shalt  }
0x48: {  	_ =	shalt  }
0x49: {  	_ =	shalt  }
0x4a: {  	_ =	shalt  }
0x4b: {  	_ =	shalt  }
0x4c: {  	_ =	shalt  }
0x4d: {  	_ =	shalt  }
0x4e: {  	_ =	shalt  }
0x4f: {  	_ =	shalt  }
0x50: {  	_ =	shalt  }
0x51: {  	_ =	shalt  }
0x52: {  	_ =	shalt  }
0x53: {  	_ =	shalt  }
0x54: {  	_ =	shalt  }
0x55: {  	_ =	shalt  }
0x56: {  	_ =	shalt  }
0x57: {  	_ =	shalt  }
0x58: {  	_ =	shalt  }
0x59: {  	_ =	shalt  }
0x5a: {  	_ =	shalt  }
0x5b: {  	_ =	shalt  }
0x5c: {  	_ =	shalt  }
0x5d: {  	_ =	shalt  }
0x5e: {  	_ =	shalt  }
0x5f: {  	_ =	shalt  }
0x60: {  	_ =	shalt  }
0x61: {  	_ =	shalt  }
0x62: {  	_ =	shalt  }
0x63: {  	_ =	shalt  }
0x64: {  	_ =	shalt  }
0x65: {  	_ =	shalt  }
0x66: {  	_ =	shalt  }
0x67: {  	_ =	shalt  }
0x68: {  	_ =	shalt  }
0x69: {  	_ =	shalt  }
0x6a: {  	_ =	shalt  }
0x6b: {  	_ =	shalt  }
0x6c: {  	_ =	shalt  }
0x6d: {  	_ =	shalt  }
0x6e: {  	_ =	shalt  }
0x6f: {  	_ =	shalt  }
0x70: {  	_ =	shalt  }
0x71: {  	_ =	shalt  }
0x72: {  	_ =	shalt  }
0x73: {  	_ =	shalt  }
0x74: {  	_ =	shalt  }
0x75: {  	_ =	shalt  }
0x76: {  	_ =	shalt  }
0x77: {  	_ =	shalt  }
0x78: {  	_ =	shalt  }
0x79: {  	_ =	shalt  }
0x7a: {  	_ =	shalt  }
0x7b: {  	_ =	shalt  }
0x7c: {  	_ =	shalt  }
0x7d: {  	_ =	shalt  }
0x7e: {  	_ =	shalt  }
0x7f: {  	_ =	shalt  }
0x80: {  	_ =	shalt  }
0x81: {  	_ =	shalt  }
0x82: {  	_ =	shalt  }
0x83: {  	_ =	shalt  }
0x84: {  	_ =	shalt  }
0x85: {  	_ =	shalt  }
0x86: {  	_ =	shalt  }
0x87: {  	_ =	shalt  }
.Lfunc_end0:
.L_simem_size_0:
called_computation.1_lowered:
.L_overlay_start_0:
0x88: {  	s2 =	sld [smem:$0x3FD9]  }
0x89: {  	s3 =	sld [smem:$0x3FFE];
	_ =	sdelay $0x1  }
0x8a: {  	s1 =	srdreg.scid  }
0x8b: {  	s0 =	sand.u32 $0x1, s1  }
0x8c: {  	s14 =	sshll.u32 s0, $0xA;
	s2 =	sadd.s32 s3, s2  }
0x8d: {  	s2 =	sadd.s32 s2, s14  }
0x8e: {  	[smem:$0x3FB9] =	sst s2  }
0x8f: {  	_ = 	snop  }
0x90: {  	s2 =	sld [smem:$0x3FD0];
	_ =	sdelay $0x2  }
0x91: {  	s4 =	simm.s32 $0xA;
	s5 =	simm.s32 $0x10;
	s15 =	sld [smem:$0x3FC9]  }
0x92: {  	[smem:s5], [sflag:s4] =	dma.local [hbm:s2], $0x1  }
0x93: {  	_ =	swait.eq [sflag:s4], $0x1  }
0x94: {  	[sflag:s4] =	ssyncset.done $0x0  }
0x95: {  	[sflag:s4] =	ssyncadd.s32 $0xFFFFFFFF  }
0x96: {  	s16 =	sld [smem:$0x10];
	(tm) =	ssettm $0x1  }
0x97: {  	s17 =	sld [smem:$0x3FFB];
	_ =	sdelay $0x3  }
0x98: {  	_ =	strace s17  }
0x99: {  	s4 =	sld [smem:$0x3FFC];
	_ =	sdelay $0x3  }
0x9a: {  	_ =	strace s4  }
0x9b: {  	s4 =	sld [smem:$0x3FFD];
	_ =	sdelay $0x3  }
0x9c: {  	_ =	strace s4  }
0x9d: {  	_ =	strace $0x8FFFFFFF  }
0x9e: {  	s18 =	sld [smem:$0x3FDB];
	_ =	sdelay $0x1  }
0x9f: {  	s19 =	simm.s32 $_scs_section_size  }
0xa0: {  	s6 =	simm.s32 $_size__tile_overlayer_lowered;
	s7 =	simm.s32 $_tile_overlayer_lowered  }
0xa1: {  	s22 =	simm.s32 $0x1BFF;
	s21 =	sshll.u32 s7, $0x1;
	s4 =	sadd.s32 s19, s18  }
0xa2: {  	s8 =	simm.s32 $0x0;
	s20 =	sshll.u32 s6, $0x1;
	s6 =	sadd.s32 s21, s4  }
0xa3: {  	[timem:s8], [sflag:s22] =	dma.local [hbm:s6], s20  }
0xa4: {  	_ =	swait.ge [sflag:s22], s20  }
0xa5: {  	s5 =	ssub.s32 $0x0, s20;
	[sflag:s22] =	ssyncset.done $0x0  }
0xa6: {  	[sflag:s22] =	ssyncadd.s32 s5;
	_ =	sdelay $0x1  }
0xa7: {  	s23 =	simm.s32 $0x1B8B  }
0xa8: {  	_ =	swait.ge [sflag:s23], $0x1  }
0xa9: {  	[sflag:s23] =	ssyncset.done $0x0  }
0xaa: {  	s25 =	simm.s32 $0x1B8E;
	s24 =	sld [smem:$0x3FFE];
	[sflag:s23] =	ssyncadd.s32 $0xFFFFFFFF  }
0xab: {  	s26 =	simm.s32 $execute0_lowered;
	[smem:$0x3FD2] =	sst s25  }
0xac: {  	s6 =	sshll.u32 s26, $0x1;
	_ =	strace $0x80000049;
	[dreg:$0x1] =	wrdreg $0xFFFFFFFF  }
0xad: {  	s28 =	simm.s32 $_size_execute0_lowered;
	s4 =	sadd.s32 s4, s6;
	[dreg:$0x0] =	wrdreg $0x0  }
0xae: {  	s6 =	sshll.u32 s28, $0x1;
	[dreg:$0x2] =	wrdreg s4  }
0xaf: {  	[dreg:$0x3] =	wrdreg s6  }
0xb0: {  	[dreg:$0x4] =	wrdreg $0xC0  }
0xb1: {  	_ =	task [dreg:s8], $0x5FFFF  }
0xb2: {  	[dreg:$0x1] =	wrdreg $0xFFFFFFFF  }
0xb3: {  	[dreg:$0x0] =	wrdreg $0x60  }
0xb4: {  	[dreg:$0x2] =	wrdreg s15  }
0xb5: {  	[dreg:$0x3] =	wrdreg s16  }
0xb6: {  	[dreg:$0x4] =	wrdreg s24  }
0xb7: {  	[dreg:$0x5] =	wrdreg $0x9  }
0xb8: {  	_ =	task.clear_ibuf [dreg:s8], $0x6FFFF;
	_ =	strace $0x90000049  }
0xb9: {  	s29 =	simm.s32 $0x9;
	_ =	strace $0x8000004B  }
0xba: {  	_ =	swait.ge [sflag:s29], $0x1  }
0xbb: {  	[sflag:s29] =	ssyncadd.s32 $0xFFFFFFFF  }
0xbc: {  	_ =	strace $0x9000004B  }
0xbd: {  	_ =	sfence  }
0xbe: {  	s30 =	sld [smem:$0x0];
	_ =	sdelay $0x2  }
0xbf: {  	s31 =	sshll.u32 s1, $0xD;
	s1 =	sshrl.u32 s1, $0x2  }
0xc0: {  	s3 =	sand.u32 $0x4000, s31;
	s1 =	sadd.s32 s1, s30  }
0xc1: {  	s0 =	sor.u32 s3, s0;
	s1 =	sshll.u32 s1, $0x11  }
0xc2: {  	s0 =	sor.u32 s1, s0  }
0xc3: {  	s0 =	sadd.s32 $0x8F2B, s0  }
0xc4: {  	[sflag:s0] =	ssyncadd.remote.s32 $0x1  }
0xc5: {  	_ =	sfence.sel $0xFFFF  }
0xc6: {  	[dreg:$0x0] =	wrdreg $0xFFFFFFFF;
	(pc) =	sbr.abs _section_cstart, $3  }
0xc7: {  	[dreg:$0x1] =	wrdreg $0xFFFFFFFF  }
0xc8: {  	_ =	task.clear_ibuf [dreg:s8], $0x2FFFF;
	_ =	strace $0x9FFFFFFF  }
0xc9: {  	(tm) =	ssettm $0x7FFFFFFF  }
tec
execute0_lowered:
.L_overlay_start_1:
0x0: {  	(tag) =	ssettag $0x1  }
0x1: {  	s2 =	srdreg.scid  }
0x2: {  	s0 =	stileid.u32;
	s1 =	rddreg [dreg:$0x0]  }
0x3: {  	s4 =	rddreg [dreg:$0x1];
	s2 =	sand.u32 $0x1, s2;
	s3 =	sshll.u32 s0, $0x1  }
0x4: {  	s6 =	rddreg [dreg:$0x2];
	s5 =	sor.u32 s2, s3;
	s3 =	simm.s32 $0x0  }
0x5: {  	s13 =	simm.s32 $0x880;
	[smem:$0x7FF] =	sst s3  }
0x6: {  	s14 =	simm.s32 $0x1080;
	_ =	strace $0x8000004A;
	[dreg:$0x6] =	wrdreg s13  }
0x7: {  	s15 =	simm.s32 $0x1880;
	s16 =	simm.s32 $0x2080;
	[dreg:$0x7] =	wrdreg s14  }
0x8: {  	s17 =	simm.s32 $0x2880;
	s18 =	simm.s32 $0x3080;
	[dreg:$0x8] =	wrdreg s15  }
0x9: {  	s20 =	simm.s32 $0x3880;
	s21 =	simm.s32 $0x4080;
	[dreg:$0x9] =	wrdreg s16  }
0xa: {  	s22 =	simm.s32 $0x4880;
	s23 =	simm.s32 $0x5080;
	[dreg:$0xa] =	wrdreg s17  }
0xb: {  	s24 =	simm.s32 $0x5880;
	s25 =	simm.s32 $0x6080;
	[dreg:$0xb] =	wrdreg s18  }
0xc: {  	s8 =	simm.s32 $0x80;
	s26 =	simm.s32 $0x6880;
	[dreg:$0xc] =	wrdreg s20  }
0xd: {  	s10 =	simm.s32 $0x7880;
	s11 =	simm.s32 $0x8080;
	[dreg:$0xd] =	wrdreg s21  }
0xe: {  	s28 =	simm.s32 $0x10080;
	s29 =	simm.s32 $0x10880;
	[dreg:$0xe] =	wrdreg s22  }
0xf: {  	s30 =	simm.s32 $0x11080;
	s31 =	simm.s32 $0x11880;
	[dreg:$0xf] =	wrdreg s23  }
0x10: {  	s2 =	ssub.s32 $0x2, s2;
	s7 =	smul.u32 $0x2400, s5;
	[dreg:$0x10] =	wrdreg s24  }
0x11: {  	s5 =	smul.u32 $0xC, s5;
	s19 =	sshrl.u32 s2, $0x1;
	[dreg:$0x11] =	wrdreg s25  }
0x12: {  	s2 =	ssub.s32 s2, s19;
	[dreg:$0x12] =	wrdreg s26;
	s13 =	simm.s32 $0x9080  }
0x13: {  	s14 =	simm.s32 $0x9880;
	s15 =	simm.s32 $0xA080;
	s16 =	simm.s32 $0xA880  }
0x14: {  	s17 =	simm.s32 $0xB080;
	s18 =	simm.s32 $0xB880;
	s19 =	simm.s32 $0xC080  }
0x15: {  	s20 =	simm.s32 $0xC880;
	s21 =	simm.s32 $0xD080;
	s22 =	simm.s32 $0xD880  }
0x16: {  	s23 =	simm.s32 $0xE080;
	s24 =	simm.s32 $0xE880;
	s25 =	simm.s32 $0xF080  }
0x17: {  	s26 =	simm.s32 $0xF880;
	s6 =	sadd.s32 s7, s6;
	s4 =	sadd.s32 s4, s5  }
0x18: {  	v2 =	vlaneseq.u32;
	s5 =	sadd.s32 $0x200, s1;
	s7 =	simm.s32 $0x2;
	[dreg:$0x4] =	wrdreg s4  }
0x19: {  	vm0 =	vmmov $0xffff;
	v1 =	vshrl.u32 v2, $0x3;
	s12 =	sadd.s32 $0x3C00, s6;
	s4 =	sadd.s32 $0x100, s1;
	s6 =	smax.u32 s2, $0x1  }
0x1a: {  	v0 =	vand.u32 $0x7, v2;
	v2 =	vor.u32 $0x8, v2;
	v1 =	vmul.u32 $0x8, v1;
	s2 =	simm.s32 $0x1;
	[dreg:$0x5] =	wrdreg s12;
	s12 =	simm.s32 $0x8880  }
.LBB2_1:
0x1b: {  	s0 =	rddreg [dreg:$0x4]  }
0x1c: {  	[tilespmem:s3], [sflag:$0x2] =	stream.linear.gather [hbm4b:s0+s3], $0x60, $0x38;
	[tilespmem:$0x12080] =	vst v63  }
0x1d: {  	_ =	swait.ge [sflag:s7], $0x60  }
0x1e: {  	[sflag:s7] =	ssyncset.done $0x0  }
0x1f: {  	[sflag:s7] =	ssyncadd.s32 $0xFFFFFFA0  }
0x20: {  	v3 =	vld [tilespmem:$0x0];
	_ =	sdelay $0x4  }
0x21: {  	v4 =	vshrl.u32 v3, $0x3  }
0x22: {  	v4 =	vmul.u32 $0x30, v4  }
0x23: {  	v3 =	vand.u32 $0x7, v3  }
0x24: {  	v3 =	vor.u32 v3, v4  }
0x25: {  	v4 =	vperm.xlane v3, v0;
	_ =	sdelay $0x1  }
0x26: {  	v4 =	vadd.s32 v1, v4;
	_ =	sdelay $0x3  }
0x27: {  	v3 =	vperm.xlane v3, v2  }
0x28: {  	[tilespmem:s8], [sflag:$0x1] =	stream.indirect_vreg.gather [hbm4b:s1+s3], $0x80, v4, vm0, $0xb8;
	[tilespmem:$0x12080] =	vst v63  }
0x29: {  	s0 =	rddreg [dreg:$0x6];
	v3 =	vadd.s32 v1, v3  }
0x2a: {  	[tilespmem:s0], [sflag:$0x1] =	stream.indirect_vreg.gather [hbm4b:s4+s3], $0x80, v4, vm0, $0xb8;
	[tilespmem:$0x12080] =	vst v63  }
0x2b: {  	s9 =	rddreg [dreg:$0x7]  }
0x2c: {  	[tilespmem:s9], [sflag:$0x1] =	stream.indirect_vreg.gather [hbm4b:s5+s3], $0x80, v4, vm0, $0xb8;
	[tilespmem:$0x12080] =	vst v63  }
0x2d: {  	s0 =	rddreg [dreg:$0x8]  }
0x2e: {  	[tilespmem:s0], [sflag:$0x1] =	stream.indirect_vreg.gather [hbm4b:s1+s3], $0x80, v3, vm0, $0xb8;
	[tilespmem:$0x12080] =	vst v63  }
0x2f: {  	s9 =	rddreg [dreg:$0x9]  }
0x30: {  	[tilespmem:s9], [sflag:$0x1] =	stream.indirect_vreg.gather [hbm4b:s4+s3], $0x80, v3, vm0, $0xb8;
	[tilespmem:$0x12080] =	vst v63  }
0x31: {  	s0 =	rddreg [dreg:$0xa]  }
0x32: {  	[tilespmem:s0], [sflag:$0x1] =	stream.indirect_vreg.gather [hbm4b:s5+s3], $0x80, v3, vm0, $0xb8;
	[tilespmem:$0x12080] =	vst v63  }
0x33: {  	v3 =	vld [tilespmem:$0x10];
	_ =	sdelay $0x4  }
0x34: {  	v59 =	vshrl.u32 v3, $0x3  }
0x35: {  	v4 =	vmul.u32 $0x30, v59  }
0x36: {  	v3 =	vand.u32 $0x7, v3  }
0x37: {  	v3 =	vor.u32 v3, v4  }
0x38: {  	v4 =	vperm.xlane v3, v0;
	_ =	sdelay $0x1  }
0x39: {  	v4 =	vadd.s32 v1, v4;
	_ =	sdelay $0x3  }
0x3a: {  	s0 =	rddreg [dreg:$0xb];
	v3 =	vperm.xlane v3, v2  }
0x3b: {  	[tilespmem:s0], [sflag:$0x1] =	stream.indirect_vreg.gather [hbm4b:s1+s3], $0x80, v4, vm0, $0xb8;
	[tilespmem:$0x12080] =	vst v63  }
0x3c: {  	s9 =	rddreg [dreg:$0xc];
	v3 =	vadd.s32 v1, v3  }
0x3d: {  	[tilespmem:s9], [sflag:$0x1] =	stream.indirect_vreg.gather [hbm4b:s4+s3], $0x80, v4, vm0, $0xb8;
	[tilespmem:$0x12080] =	vst v63  }
0x3e: {  	s0 =	rddreg [dreg:$0xd]  }
0x3f: {  	[tilespmem:s0], [sflag:$0x1] =	stream.indirect_vreg.gather [hbm4b:s5+s3], $0x80, v4, vm0, $0xb8;
	[tilespmem:$0x12080] =	vst v63  }
0x40: {  	s9 =	rddreg [dreg:$0xe]  }
0x41: {  	[tilespmem:s9], [sflag:$0x1] =	stream.indirect_vreg.gather [hbm4b:s1+s3], $0x80, v3, vm0, $0xb8;
	[tilespmem:$0x12080] =	vst v63  }
0x42: {  	s0 =	rddreg [dreg:$0xf]  }
0x43: {  	[tilespmem:s0], [sflag:$0x1] =	stream.indirect_vreg.gather [hbm4b:s4+s3], $0x80, v3, vm0, $0xb8;
	[tilespmem:$0x12080] =	vst v63  }
0x44: {  	s9 =	rddreg [dreg:$0x10]  }
0x45: {  	[tilespmem:s9], [sflag:$0x1] =	stream.indirect_vreg.gather [hbm4b:s5+s3], $0x80, v3, vm0, $0xb8;
	[tilespmem:$0x12080] =	vst v63  }
0x46: {  	v3 =	vld [tilespmem:$0x20];
	_ =	sdelay $0x4  }
0x47: {  	v60 =	vshrl.u32 v3, $0x3  }
0x48: {  	v4 =	vmul.u32 $0x30, v60  }
0x49: {  	v3 =	vand.u32 $0x7, v3  }
0x4a: {  	v3 =	vor.u32 v3, v4  }
0x4b: {  	v4 =	vperm.xlane v3, v0;
	_ =	sdelay $0x1  }
0x4c: {  	v4 =	vadd.s32 v1, v4;
	_ =	sdelay $0x3  }
0x4d: {  	s0 =	rddreg [dreg:$0x11];
	v3 =	vperm.xlane v3, v2  }
0x4e: {  	[tilespmem:s0], [sflag:$0x1] =	stream.indirect_vreg.gather [hbm4b:s1+s3], $0x80, v4, vm0, $0xb8;
	[tilespmem:$0x12080] =	vst v63  }
0x4f: {  	s9 =	rddreg [dreg:$0x12];
	v3 =	vadd.s32 v1, v3  }
0x50: {  	[tilespmem:s9], [sflag:$0x1] =	stream.indirect_vreg.gather [hbm4b:s4+s3], $0x80, v4, vm0, $0xb8;
	[tilespmem:$0x12080] =	vst v63  }
0x51: {  	s9 =	simm.s32 $0x7080  }
0x52: {  	[tilespmem:s9], [sflag:$0x1] =	stream.indirect_vreg.gather [hbm4b:s5+s3], $0x80, v4, vm0, $0xb8;
	[tilespmem:$0x12080] =	vst v63  }
0x53: {  	_ = 	snop  }
0x54: {  	[tilespmem:s10], [sflag:$0x1] =	stream.indirect_vreg.gather [hbm4b:s1+s3], $0x80, v3, vm0, $0xb8;
	[tilespmem:$0x12080] =	vst v63  }
0x55: {  	_ = 	snop  }
0x56: {  	[tilespmem:s11], [sflag:$0x1] =	stream.indirect_vreg.gather [hbm4b:s4+s3], $0x80, v3, vm0, $0xb8;
	[tilespmem:$0x12080] =	vst v63  }
0x57: {  	_ = 	snop  }
0x58: {  	[tilespmem:s12], [sflag:$0x1] =	stream.indirect_vreg.gather [hbm4b:s5+s3], $0x80, v3, vm0, $0xb8;
	[tilespmem:$0x12080] =	vst v63  }
0x59: {  	v3 =	vld [tilespmem:$0x30];
	_ =	sdelay $0x4  }
0x5a: {  	v61 =	vshrl.u32 v3, $0x3  }
0x5b: {  	v4 =	vmul.u32 $0x30, v61  }
0x5c: {  	v3 =	vand.u32 $0x7, v3  }
0x5d: {  	v3 =	vor.u32 v3, v4  }
0x5e: {  	v4 =	vperm.xlane v3, v0;
	_ =	sdelay $0x1  }
0x5f: {  	v4 =	vadd.s32 v1, v4;
	_ =	sdelay $0x3  }
0x60: {  	v3 =	vperm.xlane v3, v2  }
0x61: {  	[tilespmem:s13], [sflag:$0x1] =	stream.indirect_vreg.gather [hbm4b:s1+s3], $0x80, v4, vm0, $0xb8;
	[tilespmem:$0x12080] =	vst v63  }
0x62: {  	v3 =	vadd.s32 v1, v3  }
0x63: {  	[tilespmem:s14], [sflag:$0x1] =	stream.indirect_vreg.gather [hbm4b:s4+s3], $0x80, v4, vm0, $0xb8;
	[tilespmem:$0x12080] =	vst v63  }
0x64: {  	_ = 	snop  }
0x65: {  	[tilespmem:s15], [sflag:$0x1] =	stream.indirect_vreg.gather [hbm4b:s5+s3], $0x80, v4, vm0, $0xb8;
	[tilespmem:$0x12080] =	vst v63  }
0x66: {  	_ = 	snop  }
0x67: {  	[tilespmem:s16], [sflag:$0x1] =	stream.indirect_vreg.gather [hbm4b:s1+s3], $0x80, v3, vm0, $0xb8;
	[tilespmem:$0x12080] =	vst v63  }
0x68: {  	_ = 	snop  }
0x69: {  	[tilespmem:s17], [sflag:$0x1] =	stream.indirect_vreg.gather [hbm4b:s4+s3], $0x80, v3, vm0, $0xb8;
	[tilespmem:$0x12080] =	vst v63  }
0x6a: {  	_ = 	snop  }
0x6b: {  	[tilespmem:s18], [sflag:$0x1] =	stream.indirect_vreg.gather [hbm4b:s5+s3], $0x80, v3, vm0, $0xb8;
	[tilespmem:$0x12080] =	vst v63  }
0x6c: {  	v3 =	vld [tilespmem:$0x40];
	_ =	sdelay $0x4  }
0x6d: {  	v62 =	vshrl.u32 v3, $0x3  }
0x6e: {  	v4 =	vmul.u32 $0x30, v62  }
0x6f: {  	v3 =	vand.u32 $0x7, v3  }
0x70: {  	v3 =	vor.u32 v3, v4  }
0x71: {  	v4 =	vperm.xlane v3, v0;
	_ =	sdelay $0x1  }
0x72: {  	v4 =	vadd.s32 v1, v4;
	_ =	sdelay $0x3  }
0x73: {  	v3 =	vperm.xlane v3, v2  }
0x74: {  	[tilespmem:s19], [sflag:$0x1] =	stream.indirect_vreg.gather [hbm4b:s1+s3], $0x80, v4, vm0, $0xb8;
	[tilespmem:$0x12080] =	vst v63  }
0x75: {  	v3 =	vadd.s32 v1, v3  }
0x76: {  	[tilespmem:s20], [sflag:$0x1] =	stream.indirect_vreg.gather [hbm4b:s4+s3], $0x80, v4, vm0, $0xb8;
	[tilespmem:$0x12080] =	vst v63  }
0x77: {  	_ = 	snop  }
0x78: {  	[tilespmem:s21], [sflag:$0x1] =	stream.indirect_vreg.gather [hbm4b:s5+s3], $0x80, v4, vm0, $0xb8;
	[tilespmem:$0x12080] =	vst v63  }
0x79: {  	_ = 	snop  }
0x7a: {  	[tilespmem:s22], [sflag:$0x1] =	stream.indirect_vreg.gather [hbm4b:s1+s3], $0x80, v3, vm0, $0xb8;
	[tilespmem:$0x12080] =	vst v63  }
0x7b: {  	_ = 	snop  }
0x7c: {  	[tilespmem:s23], [sflag:$0x1] =	stream.indirect_vreg.gather [hbm4b:s4+s3], $0x80, v3, vm0, $0xb8;
	[tilespmem:$0x12080] =	vst v63  }
0x7d: {  	_ = 	snop  }
0x7e: {  	[tilespmem:s24], [sflag:$0x1] =	stream.indirect_vreg.gather [hbm4b:s5+s3], $0x80, v3, vm0, $0xb8;
	[tilespmem:$0x12080] =	vst v63  }
0x7f: {  	v3 =	vld [tilespmem:$0x50];
	_ =	sdelay $0x4  }
0x80: {  	v63 =	vshrl.u32 v3, $0x3  }
0x81: {  	v4 =	vmul.u32 $0x30, v63  }
0x82: {  	v3 =	vand.u32 $0x7, v3  }
0x83: {  	v3 =	vor.u32 v3, v4  }
0x84: {  	v4 =	vperm.xlane v3, v0;
	_ =	sdelay $0x1  }
0x85: {  	v4 =	vadd.s32 v1, v4;
	_ =	sdelay $0x3  }
0x86: {  	v3 =	vperm.xlane v3, v2  }
0x87: {  	[tilespmem:s25], [sflag:$0x1] =	stream.indirect_vreg.gather [hbm4b:s1+s3], $0x80, v4, vm0, $0xb8;
	[tilespmem:$0x12080] =	vst v63  }
0x88: {  	v3 =	vadd.s32 v1, v3  }
0x89: {  	[tilespmem:s26], [sflag:$0x1] =	stream.indirect_vreg.gather [hbm4b:s4+s3], $0x80, v4, vm0, $0xb8;
	[tilespmem:$0x12080] =	vst v63  }
0x8a: {  	_ = 	snop  }
0x8b: {  	[tilespmem:s28], [sflag:$0x1] =	stream.indirect_vreg.gather [hbm4b:s5+s3], $0x80, v4, vm0, $0xb8;
	[tilespmem:$0x12080] =	vst v63  }
0x8c: {  	_ = 	snop  }
0x8d: {  	[tilespmem:s29], [sflag:$0x1] =	stream.indirect_vreg.gather [hbm4b:s1+s3], $0x80, v3, vm0, $0xb8;
	[tilespmem:$0x12080] =	vst v63  }
0x8e: {  	_ = 	snop  }
0x8f: {  	[tilespmem:s30], [sflag:$0x1] =	stream.indirect_vreg.gather [hbm4b:s4+s3], $0x80, v3, vm0, $0xb8;
	[tilespmem:$0x12080] =	vst v63  }
0x90: {  	_ = 	snop  }
0x91: {  	[tilespmem:s31], [sflag:$0x1] =	stream.indirect_vreg.gather [hbm4b:s5+s3], $0x80, v3, vm0, $0xb8;
	[tilespmem:$0x12080] =	vst v63  }
0x92: {  	_ =	swait.ge [sflag:s2], $0x12000  }
0x93: {  	p0 =	sne.s32 s6, $0x1;
	[sflag:s2] =	ssyncset.done $0x0  }
.Ltmp0:
0x94: {  	s9 =	rddreg [dreg:$0x5];
	[sflag:s2] =	ssyncadd.s32 $0xFFFEE000;
	(pc) =	sbr.rel @p0 .LBB2_1-.Ltmp0, $4  }
0x95: {  	[hbm4b:s9+s3] =	stream.linear.scatter [tilespmem:s8], [sflag:$0x2], $0x12000, $0x38;
	[tilespmem:$0x12080] =	vst v63  }
0x96: {  	_ =	swait.ge [sflag:s7], $0x12000  }
0x97: {  	[sflag:s7] =	ssyncset.done $0x0  }
0x98: {  	s6 =	sadd.s32 $0xFFFFFFFF, s6;
	[sflag:s7] =	ssyncadd.s32 $0xFFFEE000  }
0x99: {  	_ =	sfence.sel $0x180000  }
0x9a: {  	[bflag:$0x0] =	sbarrier.arrive $0xFFFF  }
0x9b: {  	_ =	strace $0x9000004A  }
0x9c: {  	s0 =	stileid.u32;
	[bflag:$0x2] =	sbarrier.arrive $0xFFFF  }
0x9d: {  	p0 =	sne.s32 s0, $0x0;
	s0 =	rddreg [dreg:$0x3]  }
0x9e: {  	s0 =	sadd.s32 @!p0 $0x100000, s0  }
0x9f: {  	[sflag:s0] =	ssyncadd.tile.s32 @!p0 $0x1;
	_ =	shalt  }
.Lfunc_end2:
_tile_overlayer_lowered:
.L_overlay_start_2:
0xa0: {  	(tag) =	ssettag $0x2  }
0xa1: {  	s0 =	rddreg [dreg:$0x0];
	s2 =	stileid.u32  }
0xa2: {  	s1 =	rddreg [dreg:$0x1];
	p0 =	sne.s32 s2, $0x0  }
0xa3: {  	s3 =	rddreg [dreg:$0x2];
	[bflag:$0x3] =	sbarrier.arrive $0xFFFF;
	s2 =	simm.s32 @!p0 $0x1C02  }
0xa4: {  	[timem:s3], [sflag:s2] =	dma.local @!p0 [hbm:s0], s1  }
0xa5: {  	s0 =	simm.s32 @!p0 $0x2  }
0xa6: {  	_ =	swait.ge @!p0 [sflag:s0], s1  }
0xa7: {  	s1 =	ssub.s32 @!p0 $0x0, s1;
	[sflag:s0] =	ssyncset.done @!p0 $0x0  }
0xa8: {  	[sflag:s0] =	ssyncadd.s32 @!p0 s1  }
0xa9: {  	[bflag:$0x3] =	sbarrier.arrive $0xFFFF  }
0xaa: {  	_ =	shalt  }

// kernel: kernel.16.cloned.1.call-start
scs
__scs_entry_jumppad:
0x0: {  	(pc) =	sbr.rel $0x88, $3  }
0x1: {  	(tag) =	ssettag $0x0;
	lr =	simm.s32 $0x1  }
0x2: {  	[smem:$0x3F92] =	sst lr;
	_ =	strace $0xD0000000  }
0x3: {  	_ = 	snop  }
0x4: {  	_ = 	snop  }
0x5: {  	_ = 	snop  }
0x6: {  	_ = 	snop  }
0x7: {  	_ = 	snop  }
__scs_overlays_trampoline_lowered:
0x8: {  	[smem:$0x3FA1] =	sst s0  }
0x9: {  	[smem:$0x3FA2] =	sst s1  }
0xa: {  	[smem:$0x3FA3] =	sst s2  }
0xb: {  	[smem:$0x3FA4] =	sst s3  }
0xc: {  	[smem:$0x3FA5] =	sst s4  }
0xd: {  	[smem:$0x3FA6] =	sst s5  }
0xe: {  	[smem:$0x3FA7] =	sst s6  }
0xf: {  	[smem:$0x3FA8] =	sst s7  }
0x10: {  	[smem:$0x3FA9] =	sst s8  }
0x11: {  	[smem:$0x3FAA] =	sst s9;
	s0 =	simm.s32 @!p0 $0x0  }
0x12: {  	s1 =	sld [smem:$0x3F90];
	s0 =	simm.s32 @p0 $0x1  }
0x13: {  	[smem:$0x3FAB] =	sst s0;
	s0 =	simm.s32 @!p1 $0x0  }
0x14: {  	s2 =	sld [smem:$0x3F8F];
	s0 =	simm.s32 @p1 $0x1  }
0x15: {  	[smem:$0x3FAC] =	sst s0;
	s0 =	simm.s32 @!p2 $0x0  }
0x16: {  	s3 =	sld [smem:$0x3FDB];
	s0 =	simm.s32 @p2 $0x1  }
0x17: {  	s4 =	simm.s32 $0x1BF5;
	[smem:$0x3FAE] =	sst s0  }
0x18: {  	s0 =	sld [smem:$0x3F91];
	_ =	swait.ge [sflag:s4], $0x0  }
0x19: {  	s7 =	sld [smem:$0x3F92]  }
0x1a: {  	s8 =	sadd.s32 $0xFFFFE003, lr  }
0x1b: {  	s9 =	sadd.s32 $0xFFFFFEF7, lr;
	s5 =	simm.s32 $0xFFFFFFFF;
	p2 =	slt.u32 s8, $0xFFFFF086  }
0x1c: {  	p1 =	slt.u32 s9, $0xF7A;
	s5 =	simm.s32 @!p2 $0x0  }
0x1d: {  	s5 =	simm.s32 @p1 $0x1;
	p0 =	seq.s32 s7, s2  }
0x1e: {  	s7 =	smul.u32 @!p0 $0xF7A, s2;
	p2 =	seq.s32 @!p0 s5, $0x0  }
0x1f: {  	s9 =	smul.u32 $0xF7A, s1;
	s8 =	simm.s32 @!p0 $0x1BF5;
	p2 =	por !p2, p0  }
0x20: {  	[sflag:s8] =	ssyncset.s32 @!p0 $0xFFFFF086;
	s6 =	sadd.s32 @!p0 s3, s7;
	s7 =	simm.s32 @!p0 $0x108  }
0x21: {  	s3 =	sadd.s32 s3, s9;
	s6 =	sadd.s32 @!p0 $0x88, s6;
	s7 =	simm.s32 @p2 $0x1082  }
0x22: {  	[simem:s7], [sflag:s8] =	dma.local @!p0 [hbm:s6], $0xF7A  }
0x23: {  	s9 =	sor.u32 $0xD0000000, s2;
	s6 =	simm.s32 $0x108;
	_ =	swait.ge @!p0 [sflag:s8], $0x0  }
0x24: {  	s3 =	sadd.s32 $0x88, s3;
	s6 =	simm.s32 @!p1 $0x1082;
	[sflag:s4] =	ssyncset.s32 $0xFFFFF086  }
0x25: {  	[simem:s6], [sflag:s4] =	dma.local [hbm:s3], $0xF7A  }
0x26: {  	[smem:$0x3F92] =	sst s1;
	(tag) =	ssettag s2;
	_ =	strace s9  }
0x27: {  	s1 =	sld [smem:$0x3FA2]  }
0x28: {  	s2 =	sld [smem:$0x3FA3]  }
0x29: {  	s4 =	sld [smem:$0x3FA5]  }
0x2a: {  	p0 =	seq.s32 s5, $0x0;
	s5 =	sld [smem:$0x3FA6]  }
0x2b: {  	s6 =	sld [smem:$0x3FA7]  }
0x2c: {  	s7 =	sld [smem:$0x3FA8]  }
0x2d: {  	s3 =	simm.s32 $0x108;
	s8 =	sld [smem:$0x3FA9]  }
0x2e: {  	s3 =	simm.s32 @!p0 $0x1082;
	s9 =	sld [smem:$0x3FAA]  }
0x2f: {  	lr =	sadd.s32 s0, s3;
	s0 =	sld [smem:$0x3FA1]  }
0x30: {  	s3 =	sld [smem:$0x3FA4]  }
0x31: {  	[smem:$0x3FAD] =	sst s10  }
0x32: {  	s10 =	sld [smem:$0x3FAB];
	_ =	sdelay $0x3  }
0x33: {  	p0 =	seq.s32 s10, $0x1;
	s10 =	sld [smem:$0x3FAD];
	_ =	sdelay $0x3  }
0x34: {  	[smem:$0x3FAD] =	sst s10  }
0x35: {  	s10 =	sld [smem:$0x3FAC];
	_ =	sdelay $0x3  }
0x36: {  	p1 =	seq.s32 s10, $0x1;
	s10 =	sld [smem:$0x3FAD];
	_ =	sdelay $0x3  }
0x37: {  	[smem:$0x3FAD] =	sst s10  }
0x38: {  	s10 =	sld [smem:$0x3FAE]  }
0x39: {  	_ = 	snop;
	(pc) =	sbr.ind lr, $3  }
0x3a: {  	_ = 	snop  }
0x3b: {  	_ = 	snop  }
0x3c: {  	p2 =	seq.s32 s10, $0x1;
	s10 =	sld [smem:$0x3FAD]  }
0x3d: {  	_ =	shalt  }
0x3e: {  	_ =	shalt  }
0x3f: {  	_ =	shalt  }
0x40: {  	_ =	shalt  }
0x41: {  	_ =	shalt  }
0x42: {  	_ =	shalt  }
0x43: {  	_ =	shalt  }
0x44: {  	_ =	shalt  }
0x45: {  	_ =	shalt  }
0x46: {  	_ =	shalt  }
0x47: {  	_ =	shalt  }
0x48: {  	_ =	shalt  }
0x49: {  	_ =	shalt  }
0x4a: {  	_ =	shalt  }
0x4b: {  	_ =	shalt  }
0x4c: {  	_ =	shalt  }
0x4d: {  	_ =	shalt  }
0x4e: {  	_ =	shalt  }
0x4f: {  	_ =	shalt  }
0x50: {  	_ =	shalt  }
0x51: {  	_ =	shalt  }
0x52: {  	_ =	shalt  }
0x53: {  	_ =	shalt  }
0x54: {  	_ =	shalt  }
0x55: {  	_ =	shalt  }
0x56: {  	_ =	shalt  }
0x57: {  	_ =	shalt  }
0x58: {  	_ =	shalt  }
0x59: {  	_ =	shalt  }
0x5a: {  	_ =	shalt  }
0x5b: {  	_ =	shalt  }
0x5c: {  	_ =	shalt  }
0x5d: {  	_ =	shalt  }
0x5e: {  	_ =	shalt  }
0x5f: {  	_ =	shalt  }
0x60: {  	_ =	shalt  }
0x61: {  	_ =	shalt  }
0x62: {  	_ =	shalt  }
0x63: {  	_ =	shalt  }
0x64: {  	_ =	shalt  }
0x65: {  	_ =	shalt  }
0x66: {  	_ =	shalt  }
0x67: {  	_ =	shalt  }
0x68: {  	_ =	shalt  }
0x69: {  	_ =	shalt  }
0x6a: {  	_ =	shalt  }
0x6b: {  	_ =	shalt  }
0x6c: {  	_ =	shalt  }
0x6d: {  	_ =	shalt  }
0x6e: {  	_ =	shalt  }
0x6f: {  	_ =	shalt  }
0x70: {  	_ =	shalt  }
0x71: {  	_ =	shalt  }
0x72: {  	_ =	shalt  }
0x73: {  	_ =	shalt  }
0x74: {  	_ =	shalt  }
0x75: {  	_ =	shalt  }
0x76: {  	_ =	shalt  }
0x77: {  	_ =	shalt  }
0x78: {  	_ =	shalt  }
0x79: {  	_ =	shalt  }
0x7a: {  	_ =	shalt  }
0x7b: {  	_ =	shalt  }
0x7c: {  	_ =	shalt  }
0x7d: {  	_ =	shalt  }
0x7e: {  	_ =	shalt  }
0x7f: {  	_ =	shalt  }
0x80: {  	_ =	shalt  }
0x81: {  	_ =	shalt  }
0x82: {  	_ =	shalt  }
0x83: {  	_ =	shalt  }
0x84: {  	_ =	shalt  }
0x85: {  	_ =	shalt  }
0x86: {  	_ =	shalt  }
0x87: {  	_ =	shalt  }
.Lfunc_end0:
.L_simem_size_0:
called_computation.2_lowered:
.L_overlay_start_0:
0x88: {  	s2 =	sld [smem:$0x3FD9]  }
0x89: {  	s3 =	sld [smem:$0x3FFE];
	_ =	sdelay $0x1  }
0x8a: {  	s1 =	srdreg.scid  }
0x8b: {  	s0 =	sand.u32 $0x1, s1  }
0x8c: {  	s14 =	sshll.u32 s0, $0xA;
	s2 =	sadd.s32 s3, s2  }
0x8d: {  	s2 =	sadd.s32 s2, s14  }
0x8e: {  	[smem:$0x3FB9] =	sst s2  }
0x8f: {  	_ = 	snop  }
0x90: {  	s2 =	sld [smem:$0x3FD0];
	_ =	sdelay $0x2  }
0x91: {  	s15 =	simm.s32 $0xA;
	s4 =	simm.s32 $0x10  }
0x92: {  	[smem:s4], [sflag:s15] =	dma.local [hbm:s2], $0x1  }
0x93: {  	_ =	swait.eq [sflag:s15], $0x1  }
0x94: {  	[sflag:s15] =	ssyncset.done $0x0  }
0x95: {  	[sflag:s15] =	ssyncadd.s32 $0xFFFFFFFF  }
0x96: {  	s16 =	sld [smem:$0x10];
	(tm) =	ssettm $0x1  }
0x97: {  	s17 =	sld [smem:$0x3FFB];
	_ =	sdelay $0x3  }
0x98: {  	_ =	strace s17  }
0x99: {  	s3 =	sld [smem:$0x3FFC];
	_ =	sdelay $0x3  }
0x9a: {  	_ =	strace s3  }
0x9b: {  	s3 =	sld [smem:$0x3FFD];
	_ =	sdelay $0x3  }
0x9c: {  	_ =	strace s3  }
0x9d: {  	_ =	strace $0x8FFFFFFF  }
0x9e: {  	s18 =	sld [smem:$0x3FDB];
	_ =	sdelay $0x1  }
0x9f: {  	s19 =	simm.s32 $_scs_section_size  }
0xa0: {  	s5 =	simm.s32 $_size__tile_overlayer_lowered;
	s6 =	simm.s32 $_tile_overlayer_lowered  }
0xa1: {  	s22 =	simm.s32 $0x1BFF;
	s21 =	sshll.u32 s6, $0x1;
	s3 =	sadd.s32 s19, s18  }
0xa2: {  	s7 =	simm.s32 $0x0;
	s20 =	sshll.u32 s5, $0x1;
	s5 =	sadd.s32 s21, s3  }
0xa3: {  	[timem:s7], [sflag:s22] =	dma.local [hbm:s5], s20  }
0xa4: {  	_ =	swait.ge [sflag:s22], s20  }
0xa5: {  	s4 =	ssub.s32 $0x0, s20;
	[sflag:s22] =	ssyncset.done $0x0  }
0xa6: {  	[sflag:s22] =	ssyncadd.s32 s4;
	_ =	sdelay $0x1  }
0xa7: {  	s23 =	simm.s32 $0x1B8B  }
0xa8: {  	_ =	swait.ge [sflag:s23], $0x1  }
0xa9: {  	[sflag:s23] =	ssyncset.done $0x0  }
0xaa: {  	s25 =	simm.s32 $0x1B8E;
	s24 =	sld [smem:$0x3FFE];
	[sflag:s23] =	ssyncadd.s32 $0xFFFFFFFF  }
0xab: {  	s26 =	simm.s32 $execute0_lowered;
	[smem:$0x3FD2] =	sst s25  }
0xac: {  	s5 =	sshll.u32 s26, $0x1;
	_ =	strace $0x8000004C;
	[dreg:$0x1] =	wrdreg $0xFFFFFFFF  }
0xad: {  	s28 =	simm.s32 $_size_execute0_lowered;
	s3 =	sadd.s32 s3, s5;
	[dreg:$0x0] =	wrdreg $0x0  }
0xae: {  	s5 =	sshll.u32 s28, $0x1;
	[dreg:$0x2] =	wrdreg s3  }
0xaf: {  	[dreg:$0x3] =	wrdreg s5  }
0xb0: {  	[dreg:$0x4] =	wrdreg $0xC0  }
0xb1: {  	_ =	task [dreg:s7], $0x5FFFF  }
0xb2: {  	[dreg:$0x1] =	wrdreg $0xFFFFFFFF  }
0xb3: {  	[dreg:$0x0] =	wrdreg $0x60  }
0xb4: {  	[dreg:$0x2] =	wrdreg s24  }
0xb5: {  	[dreg:$0x3] =	wrdreg s16  }
0xb6: {  	[dreg:$0x4] =	wrdreg $0x9  }
0xb7: {  	_ =	task.clear_ibuf [dreg:s7], $0x5FFFF;
	_ =	strace $0x9000004C  }
0xb8: {  	s29 =	simm.s32 $0x9;
	_ =	strace $0x8000004E  }
0xb9: {  	_ =	swait.ge [sflag:s29], $0x1  }
0xba: {  	[sflag:s29] =	ssyncadd.s32 $0xFFFFFFFF  }
0xbb: {  	_ =	strace $0x9000004E  }
0xbc: {  	_ =	sfence  }
0xbd: {  	s30 =	sld [smem:$0x0];
	_ =	sdelay $0x2  }
0xbe: {  	s31 =	sshll.u32 s1, $0xD;
	s1 =	sshrl.u32 s1, $0x2  }
0xbf: {  	s3 =	sand.u32 $0x4000, s31;
	s1 =	sadd.s32 s1, s30  }
0xc0: {  	s0 =	sor.u32 s3, s0;
	s1 =	sshll.u32 s1, $0x11  }
0xc1: {  	s0 =	sor.u32 s1, s0  }
0xc2: {  	s0 =	sadd.s32 $0x8F2B, s0  }
0xc3: {  	[sflag:s0] =	ssyncadd.remote.s32 $0x1  }
0xc4: {  	_ =	sfence.sel $0xFFFF  }
0xc5: {  	[dreg:$0x0] =	wrdreg $0xFFFFFFFF;
	(pc) =	sbr.abs _section_cstart, $3  }
0xc6: {  	[dreg:$0x1] =	wrdreg $0xFFFFFFFF  }
0xc7: {  	_ =	task.clear_ibuf [dreg:s7], $0x2FFFF;
	_ =	strace $0x9FFFFFFF  }
0xc8: {  	(tm) =	ssettm $0x7FFFFFFF  }
0xc9: {  	_ =	shalt  }
tec
execute0_lowered:
.L_overlay_start_1:
0x0: {  	(tag) =	ssettag $0x1  }
0x1: {  	s0 =	rddreg [dreg:$0x0]  }
0x2: {  	s5 =	rddreg [dreg:$0x1];
	s3 =	srdreg.scid  }
0x3: {  	s2 =	simm.s32 $0x0;
	s1 =	stileid.u32;
	s26 =	simm.s32 $0x880  }
0x4: {  	s10 =	simm.s32 $0x1880;
	s11 =	simm.s32 $0x2080;
	s12 =	simm.s32 $0x2880  }
0x5: {  	s13 =	simm.s32 $0x3080;
	s14 =	simm.s32 $0x3880;
	s15 =	simm.s32 $0x4080  }
0x6: {  	s16 =	simm.s32 $0x4880;
	s17 =	simm.s32 $0x5080;
	s18 =	simm.s32 $0x5880  }
0x7: {  	s19 =	simm.s32 $0x6080;
	s20 =	simm.s32 $0x6880;
	s21 =	simm.s32 $0x7080  }
0x8: {  	s22 =	simm.s32 $0x7880;
	s28 =	simm.s32 $0xA080;
	s29 =	simm.s32 $0xA880  }
0x9: {  	s30 =	simm.s32 $0xB080;
	s31 =	simm.s32 $0xB880;
	s3 =	sand.u32 $0x1, s3  }
0xa: {  	[smem:$0x7FF] =	sst s2;
	s4 =	sshll.u32 s1, $0x4;
	s6 =	sshll.u32 s3, $0x3  }
0xb: {  	_ =	strace $0x8000004D;
	s23 =	ssub.s32 $0x2, s3;
	s3 =	sadd.s32 $0x3C00, s0  }
0xc: {  	[dreg:$0x5] =	wrdreg s26;
	s26 =	simm.s32 $0x9880;
	s4 =	sor.u32 s6, s4  }
0xd: {  	s8 =	sshrl.u32 s23, $0x1;
	s7 =	sadd.s32 s4, s0;
	s9 =	smul.u32 $0x300, s4  }
0xe: {  	s6 =	ssub.s32 s23, s8;
	s4 =	sadd.s32 $0x3D00, s0;
	s8 =	simm.s32 $0x80  }
0xf: {  	s23 =	simm.s32 $0x8080;
	s24 =	sadd.s32 $0x3A00, s7;
	s6 =	smax.u32 s6, $0x1  }
0x10: {  	v2 =	vlaneseq.u32;
	s7 =	simm.s32 $0x2;
	[dreg:$0x3] =	wrdreg s24;
	s25 =	sadd.s32 s5, s9  }
0x11: {  	vm0 =	vmmov $0xffff;
	v1 =	vshrl.u32 v2, $0x3;
	s5 =	sadd.s32 $0x3E00, s0;
	s9 =	simm.s32 $0x1080;
	s24 =	simm.s32 $0x8880  }
0x12: {  	v0 =	vand.u32 $0x7, v2;
	v2 =	vor.u32 $0x8, v2;
	v1 =	vmul.u32 $0x8, v1;
	s0 =	simm.s32 $0x1;
	[dreg:$0x4] =	wrdreg s25;
	s25 =	simm.s32 $0x9080  }
.LBB2_1:
0x13: {  	s1 =	rddreg [dreg:$0x3]  }
0x14: {  	[tilespmem:s2], [sflag:$0x2] =	stream.linear.gather [hbm4b:s1+s2], $0x40, $0x38;
	[tilespmem:$0xC080] =	vst v63  }
0x15: {  	_ =	swait.ge [sflag:s7], $0x40  }
0x16: {  	[sflag:s7] =	ssyncset.done $0x0  }
0x17: {  	[sflag:s7] =	ssyncadd.s32 $0xFFFFFFC0  }
0x18: {  	v3 =	vld [tilespmem:$0x0];
	_ =	sdelay $0x4  }
0x19: {  	v4 =	vshrl.u32 v3, $0x3  }
0x1a: {  	v4 =	vmul.u32 $0x30, v4  }
0x1b: {  	v3 =	vand.u32 $0x7, v3  }
0x1c: {  	v3 =	vor.u32 v3, v4  }
0x1d: {  	v4 =	vperm.xlane v3, v0;
	_ =	sdelay $0x1  }
0x1e: {  	v4 =	vadd.s32 v1, v4;
	_ =	sdelay $0x3  }
0x1f: {  	v3 =	vperm.xlane v3, v2  }
0x20: {  	[tilespmem:s8], [sflag:$0x1] =	stream.indirect_vreg.gather [hbm4b:s3+s2], $0x80, v4, vm0, $0xb8;
	[tilespmem:$0xC080] =	vst v63  }
0x21: {  	s1 =	rddreg [dreg:$0x5];
	v3 =	vadd.s32 v1, v3  }
0x22: {  	[tilespmem:s1], [sflag:$0x1] =	stream.indirect_vreg.gather [hbm4b:s4+s2], $0x80, v4, vm0, $0xb8;
	[tilespmem:$0xC080] =	vst v63  }
0x23: {  	_ = 	snop  }
0x24: {  	[tilespmem:s9], [sflag:$0x1] =	stream.indirect_vreg.gather [hbm4b:s5+s2], $0x80, v4, vm0, $0xb8;
	[tilespmem:$0xC080] =	vst v63  }
0x25: {  	_ = 	snop  }
0x26: {  	[tilespmem:s10], [sflag:$0x1] =	stream.indirect_vreg.gather [hbm4b:s3+s2], $0x80, v3, vm0, $0xb8;
	[tilespmem:$0xC080] =	vst v63  }
0x27: {  	_ = 	snop  }
0x28: {  	[tilespmem:s11], [sflag:$0x1] =	stream.indirect_vreg.gather [hbm4b:s4+s2], $0x80, v3, vm0, $0xb8;
	[tilespmem:$0xC080] =	vst v63  }
0x29: {  	_ = 	snop  }
0x2a: {  	[tilespmem:s12], [sflag:$0x1] =	stream.indirect_vreg.gather [hbm4b:s5+s2], $0x80, v3, vm0, $0xb8;
	[tilespmem:$0xC080] =	vst v63  }
0x2b: {  	v3 =	vld [tilespmem:$0x10];
	_ =	sdelay $0x4  }
0x2c: {  	v61 =	vshrl.u32 v3, $0x3  }
0x2d: {  	v4 =	vmul.u32 $0x30, v61  }
0x2e: {  	v3 =	vand.u32 $0x7, v3  }
0x2f: {  	v3 =	vor.u32 v3, v4  }
0x30: {  	v4 =	vperm.xlane v3, v0;
	_ =	sdelay $0x1  }
0x31: {  	v4 =	vadd.s32 v1, v4;
	_ =	sdelay $0x3  }
0x32: {  	v3 =	vperm.xlane v3, v2  }
0x33: {  	[tilespmem:s13], [sflag:$0x1] =	stream.indirect_vreg.gather [hbm4b:s3+s2], $0x80, v4, vm0, $0xb8;
	[tilespmem:$0xC080] =	vst v63  }
0x34: {  	v3 =	vadd.s32 v1, v3  }
0x35: {  	[tilespmem:s14], [sflag:$0x1] =	stream.indirect_vreg.gather [hbm4b:s4+s2], $0x80, v4, vm0, $0xb8;
	[tilespmem:$0xC080] =	vst v63  }
0x36: {  	_ = 	snop  }
0x37: {  	[tilespmem:s15], [sflag:$0x1] =	stream.indirect_vreg.gather [hbm4b:s5+s2], $0x80, v4, vm0, $0xb8;
	[tilespmem:$0xC080] =	vst v63  }
0x38: {  	_ = 	snop  }
0x39: {  	[tilespmem:s16], [sflag:$0x1] =	stream.indirect_vreg.gather [hbm4b:s3+s2], $0x80, v3, vm0, $0xb8;
	[tilespmem:$0xC080] =	vst v63  }
0x3a: {  	_ = 	snop  }
0x3b: {  	[tilespmem:s17], [sflag:$0x1] =	stream.indirect_vreg.gather [hbm4b:s4+s2], $0x80, v3, vm0, $0xb8;
	[tilespmem:$0xC080] =	vst v63  }
0x3c: {  	_ = 	snop  }
0x3d: {  	[tilespmem:s18], [sflag:$0x1] =	stream.indirect_vreg.gather [hbm4b:s5+s2], $0x80, v3, vm0, $0xb8;
	[tilespmem:$0xC080] =	vst v63  }
0x3e: {  	v3 =	vld [tilespmem:$0x20];
	_ =	sdelay $0x4  }
0x3f: {  	v62 =	vshrl.u32 v3, $0x3  }
0x40: {  	v4 =	vmul.u32 $0x30, v62  }
0x41: {  	v3 =	vand.u32 $0x7, v3  }
0x42: {  	v3 =	vor.u32 v3, v4  }
0x43: {  	v4 =	vperm.xlane v3, v0;
	_ =	sdelay $0x1  }
0x44: {  	v4 =	vadd.s32 v1, v4;
	_ =	sdelay $0x3  }
0x45: {  	v3 =	vperm.xlane v3, v2  }
0x46: {  	[tilespmem:s19], [sflag:$0x1] =	stream.indirect_vreg.gather [hbm4b:s3+s2], $0x80, v4, vm0, $0xb8;
	[tilespmem:$0xC080] =	vst v63  }
0x47: {  	v3 =	vadd.s32 v1, v3  }
0x48: {  	[tilespmem:s20], [sflag:$0x1] =	stream.indirect_vreg.gather [hbm4b:s4+s2], $0x80, v4, vm0, $0xb8;
	[tilespmem:$0xC080] =	vst v63  }
0x49: {  	_ = 	snop  }
0x4a: {  	[tilespmem:s21], [sflag:$0x1] =	stream.indirect_vreg.gather [hbm4b:s5+s2], $0x80, v4, vm0, $0xb8;
	[tilespmem:$0xC080] =	vst v63  }
0x4b: {  	_ = 	snop  }
0x4c: {  	[tilespmem:s22], [sflag:$0x1] =	stream.indirect_vreg.gather [hbm4b:s3+s2], $0x80, v3, vm0, $0xb8;
	[tilespmem:$0xC080] =	vst v63  }
0x4d: {  	_ = 	snop  }
0x4e: {  	[tilespmem:s23], [sflag:$0x1] =	stream.indirect_vreg.gather [hbm4b:s4+s2], $0x80, v3, vm0, $0xb8;
	[tilespmem:$0xC080] =	vst v63  }
0x4f: {  	_ = 	snop  }
0x50: {  	[tilespmem:s24], [sflag:$0x1] =	stream.indirect_vreg.gather [hbm4b:s5+s2], $0x80, v3, vm0, $0xb8;
	[tilespmem:$0xC080] =	vst v63  }
0x51: {  	v3 =	vld [tilespmem:$0x30];
	_ =	sdelay $0x4  }
0x52: {  	v63 =	vshrl.u32 v3, $0x3  }
0x53: {  	v4 =	vmul.u32 $0x30, v63  }
0x54: {  	v3 =	vand.u32 $0x7, v3  }
0x55: {  	v3 =	vor.u32 v3, v4  }
0x56: {  	v4 =	vperm.xlane v3, v0;
	_ =	sdelay $0x1  }
0x57: {  	v4 =	vadd.s32 v1, v4;
	_ =	sdelay $0x3  }
0x58: {  	v3 =	vperm.xlane v3, v2  }
0x59: {  	[tilespmem:s25], [sflag:$0x1] =	stream.indirect_vreg.gather [hbm4b:s3+s2], $0x80, v4, vm0, $0xb8;
	[tilespmem:$0xC080] =	vst v63  }
0x5a: {  	v3 =	vadd.s32 v1, v3  }
0x5b: {  	[tilespmem:s26], [sflag:$0x1] =	stream.indirect_vreg.gather [hbm4b:s4+s2], $0x80, v4, vm0, $0xb8;
	[tilespmem:$0xC080] =	vst v63  }
0x5c: {  	_ = 	snop  }
0x5d: {  	[tilespmem:s28], [sflag:$0x1] =	stream.indirect_vreg.gather [hbm4b:s5+s2], $0x80, v4, vm0, $0xb8;
	[tilespmem:$0xC080] =	vst v63  }
0x5e: {  	_ = 	snop  }
0x5f: {  	[tilespmem:s29], [sflag:$0x1] =	stream.indirect_vreg.gather [hbm4b:s3+s2], $0x80, v3, vm0, $0xb8;
	[tilespmem:$0xC080] =	vst v63  }
0x60: {  	_ = 	snop  }
0x61: {  	[tilespmem:s30], [sflag:$0x1] =	stream.indirect_vreg.gather [hbm4b:s4+s2], $0x80, v3, vm0, $0xb8;
	[tilespmem:$0xC080] =	vst v63  }
0x62: {  	_ = 	snop  }
0x63: {  	[tilespmem:s31], [sflag:$0x1] =	stream.indirect_vreg.gather [hbm4b:s5+s2], $0x80, v3, vm0, $0xb8;
	[tilespmem:$0xC080] =	vst v63  }
0x64: {  	_ =	swait.ge [sflag:s0], $0xC000  }
0x65: {  	p0 =	sne.s32 s6, $0x1;
	[sflag:s0] =	ssyncset.done $0x0  }
.Ltmp0:
0x66: {  	s1 =	rddreg [dreg:$0x4];
	[sflag:s0] =	ssyncadd.s32 $0xFFFF4000;
	(pc) =	sbr.rel @p0 .LBB2_1-.Ltmp0, $4  }
0x67: {  	[hbm4b:s1+s2] =	stream.linear.scatter [tilespmem:s8], [sflag:$0x2], $0xC000, $0x38;
	[tilespmem:$0xC080] =	vst v63  }
0x68: {  	_ =	swait.ge [sflag:s7], $0xC000  }
0x69: {  	[sflag:s7] =	ssyncset.done $0x0  }
0x6a: {  	s6 =	sadd.s32 $0xFFFFFFFF, s6;
	[sflag:s7] =	ssyncadd.s32 $0xFFFF4000  }
0x6b: {  	_ =	sfence.sel $0x180000  }
0x6c: {  	[bflag:$0x0] =	sbarrier.arrive $0xFFFF  }
0x6d: {  	_ =	strace $0x9000004D  }
0x6e: {  	s0 =	stileid.u32;
	[bflag:$0x2] =	sbarrier.arrive $0xFFFF  }
0x6f: {  	p0 =	sne.s32 s0, $0x0;
	s0 =	rddreg [dreg:$0x2]  }
0x70: {  	s0 =	sadd.s32 @!p0 $0x100000, s0  }
0x71: {  	[sflag:s0] =	ssyncadd.tile.s32 @!p0 $0x1;
	_ =	shalt  }
.Lfunc_end2:
_tile_overlayer_lowered:
.L_overlay_start_2:
0x72: {  	(tag) =	ssettag $0x2  }
0x73: {  	s0 =	rddreg [dreg:$0x0];
	s2 =	stileid.u32  }
0x74: {  	s1 =	rddreg [dreg:$0x1];
	p0 =	sne.s32 s2, $0x0  }
0x75: {  	s3 =	rddreg [dreg:$0x2];
	[bflag:$0x3] =	sbarrier.arrive $0xFFFF;
	s2 =	simm.s32 @!p0 $0x1C02  }
0x76: {  	[timem:s3], [sflag:s2] =	dma.local @!p0 [hbm:s0], s1  }
0x77: {  	s0 =	simm.s32 @!p0 $0x2  }
0x78: {  	_ =	swait.ge @!p0 [sflag:s0], s1  }
0x79: {  	s1 =	ssub.s32 @!p0 $0x0, s1;
	[sflag:s0] =	ssyncset.done @!p0 $0x0  }
0x7a: {  	[sflag:s0] =	ssyncadd.s32 @!p0 s1  }
0x7b: {  	[bflag:$0x3] =	sbarrier.arrive $0xFFFF  }
0x7c: {  	_ =	shalt  }

</sc_bundles>
